<compile_context>
chip_gen: v7x
topology: tpu7x:2x2x1
jax: 0.10.2.dev20260603
libtpu: 0.0.44.dev20260713+nightly
codegen_flags: <defaults>
</compile_context>

<pallas_src>
import functools

import jax
import jax.numpy as jnp
from jax import lax
from jax.experimental import pallas as pl
from jax.experimental.pallas import tpu as pltpu
from jax.experimental.pallas import tpu_sc as plsc

HID = 1024
B = 4
S = 2048
EPS = 1e-12
LANES = 16
NWORKERS = 32
TOK_PER_W = (B * S) // NWORKERS
CHUNK = 16
NCHUNK = TOK_PER_W // CHUNK
NSLICE = HID // LANES
GROUP = 8
INV_HID = 1.0 / HID


def _rsqrt_newton(v):
    i = plsc.bitcast(v, jnp.int32)
    i = 0x5F3759DF - lax.shift_right_logical(i, 1)
    y = plsc.bitcast(i, jnp.float32)
    half = v * 0.5
    for _ in range(3):
        y = y * (1.5 - half * y * y)
    return y


def _body(ids_hbm, seg_hbm, tok_tab, seg_tab, pos_tab, gamma_hbm, beta_hbm,
          out_hbm, idx_all, buf, pos_buf, seg_vm, gamma_v, beta_v, red_arr,
          mr_arr, sem_t, sem_p, sem_o):
    wid = lax.axis_index("s") * 2 + lax.axis_index("c")
    wbase = wid * TOK_PER_W
    pos0 = lax.rem(wbase, S)
    lane = lax.iota(jnp.int32, LANES)

    pltpu.sync_copy(gamma_hbm, gamma_v)
    pltpu.sync_copy(beta_hbm, beta_v)
    pltpu.sync_copy(seg_tab, seg_vm)
    pltpu.sync_copy(ids_hbm.at[pl.ds(wbase, TOK_PER_W)],
                    idx_all.at[pl.ds(0, TOK_PER_W)])
    pltpu.sync_copy(seg_hbm.at[pl.ds(wbase, TOK_PER_W)],
                    idx_all.at[pl.ds(TOK_PER_W, TOK_PER_W)])

    def start_chunk(t, slot):
        cp_t = pltpu.async_copy(
            tok_tab.at[idx_all.at[pl.ds(t * CHUNK, CHUNK)]],
            buf.at[slot], sem_t.at[slot])
        cp_p = pltpu.async_copy(
            pos_tab.at[pl.ds(pos0 + t * CHUNK, CHUNK)],
            pos_buf.at[slot], sem_p.at[slot])
        del cp_t, cp_p

    def compute_chunk(t, slot):
        pltpu.make_async_copy(
            tok_tab.at[idx_all.at[pl.ds(t * CHUNK, CHUNK)]], buf.at[slot],
            sem_t.at[slot]).wait()
        pltpu.make_async_copy(
            pos_tab.at[pl.ds(pos0 + t * CHUNK, CHUNK)],
            pos_buf.at[slot], sem_p.at[slot]).wait()

        seg_mask = [
            plsc.load_gather(
                idx_all,
                [jnp.full((LANES,), TOK_PER_W + t * CHUNK + j, jnp.int32)]) != 0
            for j in range(CHUNK)
        ]

        zero = jnp.zeros((LANES,), jnp.float32)
        for g in range(CHUNK // GROUP):
            rows = range(g * GROUP, (g + 1) * GROUP)

            def sum_body(k, c, rows=rows):
                accs = list(c)
                sl = pl.ds(k * LANES, LANES)
                sg0 = seg_vm[0, sl]
                sg1 = seg_vm[1, sl]
                for i, j in enumerate(rows):
                    x = (buf[slot, j, sl] + pos_buf[slot, j, sl]
                         + jnp.where(seg_mask[j], sg1, sg0))
                    buf[slot, j, sl] = x
                    s0, s1 = accs[i]
                    accs[i] = (s0 + x, s1 + x * x)
                return tuple(accs)

            accs = lax.fori_loop(0, NSLICE, sum_body,
                                 tuple((zero, zero) for _ in rows))
            for i, j in enumerate(rows):
                red_arr[pl.ds(j * LANES, LANES)] = accs[i][0]
                red_arr[pl.ds((CHUNK + j) * LANES, LANES)] = accs[i][1]

        colbase = lane * LANES
        m_vec = zero
        q_vec = zero
        for c in range(LANES):
            m_vec = m_vec + plsc.load_gather(red_arr, [colbase + c])
            q_vec = q_vec + plsc.load_gather(
                red_arr, [colbase + (CHUNK * LANES + c)])
        m_vec = m_vec * INV_HID
        q_vec = q_vec * INV_HID
        r_vec = _rsqrt_newton(q_vec - m_vec * m_vec + EPS)
        mr_arr[pl.ds(LANES, LANES)] = m_vec
        mr_arr[pl.ds(2 * LANES, LANES)] = r_vec

        for h in range(CHUNK // GROUP):
            hrows = range(h * GROUP, (h + 1) * GROUP)
            m_sp = [plsc.load_gather(
                        mr_arr, [jnp.full((LANES,), LANES + j, jnp.int32)])
                    for j in hrows]
            r_sp = [plsc.load_gather(
                        mr_arr, [jnp.full((LANES,), 2 * LANES + j, jnp.int32)])
                    for j in hrows]

            def norm_body(k, _, hrows=hrows, m_sp=m_sp, r_sp=r_sp):
                sl = pl.ds(k * LANES, LANES)
                g = gamma_v[sl]
                bt = beta_v[sl]
                for i, j in enumerate(hrows):
                    buf[slot, j, sl] = (
                        (buf[slot, j, sl] - m_sp[i]) * r_sp[i] * g + bt)
                return 0

            lax.fori_loop(0, NSLICE, norm_body, 0)
            cp_o = pltpu.async_copy(
                buf.at[slot, pl.ds(h * GROUP, GROUP)],
                out_hbm.at[pl.ds(wbase + t * CHUNK + h * GROUP, GROUP)],
                sem_o.at[slot])
            del cp_o

    start_chunk(0, 0)

    def pair_body(p, _):
        t0 = 2 * p
        t1 = 2 * p + 1

        @pl.when(p >= 1)
        def _drain1():
            pltpu.make_async_copy(
                buf.at[1], out_hbm.at[pl.ds(wbase + (t0 - 1) * CHUNK, CHUNK)],
                sem_o.at[1]).wait()
        start_chunk(t1, 1)
        compute_chunk(t0, 0)

        @pl.when(p + 1 < NCHUNK // 2)
        def _next():
            pltpu.make_async_copy(
                buf.at[0], out_hbm.at[pl.ds(wbase + t0 * CHUNK, CHUNK)],
                sem_o.at[0]).wait()
            start_chunk(t1 + 1, 0)
        compute_chunk(t1, 1)
        return 0

    lax.fori_loop(0, NCHUNK // 2, pair_body, 0)

    pltpu.make_async_copy(
        buf.at[0], out_hbm.at[pl.ds(wbase + (NCHUNK - 2) * CHUNK, CHUNK)],
        sem_o.at[0]).wait()
    pltpu.make_async_copy(
        buf.at[1], out_hbm.at[pl.ds(wbase + (NCHUNK - 1) * CHUNK, CHUNK)],
        sem_o.at[1]).wait()


@jax.jit
def _embed_ln(ids, segs, tok_tab, seg_tab, pos_tab, gamma, beta):
    mesh = plsc.VectorSubcoreMesh(core_axis_name="c", subcore_axis_name="s")
    f = functools.partial(
        pl.kernel,
        out_type=jax.ShapeDtypeStruct((B * S, HID), jnp.float32),
        mesh=mesh,
        compiler_params=pltpu.CompilerParams(needs_layout_passes=False),
        scratch_types=[
            pltpu.VMEM((2 * TOK_PER_W,), jnp.int32),
            pltpu.VMEM((2, CHUNK, HID), jnp.float32),
            pltpu.VMEM((2, CHUNK, HID), jnp.float32),
            pltpu.VMEM((2, HID), jnp.float32),
            pltpu.VMEM((HID,), jnp.float32),
            pltpu.VMEM((HID,), jnp.float32),
            pltpu.VMEM((2 * CHUNK * LANES,), jnp.float32),
            pltpu.VMEM((3 * LANES,), jnp.float32),
            pltpu.SemaphoreType.DMA((2,)),
            pltpu.SemaphoreType.DMA((2,)),
            pltpu.SemaphoreType.DMA((2,)),
        ],
    )(_body)
    return f(ids, segs, tok_tab, seg_tab, pos_tab, gamma, beta)


def kernel(input_ids, segment_ids, token_table, segment_table, position_table,
           gamma, beta):
    ids = input_ids.reshape(-1).astype(jnp.int32)
    segs = segment_ids.reshape(-1).astype(jnp.int32)
    out = _embed_ln(ids, segs, token_table, segment_table, position_table,
                    gamma, beta)
    return out.reshape(B, S, HID)

# --- scband reference (transcript-rebuilt; emitter-appended) ---
"""Pipeline reference for scband-bert-embedding-63118839382022 (READ-ONLY COPY).

The authoritative reference and input builder live on the scoring server;
editing this copy changes nothing except your own understanding.
"""

import jax, jax.numpy as jnp
import numpy as np

VOCAB = 30522
HID = 1024
TYPES = 2
MAXPOS = 2048
B = 4
S = 2048
EPS = 1e-12
PADDING_IDX = 0


def layer_norm(x, gamma, beta):
    mean = jnp.mean(x, axis=-1, keepdims=True)
    var = jnp.var(x, axis=-1, keepdims=True)
    return (x - mean) / jnp.sqrt(var + EPS) * gamma + beta


def setup_inputs(seed: int = 0) -> dict:
    key = jax.random.key(seed)
    k1, k2, k3, k4, k5 = jax.random.split(key, 5)
    input_ids = jax.random.randint(k1, (B, S), 0, VOCAB)
    segment_ids = jax.random.randint(k2, (B, S), 0, TYPES)
    token_table = jax.random.normal(k3, (VOCAB, HID), dtype=jnp.float32) * 0.02
    token_table = token_table.at[PADDING_IDX].set(0.0)  # padding_idx row zeroed like nn.Embedding
    segment_table = jax.random.normal(k4, (TYPES, HID), dtype=jnp.float32) * 0.02
    position_table = jax.random.normal(k5, (MAXPOS, HID), dtype=jnp.float32) * 0.02
    gamma = jnp.ones((HID,), dtype=jnp.float32)
    beta = jnp.zeros((HID,), dtype=jnp.float32)
    return {
        "input_ids": input_ids,
        "segment_ids": segment_ids,
        "token_table": token_table,
        "segment_table": segment_table,
        "position_table": position_table,
        "gamma": gamma,
        "beta": beta,
    }


def reference(input_ids, segment_ids, token_table, segment_table, position_table, gamma, beta):
    seq_len = input_ids.shape[1]
    position_ids = jnp.arange(seq_len, dtype=input_ids.dtype)[None, :]
    position_ids = jnp.broadcast_to(position_ids, input_ids.shape)
    tok_emb = jnp.take(token_table, input_ids, axis=0)
    seg_emb = jnp.take(segment_table, segment_ids, axis=0)
    pos_emb = jnp.take(position_table, position_ids, axis=0)
    embeddings = tok_emb + seg_emb + pos_emb
    embeddings = layer_norm(embeddings, gamma, beta)
    # Dropout is identity in eval mode
    return embeddings

if __name__ == "__main__":
    import jax
    _d = setup_inputs()
    print(jax.jit(kernel)(*tuple(_d.values())))

</pallas_src>

<mosaic_0001>
#map = affine_map<(d0, d1) -> (0)>
#map1 = affine_map<(d0, d1) -> (0, 0)>
module attributes {stable_mosaic.version = 14 : i64} {
  func.func @_body(%arg0: i32, %arg1: i32, %arg2: memref<8192xi32, #tpu.memory_space<hbm>>, %arg3: memref<8192xi32, #tpu.memory_space<hbm>>, %arg4: memref<30522x1024xf32, #tpu.memory_space<hbm>>, %arg5: memref<2x1024xf32, #tpu.memory_space<hbm>>, %arg6: memref<2048x1024xf32, #tpu.memory_space<hbm>>, %arg7: memref<1024xf32, #tpu.memory_space<hbm>>, %arg8: memref<1024xf32, #tpu.memory_space<hbm>>, %arg9: memref<8192x1024xf32, #tpu.memory_space<hbm>>, %arg10: memref<512xi32, #tpu.memory_space<vmem>>, %arg11: memref<2x16x1024xf32, #tpu.memory_space<vmem>>, %arg12: memref<2x16x1024xf32, #tpu.memory_space<vmem>>, %arg13: memref<2x1024xf32, #tpu.memory_space<vmem>>, %arg14: memref<1024xf32, #tpu.memory_space<vmem>>, %arg15: memref<1024xf32, #tpu.memory_space<vmem>>, %arg16: memref<512xf32, #tpu.memory_space<vmem>>, %arg17: memref<48xf32, #tpu.memory_space<vmem>>, %arg18: memref<2x!tpu.dma_semaphore, #tpu.memory_space<semaphore_mem>>, %arg19: memref<2x!tpu.dma_semaphore, #tpu.memory_space<semaphore_mem>>, %arg20: memref<2x!tpu.dma_semaphore, #tpu.memory_space<semaphore_mem>>) attributes {dimension_semantics = [#tpu.dimension_semantics<core_parallel>, #tpu.dimension_semantics<subcore_parallel>], iteration_bounds = array<i64: 2, 16>, scalar_prefetch = 0 : i64, scratch_operands = 11 : i64, tpu.core_type = #tpu.core_type<sc_vector_subcore>, window_params = [{transform_indices = #map}, {transform_indices = #map}, {transform_indices = #map1}, {transform_indices = #map1}, {transform_indices = #map1}, {transform_indices = #map}, {transform_indices = #map}, {transform_indices = #map1}]} {
    %mul3A = arith.constant 2 : i32
    %mul3A_0 = arith.muli %arg1, %mul3A : i32
    %add3A = arith.addi %mul3A_0, %arg0 : i32
    %mul3A_1 = arith.constant 256 : i32
    %mul3A_2 = arith.muli %add3A, %mul3A_1 : i32
    %rem3A = arith.constant 2048 : i32
    %rem3A_3 = arith.remsi %mul3A_2, %rem3A : i32
    %iota3A = tpu.iota {dimensions = array<i32: 0>} : vector<16xi32>
    "tpu.region"() ({
      %run_scoped3A = tpu.sem_alloc : memref<!tpu.dma_semaphore, #tpu.memory_space<semaphore_mem>>
      tpu.enqueue_dma source(%arg7 : memref<1024xf32, #tpu.memory_space<hbm>>) target(%arg14 : memref<1024xf32, #tpu.memory_space<vmem>>) target_semaphore(%run_scoped3A : memref<!tpu.dma_semaphore, #tpu.memory_space<semaphore_mem>>)
      tpu.wait_dma2 semaphore(%run_scoped3A : memref<!tpu.dma_semaphore, #tpu.memory_space<semaphore_mem>>) src(%arg7 : memref<1024xf32, #tpu.memory_space<hbm>>) dst(%arg14 : memref<1024xf32, #tpu.memory_space<vmem>>)
      tpu.yield
    }) : () -> ()
    "tpu.region"() ({
      %run_scoped3A = tpu.sem_alloc : memref<!tpu.dma_semaphore, #tpu.memory_space<semaphore_mem>>
      tpu.enqueue_dma source(%arg8 : memref<1024xf32, #tpu.memory_space<hbm>>) target(%arg15 : memref<1024xf32, #tpu.memory_space<vmem>>) target_semaphore(%run_scoped3A : memref<!tpu.dma_semaphore, #tpu.memory_space<semaphore_mem>>)
      tpu.wait_dma2 semaphore(%run_scoped3A : memref<!tpu.dma_semaphore, #tpu.memory_space<semaphore_mem>>) src(%arg8 : memref<1024xf32, #tpu.memory_space<hbm>>) dst(%arg15 : memref<1024xf32, #tpu.memory_space<vmem>>)
      tpu.yield
    }) : () -> ()
    "tpu.region"() ({
      %run_scoped3A = tpu.sem_alloc : memref<!tpu.dma_semaphore, #tpu.memory_space<semaphore_mem>>
      tpu.enqueue_dma source(%arg5 : memref<2x1024xf32, #tpu.memory_space<hbm>>) target(%arg13 : memref<2x1024xf32, #tpu.memory_space<vmem>>) target_semaphore(%run_scoped3A : memref<!tpu.dma_semaphore, #tpu.memory_space<semaphore_mem>>)
      tpu.wait_dma2 semaphore(%run_scoped3A : memref<!tpu.dma_semaphore, #tpu.memory_space<semaphore_mem>>) src(%arg5 : memref<2x1024xf32, #tpu.memory_space<hbm>>) dst(%arg13 : memref<2x1024xf32, #tpu.memory_space<vmem>>)
      tpu.yield
    }) : () -> ()
    "tpu.region"() ({
      %run_scoped3A = tpu.sem_alloc : memref<!tpu.dma_semaphore, #tpu.memory_space<semaphore_mem>>
      %dma_start3A_75 = arith.constant 0 : i32
      %dma_start3A_76 = tpu.memref_slice %arg10[%dma_start3A_75] : memref<512xi32, #tpu.memory_space<vmem>> -> memref<256xi32, #tpu.memory_space<vmem>>
      %dma_start3A_77 = tpu.memref_slice %arg2[%mul3A_2] : memref<8192xi32, #tpu.memory_space<hbm>> -> memref<256xi32, #tpu.memory_space<hbm>>
      %dma_start3A_78 = arith.constant 0 : i32
      %dma_start3A_79 = tpu.memref_slice %arg10[%dma_start3A_78] : memref<512xi32, #tpu.memory_space<vmem>> -> memref<256xi32, #tpu.memory_space<vmem>>
      %dma_start3A_80 = tpu.memref_slice %arg2[%mul3A_2] : memref<8192xi32, #tpu.memory_space<hbm>> -> memref<256xi32, #tpu.memory_space<hbm>>
      tpu.enqueue_dma source(%dma_start3A_80 : memref<256xi32, #tpu.memory_space<hbm>>) target(%dma_start3A_79 : memref<256xi32, #tpu.memory_space<vmem>>) target_semaphore(%run_scoped3A : memref<!tpu.dma_semaphore, #tpu.memory_space<semaphore_mem>>)
      %dma_wait3A_81 = arith.constant 0 : i32
      %dma_wait3A_82 = tpu.memref_slice %arg10[%dma_wait3A_81] : memref<512xi32, #tpu.memory_space<vmem>> -> memref<256xi32, #tpu.memory_space<vmem>>
      %dma_wait3A_83 = tpu.memref_slice %arg2[%mul3A_2] : memref<8192xi32, #tpu.memory_space<hbm>> -> memref<256xi32, #tpu.memory_space<hbm>>
      %dma_wait3A_84 = arith.constant 0 : i32
      %dma_wait3A_85 = tpu.memref_slice %arg10[%dma_wait3A_84] : memref<512xi32, #tpu.memory_space<vmem>> -> memref<256xi32, #tpu.memory_space<vmem>>
      %dma_wait3A_86 = tpu.memref_slice %arg2[%mul3A_2] : memref<8192xi32, #tpu.memory_space<hbm>> -> memref<256xi32, #tpu.memory_space<hbm>>
      tpu.wait_dma2 semaphore(%run_scoped3A : memref<!tpu.dma_semaphore, #tpu.memory_space<semaphore_mem>>) src(%dma_wait3A_86 : memref<256xi32, #tpu.memory_space<hbm>>) dst(%dma_wait3A_85 : memref<256xi32, #tpu.memory_space<vmem>>)
      tpu.yield
    }) : () -> ()
    "tpu.region"() ({
      %run_scoped3A = tpu.sem_alloc : memref<!tpu.dma_semaphore, #tpu.memory_space<semaphore_mem>>
      %dma_start3A_75 = arith.constant 256 : i32
      %dma_start3A_76 = tpu.memref_slice %arg10[%dma_start3A_75] : memref<512xi32, #tpu.memory_space<vmem>> -> memref<256xi32, #tpu.memory_space<vmem>>
      %dma_start3A_77 = tpu.memref_slice %arg3[%mul3A_2] : memref<8192xi32, #tpu.memory_space<hbm>> -> memref<256xi32, #tpu.memory_space<hbm>>
      %dma_start3A_78 = arith.constant 256 : i32
      %dma_start3A_79 = tpu.memref_slice %arg10[%dma_start3A_78] : memref<512xi32, #tpu.memory_space<vmem>> -> memref<256xi32, #tpu.memory_space<vmem>>
      %dma_start3A_80 = tpu.memref_slice %arg3[%mul3A_2] : memref<8192xi32, #tpu.memory_space<hbm>> -> memref<256xi32, #tpu.memory_space<hbm>>
      tpu.enqueue_dma source(%dma_start3A_80 : memref<256xi32, #tpu.memory_space<hbm>>) target(%dma_start3A_79 : memref<256xi32, #tpu.memory_space<vmem>>) target_semaphore(%run_scoped3A : memref<!tpu.dma_semaphore, #tpu.memory_space<semaphore_mem>>)
      %dma_wait3A_81 = arith.constant 256 : i32
      %dma_wait3A_82 = tpu.memref_slice %arg10[%dma_wait3A_81] : memref<512xi32, #tpu.memory_space<vmem>> -> memref<256xi32, #tpu.memory_space<vmem>>
      %dma_wait3A_83 = tpu.memref_slice %arg3[%mul3A_2] : memref<8192xi32, #tpu.memory_space<hbm>> -> memref<256xi32, #tpu.memory_space<hbm>>
      %dma_wait3A_84 = arith.constant 256 : i32
      %dma_wait3A_85 = tpu.memref_slice %arg10[%dma_wait3A_84] : memref<512xi32, #tpu.memory_space<vmem>> -> memref<256xi32, #tpu.memory_space<vmem>>
      %dma_wait3A_86 = tpu.memref_slice %arg3[%mul3A_2] : memref<8192xi32, #tpu.memory_space<hbm>> -> memref<256xi32, #tpu.memory_space<hbm>>
      tpu.wait_dma2 semaphore(%run_scoped3A : memref<!tpu.dma_semaphore, #tpu.memory_space<semaphore_mem>>) src(%dma_wait3A_86 : memref<256xi32, #tpu.memory_space<hbm>>) dst(%dma_wait3A_85 : memref<256xi32, #tpu.memory_space<vmem>>)
      tpu.yield
    }) : () -> ()
    %dma_start3A = arith.constant 0 : i32
    %dma_start3A_4 = arith.constant 0 : i32
    %dma_start3A_5 = arith.constant 0 : i32
    %dma_start3A_6 = arith.constant 0 : i32
    %dma_start3A_7 = tpu.memref_slice %arg11[%dma_start3A, %dma_start3A_5, %dma_start3A_6] : memref<2x16x1024xf32, #tpu.memory_space<vmem>> -> memref<1x16x1024xf32, #tpu.memory_space<vmem>>
    %dma_start3A_8 = tpu.memref_squeeze %dma_start3A_7 : memref<1x16x1024xf32, #tpu.memory_space<vmem>> -> memref<16x1024xf32, #tpu.memory_space<vmem>>
    %dma_start3A_9 = arith.constant 0 : i32
    %dma_start3A_10 = tpu.memref_slice %arg10[%dma_start3A_9] : memref<512xi32, #tpu.memory_space<vmem>> -> memref<16xi32, #tpu.memory_space<vmem>>
    %dma_start3A_11 = arith.constant 0 : i32
    %dma_start3A_12 = arith.constant 0 : i32
    %dma_start3A_13 = tpu.memref_slice %arg4[%dma_start3A_11, %dma_start3A_12] : memref<30522x1024xf32, #tpu.memory_space<hbm>> -> memref<30522x1024xf32, #tpu.memory_space<hbm>>
    %dma_start3A_14 = tpu.memref_slice %arg18[%dma_start3A_4] : memref<2x!tpu.dma_semaphore, #tpu.memory_space<semaphore_mem>> -> memref<1x!tpu.dma_semaphore, #tpu.memory_space<semaphore_mem>>
    %dma_start3A_15 = tpu.memref_squeeze %dma_start3A_14 : memref<1x!tpu.dma_semaphore, #tpu.memory_space<semaphore_mem>> -> memref<!tpu.dma_semaphore, #tpu.memory_space<semaphore_mem>>
    tpu.enqueue_indirect_dma source(%dma_start3A_13 : memref<30522x1024xf32, #tpu.memory_space<hbm>>) target(%dma_start3A_8 : memref<16x1024xf32, #tpu.memory_space<vmem>>) offsets(%dma_start3A_10 : memref<16xi32, #tpu.memory_space<vmem>>) semaphore(%dma_start3A_15 : memref<!tpu.dma_semaphore, #tpu.memory_space<semaphore_mem>>)
    %add3A_16 = arith.constant 0 : i32
    %add3A_17 = arith.addi %rem3A_3, %add3A_16 : i32
    %dma_start3A_18 = arith.constant 0 : i32
    %dma_start3A_19 = arith.constant 0 : i32
    %dma_start3A_20 = arith.constant 0 : i32
    %dma_start3A_21 = arith.constant 0 : i32
    %dma_start3A_22 = tpu.memref_slice %arg12[%dma_start3A_18, %dma_start3A_20, %dma_start3A_21] : memref<2x16x1024xf32, #tpu.memory_space<vmem>> -> memref<1x16x1024xf32, #tpu.memory_space<vmem>>
    %dma_start3A_23 = tpu.memref_squeeze %dma_start3A_22 : memref<1x16x1024xf32, #tpu.memory_space<vmem>> -> memref<16x1024xf32, #tpu.memory_space<vmem>>
    %dma_start3A_24 = arith.constant 0 : i32
    %dma_start3A_25 = tpu.memref_slice %arg6[%add3A_17, %dma_start3A_24] : memref<2048x1024xf32, #tpu.memory_space<hbm>> -> memref<16x1024xf32, #tpu.memory_space<hbm>>
    %dma_start3A_26 = tpu.memref_slice %arg19[%dma_start3A_19] : memref<2x!tpu.dma_semaphore, #tpu.memory_space<semaphore_mem>> -> memref<1x!tpu.dma_semaphore, #tpu.memory_space<semaphore_mem>>
    %dma_start3A_27 = tpu.memref_squeeze %dma_start3A_26 : memref<1x!tpu.dma_semaphore, #tpu.memory_space<semaphore_mem>> -> memref<!tpu.dma_semaphore, #tpu.memory_space<semaphore_mem>>
    %dma_start3A_28 = arith.constant 0 : i32
    %dma_start3A_29 = arith.constant 0 : i32
    %dma_start3A_30 = tpu.memref_slice %arg12[%dma_start3A_18, %dma_start3A_28, %dma_start3A_29] : memref<2x16x1024xf32, #tpu.memory_space<vmem>> -> memref<1x16x1024xf32, #tpu.memory_space<vmem>>
    %dma_start3A_31 = tpu.memref_squeeze %dma_start3A_30 : memref<1x16x1024xf32, #tpu.memory_space<vmem>> -> memref<16x1024xf32, #tpu.memory_space<vmem>>
    %dma_start3A_32 = arith.constant 0 : i32
    %dma_start3A_33 = tpu.memref_slice %arg6[%add3A_17, %dma_start3A_32] : memref<2048x1024xf32, #tpu.memory_space<hbm>> -> memref<16x1024xf32, #tpu.memory_space<hbm>>
    tpu.enqueue_dma source(%dma_start3A_33 : memref<16x1024xf32, #tpu.memory_space<hbm>>) target(%dma_start3A_31 : memref<16x1024xf32, #tpu.memory_space<vmem>>) target_semaphore(%dma_start3A_27 : memref<!tpu.dma_semaphore, #tpu.memory_space<semaphore_mem>>)
    %scan3A = arith.constant 0 : i32
    %scan3A_34 = arith.constant 0 : i32
    %scan3A_35 = arith.constant 8 : i32
    %scan3A_36 = arith.addi %scan3A_34, %scan3A_35 : i32
    %scan3A_37 = arith.constant 1 : i32
    %scan3A_38 = scf.for %scan3A_75 = %scan3A_34 to %scan3A_36 step %scan3A_37 iter_args(%scan3A_76 = %scan3A) -> (i32)  : i32 {
      %mul3A_77 = arith.constant 2 : i32
      %mul3A_78 = arith.muli %mul3A_77, %scan3A_75 : i32
      %mul3A_79 = arith.constant 2 : i32
      %mul3A_80 = arith.muli %mul3A_79, %scan3A_75 : i32
      %add3A_81 = arith.constant 1 : i32
      %add3A_82 = arith.addi %mul3A_80, %add3A_81 : i32
      %ge3A = arith.constant 1 : i32
      %ge3A_83 = arith.cmpi sge, %scan3A_75, %ge3A : i32
      %convert_element_type3A = arith.extui %ge3A_83 : i1 to i32
      %cond3A = arith.constant 0 : i32
      %cond3A_84 = arith.cmpi ne, %convert_element_type3A, %cond3A : i32
      scf.if %cond3A_84 {
        %sub3A_1410 = arith.constant 1 : i32
        %sub3A_1411 = arith.subi %mul3A_78, %sub3A_1410 : i32
        %mul3A_1412 = arith.constant 16 : i32
        %mul3A_1413 = arith.muli %sub3A_1411, %mul3A_1412 : i32
        %add3A_1414 = arith.addi %mul3A_2, %mul3A_1413 : i32
        %dma_wait3A_1415 = arith.constant 1 : i32
        %dma_wait3A_1416 = arith.constant 1 : i32
        %dma_wait3A_1417 = arith.constant 0 : i32
        %dma_wait3A_1418 = arith.constant 0 : i32
        %dma_wait3A_1419 = tpu.memref_slice %arg11[%dma_wait3A_1415, %dma_wait3A_1417, %dma_wait3A_1418] : memref<2x16x1024xf32, #tpu.memory_space<vmem>> -> memref<1x16x1024xf32, #tpu.memory_space<vmem>>
        %dma_wait3A_1420 = tpu.memref_squeeze %dma_wait3A_1419 : memref<1x16x1024xf32, #tpu.memory_space<vmem>> -> memref<16x1024xf32, #tpu.memory_space<vmem>>
        %dma_wait3A_1421 = arith.constant 0 : i32
        %dma_wait3A_1422 = tpu.memref_slice %arg9[%add3A_1414, %dma_wait3A_1421] : memref<8192x1024xf32, #tpu.memory_space<hbm>> -> memref<16x1024xf32, #tpu.memory_space<hbm>>
        %dma_wait3A_1423 = tpu.memref_slice %arg20[%dma_wait3A_1416] : memref<2x!tpu.dma_semaphore, #tpu.memory_space<semaphore_mem>> -> memref<1x!tpu.dma_semaphore, #tpu.memory_space<semaphore_mem>>
        %dma_wait3A_1424 = tpu.memref_squeeze %dma_wait3A_1423 : memref<1x!tpu.dma_semaphore, #tpu.memory_space<semaphore_mem>> -> memref<!tpu.dma_semaphore, #tpu.memory_space<semaphore_mem>>
        %dma_wait3A_1425 = arith.constant 0 : i32
        %dma_wait3A_1426 = tpu.memref_slice %arg9[%add3A_1414, %dma_wait3A_1425] : memref<8192x1024xf32, #tpu.memory_space<hbm>> -> memref<16x1024xf32, #tpu.memory_space<hbm>>
        %dma_wait3A_1427 = arith.constant 0 : i32
        %dma_wait3A_1428 = arith.constant 0 : i32
        %dma_wait3A_1429 = tpu.memref_slice %arg11[%dma_wait3A_1415, %dma_wait3A_1427, %dma_wait3A_1428] : memref<2x16x1024xf32, #tpu.memory_space<vmem>> -> memref<1x16x1024xf32, #tpu.memory_space<vmem>>
        %dma_wait3A_1430 = tpu.memref_squeeze %dma_wait3A_1429 : memref<1x16x1024xf32, #tpu.memory_space<vmem>> -> memref<16x1024xf32, #tpu.memory_space<vmem>>
        tpu.wait_dma2 semaphore(%dma_wait3A_1424 : memref<!tpu.dma_semaphore, #tpu.memory_space<semaphore_mem>>) src(%dma_wait3A_1430 : memref<16x1024xf32, #tpu.memory_space<vmem>>) dst(%dma_wait3A_1426 : memref<16x1024xf32, #tpu.memory_space<hbm>>)
      } else {
      }
      %mul3A_85 = arith.constant 16 : i32
      %mul3A_86 = arith.muli %add3A_82, %mul3A_85 : i32
      %dma_start3A_87 = arith.constant 1 : i32
      %dma_start3A_88 = arith.constant 1 : i32
      %dma_start3A_89 = arith.constant 0 : i32
      %dma_start3A_90 = arith.constant 0 : i32
      %dma_start3A_91 = tpu.memref_slice %arg11[%dma_start3A_87, %dma_start3A_89, %dma_start3A_90] : memref<2x16x1024xf32, #tpu.memory_space<vmem>> -> memref<1x16x1024xf32, #tpu.memory_space<vmem>>
      %dma_start3A_92 = tpu.memref_squeeze %dma_start3A_91 : memref<1x16x1024xf32, #tpu.memory_space<vmem>> -> memref<16x1024xf32, #tpu.memory_space<vmem>>
      %dma_start3A_93 = tpu.memref_slice %arg10[%mul3A_86] : memref<512xi32, #tpu.memory_space<vmem>> -> memref<16xi32, #tpu.memory_space<vmem>>
      %dma_start3A_94 = arith.constant 0 : i32
      %dma_start3A_95 = arith.constant 0 : i32
      %dma_start3A_96 = tpu.memref_slice %arg4[%dma_start3A_94, %dma_start3A_95] : memref<30522x1024xf32, #tpu.memory_space<hbm>> -> memref<30522x1024xf32, #tpu.memory_space<hbm>>
      %dma_start3A_97 = tpu.memref_slice %arg18[%dma_start3A_88] : memref<2x!tpu.dma_semaphore, #tpu.memory_space<semaphore_mem>> -> memref<1x!tpu.dma_semaphore, #tpu.memory_space<semaphore_mem>>
      %dma_start3A_98 = tpu.memref_squeeze %dma_start3A_97 : memref<1x!tpu.dma_semaphore, #tpu.memory_space<semaphore_mem>> -> memref<!tpu.dma_semaphore, #tpu.memory_space<semaphore_mem>>
      tpu.enqueue_indirect_dma source(%dma_start3A_96 : memref<30522x1024xf32, #tpu.memory_space<hbm>>) target(%dma_start3A_92 : memref<16x1024xf32, #tpu.memory_space<vmem>>) offsets(%dma_start3A_93 : memref<16xi32, #tpu.memory_space<vmem>>) semaphore(%dma_start3A_98 : memref<!tpu.dma_semaphore, #tpu.memory_space<semaphore_mem>>)
      %mul3A_99 = arith.constant 16 : i32
      %mul3A_100 = arith.muli %add3A_82, %mul3A_99 : i32
      %add3A_101 = arith.addi %rem3A_3, %mul3A_100 : i32
      %dma_start3A_102 = arith.constant 1 : i32
      %dma_start3A_103 = arith.constant 1 : i32
      %dma_start3A_104 = arith.constant 0 : i32
      %dma_start3A_105 = arith.constant 0 : i32
      %dma_start3A_106 = tpu.memref_slice %arg12[%dma_start3A_102, %dma_start3A_104, %dma_start3A_105] : memref<2x16x1024xf32, #tpu.memory_space<vmem>> -> memref<1x16x1024xf32, #tpu.memory_space<vmem>>
      %dma_start3A_107 = tpu.memref_squeeze %dma_start3A_106 : memref<1x16x1024xf32, #tpu.memory_space<vmem>> -> memref<16x1024xf32, #tpu.memory_space<vmem>>
      %dma_start3A_108 = arith.constant 0 : i32
      %dma_start3A_109 = tpu.memref_slice %arg6[%add3A_101, %dma_start3A_108] : memref<2048x1024xf32, #tpu.memory_space<hbm>> -> memref<16x1024xf32, #tpu.memory_space<hbm>>
      %dma_start3A_110 = tpu.memref_slice %arg19[%dma_start3A_103] : memref<2x!tpu.dma_semaphore, #tpu.memory_space<semaphore_mem>> -> memref<1x!tpu.dma_semaphore, #tpu.memory_space<semaphore_mem>>
      %dma_start3A_111 = tpu.memref_squeeze %dma_start3A_110 : memref<1x!tpu.dma_semaphore, #tpu.memory_space<semaphore_mem>> -> memref<!tpu.dma_semaphore, #tpu.memory_space<semaphore_mem>>
      %dma_start3A_112 = arith.constant 0 : i32
      %dma_start3A_113 = arith.constant 0 : i32
      %dma_start3A_114 = tpu.memref_slice %arg12[%dma_start3A_102, %dma_start3A_112, %dma_start3A_113] : memref<2x16x1024xf32, #tpu.memory_space<vmem>> -> memref<1x16x1024xf32, #tpu.memory_space<vmem>>
      %dma_start3A_115 = tpu.memref_squeeze %dma_start3A_114 : memref<1x16x1024xf32, #tpu.memory_space<vmem>> -> memref<16x1024xf32, #tpu.memory_space<vmem>>
      %dma_start3A_116 = arith.constant 0 : i32
      %dma_start3A_117 = tpu.memref_slice %arg6[%add3A_101, %dma_start3A_116] : memref<2048x1024xf32, #tpu.memory_space<hbm>> -> memref<16x1024xf32, #tpu.memory_space<hbm>>
      tpu.enqueue_dma source(%dma_start3A_117 : memref<16x1024xf32, #tpu.memory_space<hbm>>) target(%dma_start3A_115 : memref<16x1024xf32, #tpu.memory_space<vmem>>) target_semaphore(%dma_start3A_111 : memref<!tpu.dma_semaphore, #tpu.memory_space<semaphore_mem>>)
      %mul3A_118 = arith.constant 16 : i32
      %mul3A_119 = arith.muli %mul3A_78, %mul3A_118 : i32
      %dma_wait3A_120 = arith.constant 0 : i32
      %dma_wait3A_121 = arith.constant 0 : i32
      %dma_wait3A_122 = arith.constant 0 : i32
      %dma_wait3A_123 = arith.constant 0 : i32
      %dma_wait3A_124 = tpu.memref_slice %arg11[%dma_wait3A_120, %dma_wait3A_122, %dma_wait3A_123] : memref<2x16x1024xf32, #tpu.memory_space<vmem>> -> memref<1x16x1024xf32, #tpu.memory_space<vmem>>
      %dma_wait3A_125 = tpu.memref_squeeze %dma_wait3A_124 : memref<1x16x1024xf32, #tpu.memory_space<vmem>> -> memref<16x1024xf32, #tpu.memory_space<vmem>>
      %dma_wait3A_126 = tpu.memref_slice %arg10[%mul3A_119] : memref<512xi32, #tpu.memory_space<vmem>> -> memref<16xi32, #tpu.memory_space<vmem>>
      %dma_wait3A_127 = arith.constant 0 : i32
      %dma_wait3A_128 = arith.constant 0 : i32
      %dma_wait3A_129 = tpu.memref_slice %arg4[%dma_wait3A_127, %dma_wait3A_128] : memref<30522x1024xf32, #tpu.memory_space<hbm>> -> memref<30522x1024xf32, #tpu.memory_space<hbm>>
      %dma_wait3A_130 = tpu.memref_slice %arg18[%dma_wait3A_121] : memref<2x!tpu.dma_semaphore, #tpu.memory_space<semaphore_mem>> -> memref<1x!tpu.dma_semaphore, #tpu.memory_space<semaphore_mem>>
      %dma_wait3A_131 = tpu.memref_squeeze %dma_wait3A_130 : memref<1x!tpu.dma_semaphore, #tpu.memory_space<semaphore_mem>> -> memref<!tpu.dma_semaphore, #tpu.memory_space<semaphore_mem>>
      tpu.wait_indirect_dma semaphore(%dma_wait3A_131 : memref<!tpu.dma_semaphore, #tpu.memory_space<semaphore_mem>>) src(%dma_wait3A_129 : memref<30522x1024xf32, #tpu.memory_space<hbm>>) dst(%dma_wait3A_125 : memref<16x1024xf32, #tpu.memory_space<vmem>>)
      %mul3A_132 = arith.constant 16 : i32
      %mul3A_133 = arith.muli %mul3A_78, %mul3A_132 : i32
      %add3A_134 = arith.addi %rem3A_3, %mul3A_133 : i32
      %dma_wait3A_135 = arith.constant 0 : i32
      %dma_wait3A_136 = arith.constant 0 : i32
      %dma_wait3A_137 = arith.constant 0 : i32
      %dma_wait3A_138 = arith.constant 0 : i32
      %dma_wait3A_139 = tpu.memref_slice %arg12[%dma_wait3A_135, %dma_wait3A_137, %dma_wait3A_138] : memref<2x16x1024xf32, #tpu.memory_space<vmem>> -> memref<1x16x1024xf32, #tpu.memory_space<vmem>>
      %dma_wait3A_140 = tpu.memref_squeeze %dma_wait3A_139 : memref<1x16x1024xf32, #tpu.memory_space<vmem>> -> memref<16x1024xf32, #tpu.memory_space<vmem>>
      %dma_wait3A_141 = arith.constant 0 : i32
      %dma_wait3A_142 = tpu.memref_slice %arg6[%add3A_134, %dma_wait3A_141] : memref<2048x1024xf32, #tpu.memory_space<hbm>> -> memref<16x1024xf32, #tpu.memory_space<hbm>>
      %dma_wait3A_143 = tpu.memref_slice %arg19[%dma_wait3A_136] : memref<2x!tpu.dma_semaphore, #tpu.memory_space<semaphore_mem>> -> memref<1x!tpu.dma_semaphore, #tpu.memory_space<semaphore_mem>>
      %dma_wait3A_144 = tpu.memref_squeeze %dma_wait3A_143 : memref<1x!tpu.dma_semaphore, #tpu.memory_space<semaphore_mem>> -> memref<!tpu.dma_semaphore, #tpu.memory_space<semaphore_mem>>
      %dma_wait3A_145 = arith.constant 0 : i32
      %dma_wait3A_146 = arith.constant 0 : i32
      %dma_wait3A_147 = tpu.memref_slice %arg12[%dma_wait3A_135, %dma_wait3A_145, %dma_wait3A_146] : memref<2x16x1024xf32, #tpu.memory_space<vmem>> -> memref<1x16x1024xf32, #tpu.memory_space<vmem>>
      %dma_wait3A_148 = tpu.memref_squeeze %dma_wait3A_147 : memref<1x16x1024xf32, #tpu.memory_space<vmem>> -> memref<16x1024xf32, #tpu.memory_space<vmem>>
      %dma_wait3A_149 = arith.constant 0 : i32
      %dma_wait3A_150 = tpu.memref_slice %arg6[%add3A_134, %dma_wait3A_149] : memref<2048x1024xf32, #tpu.memory_space<hbm>> -> memref<16x1024xf32, #tpu.memory_space<hbm>>
      tpu.wait_dma2 semaphore(%dma_wait3A_144 : memref<!tpu.dma_semaphore, #tpu.memory_space<semaphore_mem>>) src(%dma_wait3A_150 : memref<16x1024xf32, #tpu.memory_space<hbm>>) dst(%dma_wait3A_148 : memref<16x1024xf32, #tpu.memory_space<vmem>>)
      %mul3A_151 = arith.constant 16 : i32
      %mul3A_152 = arith.muli %mul3A_78, %mul3A_151 : i32
      %add3A_153 = arith.constant 256 : i32
      %add3A_154 = arith.addi %add3A_153, %mul3A_152 : i32
      %add3A_155 = arith.constant 0 : i32
      %add3A_156 = arith.addi %add3A_154, %add3A_155 : i32
      %broadcast_in_dim3A = vector.broadcast %add3A_156 : i32 to vector<16xi32>
      %gather3A = tpu.vector_load_idx %arg10[%broadcast_in_dim3A] : memref<512xi32, #tpu.memory_space<vmem>>[vector<16xi32>], vector<16xi32>,
      %ne3A = arith.constant 0 : i32
      %ne3A_157 = vector.broadcast %ne3A : i32 to vector<16xi32>
      %ne3A_158 = arith.cmpi ne, %gather3A, %ne3A_157 : vector<16xi32>
      %mul3A_159 = arith.constant 16 : i32
      %mul3A_160 = arith.muli %mul3A_78, %mul3A_159 : i32
      %add3A_161 = arith.constant 256 : i32
      %add3A_162 = arith.addi %add3A_161, %mul3A_160 : i32
      %add3A_163 = arith.constant 1 : i32
      %add3A_164 = arith.addi %add3A_162, %add3A_163 : i32
      %broadcast_in_dim3A_165 = vector.broadcast %add3A_164 : i32 to vector<16xi32>
      %gather3A_166 = tpu.vector_load_idx %arg10[%broadcast_in_dim3A_165] : memref<512xi32, #tpu.memory_space<vmem>>[vector<16xi32>], vector<16xi32>,
      %ne3A_167 = arith.constant 0 : i32
      %ne3A_168 = vector.broadcast %ne3A_167 : i32 to vector<16xi32>
      %ne3A_169 = arith.cmpi ne, %gather3A_166, %ne3A_168 : vector<16xi32>
      %mul3A_170 = arith.constant 16 : i32
      %mul3A_171 = arith.muli %mul3A_78, %mul3A_170 : i32
      %add3A_172 = arith.constant 256 : i32
      %add3A_173 = arith.addi %add3A_172, %mul3A_171 : i32
      %add3A_174 = arith.constant 2 : i32
      %add3A_175 = arith.addi %add3A_173, %add3A_174 : i32
      %broadcast_in_dim3A_176 = vector.broadcast %add3A_175 : i32 to vector<16xi32>
      %gather3A_177 = tpu.vector_load_idx %arg10[%broadcast_in_dim3A_176] : memref<512xi32, #tpu.memory_space<vmem>>[vector<16xi32>], vector<16xi32>,
      %ne3A_178 = arith.constant 0 : i32
      %ne3A_179 = vector.broadcast %ne3A_178 : i32 to vector<16xi32>
      %ne3A_180 = arith.cmpi ne, %gather3A_177, %ne3A_179 : vector<16xi32>
      %mul3A_181 = arith.constant 16 : i32
      %mul3A_182 = arith.muli %mul3A_78, %mul3A_181 : i32
      %add3A_183 = arith.constant 256 : i32
      %add3A_184 = arith.addi %add3A_183, %mul3A_182 : i32
      %add3A_185 = arith.constant 3 : i32
      %add3A_186 = arith.addi %add3A_184, %add3A_185 : i32
      %broadcast_in_dim3A_187 = vector.broadcast %add3A_186 : i32 to vector<16xi32>
      %gather3A_188 = tpu.vector_load_idx %arg10[%broadcast_in_dim3A_187] : memref<512xi32, #tpu.memory_space<vmem>>[vector<16xi32>], vector<16xi32>,
      %ne3A_189 = arith.constant 0 : i32
      %ne3A_190 = vector.broadcast %ne3A_189 : i32 to vector<16xi32>
      %ne3A_191 = arith.cmpi ne, %gather3A_188, %ne3A_190 : vector<16xi32>
      %mul3A_192 = arith.constant 16 : i32
      %mul3A_193 = arith.muli %mul3A_78, %mul3A_192 : i32
      %add3A_194 = arith.constant 256 : i32
      %add3A_195 = arith.addi %add3A_194, %mul3A_193 : i32
      %add3A_196 = arith.constant 4 : i32
      %add3A_197 = arith.addi %add3A_195, %add3A_196 : i32
      %broadcast_in_dim3A_198 = vector.broadcast %add3A_197 : i32 to vector<16xi32>
      %gather3A_199 = tpu.vector_load_idx %arg10[%broadcast_in_dim3A_198] : memref<512xi32, #tpu.memory_space<vmem>>[vector<16xi32>], vector<16xi32>,
      %ne3A_200 = arith.constant 0 : i32
      %ne3A_201 = vector.broadcast %ne3A_200 : i32 to vector<16xi32>
      %ne3A_202 = arith.cmpi ne, %gather3A_199, %ne3A_201 : vector<16xi32>
      %mul3A_203 = arith.constant 16 : i32
      %mul3A_204 = arith.muli %mul3A_78, %mul3A_203 : i32
      %add3A_205 = arith.constant 256 : i32
      %add3A_206 = arith.addi %add3A_205, %mul3A_204 : i32
      %add3A_207 = arith.constant 5 : i32
      %add3A_208 = arith.addi %add3A_206, %add3A_207 : i32
      %broadcast_in_dim3A_209 = vector.broadcast %add3A_208 : i32 to vector<16xi32>
      %gather3A_210 = tpu.vector_load_idx %arg10[%broadcast_in_dim3A_209] : memref<512xi32, #tpu.memory_space<vmem>>[vector<16xi32>], vector<16xi32>,
      %ne3A_211 = arith.constant 0 : i32
      %ne3A_212 = vector.broadcast %ne3A_211 : i32 to vector<16xi32>
      %ne3A_213 = arith.cmpi ne, %gather3A_210, %ne3A_212 : vector<16xi32>
      %mul3A_214 = arith.constant 16 : i32
      %mul3A_215 = arith.muli %mul3A_78, %mul3A_214 : i32
      %add3A_216 = arith.constant 256 : i32
      %add3A_217 = arith.addi %add3A_216, %mul3A_215 : i32
      %add3A_218 = arith.constant 6 : i32
      %add3A_219 = arith.addi %add3A_217, %add3A_218 : i32
      %broadcast_in_dim3A_220 = vector.broadcast %add3A_219 : i32 to vector<16xi32>
      %gather3A_221 = tpu.vector_load_idx %arg10[%broadcast_in_dim3A_220] : memref<512xi32, #tpu.memory_space<vmem>>[vector<16xi32>], vector<16xi32>,
      %ne3A_222 = arith.constant 0 : i32
      %ne3A_223 = vector.broadcast %ne3A_222 : i32 to vector<16xi32>
      %ne3A_224 = arith.cmpi ne, %gather3A_221, %ne3A_223 : vector<16xi32>
      %mul3A_225 = arith.constant 16 : i32
      %mul3A_226 = arith.muli %mul3A_78, %mul3A_225 : i32
      %add3A_227 = arith.constant 256 : i32
      %add3A_228 = arith.addi %add3A_227, %mul3A_226 : i32
      %add3A_229 = arith.constant 7 : i32
      %add3A_230 = arith.addi %add3A_228, %add3A_229 : i32
      %broadcast_in_dim3A_231 = vector.broadcast %add3A_230 : i32 to vector<16xi32>
      %gather3A_232 = tpu.vector_load_idx %arg10[%broadcast_in_dim3A_231] : memref<512xi32, #tpu.memory_space<vmem>>[vector<16xi32>], vector<16xi32>,
      %ne3A_233 = arith.constant 0 : i32
      %ne3A_234 = vector.broadcast %ne3A_233 : i32 to vector<16xi32>
      %ne3A_235 = arith.cmpi ne, %gather3A_232, %ne3A_234 : vector<16xi32>
      %mul3A_236 = arith.constant 16 : i32
      %mul3A_237 = arith.muli %mul3A_78, %mul3A_236 : i32
      %add3A_238 = arith.constant 256 : i32
      %add3A_239 = arith.addi %add3A_238, %mul3A_237 : i32
      %add3A_240 = arith.constant 8 : i32
      %add3A_241 = arith.addi %add3A_239, %add3A_240 : i32
      %broadcast_in_dim3A_242 = vector.broadcast %add3A_241 : i32 to vector<16xi32>
      %gather3A_243 = tpu.vector_load_idx %arg10[%broadcast_in_dim3A_242] : memref<512xi32, #tpu.memory_space<vmem>>[vector<16xi32>], vector<16xi32>,
      %ne3A_244 = arith.constant 0 : i32
      %ne3A_245 = vector.broadcast %ne3A_244 : i32 to vector<16xi32>
      %ne3A_246 = arith.cmpi ne, %gather3A_243, %ne3A_245 : vector<16xi32>
      %mul3A_247 = arith.constant 16 : i32
      %mul3A_248 = arith.muli %mul3A_78, %mul3A_247 : i32
      %add3A_249 = arith.constant 256 : i32
      %add3A_250 = arith.addi %add3A_249, %mul3A_248 : i32
      %add3A_251 = arith.constant 9 : i32
      %add3A_252 = arith.addi %add3A_250, %add3A_251 : i32
      %broadcast_in_dim3A_253 = vector.broadcast %add3A_252 : i32 to vector<16xi32>
      %gather3A_254 = tpu.vector_load_idx %arg10[%broadcast_in_dim3A_253] : memref<512xi32, #tpu.memory_space<vmem>>[vector<16xi32>], vector<16xi32>,
      %ne3A_255 = arith.constant 0 : i32
      %ne3A_256 = vector.broadcast %ne3A_255 : i32 to vector<16xi32>
      %ne3A_257 = arith.cmpi ne, %gather3A_254, %ne3A_256 : vector<16xi32>
      %mul3A_258 = arith.constant 16 : i32
      %mul3A_259 = arith.muli %mul3A_78, %mul3A_258 : i32
      %add3A_260 = arith.constant 256 : i32
      %add3A_261 = arith.addi %add3A_260, %mul3A_259 : i32
      %add3A_262 = arith.constant 10 : i32
      %add3A_263 = arith.addi %add3A_261, %add3A_262 : i32
      %broadcast_in_dim3A_264 = vector.broadcast %add3A_263 : i32 to vector<16xi32>
      %gather3A_265 = tpu.vector_load_idx %arg10[%broadcast_in_dim3A_264] : memref<512xi32, #tpu.memory_space<vmem>>[vector<16xi32>], vector<16xi32>,
      %ne3A_266 = arith.constant 0 : i32
      %ne3A_267 = vector.broadcast %ne3A_266 : i32 to vector<16xi32>
      %ne3A_268 = arith.cmpi ne, %gather3A_265, %ne3A_267 : vector<16xi32>
      %mul3A_269 = arith.constant 16 : i32
      %mul3A_270 = arith.muli %mul3A_78, %mul3A_269 : i32
      %add3A_271 = arith.constant 256 : i32
      %add3A_272 = arith.addi %add3A_271, %mul3A_270 : i32
      %add3A_273 = arith.constant 11 : i32
      %add3A_274 = arith.addi %add3A_272, %add3A_273 : i32
      %broadcast_in_dim3A_275 = vector.broadcast %add3A_274 : i32 to vector<16xi32>
      %gather3A_276 = tpu.vector_load_idx %arg10[%broadcast_in_dim3A_275] : memref<512xi32, #tpu.memory_space<vmem>>[vector<16xi32>], vector<16xi32>,
      %ne3A_277 = arith.constant 0 : i32
      %ne3A_278 = vector.broadcast %ne3A_277 : i32 to vector<16xi32>
      %ne3A_279 = arith.cmpi ne, %gather3A_276, %ne3A_278 : vector<16xi32>
      %mul3A_280 = arith.constant 16 : i32
      %mul3A_281 = arith.muli %mul3A_78, %mul3A_280 : i32
      %add3A_282 = arith.constant 256 : i32
      %add3A_283 = arith.addi %add3A_282, %mul3A_281 : i32
      %add3A_284 = arith.constant 12 : i32
      %add3A_285 = arith.addi %add3A_283, %add3A_284 : i32
      %broadcast_in_dim3A_286 = vector.broadcast %add3A_285 : i32 to vector<16xi32>
      %gather3A_287 = tpu.vector_load_idx %arg10[%broadcast_in_dim3A_286] : memref<512xi32, #tpu.memory_space<vmem>>[vector<16xi32>], vector<16xi32>,
      %ne3A_288 = arith.constant 0 : i32
      %ne3A_289 = vector.broadcast %ne3A_288 : i32 to vector<16xi32>
      %ne3A_290 = arith.cmpi ne, %gather3A_287, %ne3A_289 : vector<16xi32>
      %mul3A_291 = arith.constant 16 : i32
      %mul3A_292 = arith.muli %mul3A_78, %mul3A_291 : i32
      %add3A_293 = arith.constant 256 : i32
      %add3A_294 = arith.addi %add3A_293, %mul3A_292 : i32
      %add3A_295 = arith.constant 13 : i32
      %add3A_296 = arith.addi %add3A_294, %add3A_295 : i32
      %broadcast_in_dim3A_297 = vector.broadcast %add3A_296 : i32 to vector<16xi32>
      %gather3A_298 = tpu.vector_load_idx %arg10[%broadcast_in_dim3A_297] : memref<512xi32, #tpu.memory_space<vmem>>[vector<16xi32>], vector<16xi32>,
      %ne3A_299 = arith.constant 0 : i32
      %ne3A_300 = vector.broadcast %ne3A_299 : i32 to vector<16xi32>
      %ne3A_301 = arith.cmpi ne, %gather3A_298, %ne3A_300 : vector<16xi32>
      %mul3A_302 = arith.constant 16 : i32
      %mul3A_303 = arith.muli %mul3A_78, %mul3A_302 : i32
      %add3A_304 = arith.constant 256 : i32
      %add3A_305 = arith.addi %add3A_304, %mul3A_303 : i32
      %add3A_306 = arith.constant 14 : i32
      %add3A_307 = arith.addi %add3A_305, %add3A_306 : i32
      %broadcast_in_dim3A_308 = vector.broadcast %add3A_307 : i32 to vector<16xi32>
      %gather3A_309 = tpu.vector_load_idx %arg10[%broadcast_in_dim3A_308] : memref<512xi32, #tpu.memory_space<vmem>>[vector<16xi32>], vector<16xi32>,
      %ne3A_310 = arith.constant 0 : i32
      %ne3A_311 = vector.broadcast %ne3A_310 : i32 to vector<16xi32>
      %ne3A_312 = arith.cmpi ne, %gather3A_309, %ne3A_311 : vector<16xi32>
      %mul3A_313 = arith.constant 16 : i32
      %mul3A_314 = arith.muli %mul3A_78, %mul3A_313 : i32
      %add3A_315 = arith.constant 256 : i32
      %add3A_316 = arith.addi %add3A_315, %mul3A_314 : i32
      %add3A_317 = arith.constant 15 : i32
      %add3A_318 = arith.addi %add3A_316, %add3A_317 : i32
      %broadcast_in_dim3A_319 = vector.broadcast %add3A_318 : i32 to vector<16xi32>
      %gather3A_320 = tpu.vector_load_idx %arg10[%broadcast_in_dim3A_319] : memref<512xi32, #tpu.memory_space<vmem>>[vector<16xi32>], vector<16xi32>,
      %ne3A_321 = arith.constant 0 : i32
      %ne3A_322 = vector.broadcast %ne3A_321 : i32 to vector<16xi32>
      %ne3A_323 = arith.cmpi ne, %gather3A_320, %ne3A_322 : vector<16xi32>
      %broadcast_in_dim3A_324 = arith.constant 0.000000e+00 : f32
      %broadcast_in_dim3A_325 = vector.broadcast %broadcast_in_dim3A_324 : f32 to vector<16xf32>
      %scan3A_326 = arith.constant 0 : i32
      %scan3A_327 = arith.constant 64 : i32
      %scan3A_328 = arith.addi %scan3A_326, %scan3A_327 : i32
      %scan3A_329 = arith.constant 1 : i32
      %scan3A_330:16 = scf.for %scan3A_1410 = %scan3A_326 to %scan3A_328 step %scan3A_329 iter_args(%scan3A_1411 = %broadcast_in_dim3A_325, %scan3A_1412 = %broadcast_in_dim3A_325, %scan3A_1413 = %broadcast_in_dim3A_325, %scan3A_1414 = %broadcast_in_dim3A_325, %scan3A_1415 = %broadcast_in_dim3A_325, %scan3A_1416 = %broadcast_in_dim3A_325, %scan3A_1417 = %broadcast_in_dim3A_325, %scan3A_1418 = %broadcast_in_dim3A_325, %scan3A_1419 = %broadcast_in_dim3A_325, %scan3A_1420 = %broadcast_in_dim3A_325, %scan3A_1421 = %broadcast_in_dim3A_325, %scan3A_1422 = %broadcast_in_dim3A_325, %scan3A_1423 = %broadcast_in_dim3A_325, %scan3A_1424 = %broadcast_in_dim3A_325, %scan3A_1425 = %broadcast_in_dim3A_325, %scan3A_1426 = %broadcast_in_dim3A_325) -> (vector<16xf32>, vector<16xf32>, vector<16xf32>, vector<16xf32>, vector<16xf32>, vector<16xf32>, vector<16xf32>, vector<16xf32>, vector<16xf32>, vector<16xf32>, vector<16xf32>, vector<16xf32>, vector<16xf32>, vector<16xf32>, vector<16xf32>, vector<16xf32>)  : i32 {
        %mul3A_1427 = arith.constant 16 : i32
        %mul3A_1428 = arith.muli %scan3A_1410, %mul3A_1427 : i32
        %get3A = arith.constant 0 : i32
        %get3A_1429 = arith.index_cast %get3A : i32 to index
        %get3A_1430 = arith.index_cast %mul3A_1428 : i32 to index
        %get3A_1431 = tpu.vector_load %arg13[%get3A_1429, %get3A_1430] {strides = array<i32>} : memref<2x1024xf32, #tpu.memory_space<vmem>>, vector<16xf32>,
        %get3A_1432 = arith.constant 1 : i32
        %get3A_1433 = arith.index_cast %get3A_1432 : i32 to index
        %get3A_1434 = arith.index_cast %mul3A_1428 : i32 to index
        %get3A_1435 = tpu.vector_load %arg13[%get3A_1433, %get3A_1434] {strides = array<i32>} : memref<2x1024xf32, #tpu.memory_space<vmem>>, vector<16xf32>,
        %get3A_1436 = arith.constant 0 : i32
        %get3A_1437 = arith.constant 0 : i32
        %get3A_1438 = arith.index_cast %get3A_1436 : i32 to index
        %get3A_1439 = arith.index_cast %get3A_1437 : i32 to index
        %get3A_1440 = arith.index_cast %mul3A_1428 : i32 to index
        %get3A_1441 = tpu.vector_load %arg11[%get3A_1438, %get3A_1439, %get3A_1440] {strides = array<i32>} : memref<2x16x1024xf32, #tpu.memory_space<vmem>>, vector<16xf32>,
        %get3A_1442 = arith.constant 0 : i32
        %get3A_1443 = arith.constant 0 : i32
        %get3A_1444 = arith.index_cast %get3A_1442 : i32 to index
        %get3A_1445 = arith.index_cast %get3A_1443 : i32 to index
        %get3A_1446 = arith.index_cast %mul3A_1428 : i32 to index
        %get3A_1447 = tpu.vector_load %arg12[%get3A_1444, %get3A_1445, %get3A_1446] {strides = array<i32>} : memref<2x16x1024xf32, #tpu.memory_space<vmem>>, vector<16xf32>,
        %add3A_1448 = arith.addf %get3A_1441, %get3A_1447 : vector<16xf32>
        %select_n3A = arith.select %ne3A_158, %get3A_1435, %get3A_1431 : vector<16xi1>, vector<16xf32>
        %add3A_1449 = arith.addf %add3A_1448, %select_n3A : vector<16xf32>
        %swap3A_1450 = arith.constant 0 : i32
        %swap3A_1451 = arith.constant 0 : i32
        %swap3A_1452 = arith.index_cast %swap3A_1450 : i32 to index
        %swap3A_1453 = arith.index_cast %swap3A_1451 : i32 to index
        %swap3A_1454 = arith.index_cast %mul3A_1428 : i32 to index
        %swap3A_1455 = tpu.vector_load %arg11[%swap3A_1452, %swap3A_1453, %swap3A_1454] {strides = array<i32>} : memref<2x16x1024xf32, #tpu.memory_space<vmem>>, vector<16xf32>,
        tpu.vector_store %arg11[%swap3A_1452, %swap3A_1453, %swap3A_1454], %add3A_1449 {strides = array<i32>} : memref<2x16x1024xf32, #tpu.memory_space<vmem>>, vector<16xf32>,
        %add3A_1456 = arith.addf %scan3A_1411, %add3A_1449 : vector<16xf32>
        %mul3A_1457 = arith.mulf %add3A_1449, %add3A_1449 : vector<16xf32>
        %add3A_1458 = arith.addf %scan3A_1412, %mul3A_1457 : vector<16xf32>
        %get3A_1459 = arith.constant 0 : i32
        %get3A_1460 = arith.constant 1 : i32
        %get3A_1461 = arith.index_cast %get3A_1459 : i32 to index
        %get3A_1462 = arith.index_cast %get3A_1460 : i32 to index
        %get3A_1463 = arith.index_cast %mul3A_1428 : i32 to index
        %get3A_1464 = tpu.vector_load %arg11[%get3A_1461, %get3A_1462, %get3A_1463] {strides = array<i32>} : memref<2x16x1024xf32, #tpu.memory_space<vmem>>, vector<16xf32>,
        %get3A_1465 = arith.constant 0 : i32
        %get3A_1466 = arith.constant 1 : i32
        %get3A_1467 = arith.index_cast %get3A_1465 : i32 to index
        %get3A_1468 = arith.index_cast %get3A_1466 : i32 to index
        %get3A_1469 = arith.index_cast %mul3A_1428 : i32 to index
        %get3A_1470 = tpu.vector_load %arg12[%get3A_1467, %get3A_1468, %get3A_1469] {strides = array<i32>} : memref<2x16x1024xf32, #tpu.memory_space<vmem>>, vector<16xf32>,
        %add3A_1471 = arith.addf %get3A_1464, %get3A_1470 : vector<16xf32>
        %select_n3A_1472 = arith.select %ne3A_169, %get3A_1435, %get3A_1431 : vector<16xi1>, vector<16xf32>
        %add3A_1473 = arith.addf %add3A_1471, %select_n3A_1472 : vector<16xf32>
        %swap3A_1474 = arith.constant 0 : i32
        %swap3A_1475 = arith.constant 1 : i32
        %swap3A_1476 = arith.index_cast %swap3A_1474 : i32 to index
        %swap3A_1477 = arith.index_cast %swap3A_1475 : i32 to index
        %swap3A_1478 = arith.index_cast %mul3A_1428 : i32 to index
        %swap3A_1479 = tpu.vector_load %arg11[%swap3A_1476, %swap3A_1477, %swap3A_1478] {strides = array<i32>} : memref<2x16x1024xf32, #tpu.memory_space<vmem>>, vector<16xf32>,
        tpu.vector_store %arg11[%swap3A_1476, %swap3A_1477, %swap3A_1478], %add3A_1473 {strides = array<i32>} : memref<2x16x1024xf32, #tpu.memory_space<vmem>>, vector<16xf32>,
        %add3A_1480 = arith.addf %scan3A_1413, %add3A_1473 : vector<16xf32>
        %mul3A_1481 = arith.mulf %add3A_1473, %add3A_1473 : vector<16xf32>
        %add3A_1482 = arith.addf %scan3A_1414, %mul3A_1481 : vector<16xf32>
        %get3A_1483 = arith.constant 0 : i32
        %get3A_1484 = arith.constant 2 : i32
        %get3A_1485 = arith.index_cast %get3A_1483 : i32 to index
        %get3A_1486 = arith.index_cast %get3A_1484 : i32 to index
        %get3A_1487 = arith.index_cast %mul3A_1428 : i32 to index
        %get3A_1488 = tpu.vector_load %arg11[%get3A_1485, %get3A_1486, %get3A_1487] {strides = array<i32>} : memref<2x16x1024xf32, #tpu.memory_space<vmem>>, vector<16xf32>,
        %get3A_1489 = arith.constant 0 : i32
        %get3A_1490 = arith.constant 2 : i32
        %get3A_1491 = arith.index_cast %get3A_1489 : i32 to index
        %get3A_1492 = arith.index_cast %get3A_1490 : i32 to index
        %get3A_1493 = arith.index_cast %mul3A_1428 : i32 to index
        %get3A_1494 = tpu.vector_load %arg12[%get3A_1491, %get3A_1492, %get3A_1493] {strides = array<i32>} : memref<2x16x1024xf32, #tpu.memory_space<vmem>>, vector<16xf32>,
        %add3A_1495 = arith.addf %get3A_1488, %get3A_1494 : vector<16xf32>
        %select_n3A_1496 = arith.select %ne3A_180, %get3A_1435, %get3A_1431 : vector<16xi1>, vector<16xf32>
        %add3A_1497 = arith.addf %add3A_1495, %select_n3A_1496 : vector<16xf32>
        %swap3A_1498 = arith.constant 0 : i32
        %swap3A_1499 = arith.constant 2 : i32
        %swap3A_1500 = arith.index_cast %swap3A_1498 : i32 to index
        %swap3A_1501 = arith.index_cast %swap3A_1499 : i32 to index
        %swap3A_1502 = arith.index_cast %mul3A_1428 : i32 to index
        %swap3A_1503 = tpu.vector_load %arg11[%swap3A_1500, %swap3A_1501, %swap3A_1502] {strides = array<i32>} : memref<2x16x1024xf32, #tpu.memory_space<vmem>>, vector<16xf32>,
        tpu.vector_store %arg11[%swap3A_1500, %swap3A_1501, %swap3A_1502], %add3A_1497 {strides = array<i32>} : memref<2x16x1024xf32, #tpu.memory_space<vmem>>, vector<16xf32>,
        %add3A_1504 = arith.addf %scan3A_1415, %add3A_1497 : vector<16xf32>
        %mul3A_1505 = arith.mulf %add3A_1497, %add3A_1497 : vector<16xf32>
        %add3A_1506 = arith.addf %scan3A_1416, %mul3A_1505 : vector<16xf32>
        %get3A_1507 = arith.constant 0 : i32
        %get3A_1508 = arith.constant 3 : i32
        %get3A_1509 = arith.index_cast %get3A_1507 : i32 to index
        %get3A_1510 = arith.index_cast %get3A_1508 : i32 to index
        %get3A_1511 = arith.index_cast %mul3A_1428 : i32 to index
        %get3A_1512 = tpu.vector_load %arg11[%get3A_1509, %get3A_1510, %get3A_1511] {strides = array<i32>} : memref<2x16x1024xf32, #tpu.memory_space<vmem>>, vector<16xf32>,
        %get3A_1513 = arith.constant 0 : i32
        %get3A_1514 = arith.constant 3 : i32
        %get3A_1515 = arith.index_cast %get3A_1513 : i32 to index
        %get3A_1516 = arith.index_cast %get3A_1514 : i32 to index
        %get3A_1517 = arith.index_cast %mul3A_1428 : i32 to index
        %get3A_1518 = tpu.vector_load %arg12[%get3A_1515, %get3A_1516, %get3A_1517] {strides = array<i32>} : memref<2x16x1024xf32, #tpu.memory_space<vmem>>, vector<16xf32>,
        %add3A_1519 = arith.addf %get3A_1512, %get3A_1518 : vector<16xf32>
        %select_n3A_1520 = arith.select %ne3A_191, %get3A_1435, %get3A_1431 : vector<16xi1>, vector<16xf32>
        %add3A_1521 = arith.addf %add3A_1519, %select_n3A_1520 : vector<16xf32>
        %swap3A_1522 = arith.constant 0 : i32
        %swap3A_1523 = arith.constant 3 : i32
        %swap3A_1524 = arith.index_cast %swap3A_1522 : i32 to index
        %swap3A_1525 = arith.index_cast %swap3A_1523 : i32 to index
        %swap3A_1526 = arith.index_cast %mul3A_1428 : i32 to index
        %swap3A_1527 = tpu.vector_load %arg11[%swap3A_1524, %swap3A_1525, %swap3A_1526] {strides = array<i32>} : memref<2x16x1024xf32, #tpu.memory_space<vmem>>, vector<16xf32>,
        tpu.vector_store %arg11[%swap3A_1524, %swap3A_1525, %swap3A_1526], %add3A_1521 {strides = array<i32>} : memref<2x16x1024xf32, #tpu.memory_space<vmem>>, vector<16xf32>,
        %add3A_1528 = arith.addf %scan3A_1417, %add3A_1521 : vector<16xf32>
        %mul3A_1529 = arith.mulf %add3A_1521, %add3A_1521 : vector<16xf32>
        %add3A_1530 = arith.addf %scan3A_1418, %mul3A_1529 : vector<16xf32>
        %get3A_1531 = arith.constant 0 : i32
        %get3A_1532 = arith.constant 4 : i32
        %get3A_1533 = arith.index_cast %get3A_1531 : i32 to index
        %get3A_1534 = arith.index_cast %get3A_1532 : i32 to index
        %get3A_1535 = arith.index_cast %mul3A_1428 : i32 to index
        %get3A_1536 = tpu.vector_load %arg11[%get3A_1533, %get3A_1534, %get3A_1535] {strides = array<i32>} : memref<2x16x1024xf32, #tpu.memory_space<vmem>>, vector<16xf32>,
        %get3A_1537 = arith.constant 0 : i32
        %get3A_1538 = arith.constant 4 : i32
        %get3A_1539 = arith.index_cast %get3A_1537 : i32 to index
        %get3A_1540 = arith.index_cast %get3A_1538 : i32 to index
        %get3A_1541 = arith.index_cast %mul3A_1428 : i32 to index
        %get3A_1542 = tpu.vector_load %arg12[%get3A_1539, %get3A_1540, %get3A_1541] {strides = array<i32>} : memref<2x16x1024xf32, #tpu.memory_space<vmem>>, vector<16xf32>,
        %add3A_1543 = arith.addf %get3A_1536, %get3A_1542 : vector<16xf32>
        %select_n3A_1544 = arith.select %ne3A_202, %get3A_1435, %get3A_1431 : vector<16xi1>, vector<16xf32>
        %add3A_1545 = arith.addf %add3A_1543, %select_n3A_1544 : vector<16xf32>
        %swap3A_1546 = arith.constant 0 : i32
        %swap3A_1547 = arith.constant 4 : i32
        %swap3A_1548 = arith.index_cast %swap3A_1546 : i32 to index
        %swap3A_1549 = arith.index_cast %swap3A_1547 : i32 to index
        %swap3A_1550 = arith.index_cast %mul3A_1428 : i32 to index
        %swap3A_1551 = tpu.vector_load %arg11[%swap3A_1548, %swap3A_1549, %swap3A_1550] {strides = array<i32>} : memref<2x16x1024xf32, #tpu.memory_space<vmem>>, vector<16xf32>,
        tpu.vector_store %arg11[%swap3A_1548, %swap3A_1549, %swap3A_1550], %add3A_1545 {strides = array<i32>} : memref<2x16x1024xf32, #tpu.memory_space<vmem>>, vector<16xf32>,
        %add3A_1552 = arith.addf %scan3A_1419, %add3A_1545 : vector<16xf32>
        %mul3A_1553 = arith.mulf %add3A_1545, %add3A_1545 : vector<16xf32>
        %add3A_1554 = arith.addf %scan3A_1420, %mul3A_1553 : vector<16xf32>
        %get3A_1555 = arith.constant 0 : i32
        %get3A_1556 = arith.constant 5 : i32
        %get3A_1557 = arith.index_cast %get3A_1555 : i32 to index
        %get3A_1558 = arith.index_cast %get3A_1556 : i32 to index
        %get3A_1559 = arith.index_cast %mul3A_1428 : i32 to index
        %get3A_1560 = tpu.vector_load %arg11[%get3A_1557, %get3A_1558, %get3A_1559] {strides = array<i32>} : memref<2x16x1024xf32, #tpu.memory_space<vmem>>, vector<16xf32>,
        %get3A_1561 = arith.constant 0 : i32
        %get3A_1562 = arith.constant 5 : i32
        %get3A_1563 = arith.index_cast %get3A_1561 : i32 to index
        %get3A_1564 = arith.index_cast %get3A_1562 : i32 to index
        %get3A_1565 = arith.index_cast %mul3A_1428 : i32 to index
        %get3A_1566 = tpu.vector_load %arg12[%get3A_1563, %get3A_1564, %get3A_1565] {strides = array<i32>} : memref<2x16x1024xf32, #tpu.memory_space<vmem>>, vector<16xf32>,
        %add3A_1567 = arith.addf %get3A_1560, %get3A_1566 : vector<16xf32>
        %select_n3A_1568 = arith.select %ne3A_213, %get3A_1435, %get3A_1431 : vector<16xi1>, vector<16xf32>
        %add3A_1569 = arith.addf %add3A_1567, %select_n3A_1568 : vector<16xf32>
        %swap3A_1570 = arith.constant 0 : i32
        %swap3A_1571 = arith.constant 5 : i32
        %swap3A_1572 = arith.index_cast %swap3A_1570 : i32 to index
        %swap3A_1573 = arith.index_cast %swap3A_1571 : i32 to index
        %swap3A_1574 = arith.index_cast %mul3A_1428 : i32 to index
        %swap3A_1575 = tpu.vector_load %arg11[%swap3A_1572, %swap3A_1573, %swap3A_1574] {strides = array<i32>} : memref<2x16x1024xf32, #tpu.memory_space<vmem>>, vector<16xf32>,
        tpu.vector_store %arg11[%swap3A_1572, %swap3A_1573, %swap3A_1574], %add3A_1569 {strides = array<i32>} : memref<2x16x1024xf32, #tpu.memory_space<vmem>>, vector<16xf32>,
        %add3A_1576 = arith.addf %scan3A_1421, %add3A_1569 : vector<16xf32>
        %mul3A_1577 = arith.mulf %add3A_1569, %add3A_1569 : vector<16xf32>
        %add3A_1578 = arith.addf %scan3A_1422, %mul3A_1577 : vector<16xf32>
        %get3A_1579 = arith.constant 0 : i32
        %get3A_1580 = arith.constant 6 : i32
        %get3A_1581 = arith.index_cast %get3A_1579 : i32 to index
        %get3A_1582 = arith.index_cast %get3A_1580 : i32 to index
        %get3A_1583 = arith.index_cast %mul3A_1428 : i32 to index
        %get3A_1584 = tpu.vector_load %arg11[%get3A_1581, %get3A_1582, %get3A_1583] {strides = array<i32>} : memref<2x16x1024xf32, #tpu.memory_space<vmem>>, vector<16xf32>,
        %get3A_1585 = arith.constant 0 : i32
        %get3A_1586 = arith.constant 6 : i32
        %get3A_1587 = arith.index_cast %get3A_1585 : i32 to index
        %get3A_1588 = arith.index_cast %get3A_1586 : i32 to index
        %get3A_1589 = arith.index_cast %mul3A_1428 : i32 to index
        %get3A_1590 = tpu.vector_load %arg12[%get3A_1587, %get3A_1588, %get3A_1589] {strides = array<i32>} : memref<2x16x1024xf32, #tpu.memory_space<vmem>>, vector<16xf32>,
        %add3A_1591 = arith.addf %get3A_1584, %get3A_1590 : vector<16xf32>
        %select_n3A_1592 = arith.select %ne3A_224, %get3A_1435, %get3A_1431 : vector<16xi1>, vector<16xf32>
        %add3A_1593 = arith.addf %add3A_1591, %select_n3A_1592 : vector<16xf32>
        %swap3A_1594 = arith.constant 0 : i32
        %swap3A_1595 = arith.constant 6 : i32
        %swap3A_1596 = arith.index_cast %swap3A_1594 : i32 to index
        %swap3A_1597 = arith.index_cast %swap3A_1595 : i32 to index
        %swap3A_1598 = arith.index_cast %mul3A_1428 : i32 to index
        %swap3A_1599 = tpu.vector_load %arg11[%swap3A_1596, %swap3A_1597, %swap3A_1598] {strides = array<i32>} : memref<2x16x1024xf32, #tpu.memory_space<vmem>>, vector<16xf32>,
        tpu.vector_store %arg11[%swap3A_1596, %swap3A_1597, %swap3A_1598], %add3A_1593 {strides = array<i32>} : memref<2x16x1024xf32, #tpu.memory_space<vmem>>, vector<16xf32>,
        %add3A_1600 = arith.addf %scan3A_1423, %add3A_1593 : vector<16xf32>
        %mul3A_1601 = arith.mulf %add3A_1593, %add3A_1593 : vector<16xf32>
        %add3A_1602 = arith.addf %scan3A_1424, %mul3A_1601 : vector<16xf32>
        %get3A_1603 = arith.constant 0 : i32
        %get3A_1604 = arith.constant 7 : i32
        %get3A_1605 = arith.index_cast %get3A_1603 : i32 to index
        %get3A_1606 = arith.index_cast %get3A_1604 : i32 to index
        %get3A_1607 = arith.index_cast %mul3A_1428 : i32 to index
        %get3A_1608 = tpu.vector_load %arg11[%get3A_1605, %get3A_1606, %get3A_1607] {strides = array<i32>} : memref<2x16x1024xf32, #tpu.memory_space<vmem>>, vector<16xf32>,
        %get3A_1609 = arith.constant 0 : i32
        %get3A_1610 = arith.constant 7 : i32
        %get3A_1611 = arith.index_cast %get3A_1609 : i32 to index
        %get3A_1612 = arith.index_cast %get3A_1610 : i32 to index
        %get3A_1613 = arith.index_cast %mul3A_1428 : i32 to index
        %get3A_1614 = tpu.vector_load %arg12[%get3A_1611, %get3A_1612, %get3A_1613] {strides = array<i32>} : memref<2x16x1024xf32, #tpu.memory_space<vmem>>, vector<16xf32>,
        %add3A_1615 = arith.addf %get3A_1608, %get3A_1614 : vector<16xf32>
        %select_n3A_1616 = arith.select %ne3A_235, %get3A_1435, %get3A_1431 : vector<16xi1>, vector<16xf32>
        %add3A_1617 = arith.addf %add3A_1615, %select_n3A_1616 : vector<16xf32>
        %swap3A_1618 = arith.constant 0 : i32
        %swap3A_1619 = arith.constant 7 : i32
        %swap3A_1620 = arith.index_cast %swap3A_1618 : i32 to index
        %swap3A_1621 = arith.index_cast %swap3A_1619 : i32 to index
        %swap3A_1622 = arith.index_cast %mul3A_1428 : i32 to index
        %swap3A_1623 = tpu.vector_load %arg11[%swap3A_1620, %swap3A_1621, %swap3A_1622] {strides = array<i32>} : memref<2x16x1024xf32, #tpu.memory_space<vmem>>, vector<16xf32>,
        tpu.vector_store %arg11[%swap3A_1620, %swap3A_1621, %swap3A_1622], %add3A_1617 {strides = array<i32>} : memref<2x16x1024xf32, #tpu.memory_space<vmem>>, vector<16xf32>,
        %add3A_1624 = arith.addf %scan3A_1425, %add3A_1617 : vector<16xf32>
        %mul3A_1625 = arith.mulf %add3A_1617, %add3A_1617 : vector<16xf32>
        %add3A_1626 = arith.addf %scan3A_1426, %mul3A_1625 : vector<16xf32>
        scf.yield %add3A_1456, %add3A_1458, %add3A_1480, %add3A_1482, %add3A_1504, %add3A_1506, %add3A_1528, %add3A_1530, %add3A_1552, %add3A_1554, %add3A_1576, %add3A_1578, %add3A_1600, %add3A_1602, %add3A_1624, %add3A_1626 : vector<16xf32>, vector<16xf32>, vector<16xf32>, vector<16xf32>, vector<16xf32>, vector<16xf32>, vector<16xf32>, vector<16xf32>, vector<16xf32>, vector<16xf32>, vector<16xf32>, vector<16xf32>, vector<16xf32>, vector<16xf32>, vector<16xf32>, vector<16xf32>
      }
      %scan3A_331 = arith.constant 64 : i32
      %swap3A = arith.constant 0 : index
      %swap3A_332 = tpu.vector_load %arg16[%swap3A] {strides = array<i32>} : memref<512xf32, #tpu.memory_space<vmem>>, vector<16xf32>,
      tpu.vector_store %arg16[%swap3A], %scan3A_330#0 {strides = array<i32>} : memref<512xf32, #tpu.memory_space<vmem>>, vector<16xf32>,
      %swap3A_333 = arith.constant 256 : index
      %swap3A_334 = tpu.vector_load %arg16[%swap3A_333] {strides = array<i32>} : memref<512xf32, #tpu.memory_space<vmem>>, vector<16xf32>,
      tpu.vector_store %arg16[%swap3A_333], %scan3A_330#1 {strides = array<i32>} : memref<512xf32, #tpu.memory_space<vmem>>, vector<16xf32>,
      %swap3A_335 = arith.constant 16 : index
      %swap3A_336 = tpu.vector_load %arg16[%swap3A_335] {strides = array<i32>} : memref<512xf32, #tpu.memory_space<vmem>>, vector<16xf32>,
      tpu.vector_store %arg16[%swap3A_335], %scan3A_330#2 {strides = array<i32>} : memref<512xf32, #tpu.memory_space<vmem>>, vector<16xf32>,
      %swap3A_337 = arith.constant 272 : index
      %swap3A_338 = tpu.vector_load %arg16[%swap3A_337] {strides = array<i32>} : memref<512xf32, #tpu.memory_space<vmem>>, vector<16xf32>,
      tpu.vector_store %arg16[%swap3A_337], %scan3A_330#3 {strides = array<i32>} : memref<512xf32, #tpu.memory_space<vmem>>, vector<16xf32>,
      %swap3A_339 = arith.constant 32 : index
      %swap3A_340 = tpu.vector_load %arg16[%swap3A_339] {strides = array<i32>} : memref<512xf32, #tpu.memory_space<vmem>>, vector<16xf32>,
      tpu.vector_store %arg16[%swap3A_339], %scan3A_330#4 {strides = array<i32>} : memref<512xf32, #tpu.memory_space<vmem>>, vector<16xf32>,
      %swap3A_341 = arith.constant 288 : index
      %swap3A_342 = tpu.vector_load %arg16[%swap3A_341] {strides = array<i32>} : memref<512xf32, #tpu.memory_space<vmem>>, vector<16xf32>,
      tpu.vector_store %arg16[%swap3A_341], %scan3A_330#5 {strides = array<i32>} : memref<512xf32, #tpu.memory_space<vmem>>, vector<16xf32>,
      %swap3A_343 = arith.constant 48 : index
      %swap3A_344 = tpu.vector_load %arg16[%swap3A_343] {strides = array<i32>} : memref<512xf32, #tpu.memory_space<vmem>>, vector<16xf32>,
      tpu.vector_store %arg16[%swap3A_343], %scan3A_330#6 {strides = array<i32>} : memref<512xf32, #tpu.memory_space<vmem>>, vector<16xf32>,
      %swap3A_345 = arith.constant 304 : index
      %swap3A_346 = tpu.vector_load %arg16[%swap3A_345] {strides = array<i32>} : memref<512xf32, #tpu.memory_space<vmem>>, vector<16xf32>,
      tpu.vector_store %arg16[%swap3A_345], %scan3A_330#7 {strides = array<i32>} : memref<512xf32, #tpu.memory_space<vmem>>, vector<16xf32>,
      %swap3A_347 = arith.constant 64 : index
      %swap3A_348 = tpu.vector_load %arg16[%swap3A_347] {strides = array<i32>} : memref<512xf32, #tpu.memory_space<vmem>>, vector<16xf32>,
      tpu.vector_store %arg16[%swap3A_347], %scan3A_330#8 {strides = array<i32>} : memref<512xf32, #tpu.memory_space<vmem>>, vector<16xf32>,
      %swap3A_349 = arith.constant 320 : index
      %swap3A_350 = tpu.vector_load %arg16[%swap3A_349] {strides = array<i32>} : memref<512xf32, #tpu.memory_space<vmem>>, vector<16xf32>,
      tpu.vector_store %arg16[%swap3A_349], %scan3A_330#9 {strides = array<i32>} : memref<512xf32, #tpu.memory_space<vmem>>, vector<16xf32>,
      %swap3A_351 = arith.constant 80 : index
      %swap3A_352 = tpu.vector_load %arg16[%swap3A_351] {strides = array<i32>} : memref<512xf32, #tpu.memory_space<vmem>>, vector<16xf32>,
      tpu.vector_store %arg16[%swap3A_351], %scan3A_330#10 {strides = array<i32>} : memref<512xf32, #tpu.memory_space<vmem>>, vector<16xf32>,
      %swap3A_353 = arith.constant 336 : index
      %swap3A_354 = tpu.vector_load %arg16[%swap3A_353] {strides = array<i32>} : memref<512xf32, #tpu.memory_space<vmem>>, vector<16xf32>,
      tpu.vector_store %arg16[%swap3A_353], %scan3A_330#11 {strides = array<i32>} : memref<512xf32, #tpu.memory_space<vmem>>, vector<16xf32>,
      %swap3A_355 = arith.constant 96 : index
      %swap3A_356 = tpu.vector_load %arg16[%swap3A_355] {strides = array<i32>} : memref<512xf32, #tpu.memory_space<vmem>>, vector<16xf32>,
      tpu.vector_store %arg16[%swap3A_355], %scan3A_330#12 {strides = array<i32>} : memref<512xf32, #tpu.memory_space<vmem>>, vector<16xf32>,
      %swap3A_357 = arith.constant 352 : index
      %swap3A_358 = tpu.vector_load %arg16[%swap3A_357] {strides = array<i32>} : memref<512xf32, #tpu.memory_space<vmem>>, vector<16xf32>,
      tpu.vector_store %arg16[%swap3A_357], %scan3A_330#13 {strides = array<i32>} : memref<512xf32, #tpu.memory_space<vmem>>, vector<16xf32>,
      %swap3A_359 = arith.constant 112 : index
      %swap3A_360 = tpu.vector_load %arg16[%swap3A_359] {strides = array<i32>} : memref<512xf32, #tpu.memory_space<vmem>>, vector<16xf32>,
      tpu.vector_store %arg16[%swap3A_359], %scan3A_330#14 {strides = array<i32>} : memref<512xf32, #tpu.memory_space<vmem>>, vector<16xf32>,
      %swap3A_361 = arith.constant 368 : index
      %swap3A_362 = tpu.vector_load %arg16[%swap3A_361] {strides = array<i32>} : memref<512xf32, #tpu.memory_space<vmem>>, vector<16xf32>,
      tpu.vector_store %arg16[%swap3A_361], %scan3A_330#15 {strides = array<i32>} : memref<512xf32, #tpu.memory_space<vmem>>, vector<16xf32>,
      %scan3A_363 = arith.constant 0 : i32
      %scan3A_364 = arith.constant 64 : i32
      %scan3A_365 = arith.addi %scan3A_363, %scan3A_364 : i32
      %scan3A_366 = arith.constant 1 : i32
      %scan3A_367:16 = scf.for %scan3A_1410 = %scan3A_363 to %scan3A_365 step %scan3A_366 iter_args(%scan3A_1411 = %broadcast_in_dim3A_325, %scan3A_1412 = %broadcast_in_dim3A_325, %scan3A_1413 = %broadcast_in_dim3A_325, %scan3A_1414 = %broadcast_in_dim3A_325, %scan3A_1415 = %broadcast_in_dim3A_325, %scan3A_1416 = %broadcast_in_dim3A_325, %scan3A_1417 = %broadcast_in_dim3A_325, %scan3A_1418 = %broadcast_in_dim3A_325, %scan3A_1419 = %broadcast_in_dim3A_325, %scan3A_1420 = %broadcast_in_dim3A_325, %scan3A_1421 = %broadcast_in_dim3A_325, %scan3A_1422 = %broadcast_in_dim3A_325, %scan3A_1423 = %broadcast_in_dim3A_325, %scan3A_1424 = %broadcast_in_dim3A_325, %scan3A_1425 = %broadcast_in_dim3A_325, %scan3A_1426 = %broadcast_in_dim3A_325) -> (vector<16xf32>, vector<16xf32>, vector<16xf32>, vector<16xf32>, vector<16xf32>, vector<16xf32>, vector<16xf32>, vector<16xf32>, vector<16xf32>, vector<16xf32>, vector<16xf32>, vector<16xf32>, vector<16xf32>, vector<16xf32>, vector<16xf32>, vector<16xf32>)  : i32 {
        %mul3A_1427 = arith.constant 16 : i32
        %mul3A_1428 = arith.muli %scan3A_1410, %mul3A_1427 : i32
        %get3A = arith.constant 0 : i32
        %get3A_1429 = arith.index_cast %get3A : i32 to index
        %get3A_1430 = arith.index_cast %mul3A_1428 : i32 to index
        %get3A_1431 = tpu.vector_load %arg13[%get3A_1429, %get3A_1430] {strides = array<i32>} : memref<2x1024xf32, #tpu.memory_space<vmem>>, vector<16xf32>,
        %get3A_1432 = arith.constant 1 : i32
        %get3A_1433 = arith.index_cast %get3A_1432 : i32 to index
        %get3A_1434 = arith.index_cast %mul3A_1428 : i32 to index
        %get3A_1435 = tpu.vector_load %arg13[%get3A_1433, %get3A_1434] {strides = array<i32>} : memref<2x1024xf32, #tpu.memory_space<vmem>>, vector<16xf32>,
        %get3A_1436 = arith.constant 0 : i32
        %get3A_1437 = arith.constant 8 : i32
        %get3A_1438 = arith.index_cast %get3A_1436 : i32 to index
        %get3A_1439 = arith.index_cast %get3A_1437 : i32 to index
        %get3A_1440 = arith.index_cast %mul3A_1428 : i32 to index
        %get3A_1441 = tpu.vector_load %arg11[%get3A_1438, %get3A_1439, %get3A_1440] {strides = array<i32>} : memref<2x16x1024xf32, #tpu.memory_space<vmem>>, vector<16xf32>,
        %get3A_1442 = arith.constant 0 : i32
        %get3A_1443 = arith.constant 8 : i32
        %get3A_1444 = arith.index_cast %get3A_1442 : i32 to index
        %get3A_1445 = arith.index_cast %get3A_1443 : i32 to index
        %get3A_1446 = arith.index_cast %mul3A_1428 : i32 to index
        %get3A_1447 = tpu.vector_load %arg12[%get3A_1444, %get3A_1445, %get3A_1446] {strides = array<i32>} : memref<2x16x1024xf32, #tpu.memory_space<vmem>>, vector<16xf32>,
        %add3A_1448 = arith.addf %get3A_1441, %get3A_1447 : vector<16xf32>
        %select_n3A = arith.select %ne3A_246, %get3A_1435, %get3A_1431 : vector<16xi1>, vector<16xf32>
        %add3A_1449 = arith.addf %add3A_1448, %select_n3A : vector<16xf32>
        %swap3A_1450 = arith.constant 0 : i32
        %swap3A_1451 = arith.constant 8 : i32
        %swap3A_1452 = arith.index_cast %swap3A_1450 : i32 to index
        %swap3A_1453 = arith.index_cast %swap3A_1451 : i32 to index
        %swap3A_1454 = arith.index_cast %mul3A_1428 : i32 to index
        %swap3A_1455 = tpu.vector_load %arg11[%swap3A_1452, %swap3A_1453, %swap3A_1454] {strides = array<i32>} : memref<2x16x1024xf32, #tpu.memory_space<vmem>>, vector<16xf32>,
        tpu.vector_store %arg11[%swap3A_1452, %swap3A_1453, %swap3A_1454], %add3A_1449 {strides = array<i32>} : memref<2x16x1024xf32, #tpu.memory_space<vmem>>, vector<16xf32>,
        %add3A_1456 = arith.addf %scan3A_1411, %add3A_1449 : vector<16xf32>
        %mul3A_1457 = arith.mulf %add3A_1449, %add3A_1449 : vector<16xf32>
        %add3A_1458 = arith.addf %scan3A_1412, %mul3A_1457 : vector<16xf32>
        %get3A_1459 = arith.constant 0 : i32
        %get3A_1460 = arith.constant 9 : i32
        %get3A_1461 = arith.index_cast %get3A_1459 : i32 to index
        %get3A_1462 = arith.index_cast %get3A_1460 : i32 to index
        %get3A_1463 = arith.index_cast %mul3A_1428 : i32 to index
        %get3A_1464 = tpu.vector_load %arg11[%get3A_1461, %get3A_1462, %get3A_1463] {strides = array<i32>} : memref<2x16x1024xf32, #tpu.memory_space<vmem>>, vector<16xf32>,
        %get3A_1465 = arith.constant 0 : i32
        %get3A_1466 = arith.constant 9 : i32
        %get3A_1467 = arith.index_cast %get3A_1465 : i32 to index
        %get3A_1468 = arith.index_cast %get3A_1466 : i32 to index
        %get3A_1469 = arith.index_cast %mul3A_1428 : i32 to index
        %get3A_1470 = tpu.vector_load %arg12[%get3A_1467, %get3A_1468, %get3A_1469] {strides = array<i32>} : memref<2x16x1024xf32, #tpu.memory_space<vmem>>, vector<16xf32>,
        %add3A_1471 = arith.addf %get3A_1464, %get3A_1470 : vector<16xf32>
        %select_n3A_1472 = arith.select %ne3A_257, %get3A_1435, %get3A_1431 : vector<16xi1>, vector<16xf32>
        %add3A_1473 = arith.addf %add3A_1471, %select_n3A_1472 : vector<16xf32>
        %swap3A_1474 = arith.constant 0 : i32
        %swap3A_1475 = arith.constant 9 : i32
        %swap3A_1476 = arith.index_cast %swap3A_1474 : i32 to index
        %swap3A_1477 = arith.index_cast %swap3A_1475 : i32 to index
        %swap3A_1478 = arith.index_cast %mul3A_1428 : i32 to index
        %swap3A_1479 = tpu.vector_load %arg11[%swap3A_1476, %swap3A_1477, %swap3A_1478] {strides = array<i32>} : memref<2x16x1024xf32, #tpu.memory_space<vmem>>, vector<16xf32>,
        tpu.vector_store %arg11[%swap3A_1476, %swap3A_1477, %swap3A_1478], %add3A_1473 {strides = array<i32>} : memref<2x16x1024xf32, #tpu.memory_space<vmem>>, vector<16xf32>,
        %add3A_1480 = arith.addf %scan3A_1413, %add3A_1473 : vector<16xf32>
        %mul3A_1481 = arith.mulf %add3A_1473, %add3A_1473 : vector<16xf32>
        %add3A_1482 = arith.addf %scan3A_1414, %mul3A_1481 : vector<16xf32>
        %get3A_1483 = arith.constant 0 : i32
        %get3A_1484 = arith.constant 10 : i32
        %get3A_1485 = arith.index_cast %get3A_1483 : i32 to index
        %get3A_1486 = arith.index_cast %get3A_1484 : i32 to index
        %get3A_1487 = arith.index_cast %mul3A_1428 : i32 to index
        %get3A_1488 = tpu.vector_load %arg11[%get3A_1485, %get3A_1486, %get3A_1487] {strides = array<i32>} : memref<2x16x1024xf32, #tpu.memory_space<vmem>>, vector<16xf32>,
        %get3A_1489 = arith.constant 0 : i32
        %get3A_1490 = arith.constant 10 : i32
        %get3A_1491 = arith.index_cast %get3A_1489 : i32 to index
        %get3A_1492 = arith.index_cast %get3A_1490 : i32 to index
        %get3A_1493 = arith.index_cast %mul3A_1428 : i32 to index
        %get3A_1494 = tpu.vector_load %arg12[%get3A_1491, %get3A_1492, %get3A_1493] {strides = array<i32>} : memref<2x16x1024xf32, #tpu.memory_space<vmem>>, vector<16xf32>,
        %add3A_1495 = arith.addf %get3A_1488, %get3A_1494 : vector<16xf32>
        %select_n3A_1496 = arith.select %ne3A_268, %get3A_1435, %get3A_1431 : vector<16xi1>, vector<16xf32>
        %add3A_1497 = arith.addf %add3A_1495, %select_n3A_1496 : vector<16xf32>
        %swap3A_1498 = arith.constant 0 : i32
        %swap3A_1499 = arith.constant 10 : i32
        %swap3A_1500 = arith.index_cast %swap3A_1498 : i32 to index
        %swap3A_1501 = arith.index_cast %swap3A_1499 : i32 to index
        %swap3A_1502 = arith.index_cast %mul3A_1428 : i32 to index
        %swap3A_1503 = tpu.vector_load %arg11[%swap3A_1500, %swap3A_1501, %swap3A_1502] {strides = array<i32>} : memref<2x16x1024xf32, #tpu.memory_space<vmem>>, vector<16xf32>,
        tpu.vector_store %arg11[%swap3A_1500, %swap3A_1501, %swap3A_1502], %add3A_1497 {strides = array<i32>} : memref<2x16x1024xf32, #tpu.memory_space<vmem>>, vector<16xf32>,
        %add3A_1504 = arith.addf %scan3A_1415, %add3A_1497 : vector<16xf32>
        %mul3A_1505 = arith.mulf %add3A_1497, %add3A_1497 : vector<16xf32>
        %add3A_1506 = arith.addf %scan3A_1416, %mul3A_1505 : vector<16xf32>
        %get3A_1507 = arith.constant 0 : i32
        %get3A_1508 = arith.constant 11 : i32
        %get3A_1509 = arith.index_cast %get3A_1507 : i32 to index
        %get3A_1510 = arith.index_cast %get3A_1508 : i32 to index
        %get3A_1511 = arith.index_cast %mul3A_1428 : i32 to index
        %get3A_1512 = tpu.vector_load %arg11[%get3A_1509, %get3A_1510, %get3A_1511] {strides = array<i32>} : memref<2x16x1024xf32, #tpu.memory_space<vmem>>, vector<16xf32>,
        %get3A_1513 = arith.constant 0 : i32
        %get3A_1514 = arith.constant 11 : i32
        %get3A_1515 = arith.index_cast %get3A_1513 : i32 to index
        %get3A_1516 = arith.index_cast %get3A_1514 : i32 to index
        %get3A_1517 = arith.index_cast %mul3A_1428 : i32 to index
        %get3A_1518 = tpu.vector_load %arg12[%get3A_1515, %get3A_1516, %get3A_1517] {strides = array<i32>} : memref<2x16x1024xf32, #tpu.memory_space<vmem>>, vector<16xf32>,
        %add3A_1519 = arith.addf %get3A_1512, %get3A_1518 : vector<16xf32>
        %select_n3A_1520 = arith.select %ne3A_279, %get3A_1435, %get3A_1431 : vector<16xi1>, vector<16xf32>
        %add3A_1521 = arith.addf %add3A_1519, %select_n3A_1520 : vector<16xf32>
        %swap3A_1522 = arith.constant 0 : i32
        %swap3A_1523 = arith.constant 11 : i32
        %swap3A_1524 = arith.index_cast %swap3A_1522 : i32 to index
        %swap3A_1525 = arith.index_cast %swap3A_1523 : i32 to index
        %swap3A_1526 = arith.index_cast %mul3A_1428 : i32 to index
        %swap3A_1527 = tpu.vector_load %arg11[%swap3A_1524, %swap3A_1525, %swap3A_1526] {strides = array<i32>} : memref<2x16x1024xf32, #tpu.memory_space<vmem>>, vector<16xf32>,
        tpu.vector_store %arg11[%swap3A_1524, %swap3A_1525, %swap3A_1526], %add3A_1521 {strides = array<i32>} : memref<2x16x1024xf32, #tpu.memory_space<vmem>>, vector<16xf32>,
        %add3A_1528 = arith.addf %scan3A_1417, %add3A_1521 : vector<16xf32>
        %mul3A_1529 = arith.mulf %add3A_1521, %add3A_1521 : vector<16xf32>
        %add3A_1530 = arith.addf %scan3A_1418, %mul3A_1529 : vector<16xf32>
        %get3A_1531 = arith.constant 0 : i32
        %get3A_1532 = arith.constant 12 : i32
        %get3A_1533 = arith.index_cast %get3A_1531 : i32 to index
        %get3A_1534 = arith.index_cast %get3A_1532 : i32 to index
        %get3A_1535 = arith.index_cast %mul3A_1428 : i32 to index
        %get3A_1536 = tpu.vector_load %arg11[%get3A_1533, %get3A_1534, %get3A_1535] {strides = array<i32>} : memref<2x16x1024xf32, #tpu.memory_space<vmem>>, vector<16xf32>,
        %get3A_1537 = arith.constant 0 : i32
        %get3A_1538 = arith.constant 12 : i32
        %get3A_1539 = arith.index_cast %get3A_1537 : i32 to index
        %get3A_1540 = arith.index_cast %get3A_1538 : i32 to index
        %get3A_1541 = arith.index_cast %mul3A_1428 : i32 to index
        %get3A_1542 = tpu.vector_load %arg12[%get3A_1539, %get3A_1540, %get3A_1541] {strides = array<i32>} : memref<2x16x1024xf32, #tpu.memory_space<vmem>>, vector<16xf32>,
        %add3A_1543 = arith.addf %get3A_1536, %get3A_1542 : vector<16xf32>
        %select_n3A_1544 = arith.select %ne3A_290, %get3A_1435, %get3A_1431 : vector<16xi1>, vector<16xf32>
        %add3A_1545 = arith.addf %add3A_1543, %select_n3A_1544 : vector<16xf32>
        %swap3A_1546 = arith.constant 0 : i32
        %swap3A_1547 = arith.constant 12 : i32
        %swap3A_1548 = arith.index_cast %swap3A_1546 : i32 to index
        %swap3A_1549 = arith.index_cast %swap3A_1547 : i32 to index
        %swap3A_1550 = arith.index_cast %mul3A_1428 : i32 to index
        %swap3A_1551 = tpu.vector_load %arg11[%swap3A_1548, %swap3A_1549, %swap3A_1550] {strides = array<i32>} : memref<2x16x1024xf32, #tpu.memory_space<vmem>>, vector<16xf32>,
        tpu.vector_store %arg11[%swap3A_1548, %swap3A_1549, %swap3A_1550], %add3A_1545 {strides = array<i32>} : memref<2x16x1024xf32, #tpu.memory_space<vmem>>, vector<16xf32>,
        %add3A_1552 = arith.addf %scan3A_1419, %add3A_1545 : vector<16xf32>
        %mul3A_1553 = arith.mulf %add3A_1545, %add3A_1545 : vector<16xf32>
        %add3A_1554 = arith.addf %scan3A_1420, %mul3A_1553 : vector<16xf32>
        %get3A_1555 = arith.constant 0 : i32
        %get3A_1556 = arith.constant 13 : i32
        %get3A_1557 = arith.index_cast %get3A_1555 : i32 to index
        %get3A_1558 = arith.index_cast %get3A_1556 : i32 to index
        %get3A_1559 = arith.index_cast %mul3A_1428 : i32 to index
        %get3A_1560 = tpu.vector_load %arg11[%get3A_1557, %get3A_1558, %get3A_1559] {strides = array<i32>} : memref<2x16x1024xf32, #tpu.memory_space<vmem>>, vector<16xf32>,
        %get3A_1561 = arith.constant 0 : i32
        %get3A_1562 = arith.constant 13 : i32
        %get3A_1563 = arith.index_cast %get3A_1561 : i32 to index
        %get3A_1564 = arith.index_cast %get3A_1562 : i32 to index
        %get3A_1565 = arith.index_cast %mul3A_1428 : i32 to index
        %get3A_1566 = tpu.vector_load %arg12[%get3A_1563, %get3A_1564, %get3A_1565] {strides = array<i32>} : memref<2x16x1024xf32, #tpu.memory_space<vmem>>, vector<16xf32>,
        %add3A_1567 = arith.addf %get3A_1560, %get3A_1566 : vector<16xf32>
        %select_n3A_1568 = arith.select %ne3A_301, %get3A_1435, %get3A_1431 : vector<16xi1>, vector<16xf32>
        %add3A_1569 = arith.addf %add3A_1567, %select_n3A_1568 : vector<16xf32>
        %swap3A_1570 = arith.constant 0 : i32
        %swap3A_1571 = arith.constant 13 : i32
        %swap3A_1572 = arith.index_cast %swap3A_1570 : i32 to index
        %swap3A_1573 = arith.index_cast %swap3A_1571 : i32 to index
        %swap3A_1574 = arith.index_cast %mul3A_1428 : i32 to index
        %swap3A_1575 = tpu.vector_load %arg11[%swap3A_1572, %swap3A_1573, %swap3A_1574] {strides = array<i32>} : memref<2x16x1024xf32, #tpu.memory_space<vmem>>, vector<16xf32>,
        tpu.vector_store %arg11[%swap3A_1572, %swap3A_1573, %swap3A_1574], %add3A_1569 {strides = array<i32>} : memref<2x16x1024xf32, #tpu.memory_space<vmem>>, vector<16xf32>,
        %add3A_1576 = arith.addf %scan3A_1421, %add3A_1569 : vector<16xf32>
        %mul3A_1577 = arith.mulf %add3A_1569, %add3A_1569 : vector<16xf32>
        %add3A_1578 = arith.addf %scan3A_1422, %mul3A_1577 : vector<16xf32>
        %get3A_1579 = arith.constant 0 : i32
        %get3A_1580 = arith.constant 14 : i32
        %get3A_1581 = arith.index_cast %get3A_1579 : i32 to index
        %get3A_1582 = arith.index_cast %get3A_1580 : i32 to index
        %get3A_1583 = arith.index_cast %mul3A_1428 : i32 to index
        %get3A_1584 = tpu.vector_load %arg11[%get3A_1581, %get3A_1582, %get3A_1583] {strides = array<i32>} : memref<2x16x1024xf32, #tpu.memory_space<vmem>>, vector<16xf32>,
        %get3A_1585 = arith.constant 0 : i32
        %get3A_1586 = arith.constant 14 : i32
        %get3A_1587 = arith.index_cast %get3A_1585 : i32 to index
        %get3A_1588 = arith.index_cast %get3A_1586 : i32 to index
        %get3A_1589 = arith.index_cast %mul3A_1428 : i32 to index
        %get3A_1590 = tpu.vector_load %arg12[%get3A_1587, %get3A_1588, %get3A_1589] {strides = array<i32>} : memref<2x16x1024xf32, #tpu.memory_space<vmem>>, vector<16xf32>,
        %add3A_1591 = arith.addf %get3A_1584, %get3A_1590 : vector<16xf32>
        %select_n3A_1592 = arith.select %ne3A_312, %get3A_1435, %get3A_1431 : vector<16xi1>, vector<16xf32>
        %add3A_1593 = arith.addf %add3A_1591, %select_n3A_1592 : vector<16xf32>
        %swap3A_1594 = arith.constant 0 : i32
        %swap3A_1595 = arith.constant 14 : i32
        %swap3A_1596 = arith.index_cast %swap3A_1594 : i32 to index
        %swap3A_1597 = arith.index_cast %swap3A_1595 : i32 to index
        %swap3A_1598 = arith.index_cast %mul3A_1428 : i32 to index
        %swap3A_1599 = tpu.vector_load %arg11[%swap3A_1596, %swap3A_1597, %swap3A_1598] {strides = array<i32>} : memref<2x16x1024xf32, #tpu.memory_space<vmem>>, vector<16xf32>,
        tpu.vector_store %arg11[%swap3A_1596, %swap3A_1597, %swap3A_1598], %add3A_1593 {strides = array<i32>} : memref<2x16x1024xf32, #tpu.memory_space<vmem>>, vector<16xf32>,
        %add3A_1600 = arith.addf %scan3A_1423, %add3A_1593 : vector<16xf32>
        %mul3A_1601 = arith.mulf %add3A_1593, %add3A_1593 : vector<16xf32>
        %add3A_1602 = arith.addf %scan3A_1424, %mul3A_1601 : vector<16xf32>
        %get3A_1603 = arith.constant 0 : i32
        %get3A_1604 = arith.constant 15 : i32
        %get3A_1605 = arith.index_cast %get3A_1603 : i32 to index
        %get3A_1606 = arith.index_cast %get3A_1604 : i32 to index
        %get3A_1607 = arith.index_cast %mul3A_1428 : i32 to index
        %get3A_1608 = tpu.vector_load %arg11[%get3A_1605, %get3A_1606, %get3A_1607] {strides = array<i32>} : memref<2x16x1024xf32, #tpu.memory_space<vmem>>, vector<16xf32>,
        %get3A_1609 = arith.constant 0 : i32
        %get3A_1610 = arith.constant 15 : i32
        %get3A_1611 = arith.index_cast %get3A_1609 : i32 to index
        %get3A_1612 = arith.index_cast %get3A_1610 : i32 to index
        %get3A_1613 = arith.index_cast %mul3A_1428 : i32 to index
        %get3A_1614 = tpu.vector_load %arg12[%get3A_1611, %get3A_1612, %get3A_1613] {strides = array<i32>} : memref<2x16x1024xf32, #tpu.memory_space<vmem>>, vector<16xf32>,
        %add3A_1615 = arith.addf %get3A_1608, %get3A_1614 : vector<16xf32>
        %select_n3A_1616 = arith.select %ne3A_323, %get3A_1435, %get3A_1431 : vector<16xi1>, vector<16xf32>
        %add3A_1617 = arith.addf %add3A_1615, %select_n3A_1616 : vector<16xf32>
        %swap3A_1618 = arith.constant 0 : i32
        %swap3A_1619 = arith.constant 15 : i32
        %swap3A_1620 = arith.index_cast %swap3A_1618 : i32 to index
        %swap3A_1621 = arith.index_cast %swap3A_1619 : i32 to index
        %swap3A_1622 = arith.index_cast %mul3A_1428 : i32 to index
        %swap3A_1623 = tpu.vector_load %arg11[%swap3A_1620, %swap3A_1621, %swap3A_1622] {strides = array<i32>} : memref<2x16x1024xf32, #tpu.memory_space<vmem>>, vector<16xf32>,
        tpu.vector_store %arg11[%swap3A_1620, %swap3A_1621, %swap3A_1622], %add3A_1617 {strides = array<i32>} : memref<2x16x1024xf32, #tpu.memory_space<vmem>>, vector<16xf32>,
        %add3A_1624 = arith.addf %scan3A_1425, %add3A_1617 : vector<16xf32>
        %mul3A_1625 = arith.mulf %add3A_1617, %add3A_1617 : vector<16xf32>
        %add3A_1626 = arith.addf %scan3A_1426, %mul3A_1625 : vector<16xf32>
        scf.yield %add3A_1456, %add3A_1458, %add3A_1480, %add3A_1482, %add3A_1504, %add3A_1506, %add3A_1528, %add3A_1530, %add3A_1552, %add3A_1554, %add3A_1576, %add3A_1578, %add3A_1600, %add3A_1602, %add3A_1624, %add3A_1626 : vector<16xf32>, vector<16xf32>, vector<16xf32>, vector<16xf32>, vector<16xf32>, vector<16xf32>, vector<16xf32>, vector<16xf32>, vector<16xf32>, vector<16xf32>, vector<16xf32>, vector<16xf32>, vector<16xf32>, vector<16xf32>, vector<16xf32>, vector<16xf32>
      }
      %scan3A_368 = arith.constant 64 : i32
      %swap3A_369 = arith.constant 128 : index
      %swap3A_370 = tpu.vector_load %arg16[%swap3A_369] {strides = array<i32>} : memref<512xf32, #tpu.memory_space<vmem>>, vector<16xf32>,
      tpu.vector_store %arg16[%swap3A_369], %scan3A_367#0 {strides = array<i32>} : memref<512xf32, #tpu.memory_space<vmem>>, vector<16xf32>,
      %swap3A_371 = arith.constant 384 : index
      %swap3A_372 = tpu.vector_load %arg16[%swap3A_371] {strides = array<i32>} : memref<512xf32, #tpu.memory_space<vmem>>, vector<16xf32>,
      tpu.vector_store %arg16[%swap3A_371], %scan3A_367#1 {strides = array<i32>} : memref<512xf32, #tpu.memory_space<vmem>>, vector<16xf32>,
      %swap3A_373 = arith.constant 144 : index
      %swap3A_374 = tpu.vector_load %arg16[%swap3A_373] {strides = array<i32>} : memref<512xf32, #tpu.memory_space<vmem>>, vector<16xf32>,
      tpu.vector_store %arg16[%swap3A_373], %scan3A_367#2 {strides = array<i32>} : memref<512xf32, #tpu.memory_space<vmem>>, vector<16xf32>,
      %swap3A_375 = arith.constant 400 : index
      %swap3A_376 = tpu.vector_load %arg16[%swap3A_375] {strides = array<i32>} : memref<512xf32, #tpu.memory_space<vmem>>, vector<16xf32>,
      tpu.vector_store %arg16[%swap3A_375], %scan3A_367#3 {strides = array<i32>} : memref<512xf32, #tpu.memory_space<vmem>>, vector<16xf32>,
      %swap3A_377 = arith.constant 160 : index
      %swap3A_378 = tpu.vector_load %arg16[%swap3A_377] {strides = array<i32>} : memref<512xf32, #tpu.memory_space<vmem>>, vector<16xf32>,
      tpu.vector_store %arg16[%swap3A_377], %scan3A_367#4 {strides = array<i32>} : memref<512xf32, #tpu.memory_space<vmem>>, vector<16xf32>,
      %swap3A_379 = arith.constant 416 : index
      %swap3A_380 = tpu.vector_load %arg16[%swap3A_379] {strides = array<i32>} : memref<512xf32, #tpu.memory_space<vmem>>, vector<16xf32>,
      tpu.vector_store %arg16[%swap3A_379], %scan3A_367#5 {strides = array<i32>} : memref<512xf32, #tpu.memory_space<vmem>>, vector<16xf32>,
      %swap3A_381 = arith.constant 176 : index
      %swap3A_382 = tpu.vector_load %arg16[%swap3A_381] {strides = array<i32>} : memref<512xf32, #tpu.memory_space<vmem>>, vector<16xf32>,
      tpu.vector_store %arg16[%swap3A_381], %scan3A_367#6 {strides = array<i32>} : memref<512xf32, #tpu.memory_space<vmem>>, vector<16xf32>,
      %swap3A_383 = arith.constant 432 : index
      %swap3A_384 = tpu.vector_load %arg16[%swap3A_383] {strides = array<i32>} : memref<512xf32, #tpu.memory_space<vmem>>, vector<16xf32>,
      tpu.vector_store %arg16[%swap3A_383], %scan3A_367#7 {strides = array<i32>} : memref<512xf32, #tpu.memory_space<vmem>>, vector<16xf32>,
      %swap3A_385 = arith.constant 192 : index
      %swap3A_386 = tpu.vector_load %arg16[%swap3A_385] {strides = array<i32>} : memref<512xf32, #tpu.memory_space<vmem>>, vector<16xf32>,
      tpu.vector_store %arg16[%swap3A_385], %scan3A_367#8 {strides = array<i32>} : memref<512xf32, #tpu.memory_space<vmem>>, vector<16xf32>,
      %swap3A_387 = arith.constant 448 : index
      %swap3A_388 = tpu.vector_load %arg16[%swap3A_387] {strides = array<i32>} : memref<512xf32, #tpu.memory_space<vmem>>, vector<16xf32>,
      tpu.vector_store %arg16[%swap3A_387], %scan3A_367#9 {strides = array<i32>} : memref<512xf32, #tpu.memory_space<vmem>>, vector<16xf32>,
      %swap3A_389 = arith.constant 208 : index
      %swap3A_390 = tpu.vector_load %arg16[%swap3A_389] {strides = array<i32>} : memref<512xf32, #tpu.memory_space<vmem>>, vector<16xf32>,
      tpu.vector_store %arg16[%swap3A_389], %scan3A_367#10 {strides = array<i32>} : memref<512xf32, #tpu.memory_space<vmem>>, vector<16xf32>,
      %swap3A_391 = arith.constant 464 : index
      %swap3A_392 = tpu.vector_load %arg16[%swap3A_391] {strides = array<i32>} : memref<512xf32, #tpu.memory_space<vmem>>, vector<16xf32>,
      tpu.vector_store %arg16[%swap3A_391], %scan3A_367#11 {strides = array<i32>} : memref<512xf32, #tpu.memory_space<vmem>>, vector<16xf32>,
      %swap3A_393 = arith.constant 224 : index
      %swap3A_394 = tpu.vector_load %arg16[%swap3A_393] {strides = array<i32>} : memref<512xf32, #tpu.memory_space<vmem>>, vector<16xf32>,
      tpu.vector_store %arg16[%swap3A_393], %scan3A_367#12 {strides = array<i32>} : memref<512xf32, #tpu.memory_space<vmem>>, vector<16xf32>,
      %swap3A_395 = arith.constant 480 : index
      %swap3A_396 = tpu.vector_load %arg16[%swap3A_395] {strides = array<i32>} : memref<512xf32, #tpu.memory_space<vmem>>, vector<16xf32>,
      tpu.vector_store %arg16[%swap3A_395], %scan3A_367#13 {strides = array<i32>} : memref<512xf32, #tpu.memory_space<vmem>>, vector<16xf32>,
      %swap3A_397 = arith.constant 240 : index
      %swap3A_398 = tpu.vector_load %arg16[%swap3A_397] {strides = array<i32>} : memref<512xf32, #tpu.memory_space<vmem>>, vector<16xf32>,
      tpu.vector_store %arg16[%swap3A_397], %scan3A_367#14 {strides = array<i32>} : memref<512xf32, #tpu.memory_space<vmem>>, vector<16xf32>,
      %swap3A_399 = arith.constant 496 : index
      %swap3A_400 = tpu.vector_load %arg16[%swap3A_399] {strides = array<i32>} : memref<512xf32, #tpu.memory_space<vmem>>, vector<16xf32>,
      tpu.vector_store %arg16[%swap3A_399], %scan3A_367#15 {strides = array<i32>} : memref<512xf32, #tpu.memory_space<vmem>>, vector<16xf32>,
      %mul3A_401 = arith.constant 16 : i32
      %mul3A_402 = vector.broadcast %mul3A_401 : i32 to vector<16xi32>
      %mul3A_403 = arith.muli %iota3A, %mul3A_402 : vector<16xi32>
      %add3A_404 = arith.constant 0 : i32
      %add3A_405 = vector.broadcast %add3A_404 : i32 to vector<16xi32>
      %add3A_406 = arith.addi %mul3A_403, %add3A_405 : vector<16xi32>
      %gather3A_407 = tpu.vector_load_idx %arg16[%add3A_406] : memref<512xf32, #tpu.memory_space<vmem>>[vector<16xi32>], vector<16xf32>,
      %add3A_408 = arith.addf %broadcast_in_dim3A_325, %gather3A_407 : vector<16xf32>
      %add3A_409 = arith.constant 256 : i32
      %add3A_410 = vector.broadcast %add3A_409 : i32 to vector<16xi32>
      %add3A_411 = arith.addi %mul3A_403, %add3A_410 : vector<16xi32>
      %gather3A_412 = tpu.vector_load_idx %arg16[%add3A_411] : memref<512xf32, #tpu.memory_space<vmem>>[vector<16xi32>], vector<16xf32>,
      %add3A_413 = arith.addf %broadcast_in_dim3A_325, %gather3A_412 : vector<16xf32>
      %add3A_414 = arith.constant 1 : i32
      %add3A_415 = vector.broadcast %add3A_414 : i32 to vector<16xi32>
      %add3A_416 = arith.addi %mul3A_403, %add3A_415 : vector<16xi32>
      %gather3A_417 = tpu.vector_load_idx %arg16[%add3A_416] : memref<512xf32, #tpu.memory_space<vmem>>[vector<16xi32>], vector<16xf32>,
      %add3A_418 = arith.addf %add3A_408, %gather3A_417 : vector<16xf32>
      %add3A_419 = arith.constant 257 : i32
      %add3A_420 = vector.broadcast %add3A_419 : i32 to vector<16xi32>
      %add3A_421 = arith.addi %mul3A_403, %add3A_420 : vector<16xi32>
      %gather3A_422 = tpu.vector_load_idx %arg16[%add3A_421] : memref<512xf32, #tpu.memory_space<vmem>>[vector<16xi32>], vector<16xf32>,
      %add3A_423 = arith.addf %add3A_413, %gather3A_422 : vector<16xf32>
      %add3A_424 = arith.constant 2 : i32
      %add3A_425 = vector.broadcast %add3A_424 : i32 to vector<16xi32>
      %add3A_426 = arith.addi %mul3A_403, %add3A_425 : vector<16xi32>
      %gather3A_427 = tpu.vector_load_idx %arg16[%add3A_426] : memref<512xf32, #tpu.memory_space<vmem>>[vector<16xi32>], vector<16xf32>,
      %add3A_428 = arith.addf %add3A_418, %gather3A_427 : vector<16xf32>
      %add3A_429 = arith.constant 258 : i32
      %add3A_430 = vector.broadcast %add3A_429 : i32 to vector<16xi32>
      %add3A_431 = arith.addi %mul3A_403, %add3A_430 : vector<16xi32>
      %gather3A_432 = tpu.vector_load_idx %arg16[%add3A_431] : memref<512xf32, #tpu.memory_space<vmem>>[vector<16xi32>], vector<16xf32>,
      %add3A_433 = arith.addf %add3A_423, %gather3A_432 : vector<16xf32>
      %add3A_434 = arith.constant 3 : i32
      %add3A_435 = vector.broadcast %add3A_434 : i32 to vector<16xi32>
      %add3A_436 = arith.addi %mul3A_403, %add3A_435 : vector<16xi32>
      %gather3A_437 = tpu.vector_load_idx %arg16[%add3A_436] : memref<512xf32, #tpu.memory_space<vmem>>[vector<16xi32>], vector<16xf32>,
      %add3A_438 = arith.addf %add3A_428, %gather3A_437 : vector<16xf32>
      %add3A_439 = arith.constant 259 : i32
      %add3A_440 = vector.broadcast %add3A_439 : i32 to vector<16xi32>
      %add3A_441 = arith.addi %mul3A_403, %add3A_440 : vector<16xi32>
      %gather3A_442 = tpu.vector_load_idx %arg16[%add3A_441] : memref<512xf32, #tpu.memory_space<vmem>>[vector<16xi32>], vector<16xf32>,
      %add3A_443 = arith.addf %add3A_433, %gather3A_442 : vector<16xf32>
      %add3A_444 = arith.constant 4 : i32
      %add3A_445 = vector.broadcast %add3A_444 : i32 to vector<16xi32>
      %add3A_446 = arith.addi %mul3A_403, %add3A_445 : vector<16xi32>
      %gather3A_447 = tpu.vector_load_idx %arg16[%add3A_446] : memref<512xf32, #tpu.memory_space<vmem>>[vector<16xi32>], vector<16xf32>,
      %add3A_448 = arith.addf %add3A_438, %gather3A_447 : vector<16xf32>
      %add3A_449 = arith.constant 260 : i32
      %add3A_450 = vector.broadcast %add3A_449 : i32 to vector<16xi32>
      %add3A_451 = arith.addi %mul3A_403, %add3A_450 : vector<16xi32>
      %gather3A_452 = tpu.vector_load_idx %arg16[%add3A_451] : memref<512xf32, #tpu.memory_space<vmem>>[vector<16xi32>], vector<16xf32>,
      %add3A_453 = arith.addf %add3A_443, %gather3A_452 : vector<16xf32>
      %add3A_454 = arith.constant 5 : i32
      %add3A_455 = vector.broadcast %add3A_454 : i32 to vector<16xi32>
      %add3A_456 = arith.addi %mul3A_403, %add3A_455 : vector<16xi32>
      %gather3A_457 = tpu.vector_load_idx %arg16[%add3A_456] : memref<512xf32, #tpu.memory_space<vmem>>[vector<16xi32>], vector<16xf32>,
      %add3A_458 = arith.addf %add3A_448, %gather3A_457 : vector<16xf32>
      %add3A_459 = arith.constant 261 : i32
      %add3A_460 = vector.broadcast %add3A_459 : i32 to vector<16xi32>
      %add3A_461 = arith.addi %mul3A_403, %add3A_460 : vector<16xi32>
      %gather3A_462 = tpu.vector_load_idx %arg16[%add3A_461] : memref<512xf32, #tpu.memory_space<vmem>>[vector<16xi32>], vector<16xf32>,
      %add3A_463 = arith.addf %add3A_453, %gather3A_462 : vector<16xf32>
      %add3A_464 = arith.constant 6 : i32
      %add3A_465 = vector.broadcast %add3A_464 : i32 to vector<16xi32>
      %add3A_466 = arith.addi %mul3A_403, %add3A_465 : vector<16xi32>
      %gather3A_467 = tpu.vector_load_idx %arg16[%add3A_466] : memref<512xf32, #tpu.memory_space<vmem>>[vector<16xi32>], vector<16xf32>,
      %add3A_468 = arith.addf %add3A_458, %gather3A_467 : vector<16xf32>
      %add3A_469 = arith.constant 262 : i32
      %add3A_470 = vector.broadcast %add3A_469 : i32 to vector<16xi32>
      %add3A_471 = arith.addi %mul3A_403, %add3A_470 : vector<16xi32>
      %gather3A_472 = tpu.vector_load_idx %arg16[%add3A_471] : memref<512xf32, #tpu.memory_space<vmem>>[vector<16xi32>], vector<16xf32>,
      %add3A_473 = arith.addf %add3A_463, %gather3A_472 : vector<16xf32>
      %add3A_474 = arith.constant 7 : i32
      %add3A_475 = vector.broadcast %add3A_474 : i32 to vector<16xi32>
      %add3A_476 = arith.addi %mul3A_403, %add3A_475 : vector<16xi32>
      %gather3A_477 = tpu.vector_load_idx %arg16[%add3A_476] : memref<512xf32, #tpu.memory_space<vmem>>[vector<16xi32>], vector<16xf32>,
      %add3A_478 = arith.addf %add3A_468, %gather3A_477 : vector<16xf32>
      %add3A_479 = arith.constant 263 : i32
      %add3A_480 = vector.broadcast %add3A_479 : i32 to vector<16xi32>
      %add3A_481 = arith.addi %mul3A_403, %add3A_480 : vector<16xi32>
      %gather3A_482 = tpu.vector_load_idx %arg16[%add3A_481] : memref<512xf32, #tpu.memory_space<vmem>>[vector<16xi32>], vector<16xf32>,
      %add3A_483 = arith.addf %add3A_473, %gather3A_482 : vector<16xf32>
      %add3A_484 = arith.constant 8 : i32
      %add3A_485 = vector.broadcast %add3A_484 : i32 to vector<16xi32>
      %add3A_486 = arith.addi %mul3A_403, %add3A_485 : vector<16xi32>
      %gather3A_487 = tpu.vector_load_idx %arg16[%add3A_486] : memref<512xf32, #tpu.memory_space<vmem>>[vector<16xi32>], vector<16xf32>,
      %add3A_488 = arith.addf %add3A_478, %gather3A_487 : vector<16xf32>
      %add3A_489 = arith.constant 264 : i32
      %add3A_490 = vector.broadcast %add3A_489 : i32 to vector<16xi32>
      %add3A_491 = arith.addi %mul3A_403, %add3A_490 : vector<16xi32>
      %gather3A_492 = tpu.vector_load_idx %arg16[%add3A_491] : memref<512xf32, #tpu.memory_space<vmem>>[vector<16xi32>], vector<16xf32>,
      %add3A_493 = arith.addf %add3A_483, %gather3A_492 : vector<16xf32>
      %add3A_494 = arith.constant 9 : i32
      %add3A_495 = vector.broadcast %add3A_494 : i32 to vector<16xi32>
      %add3A_496 = arith.addi %mul3A_403, %add3A_495 : vector<16xi32>
      %gather3A_497 = tpu.vector_load_idx %arg16[%add3A_496] : memref<512xf32, #tpu.memory_space<vmem>>[vector<16xi32>], vector<16xf32>,
      %add3A_498 = arith.addf %add3A_488, %gather3A_497 : vector<16xf32>
      %add3A_499 = arith.constant 265 : i32
      %add3A_500 = vector.broadcast %add3A_499 : i32 to vector<16xi32>
      %add3A_501 = arith.addi %mul3A_403, %add3A_500 : vector<16xi32>
      %gather3A_502 = tpu.vector_load_idx %arg16[%add3A_501] : memref<512xf32, #tpu.memory_space<vmem>>[vector<16xi32>], vector<16xf32>,
      %add3A_503 = arith.addf %add3A_493, %gather3A_502 : vector<16xf32>
      %add3A_504 = arith.constant 10 : i32
      %add3A_505 = vector.broadcast %add3A_504 : i32 to vector<16xi32>
      %add3A_506 = arith.addi %mul3A_403, %add3A_505 : vector<16xi32>
      %gather3A_507 = tpu.vector_load_idx %arg16[%add3A_506] : memref<512xf32, #tpu.memory_space<vmem>>[vector<16xi32>], vector<16xf32>,
      %add3A_508 = arith.addf %add3A_498, %gather3A_507 : vector<16xf32>
      %add3A_509 = arith.constant 266 : i32
      %add3A_510 = vector.broadcast %add3A_509 : i32 to vector<16xi32>
      %add3A_511 = arith.addi %mul3A_403, %add3A_510 : vector<16xi32>
      %gather3A_512 = tpu.vector_load_idx %arg16[%add3A_511] : memref<512xf32, #tpu.memory_space<vmem>>[vector<16xi32>], vector<16xf32>,
      %add3A_513 = arith.addf %add3A_503, %gather3A_512 : vector<16xf32>
      %add3A_514 = arith.constant 11 : i32
      %add3A_515 = vector.broadcast %add3A_514 : i32 to vector<16xi32>
      %add3A_516 = arith.addi %mul3A_403, %add3A_515 : vector<16xi32>
      %gather3A_517 = tpu.vector_load_idx %arg16[%add3A_516] : memref<512xf32, #tpu.memory_space<vmem>>[vector<16xi32>], vector<16xf32>,
      %add3A_518 = arith.addf %add3A_508, %gather3A_517 : vector<16xf32>
      %add3A_519 = arith.constant 267 : i32
      %add3A_520 = vector.broadcast %add3A_519 : i32 to vector<16xi32>
      %add3A_521 = arith.addi %mul3A_403, %add3A_520 : vector<16xi32>
      %gather3A_522 = tpu.vector_load_idx %arg16[%add3A_521] : memref<512xf32, #tpu.memory_space<vmem>>[vector<16xi32>], vector<16xf32>,
      %add3A_523 = arith.addf %add3A_513, %gather3A_522 : vector<16xf32>
      %add3A_524 = arith.constant 12 : i32
      %add3A_525 = vector.broadcast %add3A_524 : i32 to vector<16xi32>
      %add3A_526 = arith.addi %mul3A_403, %add3A_525 : vector<16xi32>
      %gather3A_527 = tpu.vector_load_idx %arg16[%add3A_526] : memref<512xf32, #tpu.memory_space<vmem>>[vector<16xi32>], vector<16xf32>,
      %add3A_528 = arith.addf %add3A_518, %gather3A_527 : vector<16xf32>
      %add3A_529 = arith.constant 268 : i32
      %add3A_530 = vector.broadcast %add3A_529 : i32 to vector<16xi32>
      %add3A_531 = arith.addi %mul3A_403, %add3A_530 : vector<16xi32>
      %gather3A_532 = tpu.vector_load_idx %arg16[%add3A_531] : memref<512xf32, #tpu.memory_space<vmem>>[vector<16xi32>], vector<16xf32>,
      %add3A_533 = arith.addf %add3A_523, %gather3A_532 : vector<16xf32>
      %add3A_534 = arith.constant 13 : i32
      %add3A_535 = vector.broadcast %add3A_534 : i32 to vector<16xi32>
      %add3A_536 = arith.addi %mul3A_403, %add3A_535 : vector<16xi32>
      %gather3A_537 = tpu.vector_load_idx %arg16[%add3A_536] : memref<512xf32, #tpu.memory_space<vmem>>[vector<16xi32>], vector<16xf32>,
      %add3A_538 = arith.addf %add3A_528, %gather3A_537 : vector<16xf32>
      %add3A_539 = arith.constant 269 : i32
      %add3A_540 = vector.broadcast %add3A_539 : i32 to vector<16xi32>
      %add3A_541 = arith.addi %mul3A_403, %add3A_540 : vector<16xi32>
      %gather3A_542 = tpu.vector_load_idx %arg16[%add3A_541] : memref<512xf32, #tpu.memory_space<vmem>>[vector<16xi32>], vector<16xf32>,
      %add3A_543 = arith.addf %add3A_533, %gather3A_542 : vector<16xf32>
      %add3A_544 = arith.constant 14 : i32
      %add3A_545 = vector.broadcast %add3A_544 : i32 to vector<16xi32>
      %add3A_546 = arith.addi %mul3A_403, %add3A_545 : vector<16xi32>
      %gather3A_547 = tpu.vector_load_idx %arg16[%add3A_546] : memref<512xf32, #tpu.memory_space<vmem>>[vector<16xi32>], vector<16xf32>,
      %add3A_548 = arith.addf %add3A_538, %gather3A_547 : vector<16xf32>
      %add3A_549 = arith.constant 270 : i32
      %add3A_550 = vector.broadcast %add3A_549 : i32 to vector<16xi32>
      %add3A_551 = arith.addi %mul3A_403, %add3A_550 : vector<16xi32>
      %gather3A_552 = tpu.vector_load_idx %arg16[%add3A_551] : memref<512xf32, #tpu.memory_space<vmem>>[vector<16xi32>], vector<16xf32>,
      %add3A_553 = arith.addf %add3A_543, %gather3A_552 : vector<16xf32>
      %add3A_554 = arith.constant 15 : i32
      %add3A_555 = vector.broadcast %add3A_554 : i32 to vector<16xi32>
      %add3A_556 = arith.addi %mul3A_403, %add3A_555 : vector<16xi32>
      %gather3A_557 = tpu.vector_load_idx %arg16[%add3A_556] : memref<512xf32, #tpu.memory_space<vmem>>[vector<16xi32>], vector<16xf32>,
      %add3A_558 = arith.addf %add3A_548, %gather3A_557 : vector<16xf32>
      %add3A_559 = arith.constant 271 : i32
      %add3A_560 = vector.broadcast %add3A_559 : i32 to vector<16xi32>
      %add3A_561 = arith.addi %mul3A_403, %add3A_560 : vector<16xi32>
      %gather3A_562 = tpu.vector_load_idx %arg16[%add3A_561] : memref<512xf32, #tpu.memory_space<vmem>>[vector<16xi32>], vector<16xf32>,
      %add3A_563 = arith.addf %add3A_553, %gather3A_562 : vector<16xf32>
      %mul3A_564 = arith.constant 9.765625E-4 : f32
      %mul3A_565 = vector.broadcast %mul3A_564 : f32 to vector<16xf32>
      %mul3A_566 = arith.mulf %add3A_558, %mul3A_565 : vector<16xf32>
      %mul3A_567 = arith.constant 9.765625E-4 : f32
      %mul3A_568 = vector.broadcast %mul3A_567 : f32 to vector<16xf32>
      %mul3A_569 = arith.mulf %add3A_563, %mul3A_568 : vector<16xf32>
      %mul3A_570 = arith.mulf %mul3A_566, %mul3A_566 : vector<16xf32>
      %sub3A = arith.subf %mul3A_569, %mul3A_570 : vector<16xf32>
      %add3A_571 = arith.constant 9.99999996E-13 : f32
      %add3A_572 = vector.broadcast %add3A_571 : f32 to vector<16xf32>
      %add3A_573 = arith.addf %sub3A, %add3A_572 : vector<16xf32>
      %bitcast3A = vector.bitcast %add3A_573 : vector<16xf32> to vector<16xi32>
      %shift_right_logical3A = arith.constant 1 : i32
      %shift_right_logical3A_574 = vector.broadcast %shift_right_logical3A : i32 to vector<16xi32>
      %shift_right_logical3A_575 = arith.shrui %bitcast3A, %shift_right_logical3A_574 : vector<16xi32>
      %sub3A_576 = arith.constant 1597463007 : i32
      %sub3A_577 = vector.broadcast %sub3A_576 : i32 to vector<16xi32>
      %sub3A_578 = arith.subi %sub3A_577, %shift_right_logical3A_575 : vector<16xi32>
      %bitcast3A_579 = vector.bitcast %sub3A_578 : vector<16xi32> to vector<16xf32>
      %mul3A_580 = arith.constant 5.000000e-01 : f32
      %mul3A_581 = vector.broadcast %mul3A_580 : f32 to vector<16xf32>
      %mul3A_582 = arith.mulf %add3A_573, %mul3A_581 : vector<16xf32>
      %mul3A_583 = arith.mulf %mul3A_582, %bitcast3A_579 : vector<16xf32>
      %mul3A_584 = arith.mulf %mul3A_583, %bitcast3A_579 : vector<16xf32>
      %sub3A_585 = arith.constant 1.500000e+00 : f32
      %sub3A_586 = vector.broadcast %sub3A_585 : f32 to vector<16xf32>
      %sub3A_587 = arith.subf %sub3A_586, %mul3A_584 : vector<16xf32>
      %mul3A_588 = arith.mulf %bitcast3A_579, %sub3A_587 : vector<16xf32>
      %mul3A_589 = arith.mulf %mul3A_582, %mul3A_588 : vector<16xf32>
      %mul3A_590 = arith.mulf %mul3A_589, %mul3A_588 : vector<16xf32>
      %sub3A_591 = arith.constant 1.500000e+00 : f32
      %sub3A_592 = vector.broadcast %sub3A_591 : f32 to vector<16xf32>
      %sub3A_593 = arith.subf %sub3A_592, %mul3A_590 : vector<16xf32>
      %mul3A_594 = arith.mulf %mul3A_588, %sub3A_593 : vector<16xf32>
      %mul3A_595 = arith.mulf %mul3A_582, %mul3A_594 : vector<16xf32>
      %mul3A_596 = arith.mulf %mul3A_595, %mul3A_594 : vector<16xf32>
      %sub3A_597 = arith.constant 1.500000e+00 : f32
      %sub3A_598 = vector.broadcast %sub3A_597 : f32 to vector<16xf32>
      %sub3A_599 = arith.subf %sub3A_598, %mul3A_596 : vector<16xf32>
      %mul3A_600 = arith.mulf %mul3A_594, %sub3A_599 : vector<16xf32>
      %swap3A_601 = arith.constant 16 : index
      %swap3A_602 = tpu.vector_load %arg17[%swap3A_601] {strides = array<i32>} : memref<48xf32, #tpu.memory_space<vmem>>, vector<16xf32>,
      tpu.vector_store %arg17[%swap3A_601], %mul3A_566 {strides = array<i32>} : memref<48xf32, #tpu.memory_space<vmem>>, vector<16xf32>,
      %swap3A_603 = arith.constant 32 : index
      %swap3A_604 = tpu.vector_load %arg17[%swap3A_603] {strides = array<i32>} : memref<48xf32, #tpu.memory_space<vmem>>, vector<16xf32>,
      tpu.vector_store %arg17[%swap3A_603], %mul3A_600 {strides = array<i32>} : memref<48xf32, #tpu.memory_space<vmem>>, vector<16xf32>,
      %broadcast_in_dim3A_605 = arith.constant 16 : i32
      %broadcast_in_dim3A_606 = vector.broadcast %broadcast_in_dim3A_605 : i32 to vector<16xi32>
      %gather3A_607 = tpu.vector_load_idx %arg17[%broadcast_in_dim3A_606] : memref<48xf32, #tpu.memory_space<vmem>>[vector<16xi32>], vector<16xf32>,
      %broadcast_in_dim3A_608 = arith.constant 17 : i32
      %broadcast_in_dim3A_609 = vector.broadcast %broadcast_in_dim3A_608 : i32 to vector<16xi32>
      %gather3A_610 = tpu.vector_load_idx %arg17[%broadcast_in_dim3A_609] : memref<48xf32, #tpu.memory_space<vmem>>[vector<16xi32>], vector<16xf32>,
      %broadcast_in_dim3A_611 = arith.constant 18 : i32
      %broadcast_in_dim3A_612 = vector.broadcast %broadcast_in_dim3A_611 : i32 to vector<16xi32>
      %gather3A_613 = tpu.vector_load_idx %arg17[%broadcast_in_dim3A_612] : memref<48xf32, #tpu.memory_space<vmem>>[vector<16xi32>], vector<16xf32>,
      %broadcast_in_dim3A_614 = arith.constant 19 : i32
      %broadcast_in_dim3A_615 = vector.broadcast %broadcast_in_dim3A_614 : i32 to vector<16xi32>
      %gather3A_616 = tpu.vector_load_idx %arg17[%broadcast_in_dim3A_615] : memref<48xf32, #tpu.memory_space<vmem>>[vector<16xi32>], vector<16xf32>,
      %broadcast_in_dim3A_617 = arith.constant 20 : i32
      %broadcast_in_dim3A_618 = vector.broadcast %broadcast_in_dim3A_617 : i32 to vector<16xi32>
      %gather3A_619 = tpu.vector_load_idx %arg17[%broadcast_in_dim3A_618] : memref<48xf32, #tpu.memory_space<vmem>>[vector<16xi32>], vector<16xf32>,
      %broadcast_in_dim3A_620 = arith.constant 21 : i32
      %broadcast_in_dim3A_621 = vector.broadcast %broadcast_in_dim3A_620 : i32 to vector<16xi32>
      %gather3A_622 = tpu.vector_load_idx %arg17[%broadcast_in_dim3A_621] : memref<48xf32, #tpu.memory_space<vmem>>[vector<16xi32>], vector<16xf32>,
      %broadcast_in_dim3A_623 = arith.constant 22 : i32
      %broadcast_in_dim3A_624 = vector.broadcast %broadcast_in_dim3A_623 : i32 to vector<16xi32>
      %gather3A_625 = tpu.vector_load_idx %arg17[%broadcast_in_dim3A_624] : memref<48xf32, #tpu.memory_space<vmem>>[vector<16xi32>], vector<16xf32>,
      %broadcast_in_dim3A_626 = arith.constant 23 : i32
      %broadcast_in_dim3A_627 = vector.broadcast %broadcast_in_dim3A_626 : i32 to vector<16xi32>
      %gather3A_628 = tpu.vector_load_idx %arg17[%broadcast_in_dim3A_627] : memref<48xf32, #tpu.memory_space<vmem>>[vector<16xi32>], vector<16xf32>,
      %broadcast_in_dim3A_629 = arith.constant 32 : i32
      %broadcast_in_dim3A_630 = vector.broadcast %broadcast_in_dim3A_629 : i32 to vector<16xi32>
      %gather3A_631 = tpu.vector_load_idx %arg17[%broadcast_in_dim3A_630] : memref<48xf32, #tpu.memory_space<vmem>>[vector<16xi32>], vector<16xf32>,
      %broadcast_in_dim3A_632 = arith.constant 33 : i32
      %broadcast_in_dim3A_633 = vector.broadcast %broadcast_in_dim3A_632 : i32 to vector<16xi32>
      %gather3A_634 = tpu.vector_load_idx %arg17[%broadcast_in_dim3A_633] : memref<48xf32, #tpu.memory_space<vmem>>[vector<16xi32>], vector<16xf32>,
      %broadcast_in_dim3A_635 = arith.constant 34 : i32
      %broadcast_in_dim3A_636 = vector.broadcast %broadcast_in_dim3A_635 : i32 to vector<16xi32>
      %gather3A_637 = tpu.vector_load_idx %arg17[%broadcast_in_dim3A_636] : memref<48xf32, #tpu.memory_space<vmem>>[vector<16xi32>], vector<16xf32>,
      %broadcast_in_dim3A_638 = arith.constant 35 : i32
      %broadcast_in_dim3A_639 = vector.broadcast %broadcast_in_dim3A_638 : i32 to vector<16xi32>
      %gather3A_640 = tpu.vector_load_idx %arg17[%broadcast_in_dim3A_639] : memref<48xf32, #tpu.memory_space<vmem>>[vector<16xi32>], vector<16xf32>,
      %broadcast_in_dim3A_641 = arith.constant 36 : i32
      %broadcast_in_dim3A_642 = vector.broadcast %broadcast_in_dim3A_641 : i32 to vector<16xi32>
      %gather3A_643 = tpu.vector_load_idx %arg17[%broadcast_in_dim3A_642] : memref<48xf32, #tpu.memory_space<vmem>>[vector<16xi32>], vector<16xf32>,
      %broadcast_in_dim3A_644 = arith.constant 37 : i32
      %broadcast_in_dim3A_645 = vector.broadcast %broadcast_in_dim3A_644 : i32 to vector<16xi32>
      %gather3A_646 = tpu.vector_load_idx %arg17[%broadcast_in_dim3A_645] : memref<48xf32, #tpu.memory_space<vmem>>[vector<16xi32>], vector<16xf32>,
      %broadcast_in_dim3A_647 = arith.constant 38 : i32
      %broadcast_in_dim3A_648 = vector.broadcast %broadcast_in_dim3A_647 : i32 to vector<16xi32>
      %gather3A_649 = tpu.vector_load_idx %arg17[%broadcast_in_dim3A_648] : memref<48xf32, #tpu.memory_space<vmem>>[vector<16xi32>], vector<16xf32>,
      %broadcast_in_dim3A_650 = arith.constant 39 : i32
      %broadcast_in_dim3A_651 = vector.broadcast %broadcast_in_dim3A_650 : i32 to vector<16xi32>
      %gather3A_652 = tpu.vector_load_idx %arg17[%broadcast_in_dim3A_651] : memref<48xf32, #tpu.memory_space<vmem>>[vector<16xi32>], vector<16xf32>,
      %scan3A_653 = arith.constant 0 : i32
      %scan3A_654 = arith.constant 0 : i32
      %scan3A_655 = arith.constant 64 : i32
      %scan3A_656 = arith.addi %scan3A_654, %scan3A_655 : i32
      %scan3A_657 = arith.constant 1 : i32
      %scan3A_658 = scf.for %scan3A_1410 = %scan3A_654 to %scan3A_656 step %scan3A_657 iter_args(%scan3A_1411 = %scan3A_653) -> (i32)  : i32 {
        %mul3A_1412 = arith.constant 16 : i32
        %mul3A_1413 = arith.muli %scan3A_1410, %mul3A_1412 : i32
        %get3A = arith.index_cast %mul3A_1413 : i32 to index
        %get3A_1414 = tpu.vector_load %arg14[%get3A] {strides = array<i32>} : memref<1024xf32, #tpu.memory_space<vmem>>, vector<16xf32>,
        %get3A_1415 = arith.index_cast %mul3A_1413 : i32 to index
        %get3A_1416 = tpu.vector_load %arg15[%get3A_1415] {strides = array<i32>} : memref<1024xf32, #tpu.memory_space<vmem>>, vector<16xf32>,
        %get3A_1417 = arith.constant 0 : i32
        %get3A_1418 = arith.constant 0 : i32
        %get3A_1419 = arith.index_cast %get3A_1417 : i32 to index
        %get3A_1420 = arith.index_cast %get3A_1418 : i32 to index
        %get3A_1421 = arith.index_cast %mul3A_1413 : i32 to index
        %get3A_1422 = tpu.vector_load %arg11[%get3A_1419, %get3A_1420, %get3A_1421] {strides = array<i32>} : memref<2x16x1024xf32, #tpu.memory_space<vmem>>, vector<16xf32>,
        %sub3A_1423 = arith.subf %get3A_1422, %gather3A_607 : vector<16xf32>
        %mul3A_1424 = arith.mulf %sub3A_1423, %gather3A_631 : vector<16xf32>
        %mul3A_1425 = arith.mulf %mul3A_1424, %get3A_1414 : vector<16xf32>
        %add3A_1426 = arith.addf %mul3A_1425, %get3A_1416 : vector<16xf32>
        %swap3A_1427 = arith.constant 0 : i32
        %swap3A_1428 = arith.constant 0 : i32
        %swap3A_1429 = arith.index_cast %swap3A_1427 : i32 to index
        %swap3A_1430 = arith.index_cast %swap3A_1428 : i32 to index
        %swap3A_1431 = arith.index_cast %mul3A_1413 : i32 to index
        %swap3A_1432 = tpu.vector_load %arg11[%swap3A_1429, %swap3A_1430, %swap3A_1431] {strides = array<i32>} : memref<2x16x1024xf32, #tpu.memory_space<vmem>>, vector<16xf32>,
        tpu.vector_store %arg11[%swap3A_1429, %swap3A_1430, %swap3A_1431], %add3A_1426 {strides = array<i32>} : memref<2x16x1024xf32, #tpu.memory_space<vmem>>, vector<16xf32>,
        %get3A_1433 = arith.constant 0 : i32
        %get3A_1434 = arith.constant 1 : i32
        %get3A_1435 = arith.index_cast %get3A_1433 : i32 to index
        %get3A_1436 = arith.index_cast %get3A_1434 : i32 to index
        %get3A_1437 = arith.index_cast %mul3A_1413 : i32 to index
        %get3A_1438 = tpu.vector_load %arg11[%get3A_1435, %get3A_1436, %get3A_1437] {strides = array<i32>} : memref<2x16x1024xf32, #tpu.memory_space<vmem>>, vector<16xf32>,
        %sub3A_1439 = arith.subf %get3A_1438, %gather3A_610 : vector<16xf32>
        %mul3A_1440 = arith.mulf %sub3A_1439, %gather3A_634 : vector<16xf32>
        %mul3A_1441 = arith.mulf %mul3A_1440, %get3A_1414 : vector<16xf32>
        %add3A_1442 = arith.addf %mul3A_1441, %get3A_1416 : vector<16xf32>
        %swap3A_1443 = arith.constant 0 : i32
        %swap3A_1444 = arith.constant 1 : i32
        %swap3A_1445 = arith.index_cast %swap3A_1443 : i32 to index
        %swap3A_1446 = arith.index_cast %swap3A_1444 : i32 to index
        %swap3A_1447 = arith.index_cast %mul3A_1413 : i32 to index
        %swap3A_1448 = tpu.vector_load %arg11[%swap3A_1445, %swap3A_1446, %swap3A_1447] {strides = array<i32>} : memref<2x16x1024xf32, #tpu.memory_space<vmem>>, vector<16xf32>,
        tpu.vector_store %arg11[%swap3A_1445, %swap3A_1446, %swap3A_1447], %add3A_1442 {strides = array<i32>} : memref<2x16x1024xf32, #tpu.memory_space<vmem>>, vector<16xf32>,
        %get3A_1449 = arith.constant 0 : i32
        %get3A_1450 = arith.constant 2 : i32
        %get3A_1451 = arith.index_cast %get3A_1449 : i32 to index
        %get3A_1452 = arith.index_cast %get3A_1450 : i32 to index
        %get3A_1453 = arith.index_cast %mul3A_1413 : i32 to index
        %get3A_1454 = tpu.vector_load %arg11[%get3A_1451, %get3A_1452, %get3A_1453] {strides = array<i32>} : memref<2x16x1024xf32, #tpu.memory_space<vmem>>, vector<16xf32>,
        %sub3A_1455 = arith.subf %get3A_1454, %gather3A_613 : vector<16xf32>
        %mul3A_1456 = arith.mulf %sub3A_1455, %gather3A_637 : vector<16xf32>
        %mul3A_1457 = arith.mulf %mul3A_1456, %get3A_1414 : vector<16xf32>
        %add3A_1458 = arith.addf %mul3A_1457, %get3A_1416 : vector<16xf32>
        %swap3A_1459 = arith.constant 0 : i32
        %swap3A_1460 = arith.constant 2 : i32
        %swap3A_1461 = arith.index_cast %swap3A_1459 : i32 to index
        %swap3A_1462 = arith.index_cast %swap3A_1460 : i32 to index
        %swap3A_1463 = arith.index_cast %mul3A_1413 : i32 to index
        %swap3A_1464 = tpu.vector_load %arg11[%swap3A_1461, %swap3A_1462, %swap3A_1463] {strides = array<i32>} : memref<2x16x1024xf32, #tpu.memory_space<vmem>>, vector<16xf32>,
        tpu.vector_store %arg11[%swap3A_1461, %swap3A_1462, %swap3A_1463], %add3A_1458 {strides = array<i32>} : memref<2x16x1024xf32, #tpu.memory_space<vmem>>, vector<16xf32>,
        %get3A_1465 = arith.constant 0 : i32
        %get3A_1466 = arith.constant 3 : i32
        %get3A_1467 = arith.index_cast %get3A_1465 : i32 to index
        %get3A_1468 = arith.index_cast %get3A_1466 : i32 to index
        %get3A_1469 = arith.index_cast %mul3A_1413 : i32 to index
        %get3A_1470 = tpu.vector_load %arg11[%get3A_1467, %get3A_1468, %get3A_1469] {strides = array<i32>} : memref<2x16x1024xf32, #tpu.memory_space<vmem>>, vector<16xf32>,
        %sub3A_1471 = arith.subf %get3A_1470, %gather3A_616 : vector<16xf32>
        %mul3A_1472 = arith.mulf %sub3A_1471, %gather3A_640 : vector<16xf32>
        %mul3A_1473 = arith.mulf %mul3A_1472, %get3A_1414 : vector<16xf32>
        %add3A_1474 = arith.addf %mul3A_1473, %get3A_1416 : vector<16xf32>
        %swap3A_1475 = arith.constant 0 : i32
        %swap3A_1476 = arith.constant 3 : i32
        %swap3A_1477 = arith.index_cast %swap3A_1475 : i32 to index
        %swap3A_1478 = arith.index_cast %swap3A_1476 : i32 to index
        %swap3A_1479 = arith.index_cast %mul3A_1413 : i32 to index
        %swap3A_1480 = tpu.vector_load %arg11[%swap3A_1477, %swap3A_1478, %swap3A_1479] {strides = array<i32>} : memref<2x16x1024xf32, #tpu.memory_space<vmem>>, vector<16xf32>,
        tpu.vector_store %arg11[%swap3A_1477, %swap3A_1478, %swap3A_1479], %add3A_1474 {strides = array<i32>} : memref<2x16x1024xf32, #tpu.memory_space<vmem>>, vector<16xf32>,
        %get3A_1481 = arith.constant 0 : i32
        %get3A_1482 = arith.constant 4 : i32
        %get3A_1483 = arith.index_cast %get3A_1481 : i32 to index
        %get3A_1484 = arith.index_cast %get3A_1482 : i32 to index
        %get3A_1485 = arith.index_cast %mul3A_1413 : i32 to index
        %get3A_1486 = tpu.vector_load %arg11[%get3A_1483, %get3A_1484, %get3A_1485] {strides = array<i32>} : memref<2x16x1024xf32, #tpu.memory_space<vmem>>, vector<16xf32>,
        %sub3A_1487 = arith.subf %get3A_1486, %gather3A_619 : vector<16xf32>
        %mul3A_1488 = arith.mulf %sub3A_1487, %gather3A_643 : vector<16xf32>
        %mul3A_1489 = arith.mulf %mul3A_1488, %get3A_1414 : vector<16xf32>
        %add3A_1490 = arith.addf %mul3A_1489, %get3A_1416 : vector<16xf32>
        %swap3A_1491 = arith.constant 0 : i32
        %swap3A_1492 = arith.constant 4 : i32
        %swap3A_1493 = arith.index_cast %swap3A_1491 : i32 to index
        %swap3A_1494 = arith.index_cast %swap3A_1492 : i32 to index
        %swap3A_1495 = arith.index_cast %mul3A_1413 : i32 to index
        %swap3A_1496 = tpu.vector_load %arg11[%swap3A_1493, %swap3A_1494, %swap3A_1495] {strides = array<i32>} : memref<2x16x1024xf32, #tpu.memory_space<vmem>>, vector<16xf32>,
        tpu.vector_store %arg11[%swap3A_1493, %swap3A_1494, %swap3A_1495], %add3A_1490 {strides = array<i32>} : memref<2x16x1024xf32, #tpu.memory_space<vmem>>, vector<16xf32>,
        %get3A_1497 = arith.constant 0 : i32
        %get3A_1498 = arith.constant 5 : i32
        %get3A_1499 = arith.index_cast %get3A_1497 : i32 to index
        %get3A_1500 = arith.index_cast %get3A_1498 : i32 to index
        %get3A_1501 = arith.index_cast %mul3A_1413 : i32 to index
        %get3A_1502 = tpu.vector_load %arg11[%get3A_1499, %get3A_1500, %get3A_1501] {strides = array<i32>} : memref<2x16x1024xf32, #tpu.memory_space<vmem>>, vector<16xf32>,
        %sub3A_1503 = arith.subf %get3A_1502, %gather3A_622 : vector<16xf32>
        %mul3A_1504 = arith.mulf %sub3A_1503, %gather3A_646 : vector<16xf32>
        %mul3A_1505 = arith.mulf %mul3A_1504, %get3A_1414 : vector<16xf32>
        %add3A_1506 = arith.addf %mul3A_1505, %get3A_1416 : vector<16xf32>
        %swap3A_1507 = arith.constant 0 : i32
        %swap3A_1508 = arith.constant 5 : i32
        %swap3A_1509 = arith.index_cast %swap3A_1507 : i32 to index
        %swap3A_1510 = arith.index_cast %swap3A_1508 : i32 to index
        %swap3A_1511 = arith.index_cast %mul3A_1413 : i32 to index
        %swap3A_1512 = tpu.vector_load %arg11[%swap3A_1509, %swap3A_1510, %swap3A_1511] {strides = array<i32>} : memref<2x16x1024xf32, #tpu.memory_space<vmem>>, vector<16xf32>,
        tpu.vector_store %arg11[%swap3A_1509, %swap3A_1510, %swap3A_1511], %add3A_1506 {strides = array<i32>} : memref<2x16x1024xf32, #tpu.memory_space<vmem>>, vector<16xf32>,
        %get3A_1513 = arith.constant 0 : i32
        %get3A_1514 = arith.constant 6 : i32
        %get3A_1515 = arith.index_cast %get3A_1513 : i32 to index
        %get3A_1516 = arith.index_cast %get3A_1514 : i32 to index
        %get3A_1517 = arith.index_cast %mul3A_1413 : i32 to index
        %get3A_1518 = tpu.vector_load %arg11[%get3A_1515, %get3A_1516, %get3A_1517] {strides = array<i32>} : memref<2x16x1024xf32, #tpu.memory_space<vmem>>, vector<16xf32>,
        %sub3A_1519 = arith.subf %get3A_1518, %gather3A_625 : vector<16xf32>
        %mul3A_1520 = arith.mulf %sub3A_1519, %gather3A_649 : vector<16xf32>
        %mul3A_1521 = arith.mulf %mul3A_1520, %get3A_1414 : vector<16xf32>
        %add3A_1522 = arith.addf %mul3A_1521, %get3A_1416 : vector<16xf32>
        %swap3A_1523 = arith.constant 0 : i32
        %swap3A_1524 = arith.constant 6 : i32
        %swap3A_1525 = arith.index_cast %swap3A_1523 : i32 to index
        %swap3A_1526 = arith.index_cast %swap3A_1524 : i32 to index
        %swap3A_1527 = arith.index_cast %mul3A_1413 : i32 to index
        %swap3A_1528 = tpu.vector_load %arg11[%swap3A_1525, %swap3A_1526, %swap3A_1527] {strides = array<i32>} : memref<2x16x1024xf32, #tpu.memory_space<vmem>>, vector<16xf32>,
        tpu.vector_store %arg11[%swap3A_1525, %swap3A_1526, %swap3A_1527], %add3A_1522 {strides = array<i32>} : memref<2x16x1024xf32, #tpu.memory_space<vmem>>, vector<16xf32>,
        %get3A_1529 = arith.constant 0 : i32
        %get3A_1530 = arith.constant 7 : i32
        %get3A_1531 = arith.index_cast %get3A_1529 : i32 to index
        %get3A_1532 = arith.index_cast %get3A_1530 : i32 to index
        %get3A_1533 = arith.index_cast %mul3A_1413 : i32 to index
        %get3A_1534 = tpu.vector_load %arg11[%get3A_1531, %get3A_1532, %get3A_1533] {strides = array<i32>} : memref<2x16x1024xf32, #tpu.memory_space<vmem>>, vector<16xf32>,
        %sub3A_1535 = arith.subf %get3A_1534, %gather3A_628 : vector<16xf32>
        %mul3A_1536 = arith.mulf %sub3A_1535, %gather3A_652 : vector<16xf32>
        %mul3A_1537 = arith.mulf %mul3A_1536, %get3A_1414 : vector<16xf32>
        %add3A_1538 = arith.addf %mul3A_1537, %get3A_1416 : vector<16xf32>
        %swap3A_1539 = arith.constant 0 : i32
        %swap3A_1540 = arith.constant 7 : i32
        %swap3A_1541 = arith.index_cast %swap3A_1539 : i32 to index
        %swap3A_1542 = arith.index_cast %swap3A_1540 : i32 to index
        %swap3A_1543 = arith.index_cast %mul3A_1413 : i32 to index
        %swap3A_1544 = tpu.vector_load %arg11[%swap3A_1541, %swap3A_1542, %swap3A_1543] {strides = array<i32>} : memref<2x16x1024xf32, #tpu.memory_space<vmem>>, vector<16xf32>,
        tpu.vector_store %arg11[%swap3A_1541, %swap3A_1542, %swap3A_1543], %add3A_1538 {strides = array<i32>} : memref<2x16x1024xf32, #tpu.memory_space<vmem>>, vector<16xf32>,
        %scan3A_1545 = arith.constant 0 : i32
        scf.yield %scan3A_1545 : i32
      }
      %scan3A_659 = arith.constant 64 : i32
      %mul3A_660 = arith.constant 16 : i32
      %mul3A_661 = arith.muli %mul3A_78, %mul3A_660 : i32
      %add3A_662 = arith.addi %mul3A_2, %mul3A_661 : i32
      %add3A_663 = arith.constant 0 : i32
      %add3A_664 = arith.addi %add3A_662, %add3A_663 : i32
      %dma_start3A_665 = arith.constant 0 : i32
      %dma_start3A_666 = arith.constant 0 : i32
      %dma_start3A_667 = arith.constant 0 : i32
      %dma_start3A_668 = arith.constant 0 : i32
      %dma_start3A_669 = tpu.memref_slice %arg11[%dma_start3A_665, %dma_start3A_667, %dma_start3A_668] : memref<2x16x1024xf32, #tpu.memory_space<vmem>> -> memref<1x8x1024xf32, #tpu.memory_space<vmem>>
      %dma_start3A_670 = tpu.memref_squeeze %dma_start3A_669 : memref<1x8x1024xf32, #tpu.memory_space<vmem>> -> memref<8x1024xf32, #tpu.memory_space<vmem>>
      %dma_start3A_671 = arith.constant 0 : i32
      %dma_start3A_672 = tpu.memref_slice %arg9[%add3A_664, %dma_start3A_671] : memref<8192x1024xf32, #tpu.memory_space<hbm>> -> memref<8x1024xf32, #tpu.memory_space<hbm>>
      %dma_start3A_673 = tpu.memref_slice %arg20[%dma_start3A_666] : memref<2x!tpu.dma_semaphore, #tpu.memory_space<semaphore_mem>> -> memref<1x!tpu.dma_semaphore, #tpu.memory_space<semaphore_mem>>
      %dma_start3A_674 = tpu.memref_squeeze %dma_start3A_673 : memref<1x!tpu.dma_semaphore, #tpu.memory_space<semaphore_mem>> -> memref<!tpu.dma_semaphore, #tpu.memory_space<semaphore_mem>>
      %dma_start3A_675 = arith.constant 0 : i32
      %dma_start3A_676 = tpu.memref_slice %arg9[%add3A_664, %dma_start3A_675] : memref<8192x1024xf32, #tpu.memory_space<hbm>> -> memref<8x1024xf32, #tpu.memory_space<hbm>>
      %dma_start3A_677 = arith.constant 0 : i32
      %dma_start3A_678 = arith.constant 0 : i32
      %dma_start3A_679 = tpu.memref_slice %arg11[%dma_start3A_665, %dma_start3A_677, %dma_start3A_678] : memref<2x16x1024xf32, #tpu.memory_space<vmem>> -> memref<1x8x1024xf32, #tpu.memory_space<vmem>>
      %dma_start3A_680 = tpu.memref_squeeze %dma_start3A_679 : memref<1x8x1024xf32, #tpu.memory_space<vmem>> -> memref<8x1024xf32, #tpu.memory_space<vmem>>
      tpu.enqueue_dma source(%dma_start3A_680 : memref<8x1024xf32, #tpu.memory_space<vmem>>) target(%dma_start3A_676 : memref<8x1024xf32, #tpu.memory_space<hbm>>) target_semaphore(%dma_start3A_674 : memref<!tpu.dma_semaphore, #tpu.memory_space<semaphore_mem>>)
      %broadcast_in_dim3A_681 = arith.constant 24 : i32
      %broadcast_in_dim3A_682 = vector.broadcast %broadcast_in_dim3A_681 : i32 to vector<16xi32>
      %gather3A_683 = tpu.vector_load_idx %arg17[%broadcast_in_dim3A_682] : memref<48xf32, #tpu.memory_space<vmem>>[vector<16xi32>], vector<16xf32>,
      %broadcast_in_dim3A_684 = arith.constant 25 : i32
      %broadcast_in_dim3A_685 = vector.broadcast %broadcast_in_dim3A_684 : i32 to vector<16xi32>
      %gather3A_686 = tpu.vector_load_idx %arg17[%broadcast_in_dim3A_685] : memref<48xf32, #tpu.memory_space<vmem>>[vector<16xi32>], vector<16xf32>,
      %broadcast_in_dim3A_687 = arith.constant 26 : i32
      %broadcast_in_dim3A_688 = vector.broadcast %broadcast_in_dim3A_687 : i32 to vector<16xi32>
      %gather3A_689 = tpu.vector_load_idx %arg17[%broadcast_in_dim3A_688] : memref<48xf32, #tpu.memory_space<vmem>>[vector<16xi32>], vector<16xf32>,
      %broadcast_in_dim3A_690 = arith.constant 27 : i32
      %broadcast_in_dim3A_691 = vector.broadcast %broadcast_in_dim3A_690 : i32 to vector<16xi32>
      %gather3A_692 = tpu.vector_load_idx %arg17[%broadcast_in_dim3A_691] : memref<48xf32, #tpu.memory_space<vmem>>[vector<16xi32>], vector<16xf32>,
      %broadcast_in_dim3A_693 = arith.constant 28 : i32
      %broadcast_in_dim3A_694 = vector.broadcast %broadcast_in_dim3A_693 : i32 to vector<16xi32>
      %gather3A_695 = tpu.vector_load_idx %arg17[%broadcast_in_dim3A_694] : memref<48xf32, #tpu.memory_space<vmem>>[vector<16xi32>], vector<16xf32>,
      %broadcast_in_dim3A_696 = arith.constant 29 : i32
      %broadcast_in_dim3A_697 = vector.broadcast %broadcast_in_dim3A_696 : i32 to vector<16xi32>
      %gather3A_698 = tpu.vector_load_idx %arg17[%broadcast_in_dim3A_697] : memref<48xf32, #tpu.memory_space<vmem>>[vector<16xi32>], vector<16xf32>,
      %broadcast_in_dim3A_699 = arith.constant 30 : i32
      %broadcast_in_dim3A_700 = vector.broadcast %broadcast_in_dim3A_699 : i32 to vector<16xi32>
      %gather3A_701 = tpu.vector_load_idx %arg17[%broadcast_in_dim3A_700] : memref<48xf32, #tpu.memory_space<vmem>>[vector<16xi32>], vector<16xf32>,
      %broadcast_in_dim3A_702 = arith.constant 31 : i32
      %broadcast_in_dim3A_703 = vector.broadcast %broadcast_in_dim3A_702 : i32 to vector<16xi32>
      %gather3A_704 = tpu.vector_load_idx %arg17[%broadcast_in_dim3A_703] : memref<48xf32, #tpu.memory_space<vmem>>[vector<16xi32>], vector<16xf32>,
      %broadcast_in_dim3A_705 = arith.constant 40 : i32
      %broadcast_in_dim3A_706 = vector.broadcast %broadcast_in_dim3A_705 : i32 to vector<16xi32>
      %gather3A_707 = tpu.vector_load_idx %arg17[%broadcast_in_dim3A_706] : memref<48xf32, #tpu.memory_space<vmem>>[vector<16xi32>], vector<16xf32>,
      %broadcast_in_dim3A_708 = arith.constant 41 : i32
      %broadcast_in_dim3A_709 = vector.broadcast %broadcast_in_dim3A_708 : i32 to vector<16xi32>
      %gather3A_710 = tpu.vector_load_idx %arg17[%broadcast_in_dim3A_709] : memref<48xf32, #tpu.memory_space<vmem>>[vector<16xi32>], vector<16xf32>,
      %broadcast_in_dim3A_711 = arith.constant 42 : i32
      %broadcast_in_dim3A_712 = vector.broadcast %broadcast_in_dim3A_711 : i32 to vector<16xi32>
      %gather3A_713 = tpu.vector_load_idx %arg17[%broadcast_in_dim3A_712] : memref<48xf32, #tpu.memory_space<vmem>>[vector<16xi32>], vector<16xf32>,
      %broadcast_in_dim3A_714 = arith.constant 43 : i32
      %broadcast_in_dim3A_715 = vector.broadcast %broadcast_in_dim3A_714 : i32 to vector<16xi32>
      %gather3A_716 = tpu.vector_load_idx %arg17[%broadcast_in_dim3A_715] : memref<48xf32, #tpu.memory_space<vmem>>[vector<16xi32>], vector<16xf32>,
      %broadcast_in_dim3A_717 = arith.constant 44 : i32
      %broadcast_in_dim3A_718 = vector.broadcast %broadcast_in_dim3A_717 : i32 to vector<16xi32>
      %gather3A_719 = tpu.vector_load_idx %arg17[%broadcast_in_dim3A_718] : memref<48xf32, #tpu.memory_space<vmem>>[vector<16xi32>], vector<16xf32>,
      %broadcast_in_dim3A_720 = arith.constant 45 : i32
      %broadcast_in_dim3A_721 = vector.broadcast %broadcast_in_dim3A_720 : i32 to vector<16xi32>
      %gather3A_722 = tpu.vector_load_idx %arg17[%broadcast_in_dim3A_721] : memref<48xf32, #tpu.memory_space<vmem>>[vector<16xi32>], vector<16xf32>,
      %broadcast_in_dim3A_723 = arith.constant 46 : i32
      %broadcast_in_dim3A_724 = vector.broadcast %broadcast_in_dim3A_723 : i32 to vector<16xi32>
      %gather3A_725 = tpu.vector_load_idx %arg17[%broadcast_in_dim3A_724] : memref<48xf32, #tpu.memory_space<vmem>>[vector<16xi32>], vector<16xf32>,
      %broadcast_in_dim3A_726 = arith.constant 47 : i32
      %broadcast_in_dim3A_727 = vector.broadcast %broadcast_in_dim3A_726 : i32 to vector<16xi32>
      %gather3A_728 = tpu.vector_load_idx %arg17[%broadcast_in_dim3A_727] : memref<48xf32, #tpu.memory_space<vmem>>[vector<16xi32>], vector<16xf32>,
      %scan3A_729 = arith.constant 0 : i32
      %scan3A_730 = arith.constant 0 : i32
      %scan3A_731 = arith.constant 64 : i32
      %scan3A_732 = arith.addi %scan3A_730, %scan3A_731 : i32
      %scan3A_733 = arith.constant 1 : i32
      %scan3A_734 = scf.for %scan3A_1410 = %scan3A_730 to %scan3A_732 step %scan3A_733 iter_args(%scan3A_1411 = %scan3A_729) -> (i32)  : i32 {
        %mul3A_1412 = arith.constant 16 : i32
        %mul3A_1413 = arith.muli %scan3A_1410, %mul3A_1412 : i32
        %get3A = arith.index_cast %mul3A_1413 : i32 to index
        %get3A_1414 = tpu.vector_load %arg14[%get3A] {strides = array<i32>} : memref<1024xf32, #tpu.memory_space<vmem>>, vector<16xf32>,
        %get3A_1415 = arith.index_cast %mul3A_1413 : i32 to index
        %get3A_1416 = tpu.vector_load %arg15[%get3A_1415] {strides = array<i32>} : memref<1024xf32, #tpu.memory_space<vmem>>, vector<16xf32>,
        %get3A_1417 = arith.constant 0 : i32
        %get3A_1418 = arith.constant 8 : i32
        %get3A_1419 = arith.index_cast %get3A_1417 : i32 to index
        %get3A_1420 = arith.index_cast %get3A_1418 : i32 to index
        %get3A_1421 = arith.index_cast %mul3A_1413 : i32 to index
        %get3A_1422 = tpu.vector_load %arg11[%get3A_1419, %get3A_1420, %get3A_1421] {strides = array<i32>} : memref<2x16x1024xf32, #tpu.memory_space<vmem>>, vector<16xf32>,
        %sub3A_1423 = arith.subf %get3A_1422, %gather3A_683 : vector<16xf32>
        %mul3A_1424 = arith.mulf %sub3A_1423, %gather3A_707 : vector<16xf32>
        %mul3A_1425 = arith.mulf %mul3A_1424, %get3A_1414 : vector<16xf32>
        %add3A_1426 = arith.addf %mul3A_1425, %get3A_1416 : vector<16xf32>
        %swap3A_1427 = arith.constant 0 : i32
        %swap3A_1428 = arith.constant 8 : i32
        %swap3A_1429 = arith.index_cast %swap3A_1427 : i32 to index
        %swap3A_1430 = arith.index_cast %swap3A_1428 : i32 to index
        %swap3A_1431 = arith.index_cast %mul3A_1413 : i32 to index
        %swap3A_1432 = tpu.vector_load %arg11[%swap3A_1429, %swap3A_1430, %swap3A_1431] {strides = array<i32>} : memref<2x16x1024xf32, #tpu.memory_space<vmem>>, vector<16xf32>,
        tpu.vector_store %arg11[%swap3A_1429, %swap3A_1430, %swap3A_1431], %add3A_1426 {strides = array<i32>} : memref<2x16x1024xf32, #tpu.memory_space<vmem>>, vector<16xf32>,
        %get3A_1433 = arith.constant 0 : i32
        %get3A_1434 = arith.constant 9 : i32
        %get3A_1435 = arith.index_cast %get3A_1433 : i32 to index
        %get3A_1436 = arith.index_cast %get3A_1434 : i32 to index
        %get3A_1437 = arith.index_cast %mul3A_1413 : i32 to index
        %get3A_1438 = tpu.vector_load %arg11[%get3A_1435, %get3A_1436, %get3A_1437] {strides = array<i32>} : memref<2x16x1024xf32, #tpu.memory_space<vmem>>, vector<16xf32>,
        %sub3A_1439 = arith.subf %get3A_1438, %gather3A_686 : vector<16xf32>
        %mul3A_1440 = arith.mulf %sub3A_1439, %gather3A_710 : vector<16xf32>
        %mul3A_1441 = arith.mulf %mul3A_1440, %get3A_1414 : vector<16xf32>
        %add3A_1442 = arith.addf %mul3A_1441, %get3A_1416 : vector<16xf32>
        %swap3A_1443 = arith.constant 0 : i32
        %swap3A_1444 = arith.constant 9 : i32
        %swap3A_1445 = arith.index_cast %swap3A_1443 : i32 to index
        %swap3A_1446 = arith.index_cast %swap3A_1444 : i32 to index
        %swap3A_1447 = arith.index_cast %mul3A_1413 : i32 to index
        %swap3A_1448 = tpu.vector_load %arg11[%swap3A_1445, %swap3A_1446, %swap3A_1447] {strides = array<i32>} : memref<2x16x1024xf32, #tpu.memory_space<vmem>>, vector<16xf32>,
        tpu.vector_store %arg11[%swap3A_1445, %swap3A_1446, %swap3A_1447], %add3A_1442 {strides = array<i32>} : memref<2x16x1024xf32, #tpu.memory_space<vmem>>, vector<16xf32>,
        %get3A_1449 = arith.constant 0 : i32
        %get3A_1450 = arith.constant 10 : i32
        %get3A_1451 = arith.index_cast %get3A_1449 : i32 to index
        %get3A_1452 = arith.index_cast %get3A_1450 : i32 to index
        %get3A_1453 = arith.index_cast %mul3A_1413 : i32 to index
        %get3A_1454 = tpu.vector_load %arg11[%get3A_1451, %get3A_1452, %get3A_1453] {strides = array<i32>} : memref<2x16x1024xf32, #tpu.memory_space<vmem>>, vector<16xf32>,
        %sub3A_1455 = arith.subf %get3A_1454, %gather3A_689 : vector<16xf32>
        %mul3A_1456 = arith.mulf %sub3A_1455, %gather3A_713 : vector<16xf32>
        %mul3A_1457 = arith.mulf %mul3A_1456, %get3A_1414 : vector<16xf32>
        %add3A_1458 = arith.addf %mul3A_1457, %get3A_1416 : vector<16xf32>
        %swap3A_1459 = arith.constant 0 : i32
        %swap3A_1460 = arith.constant 10 : i32
        %swap3A_1461 = arith.index_cast %swap3A_1459 : i32 to index
        %swap3A_1462 = arith.index_cast %swap3A_1460 : i32 to index
        %swap3A_1463 = arith.index_cast %mul3A_1413 : i32 to index
        %swap3A_1464 = tpu.vector_load %arg11[%swap3A_1461, %swap3A_1462, %swap3A_1463] {strides = array<i32>} : memref<2x16x1024xf32, #tpu.memory_space<vmem>>, vector<16xf32>,
        tpu.vector_store %arg11[%swap3A_1461, %swap3A_1462, %swap3A_1463], %add3A_1458 {strides = array<i32>} : memref<2x16x1024xf32, #tpu.memory_space<vmem>>, vector<16xf32>,
        %get3A_1465 = arith.constant 0 : i32
        %get3A_1466 = arith.constant 11 : i32
        %get3A_1467 = arith.index_cast %get3A_1465 : i32 to index
        %get3A_1468 = arith.index_cast %get3A_1466 : i32 to index
        %get3A_1469 = arith.index_cast %mul3A_1413 : i32 to index
        %get3A_1470 = tpu.vector_load %arg11[%get3A_1467, %get3A_1468, %get3A_1469] {strides = array<i32>} : memref<2x16x1024xf32, #tpu.memory_space<vmem>>, vector<16xf32>,
        %sub3A_1471 = arith.subf %get3A_1470, %gather3A_692 : vector<16xf32>
        %mul3A_1472 = arith.mulf %sub3A_1471, %gather3A_716 : vector<16xf32>
        %mul3A_1473 = arith.mulf %mul3A_1472, %get3A_1414 : vector<16xf32>
        %add3A_1474 = arith.addf %mul3A_1473, %get3A_1416 : vector<16xf32>
        %swap3A_1475 = arith.constant 0 : i32
        %swap3A_1476 = arith.constant 11 : i32
        %swap3A_1477 = arith.index_cast %swap3A_1475 : i32 to index
        %swap3A_1478 = arith.index_cast %swap3A_1476 : i32 to index
        %swap3A_1479 = arith.index_cast %mul3A_1413 : i32 to index
        %swap3A_1480 = tpu.vector_load %arg11[%swap3A_1477, %swap3A_1478, %swap3A_1479] {strides = array<i32>} : memref<2x16x1024xf32, #tpu.memory_space<vmem>>, vector<16xf32>,
        tpu.vector_store %arg11[%swap3A_1477, %swap3A_1478, %swap3A_1479], %add3A_1474 {strides = array<i32>} : memref<2x16x1024xf32, #tpu.memory_space<vmem>>, vector<16xf32>,
        %get3A_1481 = arith.constant 0 : i32
        %get3A_1482 = arith.constant 12 : i32
        %get3A_1483 = arith.index_cast %get3A_1481 : i32 to index
        %get3A_1484 = arith.index_cast %get3A_1482 : i32 to index
        %get3A_1485 = arith.index_cast %mul3A_1413 : i32 to index
        %get3A_1486 = tpu.vector_load %arg11[%get3A_1483, %get3A_1484, %get3A_1485] {strides = array<i32>} : memref<2x16x1024xf32, #tpu.memory_space<vmem>>, vector<16xf32>,
        %sub3A_1487 = arith.subf %get3A_1486, %gather3A_695 : vector<16xf32>
        %mul3A_1488 = arith.mulf %sub3A_1487, %gather3A_719 : vector<16xf32>
        %mul3A_1489 = arith.mulf %mul3A_1488, %get3A_1414 : vector<16xf32>
        %add3A_1490 = arith.addf %mul3A_1489, %get3A_1416 : vector<16xf32>
        %swap3A_1491 = arith.constant 0 : i32
        %swap3A_1492 = arith.constant 12 : i32
        %swap3A_1493 = arith.index_cast %swap3A_1491 : i32 to index
        %swap3A_1494 = arith.index_cast %swap3A_1492 : i32 to index
        %swap3A_1495 = arith.index_cast %mul3A_1413 : i32 to index
        %swap3A_1496 = tpu.vector_load %arg11[%swap3A_1493, %swap3A_1494, %swap3A_1495] {strides = array<i32>} : memref<2x16x1024xf32, #tpu.memory_space<vmem>>, vector<16xf32>,
        tpu.vector_store %arg11[%swap3A_1493, %swap3A_1494, %swap3A_1495], %add3A_1490 {strides = array<i32>} : memref<2x16x1024xf32, #tpu.memory_space<vmem>>, vector<16xf32>,
        %get3A_1497 = arith.constant 0 : i32
        %get3A_1498 = arith.constant 13 : i32
        %get3A_1499 = arith.index_cast %get3A_1497 : i32 to index
        %get3A_1500 = arith.index_cast %get3A_1498 : i32 to index
        %get3A_1501 = arith.index_cast %mul3A_1413 : i32 to index
        %get3A_1502 = tpu.vector_load %arg11[%get3A_1499, %get3A_1500, %get3A_1501] {strides = array<i32>} : memref<2x16x1024xf32, #tpu.memory_space<vmem>>, vector<16xf32>,
        %sub3A_1503 = arith.subf %get3A_1502, %gather3A_698 : vector<16xf32>
        %mul3A_1504 = arith.mulf %sub3A_1503, %gather3A_722 : vector<16xf32>
        %mul3A_1505 = arith.mulf %mul3A_1504, %get3A_1414 : vector<16xf32>
        %add3A_1506 = arith.addf %mul3A_1505, %get3A_1416 : vector<16xf32>
        %swap3A_1507 = arith.constant 0 : i32
        %swap3A_1508 = arith.constant 13 : i32
        %swap3A_1509 = arith.index_cast %swap3A_1507 : i32 to index
        %swap3A_1510 = arith.index_cast %swap3A_1508 : i32 to index
        %swap3A_1511 = arith.index_cast %mul3A_1413 : i32 to index
        %swap3A_1512 = tpu.vector_load %arg11[%swap3A_1509, %swap3A_1510, %swap3A_1511] {strides = array<i32>} : memref<2x16x1024xf32, #tpu.memory_space<vmem>>, vector<16xf32>,
        tpu.vector_store %arg11[%swap3A_1509, %swap3A_1510, %swap3A_1511], %add3A_1506 {strides = array<i32>} : memref<2x16x1024xf32, #tpu.memory_space<vmem>>, vector<16xf32>,
        %get3A_1513 = arith.constant 0 : i32
        %get3A_1514 = arith.constant 14 : i32
        %get3A_1515 = arith.index_cast %get3A_1513 : i32 to index
        %get3A_1516 = arith.index_cast %get3A_1514 : i32 to index
        %get3A_1517 = arith.index_cast %mul3A_1413 : i32 to index
        %get3A_1518 = tpu.vector_load %arg11[%get3A_1515, %get3A_1516, %get3A_1517] {strides = array<i32>} : memref<2x16x1024xf32, #tpu.memory_space<vmem>>, vector<16xf32>,
        %sub3A_1519 = arith.subf %get3A_1518, %gather3A_701 : vector<16xf32>
        %mul3A_1520 = arith.mulf %sub3A_1519, %gather3A_725 : vector<16xf32>
        %mul3A_1521 = arith.mulf %mul3A_1520, %get3A_1414 : vector<16xf32>
        %add3A_1522 = arith.addf %mul3A_1521, %get3A_1416 : vector<16xf32>
        %swap3A_1523 = arith.constant 0 : i32
        %swap3A_1524 = arith.constant 14 : i32
        %swap3A_1525 = arith.index_cast %swap3A_1523 : i32 to index
        %swap3A_1526 = arith.index_cast %swap3A_1524 : i32 to index
        %swap3A_1527 = arith.index_cast %mul3A_1413 : i32 to index
        %swap3A_1528 = tpu.vector_load %arg11[%swap3A_1525, %swap3A_1526, %swap3A_1527] {strides = array<i32>} : memref<2x16x1024xf32, #tpu.memory_space<vmem>>, vector<16xf32>,
        tpu.vector_store %arg11[%swap3A_1525, %swap3A_1526, %swap3A_1527], %add3A_1522 {strides = array<i32>} : memref<2x16x1024xf32, #tpu.memory_space<vmem>>, vector<16xf32>,
        %get3A_1529 = arith.constant 0 : i32
        %get3A_1530 = arith.constant 15 : i32
        %get3A_1531 = arith.index_cast %get3A_1529 : i32 to index
        %get3A_1532 = arith.index_cast %get3A_1530 : i32 to index
        %get3A_1533 = arith.index_cast %mul3A_1413 : i32 to index
        %get3A_1534 = tpu.vector_load %arg11[%get3A_1531, %get3A_1532, %get3A_1533] {strides = array<i32>} : memref<2x16x1024xf32, #tpu.memory_space<vmem>>, vector<16xf32>,
        %sub3A_1535 = arith.subf %get3A_1534, %gather3A_704 : vector<16xf32>
        %mul3A_1536 = arith.mulf %sub3A_1535, %gather3A_728 : vector<16xf32>
        %mul3A_1537 = arith.mulf %mul3A_1536, %get3A_1414 : vector<16xf32>
        %add3A_1538 = arith.addf %mul3A_1537, %get3A_1416 : vector<16xf32>
        %swap3A_1539 = arith.constant 0 : i32
        %swap3A_1540 = arith.constant 15 : i32
        %swap3A_1541 = arith.index_cast %swap3A_1539 : i32 to index
        %swap3A_1542 = arith.index_cast %swap3A_1540 : i32 to index
        %swap3A_1543 = arith.index_cast %mul3A_1413 : i32 to index
        %swap3A_1544 = tpu.vector_load %arg11[%swap3A_1541, %swap3A_1542, %swap3A_1543] {strides = array<i32>} : memref<2x16x1024xf32, #tpu.memory_space<vmem>>, vector<16xf32>,
        tpu.vector_store %arg11[%swap3A_1541, %swap3A_1542, %swap3A_1543], %add3A_1538 {strides = array<i32>} : memref<2x16x1024xf32, #tpu.memory_space<vmem>>, vector<16xf32>,
        %scan3A_1545 = arith.constant 0 : i32
        scf.yield %scan3A_1545 : i32
      }
      %scan3A_735 = arith.constant 64 : i32
      %mul3A_736 = arith.constant 16 : i32
      %mul3A_737 = arith.muli %mul3A_78, %mul3A_736 : i32
      %add3A_738 = arith.addi %mul3A_2, %mul3A_737 : i32
      %add3A_739 = arith.constant 8 : i32
      %add3A_740 = arith.addi %add3A_738, %add3A_739 : i32
      %dma_start3A_741 = arith.constant 0 : i32
      %dma_start3A_742 = arith.constant 0 : i32
      %dma_start3A_743 = arith.constant 8 : i32
      %dma_start3A_744 = arith.constant 0 : i32
      %dma_start3A_745 = tpu.memref_slice %arg11[%dma_start3A_741, %dma_start3A_743, %dma_start3A_744] : memref<2x16x1024xf32, #tpu.memory_space<vmem>> -> memref<1x8x1024xf32, #tpu.memory_space<vmem>>
      %dma_start3A_746 = tpu.memref_squeeze %dma_start3A_745 : memref<1x8x1024xf32, #tpu.memory_space<vmem>> -> memref<8x1024xf32, #tpu.memory_space<vmem>>
      %dma_start3A_747 = arith.constant 0 : i32
      %dma_start3A_748 = tpu.memref_slice %arg9[%add3A_740, %dma_start3A_747] : memref<8192x1024xf32, #tpu.memory_space<hbm>> -> memref<8x1024xf32, #tpu.memory_space<hbm>>
      %dma_start3A_749 = tpu.memref_slice %arg20[%dma_start3A_742] : memref<2x!tpu.dma_semaphore, #tpu.memory_space<semaphore_mem>> -> memref<1x!tpu.dma_semaphore, #tpu.memory_space<semaphore_mem>>
      %dma_start3A_750 = tpu.memref_squeeze %dma_start3A_749 : memref<1x!tpu.dma_semaphore, #tpu.memory_space<semaphore_mem>> -> memref<!tpu.dma_semaphore, #tpu.memory_space<semaphore_mem>>
      %dma_start3A_751 = arith.constant 0 : i32
      %dma_start3A_752 = tpu.memref_slice %arg9[%add3A_740, %dma_start3A_751] : memref<8192x1024xf32, #tpu.memory_space<hbm>> -> memref<8x1024xf32, #tpu.memory_space<hbm>>
      %dma_start3A_753 = arith.constant 8 : i32
      %dma_start3A_754 = arith.constant 0 : i32
      %dma_start3A_755 = tpu.memref_slice %arg11[%dma_start3A_741, %dma_start3A_753, %dma_start3A_754] : memref<2x16x1024xf32, #tpu.memory_space<vmem>> -> memref<1x8x1024xf32, #tpu.memory_space<vmem>>
      %dma_start3A_756 = tpu.memref_squeeze %dma_start3A_755 : memref<1x8x1024xf32, #tpu.memory_space<vmem>> -> memref<8x1024xf32, #tpu.memory_space<vmem>>
      tpu.enqueue_dma source(%dma_start3A_756 : memref<8x1024xf32, #tpu.memory_space<vmem>>) target(%dma_start3A_752 : memref<8x1024xf32, #tpu.memory_space<hbm>>) target_semaphore(%dma_start3A_750 : memref<!tpu.dma_semaphore, #tpu.memory_space<semaphore_mem>>)
      %add3A_757 = arith.constant 1 : i32
      %add3A_758 = arith.addi %scan3A_75, %add3A_757 : i32
      %lt3A = arith.constant 8 : i32
      %lt3A_759 = arith.cmpi slt, %add3A_758, %lt3A : i32
      %convert_element_type3A_760 = arith.extui %lt3A_759 : i1 to i32
      %cond3A_761 = arith.constant 0 : i32
      %cond3A_762 = arith.cmpi ne, %convert_element_type3A_760, %cond3A_761 : i32
      scf.if %cond3A_762 {
        %mul3A_1410 = arith.constant 16 : i32
        %mul3A_1411 = arith.muli %mul3A_78, %mul3A_1410 : i32
        %add3A_1412 = arith.addi %mul3A_2, %mul3A_1411 : i32
        %dma_wait3A_1413 = arith.constant 0 : i32
        %dma_wait3A_1414 = arith.constant 0 : i32
        %dma_wait3A_1415 = arith.constant 0 : i32
        %dma_wait3A_1416 = arith.constant 0 : i32
        %dma_wait3A_1417 = tpu.memref_slice %arg11[%dma_wait3A_1413, %dma_wait3A_1415, %dma_wait3A_1416] : memref<2x16x1024xf32, #tpu.memory_space<vmem>> -> memref<1x16x1024xf32, #tpu.memory_space<vmem>>
        %dma_wait3A_1418 = tpu.memref_squeeze %dma_wait3A_1417 : memref<1x16x1024xf32, #tpu.memory_space<vmem>> -> memref<16x1024xf32, #tpu.memory_space<vmem>>
        %dma_wait3A_1419 = arith.constant 0 : i32
        %dma_wait3A_1420 = tpu.memref_slice %arg9[%add3A_1412, %dma_wait3A_1419] : memref<8192x1024xf32, #tpu.memory_space<hbm>> -> memref<16x1024xf32, #tpu.memory_space<hbm>>
        %dma_wait3A_1421 = tpu.memref_slice %arg20[%dma_wait3A_1414] : memref<2x!tpu.dma_semaphore, #tpu.memory_space<semaphore_mem>> -> memref<1x!tpu.dma_semaphore, #tpu.memory_space<semaphore_mem>>
        %dma_wait3A_1422 = tpu.memref_squeeze %dma_wait3A_1421 : memref<1x!tpu.dma_semaphore, #tpu.memory_space<semaphore_mem>> -> memref<!tpu.dma_semaphore, #tpu.memory_space<semaphore_mem>>
        %dma_wait3A_1423 = arith.constant 0 : i32
        %dma_wait3A_1424 = tpu.memref_slice %arg9[%add3A_1412, %dma_wait3A_1423] : memref<8192x1024xf32, #tpu.memory_space<hbm>> -> memref<16x1024xf32, #tpu.memory_space<hbm>>
        %dma_wait3A_1425 = arith.constant 0 : i32
        %dma_wait3A_1426 = arith.constant 0 : i32
        %dma_wait3A_1427 = tpu.memref_slice %arg11[%dma_wait3A_1413, %dma_wait3A_1425, %dma_wait3A_1426] : memref<2x16x1024xf32, #tpu.memory_space<vmem>> -> memref<1x16x1024xf32, #tpu.memory_space<vmem>>
        %dma_wait3A_1428 = tpu.memref_squeeze %dma_wait3A_1427 : memref<1x16x1024xf32, #tpu.memory_space<vmem>> -> memref<16x1024xf32, #tpu.memory_space<vmem>>
        tpu.wait_dma2 semaphore(%dma_wait3A_1422 : memref<!tpu.dma_semaphore, #tpu.memory_space<semaphore_mem>>) src(%dma_wait3A_1428 : memref<16x1024xf32, #tpu.memory_space<vmem>>) dst(%dma_wait3A_1424 : memref<16x1024xf32, #tpu.memory_space<hbm>>)
        %add3A_1429 = arith.constant 1 : i32
        %add3A_1430 = arith.addi %add3A_82, %add3A_1429 : i32
        %mul3A_1431 = arith.constant 16 : i32
        %mul3A_1432 = arith.muli %add3A_1430, %mul3A_1431 : i32
        %dma_start3A_1433 = arith.constant 0 : i32
        %dma_start3A_1434 = arith.constant 0 : i32
        %dma_start3A_1435 = arith.constant 0 : i32
        %dma_start3A_1436 = arith.constant 0 : i32
        %dma_start3A_1437 = tpu.memref_slice %arg11[%dma_start3A_1433, %dma_start3A_1435, %dma_start3A_1436] : memref<2x16x1024xf32, #tpu.memory_space<vmem>> -> memref<1x16x1024xf32, #tpu.memory_space<vmem>>
        %dma_start3A_1438 = tpu.memref_squeeze %dma_start3A_1437 : memref<1x16x1024xf32, #tpu.memory_space<vmem>> -> memref<16x1024xf32, #tpu.memory_space<vmem>>
        %dma_start3A_1439 = tpu.memref_slice %arg10[%mul3A_1432] : memref<512xi32, #tpu.memory_space<vmem>> -> memref<16xi32, #tpu.memory_space<vmem>>
        %dma_start3A_1440 = arith.constant 0 : i32
        %dma_start3A_1441 = arith.constant 0 : i32
        %dma_start3A_1442 = tpu.memref_slice %arg4[%dma_start3A_1440, %dma_start3A_1441] : memref<30522x1024xf32, #tpu.memory_space<hbm>> -> memref<30522x1024xf32, #tpu.memory_space<hbm>>
        %dma_start3A_1443 = tpu.memref_slice %arg18[%dma_start3A_1434] : memref<2x!tpu.dma_semaphore, #tpu.memory_space<semaphore_mem>> -> memref<1x!tpu.dma_semaphore, #tpu.memory_space<semaphore_mem>>
        %dma_start3A_1444 = tpu.memref_squeeze %dma_start3A_1443 : memref<1x!tpu.dma_semaphore, #tpu.memory_space<semaphore_mem>> -> memref<!tpu.dma_semaphore, #tpu.memory_space<semaphore_mem>>
        tpu.enqueue_indirect_dma source(%dma_start3A_1442 : memref<30522x1024xf32, #tpu.memory_space<hbm>>) target(%dma_start3A_1438 : memref<16x1024xf32, #tpu.memory_space<vmem>>) offsets(%dma_start3A_1439 : memref<16xi32, #tpu.memory_space<vmem>>) semaphore(%dma_start3A_1444 : memref<!tpu.dma_semaphore, #tpu.memory_space<semaphore_mem>>)
        %mul3A_1445 = arith.constant 16 : i32
        %mul3A_1446 = arith.muli %add3A_1430, %mul3A_1445 : i32
        %add3A_1447 = arith.addi %rem3A_3, %mul3A_1446 : i32
        %dma_start3A_1448 = arith.constant 0 : i32
        %dma_start3A_1449 = arith.constant 0 : i32
        %dma_start3A_1450 = arith.constant 0 : i32
        %dma_start3A_1451 = arith.constant 0 : i32
        %dma_start3A_1452 = tpu.memref_slice %arg12[%dma_start3A_1448, %dma_start3A_1450, %dma_start3A_1451] : memref<2x16x1024xf32, #tpu.memory_space<vmem>> -> memref<1x16x1024xf32, #tpu.memory_space<vmem>>
        %dma_start3A_1453 = tpu.memref_squeeze %dma_start3A_1452 : memref<1x16x1024xf32, #tpu.memory_space<vmem>> -> memref<16x1024xf32, #tpu.memory_space<vmem>>
        %dma_start3A_1454 = arith.constant 0 : i32
        %dma_start3A_1455 = tpu.memref_slice %arg6[%add3A_1447, %dma_start3A_1454] : memref<2048x1024xf32, #tpu.memory_space<hbm>> -> memref<16x1024xf32, #tpu.memory_space<hbm>>
        %dma_start3A_1456 = tpu.memref_slice %arg19[%dma_start3A_1449] : memref<2x!tpu.dma_semaphore, #tpu.memory_space<semaphore_mem>> -> memref<1x!tpu.dma_semaphore, #tpu.memory_space<semaphore_mem>>
        %dma_start3A_1457 = tpu.memref_squeeze %dma_start3A_1456 : memref<1x!tpu.dma_semaphore, #tpu.memory_space<semaphore_mem>> -> memref<!tpu.dma_semaphore, #tpu.memory_space<semaphore_mem>>
        %dma_start3A_1458 = arith.constant 0 : i32
        %dma_start3A_1459 = arith.constant 0 : i32
        %dma_start3A_1460 = tpu.memref_slice %arg12[%dma_start3A_1448, %dma_start3A_1458, %dma_start3A_1459] : memref<2x16x1024xf32, #tpu.memory_space<vmem>> -> memref<1x16x1024xf32, #tpu.memory_space<vmem>>
        %dma_start3A_1461 = tpu.memref_squeeze %dma_start3A_1460 : memref<1x16x1024xf32, #tpu.memory_space<vmem>> -> memref<16x1024xf32, #tpu.memory_space<vmem>>
        %dma_start3A_1462 = arith.constant 0 : i32
        %dma_start3A_1463 = tpu.memref_slice %arg6[%add3A_1447, %dma_start3A_1462] : memref<2048x1024xf32, #tpu.memory_space<hbm>> -> memref<16x1024xf32, #tpu.memory_space<hbm>>
        tpu.enqueue_dma source(%dma_start3A_1463 : memref<16x1024xf32, #tpu.memory_space<hbm>>) target(%dma_start3A_1461 : memref<16x1024xf32, #tpu.memory_space<vmem>>) target_semaphore(%dma_start3A_1457 : memref<!tpu.dma_semaphore, #tpu.memory_space<semaphore_mem>>)
      } else {
      }
      %mul3A_763 = arith.constant 16 : i32
      %mul3A_764 = arith.muli %add3A_82, %mul3A_763 : i32
      %dma_wait3A_765 = arith.constant 1 : i32
      %dma_wait3A_766 = arith.constant 1 : i32
      %dma_wait3A_767 = arith.constant 0 : i32
      %dma_wait3A_768 = arith.constant 0 : i32
      %dma_wait3A_769 = tpu.memref_slice %arg11[%dma_wait3A_765, %dma_wait3A_767, %dma_wait3A_768] : memref<2x16x1024xf32, #tpu.memory_space<vmem>> -> memref<1x16x1024xf32, #tpu.memory_space<vmem>>
      %dma_wait3A_770 = tpu.memref_squeeze %dma_wait3A_769 : memref<1x16x1024xf32, #tpu.memory_space<vmem>> -> memref<16x1024xf32, #tpu.memory_space<vmem>>
      %dma_wait3A_771 = tpu.memref_slice %arg10[%mul3A_764] : memref<512xi32, #tpu.memory_space<vmem>> -> memref<16xi32, #tpu.memory_space<vmem>>
      %dma_wait3A_772 = arith.constant 0 : i32
      %dma_wait3A_773 = arith.constant 0 : i32
      %dma_wait3A_774 = tpu.memref_slice %arg4[%dma_wait3A_772, %dma_wait3A_773] : memref<30522x1024xf32, #tpu.memory_space<hbm>> -> memref<30522x1024xf32, #tpu.memory_space<hbm>>
      %dma_wait3A_775 = tpu.memref_slice %arg18[%dma_wait3A_766] : memref<2x!tpu.dma_semaphore, #tpu.memory_space<semaphore_mem>> -> memref<1x!tpu.dma_semaphore, #tpu.memory_space<semaphore_mem>>
      %dma_wait3A_776 = tpu.memref_squeeze %dma_wait3A_775 : memref<1x!tpu.dma_semaphore, #tpu.memory_space<semaphore_mem>> -> memref<!tpu.dma_semaphore, #tpu.memory_space<semaphore_mem>>
      tpu.wait_indirect_dma semaphore(%dma_wait3A_776 : memref<!tpu.dma_semaphore, #tpu.memory_space<semaphore_mem>>) src(%dma_wait3A_774 : memref<30522x1024xf32, #tpu.memory_space<hbm>>) dst(%dma_wait3A_770 : memref<16x1024xf32, #tpu.memory_space<vmem>>)
      %mul3A_777 = arith.constant 16 : i32
      %mul3A_778 = arith.muli %add3A_82, %mul3A_777 : i32
      %add3A_779 = arith.addi %rem3A_3, %mul3A_778 : i32
      %dma_wait3A_780 = arith.constant 1 : i32
      %dma_wait3A_781 = arith.constant 1 : i32
      %dma_wait3A_782 = arith.constant 0 : i32
      %dma_wait3A_783 = arith.constant 0 : i32
      %dma_wait3A_784 = tpu.memref_slice %arg12[%dma_wait3A_780, %dma_wait3A_782, %dma_wait3A_783] : memref<2x16x1024xf32, #tpu.memory_space<vmem>> -> memref<1x16x1024xf32, #tpu.memory_space<vmem>>
      %dma_wait3A_785 = tpu.memref_squeeze %dma_wait3A_784 : memref<1x16x1024xf32, #tpu.memory_space<vmem>> -> memref<16x1024xf32, #tpu.memory_space<vmem>>
      %dma_wait3A_786 = arith.constant 0 : i32
      %dma_wait3A_787 = tpu.memref_slice %arg6[%add3A_779, %dma_wait3A_786] : memref<2048x1024xf32, #tpu.memory_space<hbm>> -> memref<16x1024xf32, #tpu.memory_space<hbm>>
      %dma_wait3A_788 = tpu.memref_slice %arg19[%dma_wait3A_781] : memref<2x!tpu.dma_semaphore, #tpu.memory_space<semaphore_mem>> -> memref<1x!tpu.dma_semaphore, #tpu.memory_space<semaphore_mem>>
      %dma_wait3A_789 = tpu.memref_squeeze %dma_wait3A_788 : memref<1x!tpu.dma_semaphore, #tpu.memory_space<semaphore_mem>> -> memref<!tpu.dma_semaphore, #tpu.memory_space<semaphore_mem>>
      %dma_wait3A_790 = arith.constant 0 : i32
      %dma_wait3A_791 = arith.constant 0 : i32
      %dma_wait3A_792 = tpu.memref_slice %arg12[%dma_wait3A_780, %dma_wait3A_790, %dma_wait3A_791] : memref<2x16x1024xf32, #tpu.memory_space<vmem>> -> memref<1x16x1024xf32, #tpu.memory_space<vmem>>
      %dma_wait3A_793 = tpu.memref_squeeze %dma_wait3A_792 : memref<1x16x1024xf32, #tpu.memory_space<vmem>> -> memref<16x1024xf32, #tpu.memory_space<vmem>>
      %dma_wait3A_794 = arith.constant 0 : i32
      %dma_wait3A_795 = tpu.memref_slice %arg6[%add3A_779, %dma_wait3A_794] : memref<2048x1024xf32, #tpu.memory_space<hbm>> -> memref<16x1024xf32, #tpu.memory_space<hbm>>
      tpu.wait_dma2 semaphore(%dma_wait3A_789 : memref<!tpu.dma_semaphore, #tpu.memory_space<semaphore_mem>>) src(%dma_wait3A_795 : memref<16x1024xf32, #tpu.memory_space<hbm>>) dst(%dma_wait3A_793 : memref<16x1024xf32, #tpu.memory_space<vmem>>)
      %mul3A_796 = arith.constant 16 : i32
      %mul3A_797 = arith.muli %add3A_82, %mul3A_796 : i32
      %add3A_798 = arith.constant 256 : i32
      %add3A_799 = arith.addi %add3A_798, %mul3A_797 : i32
      %add3A_800 = arith.constant 0 : i32
      %add3A_801 = arith.addi %add3A_799, %add3A_800 : i32
      %broadcast_in_dim3A_802 = vector.broadcast %add3A_801 : i32 to vector<16xi32>
      %gather3A_803 = tpu.vector_load_idx %arg10[%broadcast_in_dim3A_802] : memref<512xi32, #tpu.memory_space<vmem>>[vector<16xi32>], vector<16xi32>,
      %ne3A_804 = arith.constant 0 : i32
      %ne3A_805 = vector.broadcast %ne3A_804 : i32 to vector<16xi32>
      %ne3A_806 = arith.cmpi ne, %gather3A_803, %ne3A_805 : vector<16xi32>
      %mul3A_807 = arith.constant 16 : i32
      %mul3A_808 = arith.muli %add3A_82, %mul3A_807 : i32
      %add3A_809 = arith.constant 256 : i32
      %add3A_810 = arith.addi %add3A_809, %mul3A_808 : i32
      %add3A_811 = arith.constant 1 : i32
      %add3A_812 = arith.addi %add3A_810, %add3A_811 : i32
      %broadcast_in_dim3A_813 = vector.broadcast %add3A_812 : i32 to vector<16xi32>
      %gather3A_814 = tpu.vector_load_idx %arg10[%broadcast_in_dim3A_813] : memref<512xi32, #tpu.memory_space<vmem>>[vector<16xi32>], vector<16xi32>,
      %ne3A_815 = arith.constant 0 : i32
      %ne3A_816 = vector.broadcast %ne3A_815 : i32 to vector<16xi32>
      %ne3A_817 = arith.cmpi ne, %gather3A_814, %ne3A_816 : vector<16xi32>
      %mul3A_818 = arith.constant 16 : i32
      %mul3A_819 = arith.muli %add3A_82, %mul3A_818 : i32
      %add3A_820 = arith.constant 256 : i32
      %add3A_821 = arith.addi %add3A_820, %mul3A_819 : i32
      %add3A_822 = arith.constant 2 : i32
      %add3A_823 = arith.addi %add3A_821, %add3A_822 : i32
      %broadcast_in_dim3A_824 = vector.broadcast %add3A_823 : i32 to vector<16xi32>
      %gather3A_825 = tpu.vector_load_idx %arg10[%broadcast_in_dim3A_824] : memref<512xi32, #tpu.memory_space<vmem>>[vector<16xi32>], vector<16xi32>,
      %ne3A_826 = arith.constant 0 : i32
      %ne3A_827 = vector.broadcast %ne3A_826 : i32 to vector<16xi32>
      %ne3A_828 = arith.cmpi ne, %gather3A_825, %ne3A_827 : vector<16xi32>
      %mul3A_829 = arith.constant 16 : i32
      %mul3A_830 = arith.muli %add3A_82, %mul3A_829 : i32
      %add3A_831 = arith.constant 256 : i32
      %add3A_832 = arith.addi %add3A_831, %mul3A_830 : i32
      %add3A_833 = arith.constant 3 : i32
      %add3A_834 = arith.addi %add3A_832, %add3A_833 : i32
      %broadcast_in_dim3A_835 = vector.broadcast %add3A_834 : i32 to vector<16xi32>
      %gather3A_836 = tpu.vector_load_idx %arg10[%broadcast_in_dim3A_835] : memref<512xi32, #tpu.memory_space<vmem>>[vector<16xi32>], vector<16xi32>,
      %ne3A_837 = arith.constant 0 : i32
      %ne3A_838 = vector.broadcast %ne3A_837 : i32 to vector<16xi32>
      %ne3A_839 = arith.cmpi ne, %gather3A_836, %ne3A_838 : vector<16xi32>
      %mul3A_840 = arith.constant 16 : i32
      %mul3A_841 = arith.muli %add3A_82, %mul3A_840 : i32
      %add3A_842 = arith.constant 256 : i32
      %add3A_843 = arith.addi %add3A_842, %mul3A_841 : i32
      %add3A_844 = arith.constant 4 : i32
      %add3A_845 = arith.addi %add3A_843, %add3A_844 : i32
      %broadcast_in_dim3A_846 = vector.broadcast %add3A_845 : i32 to vector<16xi32>
      %gather3A_847 = tpu.vector_load_idx %arg10[%broadcast_in_dim3A_846] : memref<512xi32, #tpu.memory_space<vmem>>[vector<16xi32>], vector<16xi32>,
      %ne3A_848 = arith.constant 0 : i32
      %ne3A_849 = vector.broadcast %ne3A_848 : i32 to vector<16xi32>
      %ne3A_850 = arith.cmpi ne, %gather3A_847, %ne3A_849 : vector<16xi32>
      %mul3A_851 = arith.constant 16 : i32
      %mul3A_852 = arith.muli %add3A_82, %mul3A_851 : i32
      %add3A_853 = arith.constant 256 : i32
      %add3A_854 = arith.addi %add3A_853, %mul3A_852 : i32
      %add3A_855 = arith.constant 5 : i32
      %add3A_856 = arith.addi %add3A_854, %add3A_855 : i32
      %broadcast_in_dim3A_857 = vector.broadcast %add3A_856 : i32 to vector<16xi32>
      %gather3A_858 = tpu.vector_load_idx %arg10[%broadcast_in_dim3A_857] : memref<512xi32, #tpu.memory_space<vmem>>[vector<16xi32>], vector<16xi32>,
      %ne3A_859 = arith.constant 0 : i32
      %ne3A_860 = vector.broadcast %ne3A_859 : i32 to vector<16xi32>
      %ne3A_861 = arith.cmpi ne, %gather3A_858, %ne3A_860 : vector<16xi32>
      %mul3A_862 = arith.constant 16 : i32
      %mul3A_863 = arith.muli %add3A_82, %mul3A_862 : i32
      %add3A_864 = arith.constant 256 : i32
      %add3A_865 = arith.addi %add3A_864, %mul3A_863 : i32
      %add3A_866 = arith.constant 6 : i32
      %add3A_867 = arith.addi %add3A_865, %add3A_866 : i32
      %broadcast_in_dim3A_868 = vector.broadcast %add3A_867 : i32 to vector<16xi32>
      %gather3A_869 = tpu.vector_load_idx %arg10[%broadcast_in_dim3A_868] : memref<512xi32, #tpu.memory_space<vmem>>[vector<16xi32>], vector<16xi32>,
      %ne3A_870 = arith.constant 0 : i32
      %ne3A_871 = vector.broadcast %ne3A_870 : i32 to vector<16xi32>
      %ne3A_872 = arith.cmpi ne, %gather3A_869, %ne3A_871 : vector<16xi32>
      %mul3A_873 = arith.constant 16 : i32
      %mul3A_874 = arith.muli %add3A_82, %mul3A_873 : i32
      %add3A_875 = arith.constant 256 : i32
      %add3A_876 = arith.addi %add3A_875, %mul3A_874 : i32
      %add3A_877 = arith.constant 7 : i32
      %add3A_878 = arith.addi %add3A_876, %add3A_877 : i32
      %broadcast_in_dim3A_879 = vector.broadcast %add3A_878 : i32 to vector<16xi32>
      %gather3A_880 = tpu.vector_load_idx %arg10[%broadcast_in_dim3A_879] : memref<512xi32, #tpu.memory_space<vmem>>[vector<16xi32>], vector<16xi32>,
      %ne3A_881 = arith.constant 0 : i32
      %ne3A_882 = vector.broadcast %ne3A_881 : i32 to vector<16xi32>
      %ne3A_883 = arith.cmpi ne, %gather3A_880, %ne3A_882 : vector<16xi32>
      %mul3A_884 = arith.constant 16 : i32
      %mul3A_885 = arith.muli %add3A_82, %mul3A_884 : i32
      %add3A_886 = arith.constant 256 : i32
      %add3A_887 = arith.addi %add3A_886, %mul3A_885 : i32
      %add3A_888 = arith.constant 8 : i32
      %add3A_889 = arith.addi %add3A_887, %add3A_888 : i32
      %broadcast_in_dim3A_890 = vector.broadcast %add3A_889 : i32 to vector<16xi32>
      %gather3A_891 = tpu.vector_load_idx %arg10[%broadcast_in_dim3A_890] : memref<512xi32, #tpu.memory_space<vmem>>[vector<16xi32>], vector<16xi32>,
      %ne3A_892 = arith.constant 0 : i32
      %ne3A_893 = vector.broadcast %ne3A_892 : i32 to vector<16xi32>
      %ne3A_894 = arith.cmpi ne, %gather3A_891, %ne3A_893 : vector<16xi32>
      %mul3A_895 = arith.constant 16 : i32
      %mul3A_896 = arith.muli %add3A_82, %mul3A_895 : i32
      %add3A_897 = arith.constant 256 : i32
      %add3A_898 = arith.addi %add3A_897, %mul3A_896 : i32
      %add3A_899 = arith.constant 9 : i32
      %add3A_900 = arith.addi %add3A_898, %add3A_899 : i32
      %broadcast_in_dim3A_901 = vector.broadcast %add3A_900 : i32 to vector<16xi32>
      %gather3A_902 = tpu.vector_load_idx %arg10[%broadcast_in_dim3A_901] : memref<512xi32, #tpu.memory_space<vmem>>[vector<16xi32>], vector<16xi32>,
      %ne3A_903 = arith.constant 0 : i32
      %ne3A_904 = vector.broadcast %ne3A_903 : i32 to vector<16xi32>
      %ne3A_905 = arith.cmpi ne, %gather3A_902, %ne3A_904 : vector<16xi32>
      %mul3A_906 = arith.constant 16 : i32
      %mul3A_907 = arith.muli %add3A_82, %mul3A_906 : i32
      %add3A_908 = arith.constant 256 : i32
      %add3A_909 = arith.addi %add3A_908, %mul3A_907 : i32
      %add3A_910 = arith.constant 10 : i32
      %add3A_911 = arith.addi %add3A_909, %add3A_910 : i32
      %broadcast_in_dim3A_912 = vector.broadcast %add3A_911 : i32 to vector<16xi32>
      %gather3A_913 = tpu.vector_load_idx %arg10[%broadcast_in_dim3A_912] : memref<512xi32, #tpu.memory_space<vmem>>[vector<16xi32>], vector<16xi32>,
      %ne3A_914 = arith.constant 0 : i32
      %ne3A_915 = vector.broadcast %ne3A_914 : i32 to vector<16xi32>
      %ne3A_916 = arith.cmpi ne, %gather3A_913, %ne3A_915 : vector<16xi32>
      %mul3A_917 = arith.constant 16 : i32
      %mul3A_918 = arith.muli %add3A_82, %mul3A_917 : i32
      %add3A_919 = arith.constant 256 : i32
      %add3A_920 = arith.addi %add3A_919, %mul3A_918 : i32
      %add3A_921 = arith.constant 11 : i32
      %add3A_922 = arith.addi %add3A_920, %add3A_921 : i32
      %broadcast_in_dim3A_923 = vector.broadcast %add3A_922 : i32 to vector<16xi32>
      %gather3A_924 = tpu.vector_load_idx %arg10[%broadcast_in_dim3A_923] : memref<512xi32, #tpu.memory_space<vmem>>[vector<16xi32>], vector<16xi32>,
      %ne3A_925 = arith.constant 0 : i32
      %ne3A_926 = vector.broadcast %ne3A_925 : i32 to vector<16xi32>
      %ne3A_927 = arith.cmpi ne, %gather3A_924, %ne3A_926 : vector<16xi32>
      %mul3A_928 = arith.constant 16 : i32
      %mul3A_929 = arith.muli %add3A_82, %mul3A_928 : i32
      %add3A_930 = arith.constant 256 : i32
      %add3A_931 = arith.addi %add3A_930, %mul3A_929 : i32
      %add3A_932 = arith.constant 12 : i32
      %add3A_933 = arith.addi %add3A_931, %add3A_932 : i32
      %broadcast_in_dim3A_934 = vector.broadcast %add3A_933 : i32 to vector<16xi32>
      %gather3A_935 = tpu.vector_load_idx %arg10[%broadcast_in_dim3A_934] : memref<512xi32, #tpu.memory_space<vmem>>[vector<16xi32>], vector<16xi32>,
      %ne3A_936 = arith.constant 0 : i32
      %ne3A_937 = vector.broadcast %ne3A_936 : i32 to vector<16xi32>
      %ne3A_938 = arith.cmpi ne, %gather3A_935, %ne3A_937 : vector<16xi32>
      %mul3A_939 = arith.constant 16 : i32
      %mul3A_940 = arith.muli %add3A_82, %mul3A_939 : i32
      %add3A_941 = arith.constant 256 : i32
      %add3A_942 = arith.addi %add3A_941, %mul3A_940 : i32
      %add3A_943 = arith.constant 13 : i32
      %add3A_944 = arith.addi %add3A_942, %add3A_943 : i32
      %broadcast_in_dim3A_945 = vector.broadcast %add3A_944 : i32 to vector<16xi32>
      %gather3A_946 = tpu.vector_load_idx %arg10[%broadcast_in_dim3A_945] : memref<512xi32, #tpu.memory_space<vmem>>[vector<16xi32>], vector<16xi32>,
      %ne3A_947 = arith.constant 0 : i32
      %ne3A_948 = vector.broadcast %ne3A_947 : i32 to vector<16xi32>
      %ne3A_949 = arith.cmpi ne, %gather3A_946, %ne3A_948 : vector<16xi32>
      %mul3A_950 = arith.constant 16 : i32
      %mul3A_951 = arith.muli %add3A_82, %mul3A_950 : i32
      %add3A_952 = arith.constant 256 : i32
      %add3A_953 = arith.addi %add3A_952, %mul3A_951 : i32
      %add3A_954 = arith.constant 14 : i32
      %add3A_955 = arith.addi %add3A_953, %add3A_954 : i32
      %broadcast_in_dim3A_956 = vector.broadcast %add3A_955 : i32 to vector<16xi32>
      %gather3A_957 = tpu.vector_load_idx %arg10[%broadcast_in_dim3A_956] : memref<512xi32, #tpu.memory_space<vmem>>[vector<16xi32>], vector<16xi32>,
      %ne3A_958 = arith.constant 0 : i32
      %ne3A_959 = vector.broadcast %ne3A_958 : i32 to vector<16xi32>
      %ne3A_960 = arith.cmpi ne, %gather3A_957, %ne3A_959 : vector<16xi32>
      %mul3A_961 = arith.constant 16 : i32
      %mul3A_962 = arith.muli %add3A_82, %mul3A_961 : i32
      %add3A_963 = arith.constant 256 : i32
      %add3A_964 = arith.addi %add3A_963, %mul3A_962 : i32
      %add3A_965 = arith.constant 15 : i32
      %add3A_966 = arith.addi %add3A_964, %add3A_965 : i32
      %broadcast_in_dim3A_967 = vector.broadcast %add3A_966 : i32 to vector<16xi32>
      %gather3A_968 = tpu.vector_load_idx %arg10[%broadcast_in_dim3A_967] : memref<512xi32, #tpu.memory_space<vmem>>[vector<16xi32>], vector<16xi32>,
      %ne3A_969 = arith.constant 0 : i32
      %ne3A_970 = vector.broadcast %ne3A_969 : i32 to vector<16xi32>
      %ne3A_971 = arith.cmpi ne, %gather3A_968, %ne3A_970 : vector<16xi32>
      %broadcast_in_dim3A_972 = arith.constant 0.000000e+00 : f32
      %broadcast_in_dim3A_973 = vector.broadcast %broadcast_in_dim3A_972 : f32 to vector<16xf32>
      %scan3A_974 = arith.constant 0 : i32
      %scan3A_975 = arith.constant 64 : i32
      %scan3A_976 = arith.addi %scan3A_974, %scan3A_975 : i32
      %scan3A_977 = arith.constant 1 : i32
      %scan3A_978:16 = scf.for %scan3A_1410 = %scan3A_974 to %scan3A_976 step %scan3A_977 iter_args(%scan3A_1411 = %broadcast_in_dim3A_973, %scan3A_1412 = %broadcast_in_dim3A_973, %scan3A_1413 = %broadcast_in_dim3A_973, %scan3A_1414 = %broadcast_in_dim3A_973, %scan3A_1415 = %broadcast_in_dim3A_973, %scan3A_1416 = %broadcast_in_dim3A_973, %scan3A_1417 = %broadcast_in_dim3A_973, %scan3A_1418 = %broadcast_in_dim3A_973, %scan3A_1419 = %broadcast_in_dim3A_973, %scan3A_1420 = %broadcast_in_dim3A_973, %scan3A_1421 = %broadcast_in_dim3A_973, %scan3A_1422 = %broadcast_in_dim3A_973, %scan3A_1423 = %broadcast_in_dim3A_973, %scan3A_1424 = %broadcast_in_dim3A_973, %scan3A_1425 = %broadcast_in_dim3A_973, %scan3A_1426 = %broadcast_in_dim3A_973) -> (vector<16xf32>, vector<16xf32>, vector<16xf32>, vector<16xf32>, vector<16xf32>, vector<16xf32>, vector<16xf32>, vector<16xf32>, vector<16xf32>, vector<16xf32>, vector<16xf32>, vector<16xf32>, vector<16xf32>, vector<16xf32>, vector<16xf32>, vector<16xf32>)  : i32 {
        %mul3A_1427 = arith.constant 16 : i32
        %mul3A_1428 = arith.muli %scan3A_1410, %mul3A_1427 : i32
        %get3A = arith.constant 0 : i32
        %get3A_1429 = arith.index_cast %get3A : i32 to index
        %get3A_1430 = arith.index_cast %mul3A_1428 : i32 to index
        %get3A_1431 = tpu.vector_load %arg13[%get3A_1429, %get3A_1430] {strides = array<i32>} : memref<2x1024xf32, #tpu.memory_space<vmem>>, vector<16xf32>,
        %get3A_1432 = arith.constant 1 : i32
        %get3A_1433 = arith.index_cast %get3A_1432 : i32 to index
        %get3A_1434 = arith.index_cast %mul3A_1428 : i32 to index
        %get3A_1435 = tpu.vector_load %arg13[%get3A_1433, %get3A_1434] {strides = array<i32>} : memref<2x1024xf32, #tpu.memory_space<vmem>>, vector<16xf32>,
        %get3A_1436 = arith.constant 1 : i32
        %get3A_1437 = arith.constant 0 : i32
        %get3A_1438 = arith.index_cast %get3A_1436 : i32 to index
        %get3A_1439 = arith.index_cast %get3A_1437 : i32 to index
        %get3A_1440 = arith.index_cast %mul3A_1428 : i32 to index
        %get3A_1441 = tpu.vector_load %arg11[%get3A_1438, %get3A_1439, %get3A_1440] {strides = array<i32>} : memref<2x16x1024xf32, #tpu.memory_space<vmem>>, vector<16xf32>,
        %get3A_1442 = arith.constant 1 : i32
        %get3A_1443 = arith.constant 0 : i32
        %get3A_1444 = arith.index_cast %get3A_1442 : i32 to index
        %get3A_1445 = arith.index_cast %get3A_1443 : i32 to index
        %get3A_1446 = arith.index_cast %mul3A_1428 : i32 to index
        %get3A_1447 = tpu.vector_load %arg12[%get3A_1444, %get3A_1445, %get3A_1446] {strides = array<i32>} : memref<2x16x1024xf32, #tpu.memory_space<vmem>>, vector<16xf32>,
        %add3A_1448 = arith.addf %get3A_1441, %get3A_1447 : vector<16xf32>
        %select_n3A = arith.select %ne3A_806, %get3A_1435, %get3A_1431 : vector<16xi1>, vector<16xf32>
        %add3A_1449 = arith.addf %add3A_1448, %select_n3A : vector<16xf32>
        %swap3A_1450 = arith.constant 1 : i32
        %swap3A_1451 = arith.constant 0 : i32
        %swap3A_1452 = arith.index_cast %swap3A_1450 : i32 to index
        %swap3A_1453 = arith.index_cast %swap3A_1451 : i32 to index
        %swap3A_1454 = arith.index_cast %mul3A_1428 : i32 to index
        %swap3A_1455 = tpu.vector_load %arg11[%swap3A_1452, %swap3A_1453, %swap3A_1454] {strides = array<i32>} : memref<2x16x1024xf32, #tpu.memory_space<vmem>>, vector<16xf32>,
        tpu.vector_store %arg11[%swap3A_1452, %swap3A_1453, %swap3A_1454], %add3A_1449 {strides = array<i32>} : memref<2x16x1024xf32, #tpu.memory_space<vmem>>, vector<16xf32>,
        %add3A_1456 = arith.addf %scan3A_1411, %add3A_1449 : vector<16xf32>
        %mul3A_1457 = arith.mulf %add3A_1449, %add3A_1449 : vector<16xf32>
        %add3A_1458 = arith.addf %scan3A_1412, %mul3A_1457 : vector<16xf32>
        %get3A_1459 = arith.constant 1 : i32
        %get3A_1460 = arith.constant 1 : i32
        %get3A_1461 = arith.index_cast %get3A_1459 : i32 to index
        %get3A_1462 = arith.index_cast %get3A_1460 : i32 to index
        %get3A_1463 = arith.index_cast %mul3A_1428 : i32 to index
        %get3A_1464 = tpu.vector_load %arg11[%get3A_1461, %get3A_1462, %get3A_1463] {strides = array<i32>} : memref<2x16x1024xf32, #tpu.memory_space<vmem>>, vector<16xf32>,
        %get3A_1465 = arith.constant 1 : i32
        %get3A_1466 = arith.constant 1 : i32
        %get3A_1467 = arith.index_cast %get3A_1465 : i32 to index
        %get3A_1468 = arith.index_cast %get3A_1466 : i32 to index
        %get3A_1469 = arith.index_cast %mul3A_1428 : i32 to index
        %get3A_1470 = tpu.vector_load %arg12[%get3A_1467, %get3A_1468, %get3A_1469] {strides = array<i32>} : memref<2x16x1024xf32, #tpu.memory_space<vmem>>, vector<16xf32>,
        %add3A_1471 = arith.addf %get3A_1464, %get3A_1470 : vector<16xf32>
        %select_n3A_1472 = arith.select %ne3A_817, %get3A_1435, %get3A_1431 : vector<16xi1>, vector<16xf32>
        %add3A_1473 = arith.addf %add3A_1471, %select_n3A_1472 : vector<16xf32>
        %swap3A_1474 = arith.constant 1 : i32
        %swap3A_1475 = arith.constant 1 : i32
        %swap3A_1476 = arith.index_cast %swap3A_1474 : i32 to index
        %swap3A_1477 = arith.index_cast %swap3A_1475 : i32 to index
        %swap3A_1478 = arith.index_cast %mul3A_1428 : i32 to index
        %swap3A_1479 = tpu.vector_load %arg11[%swap3A_1476, %swap3A_1477, %swap3A_1478] {strides = array<i32>} : memref<2x16x1024xf32, #tpu.memory_space<vmem>>, vector<16xf32>,
        tpu.vector_store %arg11[%swap3A_1476, %swap3A_1477, %swap3A_1478], %add3A_1473 {strides = array<i32>} : memref<2x16x1024xf32, #tpu.memory_space<vmem>>, vector<16xf32>,
        %add3A_1480 = arith.addf %scan3A_1413, %add3A_1473 : vector<16xf32>
        %mul3A_1481 = arith.mulf %add3A_1473, %add3A_1473 : vector<16xf32>
        %add3A_1482 = arith.addf %scan3A_1414, %mul3A_1481 : vector<16xf32>
        %get3A_1483 = arith.constant 1 : i32
        %get3A_1484 = arith.constant 2 : i32
        %get3A_1485 = arith.index_cast %get3A_1483 : i32 to index
        %get3A_1486 = arith.index_cast %get3A_1484 : i32 to index
        %get3A_1487 = arith.index_cast %mul3A_1428 : i32 to index
        %get3A_1488 = tpu.vector_load %arg11[%get3A_1485, %get3A_1486, %get3A_1487] {strides = array<i32>} : memref<2x16x1024xf32, #tpu.memory_space<vmem>>, vector<16xf32>,
        %get3A_1489 = arith.constant 1 : i32
        %get3A_1490 = arith.constant 2 : i32
        %get3A_1491 = arith.index_cast %get3A_1489 : i32 to index
        %get3A_1492 = arith.index_cast %get3A_1490 : i32 to index
        %get3A_1493 = arith.index_cast %mul3A_1428 : i32 to index
        %get3A_1494 = tpu.vector_load %arg12[%get3A_1491, %get3A_1492, %get3A_1493] {strides = array<i32>} : memref<2x16x1024xf32, #tpu.memory_space<vmem>>, vector<16xf32>,
        %add3A_1495 = arith.addf %get3A_1488, %get3A_1494 : vector<16xf32>
        %select_n3A_1496 = arith.select %ne3A_828, %get3A_1435, %get3A_1431 : vector<16xi1>, vector<16xf32>
        %add3A_1497 = arith.addf %add3A_1495, %select_n3A_1496 : vector<16xf32>
        %swap3A_1498 = arith.constant 1 : i32
        %swap3A_1499 = arith.constant 2 : i32
        %swap3A_1500 = arith.index_cast %swap3A_1498 : i32 to index
        %swap3A_1501 = arith.index_cast %swap3A_1499 : i32 to index
        %swap3A_1502 = arith.index_cast %mul3A_1428 : i32 to index
        %swap3A_1503 = tpu.vector_load %arg11[%swap3A_1500, %swap3A_1501, %swap3A_1502] {strides = array<i32>} : memref<2x16x1024xf32, #tpu.memory_space<vmem>>, vector<16xf32>,
        tpu.vector_store %arg11[%swap3A_1500, %swap3A_1501, %swap3A_1502], %add3A_1497 {strides = array<i32>} : memref<2x16x1024xf32, #tpu.memory_space<vmem>>, vector<16xf32>,
        %add3A_1504 = arith.addf %scan3A_1415, %add3A_1497 : vector<16xf32>
        %mul3A_1505 = arith.mulf %add3A_1497, %add3A_1497 : vector<16xf32>
        %add3A_1506 = arith.addf %scan3A_1416, %mul3A_1505 : vector<16xf32>
        %get3A_1507 = arith.constant 1 : i32
        %get3A_1508 = arith.constant 3 : i32
        %get3A_1509 = arith.index_cast %get3A_1507 : i32 to index
        %get3A_1510 = arith.index_cast %get3A_1508 : i32 to index
        %get3A_1511 = arith.index_cast %mul3A_1428 : i32 to index
        %get3A_1512 = tpu.vector_load %arg11[%get3A_1509, %get3A_1510, %get3A_1511] {strides = array<i32>} : memref<2x16x1024xf32, #tpu.memory_space<vmem>>, vector<16xf32>,
        %get3A_1513 = arith.constant 1 : i32
        %get3A_1514 = arith.constant 3 : i32
        %get3A_1515 = arith.index_cast %get3A_1513 : i32 to index
        %get3A_1516 = arith.index_cast %get3A_1514 : i32 to index
        %get3A_1517 = arith.index_cast %mul3A_1428 : i32 to index
        %get3A_1518 = tpu.vector_load %arg12[%get3A_1515, %get3A_1516, %get3A_1517] {strides = array<i32>} : memref<2x16x1024xf32, #tpu.memory_space<vmem>>, vector<16xf32>,
        %add3A_1519 = arith.addf %get3A_1512, %get3A_1518 : vector<16xf32>
        %select_n3A_1520 = arith.select %ne3A_839, %get3A_1435, %get3A_1431 : vector<16xi1>, vector<16xf32>
        %add3A_1521 = arith.addf %add3A_1519, %select_n3A_1520 : vector<16xf32>
        %swap3A_1522 = arith.constant 1 : i32
        %swap3A_1523 = arith.constant 3 : i32
        %swap3A_1524 = arith.index_cast %swap3A_1522 : i32 to index
        %swap3A_1525 = arith.index_cast %swap3A_1523 : i32 to index
        %swap3A_1526 = arith.index_cast %mul3A_1428 : i32 to index
        %swap3A_1527 = tpu.vector_load %arg11[%swap3A_1524, %swap3A_1525, %swap3A_1526] {strides = array<i32>} : memref<2x16x1024xf32, #tpu.memory_space<vmem>>, vector<16xf32>,
        tpu.vector_store %arg11[%swap3A_1524, %swap3A_1525, %swap3A_1526], %add3A_1521 {strides = array<i32>} : memref<2x16x1024xf32, #tpu.memory_space<vmem>>, vector<16xf32>,
        %add3A_1528 = arith.addf %scan3A_1417, %add3A_1521 : vector<16xf32>
        %mul3A_1529 = arith.mulf %add3A_1521, %add3A_1521 : vector<16xf32>
        %add3A_1530 = arith.addf %scan3A_1418, %mul3A_1529 : vector<16xf32>
        %get3A_1531 = arith.constant 1 : i32
        %get3A_1532 = arith.constant 4 : i32
        %get3A_1533 = arith.index_cast %get3A_1531 : i32 to index
        %get3A_1534 = arith.index_cast %get3A_1532 : i32 to index
        %get3A_1535 = arith.index_cast %mul3A_1428 : i32 to index
        %get3A_1536 = tpu.vector_load %arg11[%get3A_1533, %get3A_1534, %get3A_1535] {strides = array<i32>} : memref<2x16x1024xf32, #tpu.memory_space<vmem>>, vector<16xf32>,
        %get3A_1537 = arith.constant 1 : i32
        %get3A_1538 = arith.constant 4 : i32
        %get3A_1539 = arith.index_cast %get3A_1537 : i32 to index
        %get3A_1540 = arith.index_cast %get3A_1538 : i32 to index
        %get3A_1541 = arith.index_cast %mul3A_1428 : i32 to index
        %get3A_1542 = tpu.vector_load %arg12[%get3A_1539, %get3A_1540, %get3A_1541] {strides = array<i32>} : memref<2x16x1024xf32, #tpu.memory_space<vmem>>, vector<16xf32>,
        %add3A_1543 = arith.addf %get3A_1536, %get3A_1542 : vector<16xf32>
        %select_n3A_1544 = arith.select %ne3A_850, %get3A_1435, %get3A_1431 : vector<16xi1>, vector<16xf32>
        %add3A_1545 = arith.addf %add3A_1543, %select_n3A_1544 : vector<16xf32>
        %swap3A_1546 = arith.constant 1 : i32
        %swap3A_1547 = arith.constant 4 : i32
        %swap3A_1548 = arith.index_cast %swap3A_1546 : i32 to index
        %swap3A_1549 = arith.index_cast %swap3A_1547 : i32 to index
        %swap3A_1550 = arith.index_cast %mul3A_1428 : i32 to index
        %swap3A_1551 = tpu.vector_load %arg11[%swap3A_1548, %swap3A_1549, %swap3A_1550] {strides = array<i32>} : memref<2x16x1024xf32, #tpu.memory_space<vmem>>, vector<16xf32>,
        tpu.vector_store %arg11[%swap3A_1548, %swap3A_1549, %swap3A_1550], %add3A_1545 {strides = array<i32>} : memref<2x16x1024xf32, #tpu.memory_space<vmem>>, vector<16xf32>,
        %add3A_1552 = arith.addf %scan3A_1419, %add3A_1545 : vector<16xf32>
        %mul3A_1553 = arith.mulf %add3A_1545, %add3A_1545 : vector<16xf32>
        %add3A_1554 = arith.addf %scan3A_1420, %mul3A_1553 : vector<16xf32>
        %get3A_1555 = arith.constant 1 : i32
        %get3A_1556 = arith.constant 5 : i32
        %get3A_1557 = arith.index_cast %get3A_1555 : i32 to index
        %get3A_1558 = arith.index_cast %get3A_1556 : i32 to index
        %get3A_1559 = arith.index_cast %mul3A_1428 : i32 to index
        %get3A_1560 = tpu.vector_load %arg11[%get3A_1557, %get3A_1558, %get3A_1559] {strides = array<i32>} : memref<2x16x1024xf32, #tpu.memory_space<vmem>>, vector<16xf32>,
        %get3A_1561 = arith.constant 1 : i32
        %get3A_1562 = arith.constant 5 : i32
        %get3A_1563 = arith.index_cast %get3A_1561 : i32 to index
        %get3A_1564 = arith.index_cast %get3A_1562 : i32 to index
        %get3A_1565 = arith.index_cast %mul3A_1428 : i32 to index
        %get3A_1566 = tpu.vector_load %arg12[%get3A_1563, %get3A_1564, %get3A_1565] {strides = array<i32>} : memref<2x16x1024xf32, #tpu.memory_space<vmem>>, vector<16xf32>,
        %add3A_1567 = arith.addf %get3A_1560, %get3A_1566 : vector<16xf32>
        %select_n3A_1568 = arith.select %ne3A_861, %get3A_1435, %get3A_1431 : vector<16xi1>, vector<16xf32>
        %add3A_1569 = arith.addf %add3A_1567, %select_n3A_1568 : vector<16xf32>
        %swap3A_1570 = arith.constant 1 : i32
        %swap3A_1571 = arith.constant 5 : i32
        %swap3A_1572 = arith.index_cast %swap3A_1570 : i32 to index
        %swap3A_1573 = arith.index_cast %swap3A_1571 : i32 to index
        %swap3A_1574 = arith.index_cast %mul3A_1428 : i32 to index
        %swap3A_1575 = tpu.vector_load %arg11[%swap3A_1572, %swap3A_1573, %swap3A_1574] {strides = array<i32>} : memref<2x16x1024xf32, #tpu.memory_space<vmem>>, vector<16xf32>,
        tpu.vector_store %arg11[%swap3A_1572, %swap3A_1573, %swap3A_1574], %add3A_1569 {strides = array<i32>} : memref<2x16x1024xf32, #tpu.memory_space<vmem>>, vector<16xf32>,
        %add3A_1576 = arith.addf %scan3A_1421, %add3A_1569 : vector<16xf32>
        %mul3A_1577 = arith.mulf %add3A_1569, %add3A_1569 : vector<16xf32>
        %add3A_1578 = arith.addf %scan3A_1422, %mul3A_1577 : vector<16xf32>
        %get3A_1579 = arith.constant 1 : i32
        %get3A_1580 = arith.constant 6 : i32
        %get3A_1581 = arith.index_cast %get3A_1579 : i32 to index
        %get3A_1582 = arith.index_cast %get3A_1580 : i32 to index
        %get3A_1583 = arith.index_cast %mul3A_1428 : i32 to index
        %get3A_1584 = tpu.vector_load %arg11[%get3A_1581, %get3A_1582, %get3A_1583] {strides = array<i32>} : memref<2x16x1024xf32, #tpu.memory_space<vmem>>, vector<16xf32>,
        %get3A_1585 = arith.constant 1 : i32
        %get3A_1586 = arith.constant 6 : i32
        %get3A_1587 = arith.index_cast %get3A_1585 : i32 to index
        %get3A_1588 = arith.index_cast %get3A_1586 : i32 to index
        %get3A_1589 = arith.index_cast %mul3A_1428 : i32 to index
        %get3A_1590 = tpu.vector_load %arg12[%get3A_1587, %get3A_1588, %get3A_1589] {strides = array<i32>} : memref<2x16x1024xf32, #tpu.memory_space<vmem>>, vector<16xf32>,
        %add3A_1591 = arith.addf %get3A_1584, %get3A_1590 : vector<16xf32>
        %select_n3A_1592 = arith.select %ne3A_872, %get3A_1435, %get3A_1431 : vector<16xi1>, vector<16xf32>
        %add3A_1593 = arith.addf %add3A_1591, %select_n3A_1592 : vector<16xf32>
        %swap3A_1594 = arith.constant 1 : i32
        %swap3A_1595 = arith.constant 6 : i32
        %swap3A_1596 = arith.index_cast %swap3A_1594 : i32 to index
        %swap3A_1597 = arith.index_cast %swap3A_1595 : i32 to index
        %swap3A_1598 = arith.index_cast %mul3A_1428 : i32 to index
        %swap3A_1599 = tpu.vector_load %arg11[%swap3A_1596, %swap3A_1597, %swap3A_1598] {strides = array<i32>} : memref<2x16x1024xf32, #tpu.memory_space<vmem>>, vector<16xf32>,
        tpu.vector_store %arg11[%swap3A_1596, %swap3A_1597, %swap3A_1598], %add3A_1593 {strides = array<i32>} : memref<2x16x1024xf32, #tpu.memory_space<vmem>>, vector<16xf32>,
        %add3A_1600 = arith.addf %scan3A_1423, %add3A_1593 : vector<16xf32>
        %mul3A_1601 = arith.mulf %add3A_1593, %add3A_1593 : vector<16xf32>
        %add3A_1602 = arith.addf %scan3A_1424, %mul3A_1601 : vector<16xf32>
        %get3A_1603 = arith.constant 1 : i32
        %get3A_1604 = arith.constant 7 : i32
        %get3A_1605 = arith.index_cast %get3A_1603 : i32 to index
        %get3A_1606 = arith.index_cast %get3A_1604 : i32 to index
        %get3A_1607 = arith.index_cast %mul3A_1428 : i32 to index
        %get3A_1608 = tpu.vector_load %arg11[%get3A_1605, %get3A_1606, %get3A_1607] {strides = array<i32>} : memref<2x16x1024xf32, #tpu.memory_space<vmem>>, vector<16xf32>,
        %get3A_1609 = arith.constant 1 : i32
        %get3A_1610 = arith.constant 7 : i32
        %get3A_1611 = arith.index_cast %get3A_1609 : i32 to index
        %get3A_1612 = arith.index_cast %get3A_1610 : i32 to index
        %get3A_1613 = arith.index_cast %mul3A_1428 : i32 to index
        %get3A_1614 = tpu.vector_load %arg12[%get3A_1611, %get3A_1612, %get3A_1613] {strides = array<i32>} : memref<2x16x1024xf32, #tpu.memory_space<vmem>>, vector<16xf32>,
        %add3A_1615 = arith.addf %get3A_1608, %get3A_1614 : vector<16xf32>
        %select_n3A_1616 = arith.select %ne3A_883, %get3A_1435, %get3A_1431 : vector<16xi1>, vector<16xf32>
        %add3A_1617 = arith.addf %add3A_1615, %select_n3A_1616 : vector<16xf32>
        %swap3A_1618 = arith.constant 1 : i32
        %swap3A_1619 = arith.constant 7 : i32
        %swap3A_1620 = arith.index_cast %swap3A_1618 : i32 to index
        %swap3A_1621 = arith.index_cast %swap3A_1619 : i32 to index
        %swap3A_1622 = arith.index_cast %mul3A_1428 : i32 to index
        %swap3A_1623 = tpu.vector_load %arg11[%swap3A_1620, %swap3A_1621, %swap3A_1622] {strides = array<i32>} : memref<2x16x1024xf32, #tpu.memory_space<vmem>>, vector<16xf32>,
        tpu.vector_store %arg11[%swap3A_1620, %swap3A_1621, %swap3A_1622], %add3A_1617 {strides = array<i32>} : memref<2x16x1024xf32, #tpu.memory_space<vmem>>, vector<16xf32>,
        %add3A_1624 = arith.addf %scan3A_1425, %add3A_1617 : vector<16xf32>
        %mul3A_1625 = arith.mulf %add3A_1617, %add3A_1617 : vector<16xf32>
        %add3A_1626 = arith.addf %scan3A_1426, %mul3A_1625 : vector<16xf32>
        scf.yield %add3A_1456, %add3A_1458, %add3A_1480, %add3A_1482, %add3A_1504, %add3A_1506, %add3A_1528, %add3A_1530, %add3A_1552, %add3A_1554, %add3A_1576, %add3A_1578, %add3A_1600, %add3A_1602, %add3A_1624, %add3A_1626 : vector<16xf32>, vector<16xf32>, vector<16xf32>, vector<16xf32>, vector<16xf32>, vector<16xf32>, vector<16xf32>, vector<16xf32>, vector<16xf32>, vector<16xf32>, vector<16xf32>, vector<16xf32>, vector<16xf32>, vector<16xf32>, vector<16xf32>, vector<16xf32>
      }
      %scan3A_979 = arith.constant 64 : i32
      %swap3A_980 = arith.constant 0 : index
      %swap3A_981 = tpu.vector_load %arg16[%swap3A_980] {strides = array<i32>} : memref<512xf32, #tpu.memory_space<vmem>>, vector<16xf32>,
      tpu.vector_store %arg16[%swap3A_980], %scan3A_978#0 {strides = array<i32>} : memref<512xf32, #tpu.memory_space<vmem>>, vector<16xf32>,
      %swap3A_982 = arith.constant 256 : index
      %swap3A_983 = tpu.vector_load %arg16[%swap3A_982] {strides = array<i32>} : memref<512xf32, #tpu.memory_space<vmem>>, vector<16xf32>,
      tpu.vector_store %arg16[%swap3A_982], %scan3A_978#1 {strides = array<i32>} : memref<512xf32, #tpu.memory_space<vmem>>, vector<16xf32>,
      %swap3A_984 = arith.constant 16 : index
      %swap3A_985 = tpu.vector_load %arg16[%swap3A_984] {strides = array<i32>} : memref<512xf32, #tpu.memory_space<vmem>>, vector<16xf32>,
      tpu.vector_store %arg16[%swap3A_984], %scan3A_978#2 {strides = array<i32>} : memref<512xf32, #tpu.memory_space<vmem>>, vector<16xf32>,
      %swap3A_986 = arith.constant 272 : index
      %swap3A_987 = tpu.vector_load %arg16[%swap3A_986] {strides = array<i32>} : memref<512xf32, #tpu.memory_space<vmem>>, vector<16xf32>,
      tpu.vector_store %arg16[%swap3A_986], %scan3A_978#3 {strides = array<i32>} : memref<512xf32, #tpu.memory_space<vmem>>, vector<16xf32>,
      %swap3A_988 = arith.constant 32 : index
      %swap3A_989 = tpu.vector_load %arg16[%swap3A_988] {strides = array<i32>} : memref<512xf32, #tpu.memory_space<vmem>>, vector<16xf32>,
      tpu.vector_store %arg16[%swap3A_988], %scan3A_978#4 {strides = array<i32>} : memref<512xf32, #tpu.memory_space<vmem>>, vector<16xf32>,
      %swap3A_990 = arith.constant 288 : index
      %swap3A_991 = tpu.vector_load %arg16[%swap3A_990] {strides = array<i32>} : memref<512xf32, #tpu.memory_space<vmem>>, vector<16xf32>,
      tpu.vector_store %arg16[%swap3A_990], %scan3A_978#5 {strides = array<i32>} : memref<512xf32, #tpu.memory_space<vmem>>, vector<16xf32>,
      %swap3A_992 = arith.constant 48 : index
      %swap3A_993 = tpu.vector_load %arg16[%swap3A_992] {strides = array<i32>} : memref<512xf32, #tpu.memory_space<vmem>>, vector<16xf32>,
      tpu.vector_store %arg16[%swap3A_992], %scan3A_978#6 {strides = array<i32>} : memref<512xf32, #tpu.memory_space<vmem>>, vector<16xf32>,
      %swap3A_994 = arith.constant 304 : index
      %swap3A_995 = tpu.vector_load %arg16[%swap3A_994] {strides = array<i32>} : memref<512xf32, #tpu.memory_space<vmem>>, vector<16xf32>,
      tpu.vector_store %arg16[%swap3A_994], %scan3A_978#7 {strides = array<i32>} : memref<512xf32, #tpu.memory_space<vmem>>, vector<16xf32>,
      %swap3A_996 = arith.constant 64 : index
      %swap3A_997 = tpu.vector_load %arg16[%swap3A_996] {strides = array<i32>} : memref<512xf32, #tpu.memory_space<vmem>>, vector<16xf32>,
      tpu.vector_store %arg16[%swap3A_996], %scan3A_978#8 {strides = array<i32>} : memref<512xf32, #tpu.memory_space<vmem>>, vector<16xf32>,
      %swap3A_998 = arith.constant 320 : index
      %swap3A_999 = tpu.vector_load %arg16[%swap3A_998] {strides = array<i32>} : memref<512xf32, #tpu.memory_space<vmem>>, vector<16xf32>,
      tpu.vector_store %arg16[%swap3A_998], %scan3A_978#9 {strides = array<i32>} : memref<512xf32, #tpu.memory_space<vmem>>, vector<16xf32>,
      %swap3A_1000 = arith.constant 80 : index
      %swap3A_1001 = tpu.vector_load %arg16[%swap3A_1000] {strides = array<i32>} : memref<512xf32, #tpu.memory_space<vmem>>, vector<16xf32>,
      tpu.vector_store %arg16[%swap3A_1000], %scan3A_978#10 {strides = array<i32>} : memref<512xf32, #tpu.memory_space<vmem>>, vector<16xf32>,
      %swap3A_1002 = arith.constant 336 : index
      %swap3A_1003 = tpu.vector_load %arg16[%swap3A_1002] {strides = array<i32>} : memref<512xf32, #tpu.memory_space<vmem>>, vector<16xf32>,
      tpu.vector_store %arg16[%swap3A_1002], %scan3A_978#11 {strides = array<i32>} : memref<512xf32, #tpu.memory_space<vmem>>, vector<16xf32>,
      %swap3A_1004 = arith.constant 96 : index
      %swap3A_1005 = tpu.vector_load %arg16[%swap3A_1004] {strides = array<i32>} : memref<512xf32, #tpu.memory_space<vmem>>, vector<16xf32>,
      tpu.vector_store %arg16[%swap3A_1004], %scan3A_978#12 {strides = array<i32>} : memref<512xf32, #tpu.memory_space<vmem>>, vector<16xf32>,
      %swap3A_1006 = arith.constant 352 : index
      %swap3A_1007 = tpu.vector_load %arg16[%swap3A_1006] {strides = array<i32>} : memref<512xf32, #tpu.memory_space<vmem>>, vector<16xf32>,
      tpu.vector_store %arg16[%swap3A_1006], %scan3A_978#13 {strides = array<i32>} : memref<512xf32, #tpu.memory_space<vmem>>, vector<16xf32>,
      %swap3A_1008 = arith.constant 112 : index
      %swap3A_1009 = tpu.vector_load %arg16[%swap3A_1008] {strides = array<i32>} : memref<512xf32, #tpu.memory_space<vmem>>, vector<16xf32>,
      tpu.vector_store %arg16[%swap3A_1008], %scan3A_978#14 {strides = array<i32>} : memref<512xf32, #tpu.memory_space<vmem>>, vector<16xf32>,
      %swap3A_1010 = arith.constant 368 : index
      %swap3A_1011 = tpu.vector_load %arg16[%swap3A_1010] {strides = array<i32>} : memref<512xf32, #tpu.memory_space<vmem>>, vector<16xf32>,
      tpu.vector_store %arg16[%swap3A_1010], %scan3A_978#15 {strides = array<i32>} : memref<512xf32, #tpu.memory_space<vmem>>, vector<16xf32>,
      %scan3A_1012 = arith.constant 0 : i32
      %scan3A_1013 = arith.constant 64 : i32
      %scan3A_1014 = arith.addi %scan3A_1012, %scan3A_1013 : i32
      %scan3A_1015 = arith.constant 1 : i32
      %scan3A_1016:16 = scf.for %scan3A_1410 = %scan3A_1012 to %scan3A_1014 step %scan3A_1015 iter_args(%scan3A_1411 = %broadcast_in_dim3A_973, %scan3A_1412 = %broadcast_in_dim3A_973, %scan3A_1413 = %broadcast_in_dim3A_973, %scan3A_1414 = %broadcast_in_dim3A_973, %scan3A_1415 = %broadcast_in_dim3A_973, %scan3A_1416 = %broadcast_in_dim3A_973, %scan3A_1417 = %broadcast_in_dim3A_973, %scan3A_1418 = %broadcast_in_dim3A_973, %scan3A_1419 = %broadcast_in_dim3A_973, %scan3A_1420 = %broadcast_in_dim3A_973, %scan3A_1421 = %broadcast_in_dim3A_973, %scan3A_1422 = %broadcast_in_dim3A_973, %scan3A_1423 = %broadcast_in_dim3A_973, %scan3A_1424 = %broadcast_in_dim3A_973, %scan3A_1425 = %broadcast_in_dim3A_973, %scan3A_1426 = %broadcast_in_dim3A_973) -> (vector<16xf32>, vector<16xf32>, vector<16xf32>, vector<16xf32>, vector<16xf32>, vector<16xf32>, vector<16xf32>, vector<16xf32>, vector<16xf32>, vector<16xf32>, vector<16xf32>, vector<16xf32>, vector<16xf32>, vector<16xf32>, vector<16xf32>, vector<16xf32>)  : i32 {
        %mul3A_1427 = arith.constant 16 : i32
        %mul3A_1428 = arith.muli %scan3A_1410, %mul3A_1427 : i32
        %get3A = arith.constant 0 : i32
        %get3A_1429 = arith.index_cast %get3A : i32 to index
        %get3A_1430 = arith.index_cast %mul3A_1428 : i32 to index
        %get3A_1431 = tpu.vector_load %arg13[%get3A_1429, %get3A_1430] {strides = array<i32>} : memref<2x1024xf32, #tpu.memory_space<vmem>>, vector<16xf32>,
        %get3A_1432 = arith.constant 1 : i32
        %get3A_1433 = arith.index_cast %get3A_1432 : i32 to index
        %get3A_1434 = arith.index_cast %mul3A_1428 : i32 to index
        %get3A_1435 = tpu.vector_load %arg13[%get3A_1433, %get3A_1434] {strides = array<i32>} : memref<2x1024xf32, #tpu.memory_space<vmem>>, vector<16xf32>,
        %get3A_1436 = arith.constant 1 : i32
        %get3A_1437 = arith.constant 8 : i32
        %get3A_1438 = arith.index_cast %get3A_1436 : i32 to index
        %get3A_1439 = arith.index_cast %get3A_1437 : i32 to index
        %get3A_1440 = arith.index_cast %mul3A_1428 : i32 to index
        %get3A_1441 = tpu.vector_load %arg11[%get3A_1438, %get3A_1439, %get3A_1440] {strides = array<i32>} : memref<2x16x1024xf32, #tpu.memory_space<vmem>>, vector<16xf32>,
        %get3A_1442 = arith.constant 1 : i32
        %get3A_1443 = arith.constant 8 : i32
        %get3A_1444 = arith.index_cast %get3A_1442 : i32 to index
        %get3A_1445 = arith.index_cast %get3A_1443 : i32 to index
        %get3A_1446 = arith.index_cast %mul3A_1428 : i32 to index
        %get3A_1447 = tpu.vector_load %arg12[%get3A_1444, %get3A_1445, %get3A_1446] {strides = array<i32>} : memref<2x16x1024xf32, #tpu.memory_space<vmem>>, vector<16xf32>,
        %add3A_1448 = arith.addf %get3A_1441, %get3A_1447 : vector<16xf32>
        %select_n3A = arith.select %ne3A_894, %get3A_1435, %get3A_1431 : vector<16xi1>, vector<16xf32>
        %add3A_1449 = arith.addf %add3A_1448, %select_n3A : vector<16xf32>
        %swap3A_1450 = arith.constant 1 : i32
        %swap3A_1451 = arith.constant 8 : i32
        %swap3A_1452 = arith.index_cast %swap3A_1450 : i32 to index
        %swap3A_1453 = arith.index_cast %swap3A_1451 : i32 to index
        %swap3A_1454 = arith.index_cast %mul3A_1428 : i32 to index
        %swap3A_1455 = tpu.vector_load %arg11[%swap3A_1452, %swap3A_1453, %swap3A_1454] {strides = array<i32>} : memref<2x16x1024xf32, #tpu.memory_space<vmem>>, vector<16xf32>,
        tpu.vector_store %arg11[%swap3A_1452, %swap3A_1453, %swap3A_1454], %add3A_1449 {strides = array<i32>} : memref<2x16x1024xf32, #tpu.memory_space<vmem>>, vector<16xf32>,
        %add3A_1456 = arith.addf %scan3A_1411, %add3A_1449 : vector<16xf32>
        %mul3A_1457 = arith.mulf %add3A_1449, %add3A_1449 : vector<16xf32>
        %add3A_1458 = arith.addf %scan3A_1412, %mul3A_1457 : vector<16xf32>
        %get3A_1459 = arith.constant 1 : i32
        %get3A_1460 = arith.constant 9 : i32
        %get3A_1461 = arith.index_cast %get3A_1459 : i32 to index
        %get3A_1462 = arith.index_cast %get3A_1460 : i32 to index
        %get3A_1463 = arith.index_cast %mul3A_1428 : i32 to index
        %get3A_1464 = tpu.vector_load %arg11[%get3A_1461, %get3A_1462, %get3A_1463] {strides = array<i32>} : memref<2x16x1024xf32, #tpu.memory_space<vmem>>, vector<16xf32>,
        %get3A_1465 = arith.constant 1 : i32
        %get3A_1466 = arith.constant 9 : i32
        %get3A_1467 = arith.index_cast %get3A_1465 : i32 to index
        %get3A_1468 = arith.index_cast %get3A_1466 : i32 to index
        %get3A_1469 = arith.index_cast %mul3A_1428 : i32 to index
        %get3A_1470 = tpu.vector_load %arg12[%get3A_1467, %get3A_1468, %get3A_1469] {strides = array<i32>} : memref<2x16x1024xf32, #tpu.memory_space<vmem>>, vector<16xf32>,
        %add3A_1471 = arith.addf %get3A_1464, %get3A_1470 : vector<16xf32>
        %select_n3A_1472 = arith.select %ne3A_905, %get3A_1435, %get3A_1431 : vector<16xi1>, vector<16xf32>
        %add3A_1473 = arith.addf %add3A_1471, %select_n3A_1472 : vector<16xf32>
        %swap3A_1474 = arith.constant 1 : i32
        %swap3A_1475 = arith.constant 9 : i32
        %swap3A_1476 = arith.index_cast %swap3A_1474 : i32 to index
        %swap3A_1477 = arith.index_cast %swap3A_1475 : i32 to index
        %swap3A_1478 = arith.index_cast %mul3A_1428 : i32 to index
        %swap3A_1479 = tpu.vector_load %arg11[%swap3A_1476, %swap3A_1477, %swap3A_1478] {strides = array<i32>} : memref<2x16x1024xf32, #tpu.memory_space<vmem>>, vector<16xf32>,
        tpu.vector_store %arg11[%swap3A_1476, %swap3A_1477, %swap3A_1478], %add3A_1473 {strides = array<i32>} : memref<2x16x1024xf32, #tpu.memory_space<vmem>>, vector<16xf32>,
        %add3A_1480 = arith.addf %scan3A_1413, %add3A_1473 : vector<16xf32>
        %mul3A_1481 = arith.mulf %add3A_1473, %add3A_1473 : vector<16xf32>
        %add3A_1482 = arith.addf %scan3A_1414, %mul3A_1481 : vector<16xf32>
        %get3A_1483 = arith.constant 1 : i32
        %get3A_1484 = arith.constant 10 : i32
        %get3A_1485 = arith.index_cast %get3A_1483 : i32 to index
        %get3A_1486 = arith.index_cast %get3A_1484 : i32 to index
        %get3A_1487 = arith.index_cast %mul3A_1428 : i32 to index
        %get3A_1488 = tpu.vector_load %arg11[%get3A_1485, %get3A_1486, %get3A_1487] {strides = array<i32>} : memref<2x16x1024xf32, #tpu.memory_space<vmem>>, vector<16xf32>,
        %get3A_1489 = arith.constant 1 : i32
        %get3A_1490 = arith.constant 10 : i32
        %get3A_1491 = arith.index_cast %get3A_1489 : i32 to index
        %get3A_1492 = arith.index_cast %get3A_1490 : i32 to index
        %get3A_1493 = arith.index_cast %mul3A_1428 : i32 to index
        %get3A_1494 = tpu.vector_load %arg12[%get3A_1491, %get3A_1492, %get3A_1493] {strides = array<i32>} : memref<2x16x1024xf32, #tpu.memory_space<vmem>>, vector<16xf32>,
        %add3A_1495 = arith.addf %get3A_1488, %get3A_1494 : vector<16xf32>
        %select_n3A_1496 = arith.select %ne3A_916, %get3A_1435, %get3A_1431 : vector<16xi1>, vector<16xf32>
        %add3A_1497 = arith.addf %add3A_1495, %select_n3A_1496 : vector<16xf32>
        %swap3A_1498 = arith.constant 1 : i32
        %swap3A_1499 = arith.constant 10 : i32
        %swap3A_1500 = arith.index_cast %swap3A_1498 : i32 to index
        %swap3A_1501 = arith.index_cast %swap3A_1499 : i32 to index
        %swap3A_1502 = arith.index_cast %mul3A_1428 : i32 to index
        %swap3A_1503 = tpu.vector_load %arg11[%swap3A_1500, %swap3A_1501, %swap3A_1502] {strides = array<i32>} : memref<2x16x1024xf32, #tpu.memory_space<vmem>>, vector<16xf32>,
        tpu.vector_store %arg11[%swap3A_1500, %swap3A_1501, %swap3A_1502], %add3A_1497 {strides = array<i32>} : memref<2x16x1024xf32, #tpu.memory_space<vmem>>, vector<16xf32>,
        %add3A_1504 = arith.addf %scan3A_1415, %add3A_1497 : vector<16xf32>
        %mul3A_1505 = arith.mulf %add3A_1497, %add3A_1497 : vector<16xf32>
        %add3A_1506 = arith.addf %scan3A_1416, %mul3A_1505 : vector<16xf32>
        %get3A_1507 = arith.constant 1 : i32
        %get3A_1508 = arith.constant 11 : i32
        %get3A_1509 = arith.index_cast %get3A_1507 : i32 to index
        %get3A_1510 = arith.index_cast %get3A_1508 : i32 to index
        %get3A_1511 = arith.index_cast %mul3A_1428 : i32 to index
        %get3A_1512 = tpu.vector_load %arg11[%get3A_1509, %get3A_1510, %get3A_1511] {strides = array<i32>} : memref<2x16x1024xf32, #tpu.memory_space<vmem>>, vector<16xf32>,
        %get3A_1513 = arith.constant 1 : i32
        %get3A_1514 = arith.constant 11 : i32
        %get3A_1515 = arith.index_cast %get3A_1513 : i32 to index
        %get3A_1516 = arith.index_cast %get3A_1514 : i32 to index
        %get3A_1517 = arith.index_cast %mul3A_1428 : i32 to index
        %get3A_1518 = tpu.vector_load %arg12[%get3A_1515, %get3A_1516, %get3A_1517] {strides = array<i32>} : memref<2x16x1024xf32, #tpu.memory_space<vmem>>, vector<16xf32>,
        %add3A_1519 = arith.addf %get3A_1512, %get3A_1518 : vector<16xf32>
        %select_n3A_1520 = arith.select %ne3A_927, %get3A_1435, %get3A_1431 : vector<16xi1>, vector<16xf32>
        %add3A_1521 = arith.addf %add3A_1519, %select_n3A_1520 : vector<16xf32>
        %swap3A_1522 = arith.constant 1 : i32
        %swap3A_1523 = arith.constant 11 : i32
        %swap3A_1524 = arith.index_cast %swap3A_1522 : i32 to index
        %swap3A_1525 = arith.index_cast %swap3A_1523 : i32 to index
        %swap3A_1526 = arith.index_cast %mul3A_1428 : i32 to index
        %swap3A_1527 = tpu.vector_load %arg11[%swap3A_1524, %swap3A_1525, %swap3A_1526] {strides = array<i32>} : memref<2x16x1024xf32, #tpu.memory_space<vmem>>, vector<16xf32>,
        tpu.vector_store %arg11[%swap3A_1524, %swap3A_1525, %swap3A_1526], %add3A_1521 {strides = array<i32>} : memref<2x16x1024xf32, #tpu.memory_space<vmem>>, vector<16xf32>,
        %add3A_1528 = arith.addf %scan3A_1417, %add3A_1521 : vector<16xf32>
        %mul3A_1529 = arith.mulf %add3A_1521, %add3A_1521 : vector<16xf32>
        %add3A_1530 = arith.addf %scan3A_1418, %mul3A_1529 : vector<16xf32>
        %get3A_1531 = arith.constant 1 : i32
        %get3A_1532 = arith.constant 12 : i32
        %get3A_1533 = arith.index_cast %get3A_1531 : i32 to index
        %get3A_1534 = arith.index_cast %get3A_1532 : i32 to index
        %get3A_1535 = arith.index_cast %mul3A_1428 : i32 to index
        %get3A_1536 = tpu.vector_load %arg11[%get3A_1533, %get3A_1534, %get3A_1535] {strides = array<i32>} : memref<2x16x1024xf32, #tpu.memory_space<vmem>>, vector<16xf32>,
        %get3A_1537 = arith.constant 1 : i32
        %get3A_1538 = arith.constant 12 : i32
        %get3A_1539 = arith.index_cast %get3A_1537 : i32 to index
        %get3A_1540 = arith.index_cast %get3A_1538 : i32 to index
        %get3A_1541 = arith.index_cast %mul3A_1428 : i32 to index
        %get3A_1542 = tpu.vector_load %arg12[%get3A_1539, %get3A_1540, %get3A_1541] {strides = array<i32>} : memref<2x16x1024xf32, #tpu.memory_space<vmem>>, vector<16xf32>,
        %add3A_1543 = arith.addf %get3A_1536, %get3A_1542 : vector<16xf32>
        %select_n3A_1544 = arith.select %ne3A_938, %get3A_1435, %get3A_1431 : vector<16xi1>, vector<16xf32>
        %add3A_1545 = arith.addf %add3A_1543, %select_n3A_1544 : vector<16xf32>
        %swap3A_1546 = arith.constant 1 : i32
        %swap3A_1547 = arith.constant 12 : i32
        %swap3A_1548 = arith.index_cast %swap3A_1546 : i32 to index
        %swap3A_1549 = arith.index_cast %swap3A_1547 : i32 to index
        %swap3A_1550 = arith.index_cast %mul3A_1428 : i32 to index
        %swap3A_1551 = tpu.vector_load %arg11[%swap3A_1548, %swap3A_1549, %swap3A_1550] {strides = array<i32>} : memref<2x16x1024xf32, #tpu.memory_space<vmem>>, vector<16xf32>,
        tpu.vector_store %arg11[%swap3A_1548, %swap3A_1549, %swap3A_1550], %add3A_1545 {strides = array<i32>} : memref<2x16x1024xf32, #tpu.memory_space<vmem>>, vector<16xf32>,
        %add3A_1552 = arith.addf %scan3A_1419, %add3A_1545 : vector<16xf32>
        %mul3A_1553 = arith.mulf %add3A_1545, %add3A_1545 : vector<16xf32>
        %add3A_1554 = arith.addf %scan3A_1420, %mul3A_1553 : vector<16xf32>
        %get3A_1555 = arith.constant 1 : i32
        %get3A_1556 = arith.constant 13 : i32
        %get3A_1557 = arith.index_cast %get3A_1555 : i32 to index
        %get3A_1558 = arith.index_cast %get3A_1556 : i32 to index
        %get3A_1559 = arith.index_cast %mul3A_1428 : i32 to index
        %get3A_1560 = tpu.vector_load %arg11[%get3A_1557, %get3A_1558, %get3A_1559] {strides = array<i32>} : memref<2x16x1024xf32, #tpu.memory_space<vmem>>, vector<16xf32>,
        %get3A_1561 = arith.constant 1 : i32
        %get3A_1562 = arith.constant 13 : i32
        %get3A_1563 = arith.index_cast %get3A_1561 : i32 to index
        %get3A_1564 = arith.index_cast %get3A_1562 : i32 to index
        %get3A_1565 = arith.index_cast %mul3A_1428 : i32 to index
        %get3A_1566 = tpu.vector_load %arg12[%get3A_1563, %get3A_1564, %get3A_1565] {strides = array<i32>} : memref<2x16x1024xf32, #tpu.memory_space<vmem>>, vector<16xf32>,
        %add3A_1567 = arith.addf %get3A_1560, %get3A_1566 : vector<16xf32>
        %select_n3A_1568 = arith.select %ne3A_949, %get3A_1435, %get3A_1431 : vector<16xi1>, vector<16xf32>
        %add3A_1569 = arith.addf %add3A_1567, %select_n3A_1568 : vector<16xf32>
        %swap3A_1570 = arith.constant 1 : i32
        %swap3A_1571 = arith.constant 13 : i32
        %swap3A_1572 = arith.index_cast %swap3A_1570 : i32 to index
        %swap3A_1573 = arith.index_cast %swap3A_1571 : i32 to index
        %swap3A_1574 = arith.index_cast %mul3A_1428 : i32 to index
        %swap3A_1575 = tpu.vector_load %arg11[%swap3A_1572, %swap3A_1573, %swap3A_1574] {strides = array<i32>} : memref<2x16x1024xf32, #tpu.memory_space<vmem>>, vector<16xf32>,
        tpu.vector_store %arg11[%swap3A_1572, %swap3A_1573, %swap3A_1574], %add3A_1569 {strides = array<i32>} : memref<2x16x1024xf32, #tpu.memory_space<vmem>>, vector<16xf32>,
        %add3A_1576 = arith.addf %scan3A_1421, %add3A_1569 : vector<16xf32>
        %mul3A_1577 = arith.mulf %add3A_1569, %add3A_1569 : vector<16xf32>
        %add3A_1578 = arith.addf %scan3A_1422, %mul3A_1577 : vector<16xf32>
        %get3A_1579 = arith.constant 1 : i32
        %get3A_1580 = arith.constant 14 : i32
        %get3A_1581 = arith.index_cast %get3A_1579 : i32 to index
        %get3A_1582 = arith.index_cast %get3A_1580 : i32 to index
        %get3A_1583 = arith.index_cast %mul3A_1428 : i32 to index
        %get3A_1584 = tpu.vector_load %arg11[%get3A_1581, %get3A_1582, %get3A_1583] {strides = array<i32>} : memref<2x16x1024xf32, #tpu.memory_space<vmem>>, vector<16xf32>,
        %get3A_1585 = arith.constant 1 : i32
        %get3A_1586 = arith.constant 14 : i32
        %get3A_1587 = arith.index_cast %get3A_1585 : i32 to index
        %get3A_1588 = arith.index_cast %get3A_1586 : i32 to index
        %get3A_1589 = arith.index_cast %mul3A_1428 : i32 to index
        %get3A_1590 = tpu.vector_load %arg12[%get3A_1587, %get3A_1588, %get3A_1589] {strides = array<i32>} : memref<2x16x1024xf32, #tpu.memory_space<vmem>>, vector<16xf32>,
        %add3A_1591 = arith.addf %get3A_1584, %get3A_1590 : vector<16xf32>
        %select_n3A_1592 = arith.select %ne3A_960, %get3A_1435, %get3A_1431 : vector<16xi1>, vector<16xf32>
        %add3A_1593 = arith.addf %add3A_1591, %select_n3A_1592 : vector<16xf32>
        %swap3A_1594 = arith.constant 1 : i32
        %swap3A_1595 = arith.constant 14 : i32
        %swap3A_1596 = arith.index_cast %swap3A_1594 : i32 to index
        %swap3A_1597 = arith.index_cast %swap3A_1595 : i32 to index
        %swap3A_1598 = arith.index_cast %mul3A_1428 : i32 to index
        %swap3A_1599 = tpu.vector_load %arg11[%swap3A_1596, %swap3A_1597, %swap3A_1598] {strides = array<i32>} : memref<2x16x1024xf32, #tpu.memory_space<vmem>>, vector<16xf32>,
        tpu.vector_store %arg11[%swap3A_1596, %swap3A_1597, %swap3A_1598], %add3A_1593 {strides = array<i32>} : memref<2x16x1024xf32, #tpu.memory_space<vmem>>, vector<16xf32>,
        %add3A_1600 = arith.addf %scan3A_1423, %add3A_1593 : vector<16xf32>
        %mul3A_1601 = arith.mulf %add3A_1593, %add3A_1593 : vector<16xf32>
        %add3A_1602 = arith.addf %scan3A_1424, %mul3A_1601 : vector<16xf32>
        %get3A_1603 = arith.constant 1 : i32
        %get3A_1604 = arith.constant 15 : i32
        %get3A_1605 = arith.index_cast %get3A_1603 : i32 to index
        %get3A_1606 = arith.index_cast %get3A_1604 : i32 to index
        %get3A_1607 = arith.index_cast %mul3A_1428 : i32 to index
        %get3A_1608 = tpu.vector_load %arg11[%get3A_1605, %get3A_1606, %get3A_1607] {strides = array<i32>} : memref<2x16x1024xf32, #tpu.memory_space<vmem>>, vector<16xf32>,
        %get3A_1609 = arith.constant 1 : i32
        %get3A_1610 = arith.constant 15 : i32
        %get3A_1611 = arith.index_cast %get3A_1609 : i32 to index
        %get3A_1612 = arith.index_cast %get3A_1610 : i32 to index
        %get3A_1613 = arith.index_cast %mul3A_1428 : i32 to index
        %get3A_1614 = tpu.vector_load %arg12[%get3A_1611, %get3A_1612, %get3A_1613] {strides = array<i32>} : memref<2x16x1024xf32, #tpu.memory_space<vmem>>, vector<16xf32>,
        %add3A_1615 = arith.addf %get3A_1608, %get3A_1614 : vector<16xf32>
        %select_n3A_1616 = arith.select %ne3A_971, %get3A_1435, %get3A_1431 : vector<16xi1>, vector<16xf32>
        %add3A_1617 = arith.addf %add3A_1615, %select_n3A_1616 : vector<16xf32>
        %swap3A_1618 = arith.constant 1 : i32
        %swap3A_1619 = arith.constant 15 : i32
        %swap3A_1620 = arith.index_cast %swap3A_1618 : i32 to index
        %swap3A_1621 = arith.index_cast %swap3A_1619 : i32 to index
        %swap3A_1622 = arith.index_cast %mul3A_1428 : i32 to index
        %swap3A_1623 = tpu.vector_load %arg11[%swap3A_1620, %swap3A_1621, %swap3A_1622] {strides = array<i32>} : memref<2x16x1024xf32, #tpu.memory_space<vmem>>, vector<16xf32>,
        tpu.vector_store %arg11[%swap3A_1620, %swap3A_1621, %swap3A_1622], %add3A_1617 {strides = array<i32>} : memref<2x16x1024xf32, #tpu.memory_space<vmem>>, vector<16xf32>,
        %add3A_1624 = arith.addf %scan3A_1425, %add3A_1617 : vector<16xf32>
        %mul3A_1625 = arith.mulf %add3A_1617, %add3A_1617 : vector<16xf32>
        %add3A_1626 = arith.addf %scan3A_1426, %mul3A_1625 : vector<16xf32>
        scf.yield %add3A_1456, %add3A_1458, %add3A_1480, %add3A_1482, %add3A_1504, %add3A_1506, %add3A_1528, %add3A_1530, %add3A_1552, %add3A_1554, %add3A_1576, %add3A_1578, %add3A_1600, %add3A_1602, %add3A_1624, %add3A_1626 : vector<16xf32>, vector<16xf32>, vector<16xf32>, vector<16xf32>, vector<16xf32>, vector<16xf32>, vector<16xf32>, vector<16xf32>, vector<16xf32>, vector<16xf32>, vector<16xf32>, vector<16xf32>, vector<16xf32>, vector<16xf32>, vector<16xf32>, vector<16xf32>
      }
      %scan3A_1017 = arith.constant 64 : i32
      %swap3A_1018 = arith.constant 128 : index
      %swap3A_1019 = tpu.vector_load %arg16[%swap3A_1018] {strides = array<i32>} : memref<512xf32, #tpu.memory_space<vmem>>, vector<16xf32>,
      tpu.vector_store %arg16[%swap3A_1018], %scan3A_1016#0 {strides = array<i32>} : memref<512xf32, #tpu.memory_space<vmem>>, vector<16xf32>,
      %swap3A_1020 = arith.constant 384 : index
      %swap3A_1021 = tpu.vector_load %arg16[%swap3A_1020] {strides = array<i32>} : memref<512xf32, #tpu.memory_space<vmem>>, vector<16xf32>,
      tpu.vector_store %arg16[%swap3A_1020], %scan3A_1016#1 {strides = array<i32>} : memref<512xf32, #tpu.memory_space<vmem>>, vector<16xf32>,
      %swap3A_1022 = arith.constant 144 : index
      %swap3A_1023 = tpu.vector_load %arg16[%swap3A_1022] {strides = array<i32>} : memref<512xf32, #tpu.memory_space<vmem>>, vector<16xf32>,
      tpu.vector_store %arg16[%swap3A_1022], %scan3A_1016#2 {strides = array<i32>} : memref<512xf32, #tpu.memory_space<vmem>>, vector<16xf32>,
      %swap3A_1024 = arith.constant 400 : index
      %swap3A_1025 = tpu.vector_load %arg16[%swap3A_1024] {strides = array<i32>} : memref<512xf32, #tpu.memory_space<vmem>>, vector<16xf32>,
      tpu.vector_store %arg16[%swap3A_1024], %scan3A_1016#3 {strides = array<i32>} : memref<512xf32, #tpu.memory_space<vmem>>, vector<16xf32>,
      %swap3A_1026 = arith.constant 160 : index
      %swap3A_1027 = tpu.vector_load %arg16[%swap3A_1026] {strides = array<i32>} : memref<512xf32, #tpu.memory_space<vmem>>, vector<16xf32>,
      tpu.vector_store %arg16[%swap3A_1026], %scan3A_1016#4 {strides = array<i32>} : memref<512xf32, #tpu.memory_space<vmem>>, vector<16xf32>,
      %swap3A_1028 = arith.constant 416 : index
      %swap3A_1029 = tpu.vector_load %arg16[%swap3A_1028] {strides = array<i32>} : memref<512xf32, #tpu.memory_space<vmem>>, vector<16xf32>,
      tpu.vector_store %arg16[%swap3A_1028], %scan3A_1016#5 {strides = array<i32>} : memref<512xf32, #tpu.memory_space<vmem>>, vector<16xf32>,
      %swap3A_1030 = arith.constant 176 : index
      %swap3A_1031 = tpu.vector_load %arg16[%swap3A_1030] {strides = array<i32>} : memref<512xf32, #tpu.memory_space<vmem>>, vector<16xf32>,
      tpu.vector_store %arg16[%swap3A_1030], %scan3A_1016#6 {strides = array<i32>} : memref<512xf32, #tpu.memory_space<vmem>>, vector<16xf32>,
      %swap3A_1032 = arith.constant 432 : index
      %swap3A_1033 = tpu.vector_load %arg16[%swap3A_1032] {strides = array<i32>} : memref<512xf32, #tpu.memory_space<vmem>>, vector<16xf32>,
      tpu.vector_store %arg16[%swap3A_1032], %scan3A_1016#7 {strides = array<i32>} : memref<512xf32, #tpu.memory_space<vmem>>, vector<16xf32>,
      %swap3A_1034 = arith.constant 192 : index
      %swap3A_1035 = tpu.vector_load %arg16[%swap3A_1034] {strides = array<i32>} : memref<512xf32, #tpu.memory_space<vmem>>, vector<16xf32>,
      tpu.vector_store %arg16[%swap3A_1034], %scan3A_1016#8 {strides = array<i32>} : memref<512xf32, #tpu.memory_space<vmem>>, vector<16xf32>,
      %swap3A_1036 = arith.constant 448 : index
      %swap3A_1037 = tpu.vector_load %arg16[%swap3A_1036] {strides = array<i32>} : memref<512xf32, #tpu.memory_space<vmem>>, vector<16xf32>,
      tpu.vector_store %arg16[%swap3A_1036], %scan3A_1016#9 {strides = array<i32>} : memref<512xf32, #tpu.memory_space<vmem>>, vector<16xf32>,
      %swap3A_1038 = arith.constant 208 : index
      %swap3A_1039 = tpu.vector_load %arg16[%swap3A_1038] {strides = array<i32>} : memref<512xf32, #tpu.memory_space<vmem>>, vector<16xf32>,
      tpu.vector_store %arg16[%swap3A_1038], %scan3A_1016#10 {strides = array<i32>} : memref<512xf32, #tpu.memory_space<vmem>>, vector<16xf32>,
      %swap3A_1040 = arith.constant 464 : index
      %swap3A_1041 = tpu.vector_load %arg16[%swap3A_1040] {strides = array<i32>} : memref<512xf32, #tpu.memory_space<vmem>>, vector<16xf32>,
      tpu.vector_store %arg16[%swap3A_1040], %scan3A_1016#11 {strides = array<i32>} : memref<512xf32, #tpu.memory_space<vmem>>, vector<16xf32>,
      %swap3A_1042 = arith.constant 224 : index
      %swap3A_1043 = tpu.vector_load %arg16[%swap3A_1042] {strides = array<i32>} : memref<512xf32, #tpu.memory_space<vmem>>, vector<16xf32>,
      tpu.vector_store %arg16[%swap3A_1042], %scan3A_1016#12 {strides = array<i32>} : memref<512xf32, #tpu.memory_space<vmem>>, vector<16xf32>,
      %swap3A_1044 = arith.constant 480 : index
      %swap3A_1045 = tpu.vector_load %arg16[%swap3A_1044] {strides = array<i32>} : memref<512xf32, #tpu.memory_space<vmem>>, vector<16xf32>,
      tpu.vector_store %arg16[%swap3A_1044], %scan3A_1016#13 {strides = array<i32>} : memref<512xf32, #tpu.memory_space<vmem>>, vector<16xf32>,
      %swap3A_1046 = arith.constant 240 : index
      %swap3A_1047 = tpu.vector_load %arg16[%swap3A_1046] {strides = array<i32>} : memref<512xf32, #tpu.memory_space<vmem>>, vector<16xf32>,
      tpu.vector_store %arg16[%swap3A_1046], %scan3A_1016#14 {strides = array<i32>} : memref<512xf32, #tpu.memory_space<vmem>>, vector<16xf32>,
      %swap3A_1048 = arith.constant 496 : index
      %swap3A_1049 = tpu.vector_load %arg16[%swap3A_1048] {strides = array<i32>} : memref<512xf32, #tpu.memory_space<vmem>>, vector<16xf32>,
      tpu.vector_store %arg16[%swap3A_1048], %scan3A_1016#15 {strides = array<i32>} : memref<512xf32, #tpu.memory_space<vmem>>, vector<16xf32>,
      %mul3A_1050 = arith.constant 16 : i32
      %mul3A_1051 = vector.broadcast %mul3A_1050 : i32 to vector<16xi32>
      %mul3A_1052 = arith.muli %iota3A, %mul3A_1051 : vector<16xi32>
      %add3A_1053 = arith.constant 0 : i32
      %add3A_1054 = vector.broadcast %add3A_1053 : i32 to vector<16xi32>
      %add3A_1055 = arith.addi %mul3A_1052, %add3A_1054 : vector<16xi32>
      %gather3A_1056 = tpu.vector_load_idx %arg16[%add3A_1055] : memref<512xf32, #tpu.memory_space<vmem>>[vector<16xi32>], vector<16xf32>,
      %add3A_1057 = arith.addf %broadcast_in_dim3A_973, %gather3A_1056 : vector<16xf32>
      %add3A_1058 = arith.constant 256 : i32
      %add3A_1059 = vector.broadcast %add3A_1058 : i32 to vector<16xi32>
      %add3A_1060 = arith.addi %mul3A_1052, %add3A_1059 : vector<16xi32>
      %gather3A_1061 = tpu.vector_load_idx %arg16[%add3A_1060] : memref<512xf32, #tpu.memory_space<vmem>>[vector<16xi32>], vector<16xf32>,
      %add3A_1062 = arith.addf %broadcast_in_dim3A_973, %gather3A_1061 : vector<16xf32>
      %add3A_1063 = arith.constant 1 : i32
      %add3A_1064 = vector.broadcast %add3A_1063 : i32 to vector<16xi32>
      %add3A_1065 = arith.addi %mul3A_1052, %add3A_1064 : vector<16xi32>
      %gather3A_1066 = tpu.vector_load_idx %arg16[%add3A_1065] : memref<512xf32, #tpu.memory_space<vmem>>[vector<16xi32>], vector<16xf32>,
      %add3A_1067 = arith.addf %add3A_1057, %gather3A_1066 : vector<16xf32>
      %add3A_1068 = arith.constant 257 : i32
      %add3A_1069 = vector.broadcast %add3A_1068 : i32 to vector<16xi32>
      %add3A_1070 = arith.addi %mul3A_1052, %add3A_1069 : vector<16xi32>
      %gather3A_1071 = tpu.vector_load_idx %arg16[%add3A_1070] : memref<512xf32, #tpu.memory_space<vmem>>[vector<16xi32>], vector<16xf32>,
      %add3A_1072 = arith.addf %add3A_1062, %gather3A_1071 : vector<16xf32>
      %add3A_1073 = arith.constant 2 : i32
      %add3A_1074 = vector.broadcast %add3A_1073 : i32 to vector<16xi32>
      %add3A_1075 = arith.addi %mul3A_1052, %add3A_1074 : vector<16xi32>
      %gather3A_1076 = tpu.vector_load_idx %arg16[%add3A_1075] : memref<512xf32, #tpu.memory_space<vmem>>[vector<16xi32>], vector<16xf32>,
      %add3A_1077 = arith.addf %add3A_1067, %gather3A_1076 : vector<16xf32>
      %add3A_1078 = arith.constant 258 : i32
      %add3A_1079 = vector.broadcast %add3A_1078 : i32 to vector<16xi32>
      %add3A_1080 = arith.addi %mul3A_1052, %add3A_1079 : vector<16xi32>
      %gather3A_1081 = tpu.vector_load_idx %arg16[%add3A_1080] : memref<512xf32, #tpu.memory_space<vmem>>[vector<16xi32>], vector<16xf32>,
      %add3A_1082 = arith.addf %add3A_1072, %gather3A_1081 : vector<16xf32>
      %add3A_1083 = arith.constant 3 : i32
      %add3A_1084 = vector.broadcast %add3A_1083 : i32 to vector<16xi32>
      %add3A_1085 = arith.addi %mul3A_1052, %add3A_1084 : vector<16xi32>
      %gather3A_1086 = tpu.vector_load_idx %arg16[%add3A_1085] : memref<512xf32, #tpu.memory_space<vmem>>[vector<16xi32>], vector<16xf32>,
      %add3A_1087 = arith.addf %add3A_1077, %gather3A_1086 : vector<16xf32>
      %add3A_1088 = arith.constant 259 : i32
      %add3A_1089 = vector.broadcast %add3A_1088 : i32 to vector<16xi32>
      %add3A_1090 = arith.addi %mul3A_1052, %add3A_1089 : vector<16xi32>
      %gather3A_1091 = tpu.vector_load_idx %arg16[%add3A_1090] : memref<512xf32, #tpu.memory_space<vmem>>[vector<16xi32>], vector<16xf32>,
      %add3A_1092 = arith.addf %add3A_1082, %gather3A_1091 : vector<16xf32>
      %add3A_1093 = arith.constant 4 : i32
      %add3A_1094 = vector.broadcast %add3A_1093 : i32 to vector<16xi32>
      %add3A_1095 = arith.addi %mul3A_1052, %add3A_1094 : vector<16xi32>
      %gather3A_1096 = tpu.vector_load_idx %arg16[%add3A_1095] : memref<512xf32, #tpu.memory_space<vmem>>[vector<16xi32>], vector<16xf32>,
      %add3A_1097 = arith.addf %add3A_1087, %gather3A_1096 : vector<16xf32>
      %add3A_1098 = arith.constant 260 : i32
      %add3A_1099 = vector.broadcast %add3A_1098 : i32 to vector<16xi32>
      %add3A_1100 = arith.addi %mul3A_1052, %add3A_1099 : vector<16xi32>
      %gather3A_1101 = tpu.vector_load_idx %arg16[%add3A_1100] : memref<512xf32, #tpu.memory_space<vmem>>[vector<16xi32>], vector<16xf32>,
      %add3A_1102 = arith.addf %add3A_1092, %gather3A_1101 : vector<16xf32>
      %add3A_1103 = arith.constant 5 : i32
      %add3A_1104 = vector.broadcast %add3A_1103 : i32 to vector<16xi32>
      %add3A_1105 = arith.addi %mul3A_1052, %add3A_1104 : vector<16xi32>
      %gather3A_1106 = tpu.vector_load_idx %arg16[%add3A_1105] : memref<512xf32, #tpu.memory_space<vmem>>[vector<16xi32>], vector<16xf32>,
      %add3A_1107 = arith.addf %add3A_1097, %gather3A_1106 : vector<16xf32>
      %add3A_1108 = arith.constant 261 : i32
      %add3A_1109 = vector.broadcast %add3A_1108 : i32 to vector<16xi32>
      %add3A_1110 = arith.addi %mul3A_1052, %add3A_1109 : vector<16xi32>
      %gather3A_1111 = tpu.vector_load_idx %arg16[%add3A_1110] : memref<512xf32, #tpu.memory_space<vmem>>[vector<16xi32>], vector<16xf32>,
      %add3A_1112 = arith.addf %add3A_1102, %gather3A_1111 : vector<16xf32>
      %add3A_1113 = arith.constant 6 : i32
      %add3A_1114 = vector.broadcast %add3A_1113 : i32 to vector<16xi32>
      %add3A_1115 = arith.addi %mul3A_1052, %add3A_1114 : vector<16xi32>
      %gather3A_1116 = tpu.vector_load_idx %arg16[%add3A_1115] : memref<512xf32, #tpu.memory_space<vmem>>[vector<16xi32>], vector<16xf32>,
      %add3A_1117 = arith.addf %add3A_1107, %gather3A_1116 : vector<16xf32>
      %add3A_1118 = arith.constant 262 : i32
      %add3A_1119 = vector.broadcast %add3A_1118 : i32 to vector<16xi32>
      %add3A_1120 = arith.addi %mul3A_1052, %add3A_1119 : vector<16xi32>
      %gather3A_1121 = tpu.vector_load_idx %arg16[%add3A_1120] : memref<512xf32, #tpu.memory_space<vmem>>[vector<16xi32>], vector<16xf32>,
      %add3A_1122 = arith.addf %add3A_1112, %gather3A_1121 : vector<16xf32>
      %add3A_1123 = arith.constant 7 : i32
      %add3A_1124 = vector.broadcast %add3A_1123 : i32 to vector<16xi32>
      %add3A_1125 = arith.addi %mul3A_1052, %add3A_1124 : vector<16xi32>
      %gather3A_1126 = tpu.vector_load_idx %arg16[%add3A_1125] : memref<512xf32, #tpu.memory_space<vmem>>[vector<16xi32>], vector<16xf32>,
      %add3A_1127 = arith.addf %add3A_1117, %gather3A_1126 : vector<16xf32>
      %add3A_1128 = arith.constant 263 : i32
      %add3A_1129 = vector.broadcast %add3A_1128 : i32 to vector<16xi32>
      %add3A_1130 = arith.addi %mul3A_1052, %add3A_1129 : vector<16xi32>
      %gather3A_1131 = tpu.vector_load_idx %arg16[%add3A_1130] : memref<512xf32, #tpu.memory_space<vmem>>[vector<16xi32>], vector<16xf32>,
      %add3A_1132 = arith.addf %add3A_1122, %gather3A_1131 : vector<16xf32>
      %add3A_1133 = arith.constant 8 : i32
      %add3A_1134 = vector.broadcast %add3A_1133 : i32 to vector<16xi32>
      %add3A_1135 = arith.addi %mul3A_1052, %add3A_1134 : vector<16xi32>
      %gather3A_1136 = tpu.vector_load_idx %arg16[%add3A_1135] : memref<512xf32, #tpu.memory_space<vmem>>[vector<16xi32>], vector<16xf32>,
      %add3A_1137 = arith.addf %add3A_1127, %gather3A_1136 : vector<16xf32>
      %add3A_1138 = arith.constant 264 : i32
      %add3A_1139 = vector.broadcast %add3A_1138 : i32 to vector<16xi32>
      %add3A_1140 = arith.addi %mul3A_1052, %add3A_1139 : vector<16xi32>
      %gather3A_1141 = tpu.vector_load_idx %arg16[%add3A_1140] : memref<512xf32, #tpu.memory_space<vmem>>[vector<16xi32>], vector<16xf32>,
      %add3A_1142 = arith.addf %add3A_1132, %gather3A_1141 : vector<16xf32>
      %add3A_1143 = arith.constant 9 : i32
      %add3A_1144 = vector.broadcast %add3A_1143 : i32 to vector<16xi32>
      %add3A_1145 = arith.addi %mul3A_1052, %add3A_1144 : vector<16xi32>
      %gather3A_1146 = tpu.vector_load_idx %arg16[%add3A_1145] : memref<512xf32, #tpu.memory_space<vmem>>[vector<16xi32>], vector<16xf32>,
      %add3A_1147 = arith.addf %add3A_1137, %gather3A_1146 : vector<16xf32>
      %add3A_1148 = arith.constant 265 : i32
      %add3A_1149 = vector.broadcast %add3A_1148 : i32 to vector<16xi32>
      %add3A_1150 = arith.addi %mul3A_1052, %add3A_1149 : vector<16xi32>
      %gather3A_1151 = tpu.vector_load_idx %arg16[%add3A_1150] : memref<512xf32, #tpu.memory_space<vmem>>[vector<16xi32>], vector<16xf32>,
      %add3A_1152 = arith.addf %add3A_1142, %gather3A_1151 : vector<16xf32>
      %add3A_1153 = arith.constant 10 : i32
      %add3A_1154 = vector.broadcast %add3A_1153 : i32 to vector<16xi32>
      %add3A_1155 = arith.addi %mul3A_1052, %add3A_1154 : vector<16xi32>
      %gather3A_1156 = tpu.vector_load_idx %arg16[%add3A_1155] : memref<512xf32, #tpu.memory_space<vmem>>[vector<16xi32>], vector<16xf32>,
      %add3A_1157 = arith.addf %add3A_1147, %gather3A_1156 : vector<16xf32>
      %add3A_1158 = arith.constant 266 : i32
      %add3A_1159 = vector.broadcast %add3A_1158 : i32 to vector<16xi32>
      %add3A_1160 = arith.addi %mul3A_1052, %add3A_1159 : vector<16xi32>
      %gather3A_1161 = tpu.vector_load_idx %arg16[%add3A_1160] : memref<512xf32, #tpu.memory_space<vmem>>[vector<16xi32>], vector<16xf32>,
      %add3A_1162 = arith.addf %add3A_1152, %gather3A_1161 : vector<16xf32>
      %add3A_1163 = arith.constant 11 : i32
      %add3A_1164 = vector.broadcast %add3A_1163 : i32 to vector<16xi32>
      %add3A_1165 = arith.addi %mul3A_1052, %add3A_1164 : vector<16xi32>
      %gather3A_1166 = tpu.vector_load_idx %arg16[%add3A_1165] : memref<512xf32, #tpu.memory_space<vmem>>[vector<16xi32>], vector<16xf32>,
      %add3A_1167 = arith.addf %add3A_1157, %gather3A_1166 : vector<16xf32>
      %add3A_1168 = arith.constant 267 : i32
      %add3A_1169 = vector.broadcast %add3A_1168 : i32 to vector<16xi32>
      %add3A_1170 = arith.addi %mul3A_1052, %add3A_1169 : vector<16xi32>
      %gather3A_1171 = tpu.vector_load_idx %arg16[%add3A_1170] : memref<512xf32, #tpu.memory_space<vmem>>[vector<16xi32>], vector<16xf32>,
      %add3A_1172 = arith.addf %add3A_1162, %gather3A_1171 : vector<16xf32>
      %add3A_1173 = arith.constant 12 : i32
      %add3A_1174 = vector.broadcast %add3A_1173 : i32 to vector<16xi32>
      %add3A_1175 = arith.addi %mul3A_1052, %add3A_1174 : vector<16xi32>
      %gather3A_1176 = tpu.vector_load_idx %arg16[%add3A_1175] : memref<512xf32, #tpu.memory_space<vmem>>[vector<16xi32>], vector<16xf32>,
      %add3A_1177 = arith.addf %add3A_1167, %gather3A_1176 : vector<16xf32>
      %add3A_1178 = arith.constant 268 : i32
      %add3A_1179 = vector.broadcast %add3A_1178 : i32 to vector<16xi32>
      %add3A_1180 = arith.addi %mul3A_1052, %add3A_1179 : vector<16xi32>
      %gather3A_1181 = tpu.vector_load_idx %arg16[%add3A_1180] : memref<512xf32, #tpu.memory_space<vmem>>[vector<16xi32>], vector<16xf32>,
      %add3A_1182 = arith.addf %add3A_1172, %gather3A_1181 : vector<16xf32>
      %add3A_1183 = arith.constant 13 : i32
      %add3A_1184 = vector.broadcast %add3A_1183 : i32 to vector<16xi32>
      %add3A_1185 = arith.addi %mul3A_1052, %add3A_1184 : vector<16xi32>
      %gather3A_1186 = tpu.vector_load_idx %arg16[%add3A_1185] : memref<512xf32, #tpu.memory_space<vmem>>[vector<16xi32>], vector<16xf32>,
      %add3A_1187 = arith.addf %add3A_1177, %gather3A_1186 : vector<16xf32>
      %add3A_1188 = arith.constant 269 : i32
      %add3A_1189 = vector.broadcast %add3A_1188 : i32 to vector<16xi32>
      %add3A_1190 = arith.addi %mul3A_1052, %add3A_1189 : vector<16xi32>
      %gather3A_1191 = tpu.vector_load_idx %arg16[%add3A_1190] : memref<512xf32, #tpu.memory_space<vmem>>[vector<16xi32>], vector<16xf32>,
      %add3A_1192 = arith.addf %add3A_1182, %gather3A_1191 : vector<16xf32>
      %add3A_1193 = arith.constant 14 : i32
      %add3A_1194 = vector.broadcast %add3A_1193 : i32 to vector<16xi32>
      %add3A_1195 = arith.addi %mul3A_1052, %add3A_1194 : vector<16xi32>
      %gather3A_1196 = tpu.vector_load_idx %arg16[%add3A_1195] : memref<512xf32, #tpu.memory_space<vmem>>[vector<16xi32>], vector<16xf32>,
      %add3A_1197 = arith.addf %add3A_1187, %gather3A_1196 : vector<16xf32>
      %add3A_1198 = arith.constant 270 : i32
      %add3A_1199 = vector.broadcast %add3A_1198 : i32 to vector<16xi32>
      %add3A_1200 = arith.addi %mul3A_1052, %add3A_1199 : vector<16xi32>
      %gather3A_1201 = tpu.vector_load_idx %arg16[%add3A_1200] : memref<512xf32, #tpu.memory_space<vmem>>[vector<16xi32>], vector<16xf32>,
      %add3A_1202 = arith.addf %add3A_1192, %gather3A_1201 : vector<16xf32>
      %add3A_1203 = arith.constant 15 : i32
      %add3A_1204 = vector.broadcast %add3A_1203 : i32 to vector<16xi32>
      %add3A_1205 = arith.addi %mul3A_1052, %add3A_1204 : vector<16xi32>
      %gather3A_1206 = tpu.vector_load_idx %arg16[%add3A_1205] : memref<512xf32, #tpu.memory_space<vmem>>[vector<16xi32>], vector<16xf32>,
      %add3A_1207 = arith.addf %add3A_1197, %gather3A_1206 : vector<16xf32>
      %add3A_1208 = arith.constant 271 : i32
      %add3A_1209 = vector.broadcast %add3A_1208 : i32 to vector<16xi32>
      %add3A_1210 = arith.addi %mul3A_1052, %add3A_1209 : vector<16xi32>
      %gather3A_1211 = tpu.vector_load_idx %arg16[%add3A_1210] : memref<512xf32, #tpu.memory_space<vmem>>[vector<16xi32>], vector<16xf32>,
      %add3A_1212 = arith.addf %add3A_1202, %gather3A_1211 : vector<16xf32>
      %mul3A_1213 = arith.constant 9.765625E-4 : f32
      %mul3A_1214 = vector.broadcast %mul3A_1213 : f32 to vector<16xf32>
      %mul3A_1215 = arith.mulf %add3A_1207, %mul3A_1214 : vector<16xf32>
      %mul3A_1216 = arith.constant 9.765625E-4 : f32
      %mul3A_1217 = vector.broadcast %mul3A_1216 : f32 to vector<16xf32>
      %mul3A_1218 = arith.mulf %add3A_1212, %mul3A_1217 : vector<16xf32>
      %mul3A_1219 = arith.mulf %mul3A_1215, %mul3A_1215 : vector<16xf32>
      %sub3A_1220 = arith.subf %mul3A_1218, %mul3A_1219 : vector<16xf32>
      %add3A_1221 = arith.constant 9.99999996E-13 : f32
      %add3A_1222 = vector.broadcast %add3A_1221 : f32 to vector<16xf32>
      %add3A_1223 = arith.addf %sub3A_1220, %add3A_1222 : vector<16xf32>
      %bitcast3A_1224 = vector.bitcast %add3A_1223 : vector<16xf32> to vector<16xi32>
      %shift_right_logical3A_1225 = arith.constant 1 : i32
      %shift_right_logical3A_1226 = vector.broadcast %shift_right_logical3A_1225 : i32 to vector<16xi32>
      %shift_right_logical3A_1227 = arith.shrui %bitcast3A_1224, %shift_right_logical3A_1226 : vector<16xi32>
      %sub3A_1228 = arith.constant 1597463007 : i32
      %sub3A_1229 = vector.broadcast %sub3A_1228 : i32 to vector<16xi32>
      %sub3A_1230 = arith.subi %sub3A_1229, %shift_right_logical3A_1227 : vector<16xi32>
      %bitcast3A_1231 = vector.bitcast %sub3A_1230 : vector<16xi32> to vector<16xf32>
      %mul3A_1232 = arith.constant 5.000000e-01 : f32
      %mul3A_1233 = vector.broadcast %mul3A_1232 : f32 to vector<16xf32>
      %mul3A_1234 = arith.mulf %add3A_1223, %mul3A_1233 : vector<16xf32>
      %mul3A_1235 = arith.mulf %mul3A_1234, %bitcast3A_1231 : vector<16xf32>
      %mul3A_1236 = arith.mulf %mul3A_1235, %bitcast3A_1231 : vector<16xf32>
      %sub3A_1237 = arith.constant 1.500000e+00 : f32
      %sub3A_1238 = vector.broadcast %sub3A_1237 : f32 to vector<16xf32>
      %sub3A_1239 = arith.subf %sub3A_1238, %mul3A_1236 : vector<16xf32>
      %mul3A_1240 = arith.mulf %bitcast3A_1231, %sub3A_1239 : vector<16xf32>
      %mul3A_1241 = arith.mulf %mul3A_1234, %mul3A_1240 : vector<16xf32>
      %mul3A_1242 = arith.mulf %mul3A_1241, %mul3A_1240 : vector<16xf32>
      %sub3A_1243 = arith.constant 1.500000e+00 : f32
      %sub3A_1244 = vector.broadcast %sub3A_1243 : f32 to vector<16xf32>
      %sub3A_1245 = arith.subf %sub3A_1244, %mul3A_1242 : vector<16xf32>
      %mul3A_1246 = arith.mulf %mul3A_1240, %sub3A_1245 : vector<16xf32>
      %mul3A_1247 = arith.mulf %mul3A_1234, %mul3A_1246 : vector<16xf32>
      %mul3A_1248 = arith.mulf %mul3A_1247, %mul3A_1246 : vector<16xf32>
      %sub3A_1249 = arith.constant 1.500000e+00 : f32
      %sub3A_1250 = vector.broadcast %sub3A_1249 : f32 to vector<16xf32>
      %sub3A_1251 = arith.subf %sub3A_1250, %mul3A_1248 : vector<16xf32>
      %mul3A_1252 = arith.mulf %mul3A_1246, %sub3A_1251 : vector<16xf32>
      %swap3A_1253 = arith.constant 16 : index
      %swap3A_1254 = tpu.vector_load %arg17[%swap3A_1253] {strides = array<i32>} : memref<48xf32, #tpu.memory_space<vmem>>, vector<16xf32>,
      tpu.vector_store %arg17[%swap3A_1253], %mul3A_1215 {strides = array<i32>} : memref<48xf32, #tpu.memory_space<vmem>>, vector<16xf32>,
      %swap3A_1255 = arith.constant 32 : index
      %swap3A_1256 = tpu.vector_load %arg17[%swap3A_1255] {strides = array<i32>} : memref<48xf32, #tpu.memory_space<vmem>>, vector<16xf32>,
      tpu.vector_store %arg17[%swap3A_1255], %mul3A_1252 {strides = array<i32>} : memref<48xf32, #tpu.memory_space<vmem>>, vector<16xf32>,
      %broadcast_in_dim3A_1257 = arith.constant 16 : i32
      %broadcast_in_dim3A_1258 = vector.broadcast %broadcast_in_dim3A_1257 : i32 to vector<16xi32>
      %gather3A_1259 = tpu.vector_load_idx %arg17[%broadcast_in_dim3A_1258] : memref<48xf32, #tpu.memory_space<vmem>>[vector<16xi32>], vector<16xf32>,
      %broadcast_in_dim3A_1260 = arith.constant 17 : i32
      %broadcast_in_dim3A_1261 = vector.broadcast %broadcast_in_dim3A_1260 : i32 to vector<16xi32>
      %gather3A_1262 = tpu.vector_load_idx %arg17[%broadcast_in_dim3A_1261] : memref<48xf32, #tpu.memory_space<vmem>>[vector<16xi32>], vector<16xf32>,
      %broadcast_in_dim3A_1263 = arith.constant 18 : i32
      %broadcast_in_dim3A_1264 = vector.broadcast %broadcast_in_dim3A_1263 : i32 to vector<16xi32>
      %gather3A_1265 = tpu.vector_load_idx %arg17[%broadcast_in_dim3A_1264] : memref<48xf32, #tpu.memory_space<vmem>>[vector<16xi32>], vector<16xf32>,
      %broadcast_in_dim3A_1266 = arith.constant 19 : i32
      %broadcast_in_dim3A_1267 = vector.broadcast %broadcast_in_dim3A_1266 : i32 to vector<16xi32>
      %gather3A_1268 = tpu.vector_load_idx %arg17[%broadcast_in_dim3A_1267] : memref<48xf32, #tpu.memory_space<vmem>>[vector<16xi32>], vector<16xf32>,
      %broadcast_in_dim3A_1269 = arith.constant 20 : i32
      %broadcast_in_dim3A_1270 = vector.broadcast %broadcast_in_dim3A_1269 : i32 to vector<16xi32>
      %gather3A_1271 = tpu.vector_load_idx %arg17[%broadcast_in_dim3A_1270] : memref<48xf32, #tpu.memory_space<vmem>>[vector<16xi32>], vector<16xf32>,
      %broadcast_in_dim3A_1272 = arith.constant 21 : i32
      %broadcast_in_dim3A_1273 = vector.broadcast %broadcast_in_dim3A_1272 : i32 to vector<16xi32>
      %gather3A_1274 = tpu.vector_load_idx %arg17[%broadcast_in_dim3A_1273] : memref<48xf32, #tpu.memory_space<vmem>>[vector<16xi32>], vector<16xf32>,
      %broadcast_in_dim3A_1275 = arith.constant 22 : i32
      %broadcast_in_dim3A_1276 = vector.broadcast %broadcast_in_dim3A_1275 : i32 to vector<16xi32>
      %gather3A_1277 = tpu.vector_load_idx %arg17[%broadcast_in_dim3A_1276] : memref<48xf32, #tpu.memory_space<vmem>>[vector<16xi32>], vector<16xf32>,
      %broadcast_in_dim3A_1278 = arith.constant 23 : i32
      %broadcast_in_dim3A_1279 = vector.broadcast %broadcast_in_dim3A_1278 : i32 to vector<16xi32>
      %gather3A_1280 = tpu.vector_load_idx %arg17[%broadcast_in_dim3A_1279] : memref<48xf32, #tpu.memory_space<vmem>>[vector<16xi32>], vector<16xf32>,
      %broadcast_in_dim3A_1281 = arith.constant 32 : i32
      %broadcast_in_dim3A_1282 = vector.broadcast %broadcast_in_dim3A_1281 : i32 to vector<16xi32>
      %gather3A_1283 = tpu.vector_load_idx %arg17[%broadcast_in_dim3A_1282] : memref<48xf32, #tpu.memory_space<vmem>>[vector<16xi32>], vector<16xf32>,
      %broadcast_in_dim3A_1284 = arith.constant 33 : i32
      %broadcast_in_dim3A_1285 = vector.broadcast %broadcast_in_dim3A_1284 : i32 to vector<16xi32>
      %gather3A_1286 = tpu.vector_load_idx %arg17[%broadcast_in_dim3A_1285] : memref<48xf32, #tpu.memory_space<vmem>>[vector<16xi32>], vector<16xf32>,
      %broadcast_in_dim3A_1287 = arith.constant 34 : i32
      %broadcast_in_dim3A_1288 = vector.broadcast %broadcast_in_dim3A_1287 : i32 to vector<16xi32>
      %gather3A_1289 = tpu.vector_load_idx %arg17[%broadcast_in_dim3A_1288] : memref<48xf32, #tpu.memory_space<vmem>>[vector<16xi32>], vector<16xf32>,
      %broadcast_in_dim3A_1290 = arith.constant 35 : i32
      %broadcast_in_dim3A_1291 = vector.broadcast %broadcast_in_dim3A_1290 : i32 to vector<16xi32>
      %gather3A_1292 = tpu.vector_load_idx %arg17[%broadcast_in_dim3A_1291] : memref<48xf32, #tpu.memory_space<vmem>>[vector<16xi32>], vector<16xf32>,
      %broadcast_in_dim3A_1293 = arith.constant 36 : i32
      %broadcast_in_dim3A_1294 = vector.broadcast %broadcast_in_dim3A_1293 : i32 to vector<16xi32>
      %gather3A_1295 = tpu.vector_load_idx %arg17[%broadcast_in_dim3A_1294] : memref<48xf32, #tpu.memory_space<vmem>>[vector<16xi32>], vector<16xf32>,
      %broadcast_in_dim3A_1296 = arith.constant 37 : i32
      %broadcast_in_dim3A_1297 = vector.broadcast %broadcast_in_dim3A_1296 : i32 to vector<16xi32>
      %gather3A_1298 = tpu.vector_load_idx %arg17[%broadcast_in_dim3A_1297] : memref<48xf32, #tpu.memory_space<vmem>>[vector<16xi32>], vector<16xf32>,
      %broadcast_in_dim3A_1299 = arith.constant 38 : i32
      %broadcast_in_dim3A_1300 = vector.broadcast %broadcast_in_dim3A_1299 : i32 to vector<16xi32>
      %gather3A_1301 = tpu.vector_load_idx %arg17[%broadcast_in_dim3A_1300] : memref<48xf32, #tpu.memory_space<vmem>>[vector<16xi32>], vector<16xf32>,
      %broadcast_in_dim3A_1302 = arith.constant 39 : i32
      %broadcast_in_dim3A_1303 = vector.broadcast %broadcast_in_dim3A_1302 : i32 to vector<16xi32>
      %gather3A_1304 = tpu.vector_load_idx %arg17[%broadcast_in_dim3A_1303] : memref<48xf32, #tpu.memory_space<vmem>>[vector<16xi32>], vector<16xf32>,
      %scan3A_1305 = arith.constant 0 : i32
      %scan3A_1306 = arith.constant 0 : i32
      %scan3A_1307 = arith.constant 64 : i32
      %scan3A_1308 = arith.addi %scan3A_1306, %scan3A_1307 : i32
      %scan3A_1309 = arith.constant 1 : i32
      %scan3A_1310 = scf.for %scan3A_1410 = %scan3A_1306 to %scan3A_1308 step %scan3A_1309 iter_args(%scan3A_1411 = %scan3A_1305) -> (i32)  : i32 {
        %mul3A_1412 = arith.constant 16 : i32
        %mul3A_1413 = arith.muli %scan3A_1410, %mul3A_1412 : i32
        %get3A = arith.index_cast %mul3A_1413 : i32 to index
        %get3A_1414 = tpu.vector_load %arg14[%get3A] {strides = array<i32>} : memref<1024xf32, #tpu.memory_space<vmem>>, vector<16xf32>,
        %get3A_1415 = arith.index_cast %mul3A_1413 : i32 to index
        %get3A_1416 = tpu.vector_load %arg15[%get3A_1415] {strides = array<i32>} : memref<1024xf32, #tpu.memory_space<vmem>>, vector<16xf32>,
        %get3A_1417 = arith.constant 1 : i32
        %get3A_1418 = arith.constant 0 : i32
        %get3A_1419 = arith.index_cast %get3A_1417 : i32 to index
        %get3A_1420 = arith.index_cast %get3A_1418 : i32 to index
        %get3A_1421 = arith.index_cast %mul3A_1413 : i32 to index
        %get3A_1422 = tpu.vector_load %arg11[%get3A_1419, %get3A_1420, %get3A_1421] {strides = array<i32>} : memref<2x16x1024xf32, #tpu.memory_space<vmem>>, vector<16xf32>,
        %sub3A_1423 = arith.subf %get3A_1422, %gather3A_1259 : vector<16xf32>
        %mul3A_1424 = arith.mulf %sub3A_1423, %gather3A_1283 : vector<16xf32>
        %mul3A_1425 = arith.mulf %mul3A_1424, %get3A_1414 : vector<16xf32>
        %add3A_1426 = arith.addf %mul3A_1425, %get3A_1416 : vector<16xf32>
        %swap3A_1427 = arith.constant 1 : i32
        %swap3A_1428 = arith.constant 0 : i32
        %swap3A_1429 = arith.index_cast %swap3A_1427 : i32 to index
        %swap3A_1430 = arith.index_cast %swap3A_1428 : i32 to index
        %swap3A_1431 = arith.index_cast %mul3A_1413 : i32 to index
        %swap3A_1432 = tpu.vector_load %arg11[%swap3A_1429, %swap3A_1430, %swap3A_1431] {strides = array<i32>} : memref<2x16x1024xf32, #tpu.memory_space<vmem>>, vector<16xf32>,
        tpu.vector_store %arg11[%swap3A_1429, %swap3A_1430, %swap3A_1431], %add3A_1426 {strides = array<i32>} : memref<2x16x1024xf32, #tpu.memory_space<vmem>>, vector<16xf32>,
        %get3A_1433 = arith.constant 1 : i32
        %get3A_1434 = arith.constant 1 : i32
        %get3A_1435 = arith.index_cast %get3A_1433 : i32 to index
        %get3A_1436 = arith.index_cast %get3A_1434 : i32 to index
        %get3A_1437 = arith.index_cast %mul3A_1413 : i32 to index
        %get3A_1438 = tpu.vector_load %arg11[%get3A_1435, %get3A_1436, %get3A_1437] {strides = array<i32>} : memref<2x16x1024xf32, #tpu.memory_space<vmem>>, vector<16xf32>,
        %sub3A_1439 = arith.subf %get3A_1438, %gather3A_1262 : vector<16xf32>
        %mul3A_1440 = arith.mulf %sub3A_1439, %gather3A_1286 : vector<16xf32>
        %mul3A_1441 = arith.mulf %mul3A_1440, %get3A_1414 : vector<16xf32>
        %add3A_1442 = arith.addf %mul3A_1441, %get3A_1416 : vector<16xf32>
        %swap3A_1443 = arith.constant 1 : i32
        %swap3A_1444 = arith.constant 1 : i32
        %swap3A_1445 = arith.index_cast %swap3A_1443 : i32 to index
        %swap3A_1446 = arith.index_cast %swap3A_1444 : i32 to index
        %swap3A_1447 = arith.index_cast %mul3A_1413 : i32 to index
        %swap3A_1448 = tpu.vector_load %arg11[%swap3A_1445, %swap3A_1446, %swap3A_1447] {strides = array<i32>} : memref<2x16x1024xf32, #tpu.memory_space<vmem>>, vector<16xf32>,
        tpu.vector_store %arg11[%swap3A_1445, %swap3A_1446, %swap3A_1447], %add3A_1442 {strides = array<i32>} : memref<2x16x1024xf32, #tpu.memory_space<vmem>>, vector<16xf32>,
        %get3A_1449 = arith.constant 1 : i32
        %get3A_1450 = arith.constant 2 : i32
        %get3A_1451 = arith.index_cast %get3A_1449 : i32 to index
        %get3A_1452 = arith.index_cast %get3A_1450 : i32 to index
        %get3A_1453 = arith.index_cast %mul3A_1413 : i32 to index
        %get3A_1454 = tpu.vector_load %arg11[%get3A_1451, %get3A_1452, %get3A_1453] {strides = array<i32>} : memref<2x16x1024xf32, #tpu.memory_space<vmem>>, vector<16xf32>,
        %sub3A_1455 = arith.subf %get3A_1454, %gather3A_1265 : vector<16xf32>
        %mul3A_1456 = arith.mulf %sub3A_1455, %gather3A_1289 : vector<16xf32>
        %mul3A_1457 = arith.mulf %mul3A_1456, %get3A_1414 : vector<16xf32>
        %add3A_1458 = arith.addf %mul3A_1457, %get3A_1416 : vector<16xf32>
        %swap3A_1459 = arith.constant 1 : i32
        %swap3A_1460 = arith.constant 2 : i32
        %swap3A_1461 = arith.index_cast %swap3A_1459 : i32 to index
        %swap3A_1462 = arith.index_cast %swap3A_1460 : i32 to index
        %swap3A_1463 = arith.index_cast %mul3A_1413 : i32 to index
        %swap3A_1464 = tpu.vector_load %arg11[%swap3A_1461, %swap3A_1462, %swap3A_1463] {strides = array<i32>} : memref<2x16x1024xf32, #tpu.memory_space<vmem>>, vector<16xf32>,
        tpu.vector_store %arg11[%swap3A_1461, %swap3A_1462, %swap3A_1463], %add3A_1458 {strides = array<i32>} : memref<2x16x1024xf32, #tpu.memory_space<vmem>>, vector<16xf32>,
        %get3A_1465 = arith.constant 1 : i32
        %get3A_1466 = arith.constant 3 : i32
        %get3A_1467 = arith.index_cast %get3A_1465 : i32 to index
        %get3A_1468 = arith.index_cast %get3A_1466 : i32 to index
        %get3A_1469 = arith.index_cast %mul3A_1413 : i32 to index
        %get3A_1470 = tpu.vector_load %arg11[%get3A_1467, %get3A_1468, %get3A_1469] {strides = array<i32>} : memref<2x16x1024xf32, #tpu.memory_space<vmem>>, vector<16xf32>,
        %sub3A_1471 = arith.subf %get3A_1470, %gather3A_1268 : vector<16xf32>
        %mul3A_1472 = arith.mulf %sub3A_1471, %gather3A_1292 : vector<16xf32>
        %mul3A_1473 = arith.mulf %mul3A_1472, %get3A_1414 : vector<16xf32>
        %add3A_1474 = arith.addf %mul3A_1473, %get3A_1416 : vector<16xf32>
        %swap3A_1475 = arith.constant 1 : i32
        %swap3A_1476 = arith.constant 3 : i32
        %swap3A_1477 = arith.index_cast %swap3A_1475 : i32 to index
        %swap3A_1478 = arith.index_cast %swap3A_1476 : i32 to index
        %swap3A_1479 = arith.index_cast %mul3A_1413 : i32 to index
        %swap3A_1480 = tpu.vector_load %arg11[%swap3A_1477, %swap3A_1478, %swap3A_1479] {strides = array<i32>} : memref<2x16x1024xf32, #tpu.memory_space<vmem>>, vector<16xf32>,
        tpu.vector_store %arg11[%swap3A_1477, %swap3A_1478, %swap3A_1479], %add3A_1474 {strides = array<i32>} : memref<2x16x1024xf32, #tpu.memory_space<vmem>>, vector<16xf32>,
        %get3A_1481 = arith.constant 1 : i32
        %get3A_1482 = arith.constant 4 : i32
        %get3A_1483 = arith.index_cast %get3A_1481 : i32 to index
        %get3A_1484 = arith.index_cast %get3A_1482 : i32 to index
        %get3A_1485 = arith.index_cast %mul3A_1413 : i32 to index
        %get3A_1486 = tpu.vector_load %arg11[%get3A_1483, %get3A_1484, %get3A_1485] {strides = array<i32>} : memref<2x16x1024xf32, #tpu.memory_space<vmem>>, vector<16xf32>,
        %sub3A_1487 = arith.subf %get3A_1486, %gather3A_1271 : vector<16xf32>
        %mul3A_1488 = arith.mulf %sub3A_1487, %gather3A_1295 : vector<16xf32>
        %mul3A_1489 = arith.mulf %mul3A_1488, %get3A_1414 : vector<16xf32>
        %add3A_1490 = arith.addf %mul3A_1489, %get3A_1416 : vector<16xf32>
        %swap3A_1491 = arith.constant 1 : i32
        %swap3A_1492 = arith.constant 4 : i32
        %swap3A_1493 = arith.index_cast %swap3A_1491 : i32 to index
        %swap3A_1494 = arith.index_cast %swap3A_1492 : i32 to index
        %swap3A_1495 = arith.index_cast %mul3A_1413 : i32 to index
        %swap3A_1496 = tpu.vector_load %arg11[%swap3A_1493, %swap3A_1494, %swap3A_1495] {strides = array<i32>} : memref<2x16x1024xf32, #tpu.memory_space<vmem>>, vector<16xf32>,
        tpu.vector_store %arg11[%swap3A_1493, %swap3A_1494, %swap3A_1495], %add3A_1490 {strides = array<i32>} : memref<2x16x1024xf32, #tpu.memory_space<vmem>>, vector<16xf32>,
        %get3A_1497 = arith.constant 1 : i32
        %get3A_1498 = arith.constant 5 : i32
        %get3A_1499 = arith.index_cast %get3A_1497 : i32 to index
        %get3A_1500 = arith.index_cast %get3A_1498 : i32 to index
        %get3A_1501 = arith.index_cast %mul3A_1413 : i32 to index
        %get3A_1502 = tpu.vector_load %arg11[%get3A_1499, %get3A_1500, %get3A_1501] {strides = array<i32>} : memref<2x16x1024xf32, #tpu.memory_space<vmem>>, vector<16xf32>,
        %sub3A_1503 = arith.subf %get3A_1502, %gather3A_1274 : vector<16xf32>
        %mul3A_1504 = arith.mulf %sub3A_1503, %gather3A_1298 : vector<16xf32>
        %mul3A_1505 = arith.mulf %mul3A_1504, %get3A_1414 : vector<16xf32>
        %add3A_1506 = arith.addf %mul3A_1505, %get3A_1416 : vector<16xf32>
        %swap3A_1507 = arith.constant 1 : i32
        %swap3A_1508 = arith.constant 5 : i32
        %swap3A_1509 = arith.index_cast %swap3A_1507 : i32 to index
        %swap3A_1510 = arith.index_cast %swap3A_1508 : i32 to index
        %swap3A_1511 = arith.index_cast %mul3A_1413 : i32 to index
        %swap3A_1512 = tpu.vector_load %arg11[%swap3A_1509, %swap3A_1510, %swap3A_1511] {strides = array<i32>} : memref<2x16x1024xf32, #tpu.memory_space<vmem>>, vector<16xf32>,
        tpu.vector_store %arg11[%swap3A_1509, %swap3A_1510, %swap3A_1511], %add3A_1506 {strides = array<i32>} : memref<2x16x1024xf32, #tpu.memory_space<vmem>>, vector<16xf32>,
        %get3A_1513 = arith.constant 1 : i32
        %get3A_1514 = arith.constant 6 : i32
        %get3A_1515 = arith.index_cast %get3A_1513 : i32 to index
        %get3A_1516 = arith.index_cast %get3A_1514 : i32 to index
        %get3A_1517 = arith.index_cast %mul3A_1413 : i32 to index
        %get3A_1518 = tpu.vector_load %arg11[%get3A_1515, %get3A_1516, %get3A_1517] {strides = array<i32>} : memref<2x16x1024xf32, #tpu.memory_space<vmem>>, vector<16xf32>,
        %sub3A_1519 = arith.subf %get3A_1518, %gather3A_1277 : vector<16xf32>
        %mul3A_1520 = arith.mulf %sub3A_1519, %gather3A_1301 : vector<16xf32>
        %mul3A_1521 = arith.mulf %mul3A_1520, %get3A_1414 : vector<16xf32>
        %add3A_1522 = arith.addf %mul3A_1521, %get3A_1416 : vector<16xf32>
        %swap3A_1523 = arith.constant 1 : i32
        %swap3A_1524 = arith.constant 6 : i32
        %swap3A_1525 = arith.index_cast %swap3A_1523 : i32 to index
        %swap3A_1526 = arith.index_cast %swap3A_1524 : i32 to index
        %swap3A_1527 = arith.index_cast %mul3A_1413 : i32 to index
        %swap3A_1528 = tpu.vector_load %arg11[%swap3A_1525, %swap3A_1526, %swap3A_1527] {strides = array<i32>} : memref<2x16x1024xf32, #tpu.memory_space<vmem>>, vector<16xf32>,
        tpu.vector_store %arg11[%swap3A_1525, %swap3A_1526, %swap3A_1527], %add3A_1522 {strides = array<i32>} : memref<2x16x1024xf32, #tpu.memory_space<vmem>>, vector<16xf32>,
        %get3A_1529 = arith.constant 1 : i32
        %get3A_1530 = arith.constant 7 : i32
        %get3A_1531 = arith.index_cast %get3A_1529 : i32 to index
        %get3A_1532 = arith.index_cast %get3A_1530 : i32 to index
        %get3A_1533 = arith.index_cast %mul3A_1413 : i32 to index
        %get3A_1534 = tpu.vector_load %arg11[%get3A_1531, %get3A_1532, %get3A_1533] {strides = array<i32>} : memref<2x16x1024xf32, #tpu.memory_space<vmem>>, vector<16xf32>,
        %sub3A_1535 = arith.subf %get3A_1534, %gather3A_1280 : vector<16xf32>
        %mul3A_1536 = arith.mulf %sub3A_1535, %gather3A_1304 : vector<16xf32>
        %mul3A_1537 = arith.mulf %mul3A_1536, %get3A_1414 : vector<16xf32>
        %add3A_1538 = arith.addf %mul3A_1537, %get3A_1416 : vector<16xf32>
        %swap3A_1539 = arith.constant 1 : i32
        %swap3A_1540 = arith.constant 7 : i32
        %swap3A_1541 = arith.index_cast %swap3A_1539 : i32 to index
        %swap3A_1542 = arith.index_cast %swap3A_1540 : i32 to index
        %swap3A_1543 = arith.index_cast %mul3A_1413 : i32 to index
        %swap3A_1544 = tpu.vector_load %arg11[%swap3A_1541, %swap3A_1542, %swap3A_1543] {strides = array<i32>} : memref<2x16x1024xf32, #tpu.memory_space<vmem>>, vector<16xf32>,
        tpu.vector_store %arg11[%swap3A_1541, %swap3A_1542, %swap3A_1543], %add3A_1538 {strides = array<i32>} : memref<2x16x1024xf32, #tpu.memory_space<vmem>>, vector<16xf32>,
        %scan3A_1545 = arith.constant 0 : i32
        scf.yield %scan3A_1545 : i32
      }
      %scan3A_1311 = arith.constant 64 : i32
      %mul3A_1312 = arith.constant 16 : i32
      %mul3A_1313 = arith.muli %add3A_82, %mul3A_1312 : i32
      %add3A_1314 = arith.addi %mul3A_2, %mul3A_1313 : i32
      %add3A_1315 = arith.constant 0 : i32
      %add3A_1316 = arith.addi %add3A_1314, %add3A_1315 : i32
      %dma_start3A_1317 = arith.constant 1 : i32
      %dma_start3A_1318 = arith.constant 1 : i32
      %dma_start3A_1319 = arith.constant 0 : i32
      %dma_start3A_1320 = arith.constant 0 : i32
      %dma_start3A_1321 = tpu.memref_slice %arg11[%dma_start3A_1317, %dma_start3A_1319, %dma_start3A_1320] : memref<2x16x1024xf32, #tpu.memory_space<vmem>> -> memref<1x8x1024xf32, #tpu.memory_space<vmem>>
      %dma_start3A_1322 = tpu.memref_squeeze %dma_start3A_1321 : memref<1x8x1024xf32, #tpu.memory_space<vmem>> -> memref<8x1024xf32, #tpu.memory_space<vmem>>
      %dma_start3A_1323 = arith.constant 0 : i32
      %dma_start3A_1324 = tpu.memref_slice %arg9[%add3A_1316, %dma_start3A_1323] : memref<8192x1024xf32, #tpu.memory_space<hbm>> -> memref<8x1024xf32, #tpu.memory_space<hbm>>
      %dma_start3A_1325 = tpu.memref_slice %arg20[%dma_start3A_1318] : memref<2x!tpu.dma_semaphore, #tpu.memory_space<semaphore_mem>> -> memref<1x!tpu.dma_semaphore, #tpu.memory_space<semaphore_mem>>
      %dma_start3A_1326 = tpu.memref_squeeze %dma_start3A_1325 : memref<1x!tpu.dma_semaphore, #tpu.memory_space<semaphore_mem>> -> memref<!tpu.dma_semaphore, #tpu.memory_space<semaphore_mem>>
      %dma_start3A_1327 = arith.constant 0 : i32
      %dma_start3A_1328 = tpu.memref_slice %arg9[%add3A_1316, %dma_start3A_1327] : memref<8192x1024xf32, #tpu.memory_space<hbm>> -> memref<8x1024xf32, #tpu.memory_space<hbm>>
      %dma_start3A_1329 = arith.constant 0 : i32
      %dma_start3A_1330 = arith.constant 0 : i32
      %dma_start3A_1331 = tpu.memref_slice %arg11[%dma_start3A_1317, %dma_start3A_1329, %dma_start3A_1330] : memref<2x16x1024xf32, #tpu.memory_space<vmem>> -> memref<1x8x1024xf32, #tpu.memory_space<vmem>>
      %dma_start3A_1332 = tpu.memref_squeeze %dma_start3A_1331 : memref<1x8x1024xf32, #tpu.memory_space<vmem>> -> memref<8x1024xf32, #tpu.memory_space<vmem>>
      tpu.enqueue_dma source(%dma_start3A_1332 : memref<8x1024xf32, #tpu.memory_space<vmem>>) target(%dma_start3A_1328 : memref<8x1024xf32, #tpu.memory_space<hbm>>) target_semaphore(%dma_start3A_1326 : memref<!tpu.dma_semaphore, #tpu.memory_space<semaphore_mem>>)
      %broadcast_in_dim3A_1333 = arith.constant 24 : i32
      %broadcast_in_dim3A_1334 = vector.broadcast %broadcast_in_dim3A_1333 : i32 to vector<16xi32>
      %gather3A_1335 = tpu.vector_load_idx %arg17[%broadcast_in_dim3A_1334] : memref<48xf32, #tpu.memory_space<vmem>>[vector<16xi32>], vector<16xf32>,
      %broadcast_in_dim3A_1336 = arith.constant 25 : i32
      %broadcast_in_dim3A_1337 = vector.broadcast %broadcast_in_dim3A_1336 : i32 to vector<16xi32>
      %gather3A_1338 = tpu.vector_load_idx %arg17[%broadcast_in_dim3A_1337] : memref<48xf32, #tpu.memory_space<vmem>>[vector<16xi32>], vector<16xf32>,
      %broadcast_in_dim3A_1339 = arith.constant 26 : i32
      %broadcast_in_dim3A_1340 = vector.broadcast %broadcast_in_dim3A_1339 : i32 to vector<16xi32>
      %gather3A_1341 = tpu.vector_load_idx %arg17[%broadcast_in_dim3A_1340] : memref<48xf32, #tpu.memory_space<vmem>>[vector<16xi32>], vector<16xf32>,
      %broadcast_in_dim3A_1342 = arith.constant 27 : i32
      %broadcast_in_dim3A_1343 = vector.broadcast %broadcast_in_dim3A_1342 : i32 to vector<16xi32>
      %gather3A_1344 = tpu.vector_load_idx %arg17[%broadcast_in_dim3A_1343] : memref<48xf32, #tpu.memory_space<vmem>>[vector<16xi32>], vector<16xf32>,
      %broadcast_in_dim3A_1345 = arith.constant 28 : i32
      %broadcast_in_dim3A_1346 = vector.broadcast %broadcast_in_dim3A_1345 : i32 to vector<16xi32>
      %gather3A_1347 = tpu.vector_load_idx %arg17[%broadcast_in_dim3A_1346] : memref<48xf32, #tpu.memory_space<vmem>>[vector<16xi32>], vector<16xf32>,
      %broadcast_in_dim3A_1348 = arith.constant 29 : i32
      %broadcast_in_dim3A_1349 = vector.broadcast %broadcast_in_dim3A_1348 : i32 to vector<16xi32>
      %gather3A_1350 = tpu.vector_load_idx %arg17[%broadcast_in_dim3A_1349] : memref<48xf32, #tpu.memory_space<vmem>>[vector<16xi32>], vector<16xf32>,
      %broadcast_in_dim3A_1351 = arith.constant 30 : i32
      %broadcast_in_dim3A_1352 = vector.broadcast %broadcast_in_dim3A_1351 : i32 to vector<16xi32>
      %gather3A_1353 = tpu.vector_load_idx %arg17[%broadcast_in_dim3A_1352] : memref<48xf32, #tpu.memory_space<vmem>>[vector<16xi32>], vector<16xf32>,
      %broadcast_in_dim3A_1354 = arith.constant 31 : i32
      %broadcast_in_dim3A_1355 = vector.broadcast %broadcast_in_dim3A_1354 : i32 to vector<16xi32>
      %gather3A_1356 = tpu.vector_load_idx %arg17[%broadcast_in_dim3A_1355] : memref<48xf32, #tpu.memory_space<vmem>>[vector<16xi32>], vector<16xf32>,
      %broadcast_in_dim3A_1357 = arith.constant 40 : i32
      %broadcast_in_dim3A_1358 = vector.broadcast %broadcast_in_dim3A_1357 : i32 to vector<16xi32>
      %gather3A_1359 = tpu.vector_load_idx %arg17[%broadcast_in_dim3A_1358] : memref<48xf32, #tpu.memory_space<vmem>>[vector<16xi32>], vector<16xf32>,
      %broadcast_in_dim3A_1360 = arith.constant 41 : i32
      %broadcast_in_dim3A_1361 = vector.broadcast %broadcast_in_dim3A_1360 : i32 to vector<16xi32>
      %gather3A_1362 = tpu.vector_load_idx %arg17[%broadcast_in_dim3A_1361] : memref<48xf32, #tpu.memory_space<vmem>>[vector<16xi32>], vector<16xf32>,
      %broadcast_in_dim3A_1363 = arith.constant 42 : i32
      %broadcast_in_dim3A_1364 = vector.broadcast %broadcast_in_dim3A_1363 : i32 to vector<16xi32>
      %gather3A_1365 = tpu.vector_load_idx %arg17[%broadcast_in_dim3A_1364] : memref<48xf32, #tpu.memory_space<vmem>>[vector<16xi32>], vector<16xf32>,
      %broadcast_in_dim3A_1366 = arith.constant 43 : i32
      %broadcast_in_dim3A_1367 = vector.broadcast %broadcast_in_dim3A_1366 : i32 to vector<16xi32>
      %gather3A_1368 = tpu.vector_load_idx %arg17[%broadcast_in_dim3A_1367] : memref<48xf32, #tpu.memory_space<vmem>>[vector<16xi32>], vector<16xf32>,
      %broadcast_in_dim3A_1369 = arith.constant 44 : i32
      %broadcast_in_dim3A_1370 = vector.broadcast %broadcast_in_dim3A_1369 : i32 to vector<16xi32>
      %gather3A_1371 = tpu.vector_load_idx %arg17[%broadcast_in_dim3A_1370] : memref<48xf32, #tpu.memory_space<vmem>>[vector<16xi32>], vector<16xf32>,
      %broadcast_in_dim3A_1372 = arith.constant 45 : i32
      %broadcast_in_dim3A_1373 = vector.broadcast %broadcast_in_dim3A_1372 : i32 to vector<16xi32>
      %gather3A_1374 = tpu.vector_load_idx %arg17[%broadcast_in_dim3A_1373] : memref<48xf32, #tpu.memory_space<vmem>>[vector<16xi32>], vector<16xf32>,
      %broadcast_in_dim3A_1375 = arith.constant 46 : i32
      %broadcast_in_dim3A_1376 = vector.broadcast %broadcast_in_dim3A_1375 : i32 to vector<16xi32>
      %gather3A_1377 = tpu.vector_load_idx %arg17[%broadcast_in_dim3A_1376] : memref<48xf32, #tpu.memory_space<vmem>>[vector<16xi32>], vector<16xf32>,
      %broadcast_in_dim3A_1378 = arith.constant 47 : i32
      %broadcast_in_dim3A_1379 = vector.broadcast %broadcast_in_dim3A_1378 : i32 to vector<16xi32>
      %gather3A_1380 = tpu.vector_load_idx %arg17[%broadcast_in_dim3A_1379] : memref<48xf32, #tpu.memory_space<vmem>>[vector<16xi32>], vector<16xf32>,
      %scan3A_1381 = arith.constant 0 : i32
      %scan3A_1382 = arith.constant 0 : i32
      %scan3A_1383 = arith.constant 64 : i32
      %scan3A_1384 = arith.addi %scan3A_1382, %scan3A_1383 : i32
      %scan3A_1385 = arith.constant 1 : i32
      %scan3A_1386 = scf.for %scan3A_1410 = %scan3A_1382 to %scan3A_1384 step %scan3A_1385 iter_args(%scan3A_1411 = %scan3A_1381) -> (i32)  : i32 {
        %mul3A_1412 = arith.constant 16 : i32
        %mul3A_1413 = arith.muli %scan3A_1410, %mul3A_1412 : i32
        %get3A = arith.index_cast %mul3A_1413 : i32 to index
        %get3A_1414 = tpu.vector_load %arg14[%get3A] {strides = array<i32>} : memref<1024xf32, #tpu.memory_space<vmem>>, vector<16xf32>,
        %get3A_1415 = arith.index_cast %mul3A_1413 : i32 to index
        %get3A_1416 = tpu.vector_load %arg15[%get3A_1415] {strides = array<i32>} : memref<1024xf32, #tpu.memory_space<vmem>>, vector<16xf32>,
        %get3A_1417 = arith.constant 1 : i32
        %get3A_1418 = arith.constant 8 : i32
        %get3A_1419 = arith.index_cast %get3A_1417 : i32 to index
        %get3A_1420 = arith.index_cast %get3A_1418 : i32 to index
        %get3A_1421 = arith.index_cast %mul3A_1413 : i32 to index
        %get3A_1422 = tpu.vector_load %arg11[%get3A_1419, %get3A_1420, %get3A_1421] {strides = array<i32>} : memref<2x16x1024xf32, #tpu.memory_space<vmem>>, vector<16xf32>,
        %sub3A_1423 = arith.subf %get3A_1422, %gather3A_1335 : vector<16xf32>
        %mul3A_1424 = arith.mulf %sub3A_1423, %gather3A_1359 : vector<16xf32>
        %mul3A_1425 = arith.mulf %mul3A_1424, %get3A_1414 : vector<16xf32>
        %add3A_1426 = arith.addf %mul3A_1425, %get3A_1416 : vector<16xf32>
        %swap3A_1427 = arith.constant 1 : i32
        %swap3A_1428 = arith.constant 8 : i32
        %swap3A_1429 = arith.index_cast %swap3A_1427 : i32 to index
        %swap3A_1430 = arith.index_cast %swap3A_1428 : i32 to index
        %swap3A_1431 = arith.index_cast %mul3A_1413 : i32 to index
        %swap3A_1432 = tpu.vector_load %arg11[%swap3A_1429, %swap3A_1430, %swap3A_1431] {strides = array<i32>} : memref<2x16x1024xf32, #tpu.memory_space<vmem>>, vector<16xf32>,
        tpu.vector_store %arg11[%swap3A_1429, %swap3A_1430, %swap3A_1431], %add3A_1426 {strides = array<i32>} : memref<2x16x1024xf32, #tpu.memory_space<vmem>>, vector<16xf32>,
        %get3A_1433 = arith.constant 1 : i32
        %get3A_1434 = arith.constant 9 : i32
        %get3A_1435 = arith.index_cast %get3A_1433 : i32 to index
        %get3A_1436 = arith.index_cast %get3A_1434 : i32 to index
        %get3A_1437 = arith.index_cast %mul3A_1413 : i32 to index
        %get3A_1438 = tpu.vector_load %arg11[%get3A_1435, %get3A_1436, %get3A_1437] {strides = array<i32>} : memref<2x16x1024xf32, #tpu.memory_space<vmem>>, vector<16xf32>,
        %sub3A_1439 = arith.subf %get3A_1438, %gather3A_1338 : vector<16xf32>
        %mul3A_1440 = arith.mulf %sub3A_1439, %gather3A_1362 : vector<16xf32>
        %mul3A_1441 = arith.mulf %mul3A_1440, %get3A_1414 : vector<16xf32>
        %add3A_1442 = arith.addf %mul3A_1441, %get3A_1416 : vector<16xf32>
        %swap3A_1443 = arith.constant 1 : i32
        %swap3A_1444 = arith.constant 9 : i32
        %swap3A_1445 = arith.index_cast %swap3A_1443 : i32 to index
        %swap3A_1446 = arith.index_cast %swap3A_1444 : i32 to index
        %swap3A_1447 = arith.index_cast %mul3A_1413 : i32 to index
        %swap3A_1448 = tpu.vector_load %arg11[%swap3A_1445, %swap3A_1446, %swap3A_1447] {strides = array<i32>} : memref<2x16x1024xf32, #tpu.memory_space<vmem>>, vector<16xf32>,
        tpu.vector_store %arg11[%swap3A_1445, %swap3A_1446, %swap3A_1447], %add3A_1442 {strides = array<i32>} : memref<2x16x1024xf32, #tpu.memory_space<vmem>>, vector<16xf32>,
        %get3A_1449 = arith.constant 1 : i32
        %get3A_1450 = arith.constant 10 : i32
        %get3A_1451 = arith.index_cast %get3A_1449 : i32 to index
        %get3A_1452 = arith.index_cast %get3A_1450 : i32 to index
        %get3A_1453 = arith.index_cast %mul3A_1413 : i32 to index
        %get3A_1454 = tpu.vector_load %arg11[%get3A_1451, %get3A_1452, %get3A_1453] {strides = array<i32>} : memref<2x16x1024xf32, #tpu.memory_space<vmem>>, vector<16xf32>,
        %sub3A_1455 = arith.subf %get3A_1454, %gather3A_1341 : vector<16xf32>
        %mul3A_1456 = arith.mulf %sub3A_1455, %gather3A_1365 : vector<16xf32>
        %mul3A_1457 = arith.mulf %mul3A_1456, %get3A_1414 : vector<16xf32>
        %add3A_1458 = arith.addf %mul3A_1457, %get3A_1416 : vector<16xf32>
        %swap3A_1459 = arith.constant 1 : i32
        %swap3A_1460 = arith.constant 10 : i32
        %swap3A_1461 = arith.index_cast %swap3A_1459 : i32 to index
        %swap3A_1462 = arith.index_cast %swap3A_1460 : i32 to index
        %swap3A_1463 = arith.index_cast %mul3A_1413 : i32 to index
        %swap3A_1464 = tpu.vector_load %arg11[%swap3A_1461, %swap3A_1462, %swap3A_1463] {strides = array<i32>} : memref<2x16x1024xf32, #tpu.memory_space<vmem>>, vector<16xf32>,
        tpu.vector_store %arg11[%swap3A_1461, %swap3A_1462, %swap3A_1463], %add3A_1458 {strides = array<i32>} : memref<2x16x1024xf32, #tpu.memory_space<vmem>>, vector<16xf32>,
        %get3A_1465 = arith.constant 1 : i32
        %get3A_1466 = arith.constant 11 : i32
        %get3A_1467 = arith.index_cast %get3A_1465 : i32 to index
        %get3A_1468 = arith.index_cast %get3A_1466 : i32 to index
        %get3A_1469 = arith.index_cast %mul3A_1413 : i32 to index
        %get3A_1470 = tpu.vector_load %arg11[%get3A_1467, %get3A_1468, %get3A_1469] {strides = array<i32>} : memref<2x16x1024xf32, #tpu.memory_space<vmem>>, vector<16xf32>,
        %sub3A_1471 = arith.subf %get3A_1470, %gather3A_1344 : vector<16xf32>
        %mul3A_1472 = arith.mulf %sub3A_1471, %gather3A_1368 : vector<16xf32>
        %mul3A_1473 = arith.mulf %mul3A_1472, %get3A_1414 : vector<16xf32>
        %add3A_1474 = arith.addf %mul3A_1473, %get3A_1416 : vector<16xf32>
        %swap3A_1475 = arith.constant 1 : i32
        %swap3A_1476 = arith.constant 11 : i32
        %swap3A_1477 = arith.index_cast %swap3A_1475 : i32 to index
        %swap3A_1478 = arith.index_cast %swap3A_1476 : i32 to index
        %swap3A_1479 = arith.index_cast %mul3A_1413 : i32 to index
        %swap3A_1480 = tpu.vector_load %arg11[%swap3A_1477, %swap3A_1478, %swap3A_1479] {strides = array<i32>} : memref<2x16x1024xf32, #tpu.memory_space<vmem>>, vector<16xf32>,
        tpu.vector_store %arg11[%swap3A_1477, %swap3A_1478, %swap3A_1479], %add3A_1474 {strides = array<i32>} : memref<2x16x1024xf32, #tpu.memory_space<vmem>>, vector<16xf32>,
        %get3A_1481 = arith.constant 1 : i32
        %get3A_1482 = arith.constant 12 : i32
        %get3A_1483 = arith.index_cast %get3A_1481 : i32 to index
        %get3A_1484 = arith.index_cast %get3A_1482 : i32 to index
        %get3A_1485 = arith.index_cast %mul3A_1413 : i32 to index
        %get3A_1486 = tpu.vector_load %arg11[%get3A_1483, %get3A_1484, %get3A_1485] {strides = array<i32>} : memref<2x16x1024xf32, #tpu.memory_space<vmem>>, vector<16xf32>,
        %sub3A_1487 = arith.subf %get3A_1486, %gather3A_1347 : vector<16xf32>
        %mul3A_1488 = arith.mulf %sub3A_1487, %gather3A_1371 : vector<16xf32>
        %mul3A_1489 = arith.mulf %mul3A_1488, %get3A_1414 : vector<16xf32>
        %add3A_1490 = arith.addf %mul3A_1489, %get3A_1416 : vector<16xf32>
        %swap3A_1491 = arith.constant 1 : i32
        %swap3A_1492 = arith.constant 12 : i32
        %swap3A_1493 = arith.index_cast %swap3A_1491 : i32 to index
        %swap3A_1494 = arith.index_cast %swap3A_1492 : i32 to index
        %swap3A_1495 = arith.index_cast %mul3A_1413 : i32 to index
        %swap3A_1496 = tpu.vector_load %arg11[%swap3A_1493, %swap3A_1494, %swap3A_1495] {strides = array<i32>} : memref<2x16x1024xf32, #tpu.memory_space<vmem>>, vector<16xf32>,
        tpu.vector_store %arg11[%swap3A_1493, %swap3A_1494, %swap3A_1495], %add3A_1490 {strides = array<i32>} : memref<2x16x1024xf32, #tpu.memory_space<vmem>>, vector<16xf32>,
        %get3A_1497 = arith.constant 1 : i32
        %get3A_1498 = arith.constant 13 : i32
        %get3A_1499 = arith.index_cast %get3A_1497 : i32 to index
        %get3A_1500 = arith.index_cast %get3A_1498 : i32 to index
        %get3A_1501 = arith.index_cast %mul3A_1413 : i32 to index
        %get3A_1502 = tpu.vector_load %arg11[%get3A_1499, %get3A_1500, %get3A_1501] {strides = array<i32>} : memref<2x16x1024xf32, #tpu.memory_space<vmem>>, vector<16xf32>,
        %sub3A_1503 = arith.subf %get3A_1502, %gather3A_1350 : vector<16xf32>
        %mul3A_1504 = arith.mulf %sub3A_1503, %gather3A_1374 : vector<16xf32>
        %mul3A_1505 = arith.mulf %mul3A_1504, %get3A_1414 : vector<16xf32>
        %add3A_1506 = arith.addf %mul3A_1505, %get3A_1416 : vector<16xf32>
        %swap3A_1507 = arith.constant 1 : i32
        %swap3A_1508 = arith.constant 13 : i32
        %swap3A_1509 = arith.index_cast %swap3A_1507 : i32 to index
        %swap3A_1510 = arith.index_cast %swap3A_1508 : i32 to index
        %swap3A_1511 = arith.index_cast %mul3A_1413 : i32 to index
        %swap3A_1512 = tpu.vector_load %arg11[%swap3A_1509, %swap3A_1510, %swap3A_1511] {strides = array<i32>} : memref<2x16x1024xf32, #tpu.memory_space<vmem>>, vector<16xf32>,
        tpu.vector_store %arg11[%swap3A_1509, %swap3A_1510, %swap3A_1511], %add3A_1506 {strides = array<i32>} : memref<2x16x1024xf32, #tpu.memory_space<vmem>>, vector<16xf32>,
        %get3A_1513 = arith.constant 1 : i32
        %get3A_1514 = arith.constant 14 : i32
        %get3A_1515 = arith.index_cast %get3A_1513 : i32 to index
        %get3A_1516 = arith.index_cast %get3A_1514 : i32 to index
        %get3A_1517 = arith.index_cast %mul3A_1413 : i32 to index
        %get3A_1518 = tpu.vector_load %arg11[%get3A_1515, %get3A_1516, %get3A_1517] {strides = array<i32>} : memref<2x16x1024xf32, #tpu.memory_space<vmem>>, vector<16xf32>,
        %sub3A_1519 = arith.subf %get3A_1518, %gather3A_1353 : vector<16xf32>
        %mul3A_1520 = arith.mulf %sub3A_1519, %gather3A_1377 : vector<16xf32>
        %mul3A_1521 = arith.mulf %mul3A_1520, %get3A_1414 : vector<16xf32>
        %add3A_1522 = arith.addf %mul3A_1521, %get3A_1416 : vector<16xf32>
        %swap3A_1523 = arith.constant 1 : i32
        %swap3A_1524 = arith.constant 14 : i32
        %swap3A_1525 = arith.index_cast %swap3A_1523 : i32 to index
        %swap3A_1526 = arith.index_cast %swap3A_1524 : i32 to index
        %swap3A_1527 = arith.index_cast %mul3A_1413 : i32 to index
        %swap3A_1528 = tpu.vector_load %arg11[%swap3A_1525, %swap3A_1526, %swap3A_1527] {strides = array<i32>} : memref<2x16x1024xf32, #tpu.memory_space<vmem>>, vector<16xf32>,
        tpu.vector_store %arg11[%swap3A_1525, %swap3A_1526, %swap3A_1527], %add3A_1522 {strides = array<i32>} : memref<2x16x1024xf32, #tpu.memory_space<vmem>>, vector<16xf32>,
        %get3A_1529 = arith.constant 1 : i32
        %get3A_1530 = arith.constant 15 : i32
        %get3A_1531 = arith.index_cast %get3A_1529 : i32 to index
        %get3A_1532 = arith.index_cast %get3A_1530 : i32 to index
        %get3A_1533 = arith.index_cast %mul3A_1413 : i32 to index
        %get3A_1534 = tpu.vector_load %arg11[%get3A_1531, %get3A_1532, %get3A_1533] {strides = array<i32>} : memref<2x16x1024xf32, #tpu.memory_space<vmem>>, vector<16xf32>,
        %sub3A_1535 = arith.subf %get3A_1534, %gather3A_1356 : vector<16xf32>
        %mul3A_1536 = arith.mulf %sub3A_1535, %gather3A_1380 : vector<16xf32>
        %mul3A_1537 = arith.mulf %mul3A_1536, %get3A_1414 : vector<16xf32>
        %add3A_1538 = arith.addf %mul3A_1537, %get3A_1416 : vector<16xf32>
        %swap3A_1539 = arith.constant 1 : i32
        %swap3A_1540 = arith.constant 15 : i32
        %swap3A_1541 = arith.index_cast %swap3A_1539 : i32 to index
        %swap3A_1542 = arith.index_cast %swap3A_1540 : i32 to index
        %swap3A_1543 = arith.index_cast %mul3A_1413 : i32 to index
        %swap3A_1544 = tpu.vector_load %arg11[%swap3A_1541, %swap3A_1542, %swap3A_1543] {strides = array<i32>} : memref<2x16x1024xf32, #tpu.memory_space<vmem>>, vector<16xf32>,
        tpu.vector_store %arg11[%swap3A_1541, %swap3A_1542, %swap3A_1543], %add3A_1538 {strides = array<i32>} : memref<2x16x1024xf32, #tpu.memory_space<vmem>>, vector<16xf32>,
        %scan3A_1545 = arith.constant 0 : i32
        scf.yield %scan3A_1545 : i32
      }
      %scan3A_1387 = arith.constant 64 : i32
      %mul3A_1388 = arith.constant 16 : i32
      %mul3A_1389 = arith.muli %add3A_82, %mul3A_1388 : i32
      %add3A_1390 = arith.addi %mul3A_2, %mul3A_1389 : i32
      %add3A_1391 = arith.constant 8 : i32
      %add3A_1392 = arith.addi %add3A_1390, %add3A_1391 : i32
      %dma_start3A_1393 = arith.constant 1 : i32
      %dma_start3A_1394 = arith.constant 1 : i32
      %dma_start3A_1395 = arith.constant 8 : i32
      %dma_start3A_1396 = arith.constant 0 : i32
      %dma_start3A_1397 = tpu.memref_slice %arg11[%dma_start3A_1393, %dma_start3A_1395, %dma_start3A_1396] : memref<2x16x1024xf32, #tpu.memory_space<vmem>> -> memref<1x8x1024xf32, #tpu.memory_space<vmem>>
      %dma_start3A_1398 = tpu.memref_squeeze %dma_start3A_1397 : memref<1x8x1024xf32, #tpu.memory_space<vmem>> -> memref<8x1024xf32, #tpu.memory_space<vmem>>
      %dma_start3A_1399 = arith.constant 0 : i32
      %dma_start3A_1400 = tpu.memref_slice %arg9[%add3A_1392, %dma_start3A_1399] : memref<8192x1024xf32, #tpu.memory_space<hbm>> -> memref<8x1024xf32, #tpu.memory_space<hbm>>
      %dma_start3A_1401 = tpu.memref_slice %arg20[%dma_start3A_1394] : memref<2x!tpu.dma_semaphore, #tpu.memory_space<semaphore_mem>> -> memref<1x!tpu.dma_semaphore, #tpu.memory_space<semaphore_mem>>
      %dma_start3A_1402 = tpu.memref_squeeze %dma_start3A_1401 : memref<1x!tpu.dma_semaphore, #tpu.memory_space<semaphore_mem>> -> memref<!tpu.dma_semaphore, #tpu.memory_space<semaphore_mem>>
      %dma_start3A_1403 = arith.constant 0 : i32
      %dma_start3A_1404 = tpu.memref_slice %arg9[%add3A_1392, %dma_start3A_1403] : memref<8192x1024xf32, #tpu.memory_space<hbm>> -> memref<8x1024xf32, #tpu.memory_space<hbm>>
      %dma_start3A_1405 = arith.constant 8 : i32
      %dma_start3A_1406 = arith.constant 0 : i32
      %dma_start3A_1407 = tpu.memref_slice %arg11[%dma_start3A_1393, %dma_start3A_1405, %dma_start3A_1406] : memref<2x16x1024xf32, #tpu.memory_space<vmem>> -> memref<1x8x1024xf32, #tpu.memory_space<vmem>>
      %dma_start3A_1408 = tpu.memref_squeeze %dma_start3A_1407 : memref<1x8x1024xf32, #tpu.memory_space<vmem>> -> memref<8x1024xf32, #tpu.memory_space<vmem>>
      tpu.enqueue_dma source(%dma_start3A_1408 : memref<8x1024xf32, #tpu.memory_space<vmem>>) target(%dma_start3A_1404 : memref<8x1024xf32, #tpu.memory_space<hbm>>) target_semaphore(%dma_start3A_1402 : memref<!tpu.dma_semaphore, #tpu.memory_space<semaphore_mem>>)
      %scan3A_1409 = arith.constant 0 : i32
      scf.yield %scan3A_1409 : i32
    }
    %scan3A_39 = arith.constant 8 : i32
    %add3A_40 = arith.constant 224 : i32
    %add3A_41 = arith.addi %mul3A_2, %add3A_40 : i32
    %dma_wait3A = arith.constant 0 : i32
    %dma_wait3A_42 = arith.constant 0 : i32
    %dma_wait3A_43 = arith.constant 0 : i32
    %dma_wait3A_44 = arith.constant 0 : i32
    %dma_wait3A_45 = tpu.memref_slice %arg11[%dma_wait3A, %dma_wait3A_43, %dma_wait3A_44] : memref<2x16x1024xf32, #tpu.memory_space<vmem>> -> memref<1x16x1024xf32, #tpu.memory_space<vmem>>
    %dma_wait3A_46 = tpu.memref_squeeze %dma_wait3A_45 : memref<1x16x1024xf32, #tpu.memory_space<vmem>> -> memref<16x1024xf32, #tpu.memory_space<vmem>>
    %dma_wait3A_47 = arith.constant 0 : i32
    %dma_wait3A_48 = tpu.memref_slice %arg9[%add3A_41, %dma_wait3A_47] : memref<8192x1024xf32, #tpu.memory_space<hbm>> -> memref<16x1024xf32, #tpu.memory_space<hbm>>
    %dma_wait3A_49 = tpu.memref_slice %arg20[%dma_wait3A_42] : memref<2x!tpu.dma_semaphore, #tpu.memory_space<semaphore_mem>> -> memref<1x!tpu.dma_semaphore, #tpu.memory_space<semaphore_mem>>
    %dma_wait3A_50 = tpu.memref_squeeze %dma_wait3A_49 : memref<1x!tpu.dma_semaphore, #tpu.memory_space<semaphore_mem>> -> memref<!tpu.dma_semaphore, #tpu.memory_space<semaphore_mem>>
    %dma_wait3A_51 = arith.constant 0 : i32
    %dma_wait3A_52 = tpu.memref_slice %arg9[%add3A_41, %dma_wait3A_51] : memref<8192x1024xf32, #tpu.memory_space<hbm>> -> memref<16x1024xf32, #tpu.memory_space<hbm>>
    %dma_wait3A_53 = arith.constant 0 : i32
    %dma_wait3A_54 = arith.constant 0 : i32
    %dma_wait3A_55 = tpu.memref_slice %arg11[%dma_wait3A, %dma_wait3A_53, %dma_wait3A_54] : memref<2x16x1024xf32, #tpu.memory_space<vmem>> -> memref<1x16x1024xf32, #tpu.memory_space<vmem>>
    %dma_wait3A_56 = tpu.memref_squeeze %dma_wait3A_55 : memref<1x16x1024xf32, #tpu.memory_space<vmem>> -> memref<16x1024xf32, #tpu.memory_space<vmem>>
    tpu.wait_dma2 semaphore(%dma_wait3A_50 : memref<!tpu.dma_semaphore, #tpu.memory_space<semaphore_mem>>) src(%dma_wait3A_56 : memref<16x1024xf32, #tpu.memory_space<vmem>>) dst(%dma_wait3A_52 : memref<16x1024xf32, #tpu.memory_space<hbm>>)
    %add3A_57 = arith.constant 240 : i32
    %add3A_58 = arith.addi %mul3A_2, %add3A_57 : i32
    %dma_wait3A_59 = arith.constant 1 : i32
    %dma_wait3A_60 = arith.constant 1 : i32
    %dma_wait3A_61 = arith.constant 0 : i32
    %dma_wait3A_62 = arith.constant 0 : i32
    %dma_wait3A_63 = tpu.memref_slice %arg11[%dma_wait3A_59, %dma_wait3A_61, %dma_wait3A_62] : memref<2x16x1024xf32, #tpu.memory_space<vmem>> -> memref<1x16x1024xf32, #tpu.memory_space<vmem>>
    %dma_wait3A_64 = tpu.memref_squeeze %dma_wait3A_63 : memref<1x16x1024xf32, #tpu.memory_space<vmem>> -> memref<16x1024xf32, #tpu.memory_space<vmem>>
    %dma_wait3A_65 = arith.constant 0 : i32
    %dma_wait3A_66 = tpu.memref_slice %arg9[%add3A_58, %dma_wait3A_65] : memref<8192x1024xf32, #tpu.memory_space<hbm>> -> memref<16x1024xf32, #tpu.memory_space<hbm>>
    %dma_wait3A_67 = tpu.memref_slice %arg20[%dma_wait3A_60] : memref<2x!tpu.dma_semaphore, #tpu.memory_space<semaphore_mem>> -> memref<1x!tpu.dma_semaphore, #tpu.memory_space<semaphore_mem>>
    %dma_wait3A_68 = tpu.memref_squeeze %dma_wait3A_67 : memref<1x!tpu.dma_semaphore, #tpu.memory_space<semaphore_mem>> -> memref<!tpu.dma_semaphore, #tpu.memory_space<semaphore_mem>>
    %dma_wait3A_69 = arith.constant 0 : i32
    %dma_wait3A_70 = tpu.memref_slice %arg9[%add3A_58, %dma_wait3A_69] : memref<8192x1024xf32, #tpu.memory_space<hbm>> -> memref<16x1024xf32, #tpu.memory_space<hbm>>
    %dma_wait3A_71 = arith.constant 0 : i32
    %dma_wait3A_72 = arith.constant 0 : i32
    %dma_wait3A_73 = tpu.memref_slice %arg11[%dma_wait3A_59, %dma_wait3A_71, %dma_wait3A_72] : memref<2x16x1024xf32, #tpu.memory_space<vmem>> -> memref<1x16x1024xf32, #tpu.memory_space<vmem>>
    %dma_wait3A_74 = tpu.memref_squeeze %dma_wait3A_73 : memref<1x16x1024xf32, #tpu.memory_space<vmem>> -> memref<16x1024xf32, #tpu.memory_space<vmem>>
    tpu.wait_dma2 semaphore(%dma_wait3A_68 : memref<!tpu.dma_semaphore, #tpu.memory_space<semaphore_mem>>) src(%dma_wait3A_74 : memref<16x1024xf32, #tpu.memory_space<vmem>>) dst(%dma_wait3A_70 : memref<16x1024xf32, #tpu.memory_space<hbm>>)
    return
  }
}

</mosaic_0001>

<sc_bundles>
// kernel: _embed_ln.3.cloned.1.call-start
scs
__scs_entry_jumppad:
0x0: {  	(pc) =	sbr.rel $0x88, $3  }
0x1: {  	(tag) =	ssettag $0x0;
	lr =	simm.s32 $0x1  }
0x2: {  	[smem:$0x3F9A] =	sst lr;
	_ =	strace $0xD0000000  }
0x3: {  	_ = 	snop  }
0x4: {  	_ = 	snop  }
0x5: {  	_ = 	snop  }
0x6: {  	_ = 	snop  }
0x7: {  	_ = 	snop  }
__scs_overlays_trampoline_lowered:
0x8: {  	[smem:$0x3FA9] =	sst s0  }
0x9: {  	[smem:$0x3FAA] =	sst s1  }
0xa: {  	[smem:$0x3FAB] =	sst s2  }
0xb: {  	[smem:$0x3FAC] =	sst s3  }
0xc: {  	[smem:$0x3FAD] =	sst s4  }
0xd: {  	[smem:$0x3FAE] =	sst s5  }
0xe: {  	[smem:$0x3FAF] =	sst s6  }
0xf: {  	[smem:$0x3FB0] =	sst s7  }
0x10: {  	[smem:$0x3FB1] =	sst s8  }
0x11: {  	[smem:$0x3FB2] =	sst s9;
	s0 =	simm.s32 @!p0 $0x0  }
0x12: {  	s1 =	sld [smem:$0x3F98];
	s0 =	simm.s32 @p0 $0x1  }
0x13: {  	[smem:$0x3FB3] =	sst s0;
	s0 =	simm.s32 @!p1 $0x0  }
0x14: {  	s2 =	sld [smem:$0x3F97];
	s0 =	simm.s32 @p1 $0x1  }
0x15: {  	[smem:$0x3FB4] =	sst s0;
	s0 =	simm.s32 @!p2 $0x0  }
0x16: {  	s3 =	sld [smem:$0x3FDB];
	s0 =	simm.s32 @p2 $0x1  }
0x17: {  	s4 =	simm.s32 $0x1BF5;
	[smem:$0x3FB6] =	sst s0  }
0x18: {  	s0 =	sld [smem:$0x3F99];
	_ =	swait.ge [sflag:s4], $0x0  }
0x19: {  	s7 =	sld [smem:$0x3F9A]  }
0x1a: {  	s8 =	sadd.s32 $0xFFFFE003, lr  }
0x1b: {  	s9 =	sadd.s32 $0xFFFFFEF7, lr;
	s5 =	simm.s32 $0xFFFFFFFF;
	p2 =	slt.u32 s8, $0xFFFFF086  }
0x1c: {  	p1 =	slt.u32 s9, $0xF7A;
	s5 =	simm.s32 @!p2 $0x0  }
0x1d: {  	s5 =	simm.s32 @p1 $0x1;
	p0 =	seq.s32 s7, s2  }
0x1e: {  	s7 =	smul.u32 @!p0 $0xF7A, s2;
	p2 =	seq.s32 @!p0 s5, $0x0  }
0x1f: {  	s9 =	smul.u32 $0xF7A, s1;
	s8 =	simm.s32 @!p0 $0x1BF5;
	p2 =	por !p2, p0  }
0x20: {  	[sflag:s8] =	ssyncset.s32 @!p0 $0xFFFFF086;
	s6 =	sadd.s32 @!p0 s3, s7;
	s7 =	simm.s32 @!p0 $0x108  }
0x21: {  	s3 =	sadd.s32 s3, s9;
	s6 =	sadd.s32 @!p0 $0x88, s6;
	s7 =	simm.s32 @p2 $0x1082  }
0x22: {  	[simem:s7], [sflag:s8] =	dma.local @!p0 [hbm:s6], $0xF7A  }
0x23: {  	s9 =	sor.u32 $0xD0000000, s2;
	s6 =	simm.s32 $0x108;
	_ =	swait.ge @!p0 [sflag:s8], $0x0  }
0x24: {  	s3 =	sadd.s32 $0x88, s3;
	s6 =	simm.s32 @!p1 $0x1082;
	[sflag:s4] =	ssyncset.s32 $0xFFFFF086  }
0x25: {  	[simem:s6], [sflag:s4] =	dma.local [hbm:s3], $0xF7A  }
0x26: {  	[smem:$0x3F9A] =	sst s1;
	(tag) =	ssettag s2;
	_ =	strace s9  }
0x27: {  	s1 =	sld [smem:$0x3FAA]  }
0x28: {  	s2 =	sld [smem:$0x3FAB]  }
0x29: {  	s4 =	sld [smem:$0x3FAD]  }
0x2a: {  	p0 =	seq.s32 s5, $0x0;
	s5 =	sld [smem:$0x3FAE]  }
0x2b: {  	s6 =	sld [smem:$0x3FAF]  }
0x2c: {  	s7 =	sld [smem:$0x3FB0]  }
0x2d: {  	s3 =	simm.s32 $0x108;
	s8 =	sld [smem:$0x3FB1]  }
0x2e: {  	s3 =	simm.s32 @!p0 $0x1082;
	s9 =	sld [smem:$0x3FB2]  }
0x2f: {  	lr =	sadd.s32 s0, s3;
	s0 =	sld [smem:$0x3FA9]  }
0x30: {  	s3 =	sld [smem:$0x3FAC]  }
0x31: {  	[smem:$0x3FB5] =	sst s10  }
0x32: {  	s10 =	sld [smem:$0x3FB3];
	_ =	sdelay $0x3  }
0x33: {  	p0 =	seq.s32 s10, $0x1;
	s10 =	sld [smem:$0x3FB5];
	_ =	sdelay $0x3  }
0x34: {  	[smem:$0x3FB5] =	sst s10  }
0x35: {  	s10 =	sld [smem:$0x3FB4];
	_ =	sdelay $0x3  }
0x36: {  	p1 =	seq.s32 s10, $0x1;
	s10 =	sld [smem:$0x3FB5];
	_ =	sdelay $0x3  }
0x37: {  	[smem:$0x3FB5] =	sst s10  }
0x38: {  	s10 =	sld [smem:$0x3FB6]  }
0x39: {  	_ = 	snop;
	(pc) =	sbr.ind lr, $3  }
0x3a: {  	_ = 	snop  }
0x3b: {  	_ = 	snop  }
0x3c: {  	p2 =	seq.s32 s10, $0x1;
	s10 =	sld [smem:$0x3FB5]  }
0x3d: {  	_ =	shalt  }
0x3e: {  	_ =	shalt  }
0x3f: {  	_ =	shalt  }
0x40: {  	_ =	shalt  }
0x41: {  	_ =	shalt  }
0x42: {  	_ =	shalt  }
0x43: {  	_ =	shalt  }
0x44: {  	_ =	shalt  }
0x45: {  	_ =	shalt  }
0x46: {  	_ =	shalt  }
0x47: {  	_ =	shalt  }
0x48: {  	_ =	shalt  }
0x49: {  	_ =	shalt  }
0x4a: {  	_ =	shalt  }
0x4b: {  	_ =	shalt  }
0x4c: {  	_ =	shalt  }
0x4d: {  	_ =	shalt  }
0x4e: {  	_ =	shalt  }
0x4f: {  	_ =	shalt  }
0x50: {  	_ =	shalt  }
0x51: {  	_ =	shalt  }
0x52: {  	_ =	shalt  }
0x53: {  	_ =	shalt  }
0x54: {  	_ =	shalt  }
0x55: {  	_ =	shalt  }
0x56: {  	_ =	shalt  }
0x57: {  	_ =	shalt  }
0x58: {  	_ =	shalt  }
0x59: {  	_ =	shalt  }
0x5a: {  	_ =	shalt  }
0x5b: {  	_ =	shalt  }
0x5c: {  	_ =	shalt  }
0x5d: {  	_ =	shalt  }
0x5e: {  	_ =	shalt  }
0x5f: {  	_ =	shalt  }
0x60: {  	_ =	shalt  }
0x61: {  	_ =	shalt  }
0x62: {  	_ =	shalt  }
0x63: {  	_ =	shalt  }
0x64: {  	_ =	shalt  }
0x65: {  	_ =	shalt  }
0x66: {  	_ =	shalt  }
0x67: {  	_ =	shalt  }
0x68: {  	_ =	shalt  }
0x69: {  	_ =	shalt  }
0x6a: {  	_ =	shalt  }
0x6b: {  	_ =	shalt  }
0x6c: {  	_ =	shalt  }
0x6d: {  	_ =	shalt  }
0x6e: {  	_ =	shalt  }
0x6f: {  	_ =	shalt  }
0x70: {  	_ =	shalt  }
0x71: {  	_ =	shalt  }
0x72: {  	_ =	shalt  }
0x73: {  	_ =	shalt  }
0x74: {  	_ =	shalt  }
0x75: {  	_ =	shalt  }
0x76: {  	_ =	shalt  }
0x77: {  	_ =	shalt  }
0x78: {  	_ =	shalt  }
0x79: {  	_ =	shalt  }
0x7a: {  	_ =	shalt  }
0x7b: {  	_ =	shalt  }
0x7c: {  	_ =	shalt  }
0x7d: {  	_ =	shalt  }
0x7e: {  	_ =	shalt  }
0x7f: {  	_ =	shalt  }
0x80: {  	_ =	shalt  }
0x81: {  	_ =	shalt  }
0x82: {  	_ =	shalt  }
0x83: {  	_ =	shalt  }
0x84: {  	_ =	shalt  }
0x85: {  	_ =	shalt  }
0x86: {  	_ =	shalt  }
0x87: {  	_ =	shalt  }
.Lfunc_end0:
.L_simem_size_0:
called_computation_lowered:
.L_overlay_start_0:
0x88: {  	s2 =	sld [smem:$0x3FD9]  }
0x89: {  	s3 =	sld [smem:$0x3FFE];
	_ =	sdelay $0x1  }
0x8a: {  	s1 =	srdreg.scid  }
0x8b: {  	s0 =	sand.u32 $0x1, s1  }
0x8c: {  	s18 =	sshll.u32 s0, $0xA;
	s2 =	sadd.s32 s3, s2  }
0x8d: {  	s2 =	sadd.s32 s2, s18  }
0x8e: {  	[smem:$0x3FC1] =	sst s2  }
0x8f: {  	_ = 	snop  }
0x90: {  	s2 =	sld [smem:$0x3FC9]  }
0x91: {  	s19 =	sld [smem:$0x3FC8]  }
0x92: {  	s4 =	sld [smem:$0x3FC7]  }
0x93: {  	s5 =	sld [smem:$0x3FC6]  }
0x94: {  	s6 =	sld [smem:$0x3FC5]  }
0x95: {  	s7 =	sld [smem:$0x3FC4]  }
0x96: {  	s8 =	sld [smem:$0x3FC3]  }
0x97: {  	s9 =	sld [smem:$0x3FD0];
	(tm) =	ssettm $0x1  }
0x98: {  	s10 =	sld [smem:$0x3FFB];
	_ =	sdelay $0x3  }
0x99: {  	_ =	strace s10  }
0x9a: {  	s10 =	sld [smem:$0x3FFC];
	_ =	sdelay $0x3  }
0x9b: {  	_ =	strace s10  }
0x9c: {  	s10 =	sld [smem:$0x3FFD];
	_ =	sdelay $0x3  }
0x9d: {  	_ =	strace s10  }
0x9e: {  	_ =	strace $0x8FFFFFFF  }
0x9f: {  	s20 =	sld [smem:$0x3FDB];
	_ =	sdelay $0x1  }
0xa0: {  	s11 =	simm.s32 $_scs_section_size  }
0xa1: {  	s12 =	simm.s32 $_size__tile_overlayer_lowered;
	s13 =	simm.s32 $_tile_overlayer_lowered  }
0xa2: {  	s23 =	simm.s32 $0x1BFF;
	s22 =	sshll.u32 s13, $0x1;
	s10 =	sadd.s32 s11, s20  }
0xa3: {  	s14 =	simm.s32 $0x0;
	s21 =	sshll.u32 s12, $0x1;
	s12 =	sadd.s32 s22, s10  }
0xa4: {  	[timem:s14], [sflag:s23] =	dma.local [hbm:s12], s21  }
0xa5: {  	_ =	swait.ge [sflag:s23], s21  }
0xa6: {  	s11 =	ssub.s32 $0x0, s21;
	[sflag:s23] =	ssyncset.done $0x0  }
0xa7: {  	[sflag:s23] =	ssyncadd.s32 s11;
	_ =	sdelay $0x1  }
0xa8: {  	s24 =	simm.s32 $0x1B8B  }
0xa9: {  	_ =	swait.ge [sflag:s24], $0x1  }
0xaa: {  	[sflag:s24] =	ssyncset.done $0x0  }
0xab: {  	s25 =	simm.s32 $0x1B8E;
	[sflag:s24] =	ssyncadd.s32 $0xFFFFFFFF  }
0xac: {  	s26 =	simm.s32 $execute0_lowered;
	[smem:$0x3FD2] =	sst s25  }
0xad: {  	s11 =	sshll.u32 s26, $0x1;
	_ =	strace $0x80000046;
	[dreg:$0x1] =	wrdreg $0xFFFFFFFF  }
0xae: {  	s28 =	simm.s32 $_size_execute0_lowered;
	s10 =	sadd.s32 s10, s11;
	[dreg:$0x0] =	wrdreg $0x0  }
0xaf: {  	s11 =	sshll.u32 s28, $0x1;
	[dreg:$0x2] =	wrdreg s10  }
0xb0: {  	[dreg:$0x3] =	wrdreg s11  }
0xb1: {  	[dreg:$0x4] =	wrdreg $0xC0  }
0xb2: {  	_ =	task [dreg:s14], $0x5FFFF  }
0xb3: {  	[dreg:$0x1] =	wrdreg $0xFFFFFFFF  }
0xb4: {  	[dreg:$0x0] =	wrdreg $0x60  }
0xb5: {  	[dreg:$0x2] =	wrdreg s2  }
0xb6: {  	[dreg:$0x3] =	wrdreg s19  }
0xb7: {  	[dreg:$0x4] =	wrdreg s4  }
0xb8: {  	[dreg:$0x5] =	wrdreg s5  }
0xb9: {  	[dreg:$0x6] =	wrdreg s6  }
0xba: {  	[dreg:$0x7] =	wrdreg s7  }
0xbb: {  	[dreg:$0x8] =	wrdreg s8  }
0xbc: {  	[dreg:$0x9] =	wrdreg s9  }
0xbd: {  	[dreg:$0xa] =	wrdreg $0x9  }
0xbe: {  	_ =	task.clear_ibuf [dreg:s14], $0xBFFFF;
	_ =	strace $0x90000046  }
0xbf: {  	s29 =	simm.s32 $0x9;
	_ =	strace $0x80000048  }
0xc0: {  	_ =	swait.ge [sflag:s29], $0x1  }
0xc1: {  	[sflag:s29] =	ssyncadd.s32 $0xFFFFFFFF  }
0xc2: {  	_ =	strace $0x90000048  }
0xc3: {  	_ =	sfence  }
0xc4: {  	s30 =	sld [smem:$0x0];
	_ =	sdelay $0x2  }
0xc5: {  	s31 =	sshll.u32 s1, $0xD;
	s1 =	sshrl.u32 s1, $0x2  }
0xc6: {  	s3 =	sand.u32 $0x4000, s31;
	s1 =	sadd.s32 s1, s30  }
0xc7: {  	s0 =	sor.u32 s3, s0;
	s1 =	sshll.u32 s1, $0x11  }
0xc8: {  	s0 =	sor.u32 s1, s0  }
0xc9: {  	s0 =	sadd.s32 $0x8F2B, s0  }
0xca: {  	[sflag:s0] =	ssyncadd.remote.s32 $0x1  }
0xcb: {  	_ =	sfence.sel $0xFFFF  }
0xcc: {  	[dreg:$0x0] =	wrdreg $0xFFFFFFFF;
	(pc) =	sbr.abs _section_cstart, $3  }
0xcd: {  	[dreg:$0x1] =	wrdreg $0xFFFFFFFF  }
0xce: {  	_ =	task.clear_ibuf [dreg:s14], $0x2FFFF;
	_ =	strace $0x9FFFFFFF  }
0xcf: {  	(tm) =	ssettm $0x7FFFFFFF  }
tec
execute0_lowered:
.L_overlay_start_1:
0x0: {  	(tag) =	ssettag $0x1  }
0x1: {  	s0 =	rddreg [dreg:$0x0]  }
0x2: {  	s2 =	rddreg [dreg:$0x1]  }
0x3: {  	s1 =	rddreg [dreg:$0x2]  }
0x4: {  	s23 =	rddreg [dreg:$0x4]  }
0x5: {  	s25 =	rddreg [dreg:$0x7]  }
0x6: {  	s4 =	srdreg.scid;
	s8 =	simm.s32 $0x0;
	s3 =	stileid.u32  }
0x7: {  	s7 =	simm.s32 $0x4200;
	s28 =	simm.s32 $0x1;
	s30 =	simm.s32 $0x3  }
0x8: {  	s31 =	simm.s32 $0x11200;
	s11 =	simm.s32 $0x4;
	s4 =	sand.u32 $0x1, s4  }
0x9: {  	s6 =	sshll.u32 s3, $0x9;
	[smem:$0x7FF] =	sst s8;
	s13 =	sadd.s32 $0x100, s1  }
0xa: {  	s14 =	sadd.s32 $0x200, s1;
	s5 =	ssub.s32 $0x2, s4;
	s4 =	sshll.u32 s4, $0x8  }
0xb: {  	s15 =	sadd.s32 $0x300, s1;
	s17 =	sadd.s32 $0x400, s25;
	s9 =	sor.u32 s4, s6  }
0xc: {  	_ =	strace $0x80000047;
	s10 =	sshrl.u32 s5, $0x1;
	s22 =	sshrl.u32 s9, $0x3  }
0xd: {  	v1 =	vlaneseq.u32;
	s6 =	simm.s32 $0x2;
	s21 =	ssub.s32 s5, s10;
	s0 =	sadd.s32 s0, s22  }
0xe: {  	v0 =	vshrl.u32 v1, $0x3;
	v2 =	vand.u32 $0x7, v1;
	s10 =	sand.u32 $0x700, s9;
	s24 =	sadd.s32 s2, s22;
	[dreg:$0x9] =	wrdreg s0  }
0xf: {  	v63 =	vor.u32 $0x8, v1;
	[tilespmem:$0x1FFD0] =	vst v2;
	v0 =	vmul.u32 $0x8, v0;
	s26 =	sshll.u32 s10, $0x7;
	s29 =	smax.u32 s21, $0x1;
	[dreg:$0xa] =	wrdreg s24  }
0x10: {  	vm0 =	vmmov $0xffff;
	v41 =	vimm.s32 $0x10;
	v42 =	vimm.s32 $0x11;
	[tilespmem:$0x1FFF0] =	vst v63;
	s4 =	simm.s32 $0x0;
	s0 =	sadd.s32 s23, s26;
	[dreg:$0xc] =	wrdreg s29  }
0x11: {  	v43 =	vimm.s32 $0x12;
	v44 =	vimm.s32 $0x13;
	v45 =	vimm.s32 $0x14;
	[tilespmem:$0x1FFE0] =	vst v0;
	s21 =	simm.s32 $0x6200;
	[dreg:$0xb] =	wrdreg s0;
	s0 =	simm.s32 $0x11400  }
.LBB2_1:
0x12: {  	[dreg:$0xd] =	wrdreg s4  }
0x13: {  	s3 =	rddreg [dreg:$0x5];
	s2 =	simm.s32 $0x10A00;
	s16 =	simm.s32 $0x7  }
0x14: {  	[tilespmem:s2], [sflag:$0x7] =	stream.linear.gather [hbm4b:s3+s8], $0x400, $0x38;
	[tilespmem:$0x11480] =	vst v63  }
0x15: {  	_ =	swait.ge [sflag:s16], $0x400  }
0x16: {  	[sflag:s16] =	ssyncset.done $0x0  }
0x17: {  	[sflag:s16] =	ssyncadd.s32 $0xFFFFFC00  }
0x18: {  	s19 =	simm.s32 $0x10E00;
	s18 =	rddreg [dreg:$0x6]  }
0x19: {  	[tilespmem:s19], [sflag:$0x7] =	stream.linear.gather [hbm4b:s18+s8], $0x400, $0x38;
	[tilespmem:$0x11480] =	vst v63  }
0x1a: {  	_ =	swait.ge [sflag:s16], $0x400  }
0x1b: {  	[sflag:s16] =	ssyncset.done $0x0  }
0x1c: {  	[sflag:s16] =	ssyncadd.s32 $0xFFFFFC00  }
0x1d: {  	s22 =	simm.s32 $0x10200;
	s20 =	rddreg [dreg:$0x3]  }
0x1e: {  	[tilespmem:s22], [sflag:$0x7] =	stream.linear.gather [hbm4b:s20+s8], $0x800, $0x38;
	[tilespmem:$0x11480] =	vst v63  }
0x1f: {  	_ =	swait.ge [sflag:s16], $0x800  }
0x20: {  	[sflag:s16] =	ssyncset.done $0x0  }
0x21: {  	s24 =	rddreg [dreg:$0x9];
	[sflag:s16] =	ssyncadd.s32 $0xFFFFF800  }
0x22: {  	[tilespmem:s8], [sflag:$0x7] =	stream.linear.gather [hbm4b:s24+s8], $0x100, $0x38;
	[tilespmem:$0x11480] =	vst v63  }
0x23: {  	_ =	swait.ge [sflag:s16], $0x100  }
0x24: {  	[sflag:s16] =	ssyncset.done $0x0  }
0x25: {  	s29 =	simm.s32 $0x100;
	s26 =	rddreg [dreg:$0xa];
	[sflag:s16] =	ssyncadd.s32 $0xFFFFFF00  }
0x26: {  	[tilespmem:s29], [sflag:$0x7] =	stream.linear.gather [hbm4b:s26+s8], $0x100, $0x38;
	[tilespmem:$0x11480] =	vst v63  }
0x27: {  	_ =	swait.ge [sflag:s16], $0x100  }
0x28: {  	[sflag:s16] =	ssyncset.done $0x0  }
0x29: {  	[sflag:s16] =	ssyncadd.s32 $0xFFFFFF00  }
0x2a: {  	v0 =	vld [tilespmem:$0x0];
	_ =	sdelay $0x2  }
0x2b: {  	v63 =	vld [tilespmem:$0x1FFD0];
	_ =	sdelay $0x1  }
0x2c: {  	v2 =	vld [tilespmem:$0x1FFE0];
	v1 =	vshll.u32 v0, $0x3  }
0x2d: {  	v0 =	vand.u32 $0x7, v0;
	v1 =	vand.u32 $0xFFFFFFC0, v1  }
0x2e: {  	v0 =	vor.u32 v0, v1  }
0x2f: {  	v1 =	vperm.xlane v0, v63;
	_ =	sdelay $0x1  }
0x30: {  	v1 =	vadd.s32 v2, v1  }
0x31: {  	v3 =	vld [tilespmem:$0x1FFF0];
	_ =	sdelay $0x2  }
0x32: {  	s5 =	simm.s32 $0x200  }
0x33: {  	[tilespmem:s5], [sflag:$0x1] =	stream.indirect_vreg.gather [hbm4b:s1+s8], $0x80, v1, vm0, $0xb8;
	[tilespmem:$0x11480] =	vst v63  }
0x34: {  	s12 =	simm.s32 $0xA00;
	v0 =	vperm.xlane v0, v3  }
0x35: {  	[tilespmem:s12], [sflag:$0x1] =	stream.indirect_vreg.gather [hbm4b:s13+s8], $0x80, v1, vm0, $0xb8;
	[tilespmem:$0x11480] =	vst v63  }
0x36: {  	s16 =	simm.s32 $0x1200;
	v0 =	vadd.s32 v2, v0  }
0x37: {  	[tilespmem:s16], [sflag:$0x1] =	stream.indirect_vreg.gather [hbm4b:s14+s8], $0x80, v1, vm0, $0xb8;
	[tilespmem:$0x11480] =	vst v63  }
0x38: {  	s18 =	simm.s32 $0x1A00  }
0x39: {  	[tilespmem:s18], [sflag:$0x1] =	stream.indirect_vreg.gather [hbm4b:s15+s8], $0x80, v1, vm0, $0xb8;
	[tilespmem:$0x11480] =	vst v63  }
0x3a: {  	s19 =	simm.s32 $0x2200  }
0x3b: {  	[tilespmem:s19], [sflag:$0x1] =	stream.indirect_vreg.gather [hbm4b:s1+s8], $0x80, v0, vm0, $0xb8;
	[tilespmem:$0x11480] =	vst v63  }
0x3c: {  	s20 =	simm.s32 $0x2A00  }
0x3d: {  	[tilespmem:s20], [sflag:$0x1] =	stream.indirect_vreg.gather [hbm4b:s13+s8], $0x80, v0, vm0, $0xb8;
	[tilespmem:$0x11480] =	vst v63  }
0x3e: {  	s22 =	simm.s32 $0x3200  }
0x3f: {  	[tilespmem:s22], [sflag:$0x1] =	stream.indirect_vreg.gather [hbm4b:s14+s8], $0x80, v0, vm0, $0xb8;
	[tilespmem:$0x11480] =	vst v63  }
0x40: {  	s24 =	simm.s32 $0x3A00  }
0x41: {  	[tilespmem:s24], [sflag:$0x1] =	stream.indirect_vreg.gather [hbm4b:s15+s8], $0x80, v0, vm0, $0xb8;
	[tilespmem:$0x11480] =	vst v63  }
0x42: {  	s29 =	simm.s32 $0x8200;
	s26 =	rddreg [dreg:$0xb];
	s16 =	simm.s32 $0x0  }
0x43: {  	[tilespmem:s29], [sflag:$0x3] =	stream.linear.gather [hbm4b:s26+s8], $0x4000, $0x38;
	[tilespmem:$0x11480] =	vst v63  }
.LBB2_2:
0x44: {  	p0 =	seq.s32 s16, $0x0  }
0x45: {  	s4 =	simm.s32 @!p0 $0x6  }
0x46: {  	_ =	swait.ge @!p0 [sflag:s4], $0x4000  }
0x47: {  	s18 =	sshll.u32 s16, $0x5;
	[sflag:s4] =	ssyncset.done @!p0 $0x0  }
0x48: {  	s12 =	sor.u32 $0x10, s18;
	[sflag:s4] =	ssyncadd.s32 @!p0 $0xFFFFC000  }
0x49: {  	v0 =	vld [tilespmem:s12+$0x0];
	_ =	sdelay $0x4  }
0x4a: {  	v1 =	vshll.u32 v0, $0x3  }
0x4b: {  	v0 =	vand.u32 $0x7, v0;
	v1 =	vand.u32 $0xFFFFFFC0, v1  }
0x4c: {  	v0 =	vor.u32 v0, v1;
	v1 =	vld [tilespmem:$0x1FFD0];
	_ =	sdelay $0x1  }
0x4d: {  	v2 =	vld [tilespmem:$0x1FFE0];
	_ =	sdelay $0x2  }
0x4e: {  	v1 =	vperm.xlane v0, v1;
	_ =	sdelay $0x1  }
0x4f: {  	v1 =	vadd.s32 v2, v1  }
0x50: {  	v3 =	vld [tilespmem:$0x1FFF0];
	_ =	sdelay $0x2  }
0x51: {  	s20 =	simm.s32 $0x0  }
0x52: {  	[tilespmem:s7], [sflag:$0x2] =	stream.indirect_vreg.gather [hbm4b:s1+s20], $0x80, v1, vm0, $0xb8;
	[tilespmem:$0x11480] =	vst v63  }
0x53: {  	s2 =	simm.s32 $0x4A00;
	v0 =	vperm.xlane v0, v3  }
0x54: {  	[tilespmem:s2], [sflag:$0x2] =	stream.indirect_vreg.gather [hbm4b:s13+s20], $0x80, v1, vm0, $0xb8;
	[tilespmem:$0x11480] =	vst v63  }
0x55: {  	s5 =	simm.s32 $0x5200;
	v0 =	vadd.s32 v2, v0  }
0x56: {  	[tilespmem:s5], [sflag:$0x2] =	stream.indirect_vreg.gather [hbm4b:s14+s20], $0x80, v1, vm0, $0xb8;
	[tilespmem:$0x11480] =	vst v63  }
0x57: {  	s7 =	simm.s32 $0x5A00  }
0x58: {  	[tilespmem:s7], [sflag:$0x2] =	stream.indirect_vreg.gather [hbm4b:s15+s20], $0x80, v1, vm0, $0xb8;
	[tilespmem:$0x11480] =	vst v63  }
0x59: {  	_ = 	snop  }
0x5a: {  	[tilespmem:s21], [sflag:$0x2] =	stream.indirect_vreg.gather [hbm4b:s1+s20], $0x80, v0, vm0, $0xb8;
	[tilespmem:$0x11480] =	vst v63  }
0x5b: {  	s19 =	simm.s32 $0x6A00  }
0x5c: {  	[tilespmem:s19], [sflag:$0x2] =	stream.indirect_vreg.gather [hbm4b:s13+s20], $0x80, v0, vm0, $0xb8;
	[tilespmem:$0x11480] =	vst v63  }
0x5d: {  	s22 =	simm.s32 $0x7200;
	s24 =	simm.s32 $0x7A00;
	s26 =	sadd.s32 s10, s12  }
0x5e: {  	[tilespmem:s22], [sflag:$0x2] =	stream.indirect_vreg.gather [hbm4b:s14+s20], $0x80, v0, vm0, $0xb8;
	[tilespmem:$0x11480] =	vst v63  }
0x5f: {  	s29 =	simm.s32 $0xC200;
	s4 =	sshll.u32 s26, $0x7;
	s2 =	sor.u32 $0x100, s18  }
0x60: {  	[tilespmem:s24], [sflag:$0x2] =	stream.indirect_vreg.gather [hbm4b:s15+s20], $0x80, v0, vm0, $0xb8;
	[tilespmem:$0x11480] =	vst v63  }
0x61: {  	s3 =	sor.u32 $0x101, s18;
	s4 =	sadd.s32 s23, s4;
	s5 =	sor.u32 $0x102, s18;
	v0 =	vmov s2  }
0x62: {  	v1 =	vmov s3;
	v0 =	vand.u32 $0xFFFFFFE0, v0;
	[tilespmem:s29], [sflag:$0x4] =	stream.linear.gather [hbm4b:s4+s20], $0x4000, $0x38;
	[tilespmem:$0x11480] =	vst v63  }
0x63: {  	v2 =	vmov s5;
	v1 =	vand.u32 $0xFFFFFFE1, v1;
	s19 =	sor.u32 $0x103, s18;
	v0 =	vbroadcast v0, $0x0;
	_ =	swait.ge [sflag:s28], $0x4000  }
0x64: {  	v2 =	vand.u32 $0xFFFFFFE2, v2;
	v1 =	vbroadcast v1, $0x0;
	v3 =	vmov s19;
	s22 =	sor.u32 $0x104, s18;
	[sflag:s28] =	ssyncset.done $0x0  }
0x65: {  	s7 =	smov.u32 s23;
	s23 =	sor.u32 $0x105, s18;
	v2 =	vbroadcast v2, $0x0;
	v3 =	vand.u32 $0xFFFFFFE3, v3;
	v4 =	vmov s22;
	[sflag:s28] =	ssyncadd.s32 $0xFFFFC000  }
0x66: {  	v5 =	vmov s23;
	v3 =	vbroadcast v3, $0x0;
	v4 =	vand.u32 $0xFFFFFFE4, v4;
	_ =	swait.ge [sflag:s30], $0x4000  }
0x67: {  	v5 =	vand.u32 $0xFFFFFFE5, v5;
	s24 =	sor.u32 $0x106, s18;
	v4 =	vbroadcast v4, $0x0;
	[sflag:s30] =	ssyncset.done $0x0  }
0x68: {  	s26 =	sor.u32 $0x107, s18;
	v5 =	vbroadcast v5, $0x0;
	v6 =	vmov s24;
	[sflag:s30] =	ssyncadd.s32 $0xFFFFC000  }
0x69: {  	v7 =	vmov s26;
	v6 =	vand.u32 $0xFFFFFFE6, v6;
	s29 =	sor.u32 $0x108, s18;
	v11 =	vld.idx.msk [tilespmem:v0+s20+$0x0], $0xffff  }
0x6a: {  	s2 =	sor.u32 $0x109, s18;
	v0 =	vbroadcast v6, $0x0;
	v6 =	vand.u32 $0xFFFFFFE7, v7;
	v7 =	vmov s29;
	v12 =	vld.idx.msk [tilespmem:v1+s20+$0x0], $0xffff  }
0x6b: {  	s3 =	sor.u32 $0x10A, s18;
	v13 =	vld.idx.msk [tilespmem:v2+s20+$0x0], $0xffff;
	v1 =	vbroadcast v6, $0x0;
	v6 =	vand.u32 $0xFFFFFFE8, v7;
	v7 =	vmov s2  }
0x6c: {  	s5 =	sor.u32 $0x10B, s18;
	v14 =	vld.idx.msk [tilespmem:v3+s20+$0x0], $0xffff;
	v2 =	vbroadcast v6, $0x0;
	v6 =	vand.u32 $0xFFFFFFE9, v7;
	v7 =	vmov s3  }
0x6d: {  	s26 =	sand.u32 $0x7FFFFC00, s20;
	v16 =	vld.idx.msk [tilespmem:v4+s20+$0x0], $0xffff;
	v3 =	vbroadcast v6, $0x0;
	v6 =	vand.u32 $0xFFFFFFEA, v7;
	v7 =	vmov s5;
	s5 =	sand.u32 $0x70, s20  }
0x6e: {  	v17 =	vld.idx.msk [tilespmem:v5+s20+$0x0], $0xffff;
	s4 =	sor.u32 s5, s26  }
0x6f: {  	v30 =	vld [tilespmem:s4+$0x500]  }
0x70: {  	v31 =	vld [tilespmem:s4+$0x8480]  }
0x71: {  	v28 =	vld [tilespmem:s4+$0x8400]  }
0x72: {  	v35 =	vld [tilespmem:s4+$0x8200]  }
0x73: {  	v32 =	vld [tilespmem:s4+$0x8280]  }
0x74: {  	v33 =	vld [tilespmem:s4+$0x280]  }
0x75: {  	s19 =	sor.u32 $0x10C, s18;
	s22 =	sor.u32 $0x10D, s18;
	v34 =	vld [tilespmem:s4+$0x8380]  }
0x76: {  	v5 =	vmov s22;
	v4 =	vand.u32 $0xFFFFFFEB, v7;
	v7 =	vmov s19;
	s19 =	sshrl.u32 s26, $0x2;
	v36 =	vld [tilespmem:s4+$0x380]  }
0x77: {  	s23 =	sor.u32 $0x10E, s18;
	v6 =	vbroadcast v6, $0x0;
	v8 =	vbroadcast v4, $0x0;
	v4 =	vand.u32 $0xFFFFFFEC, v7;
	s19 =	sor.u32 s5, s19;
	v18 =	vld.idx.msk [tilespmem:v0+s20+$0x0], $0xffff  }
0x78: {  	v7 =	vbroadcast v4, $0x0;
	v0 =	vand.u32 $0xFFFFFFED, v5;
	v4 =	vmov s23;
	v29 =	vld [tilespmem:s19+$0x10200]  }
0x79: {  	s24 =	sor.u32 $0x10F, s18;
	v19 =	vld.idx.msk [tilespmem:v1+s20+$0x0], $0xffff;
	v1 =	vbroadcast v0, $0x0;
	v4 =	vand.u32 $0xFFFFFFEE, v4  }
0x7a: {  	v5 =	vmov s24;
	s29 =	sadd.s32 $0x10200, s19;
	v0 =	vld.idx.msk [tilespmem:v2+s20+$0x0], $0xffff;
	v2 =	vbroadcast v4, $0x0  }
0x7b: {  	v5 =	vand.u32 $0xFFFFFFEF, v5;
	v27 =	vld [tilespmem:s29+$0x80]  }
0x7c: {  	v4 =	vld.idx.msk [tilespmem:v3+s20+$0x0], $0xffff;
	v3 =	vbroadcast v5, $0x0  }
0x7d: {  	v5 =	vld.idx.msk [tilespmem:v6+s20+$0x0], $0xffff  }
0x7e: {  	v15 =	vimm.f32 $0.0e+00;
	v22 =	vimm.f32 $0.0e+00;
	v20 =	vimm.f32 $0.0e+00;
	v6 =	vld.idx.msk [tilespmem:v8+s20+$0x0], $0xffff  }
0x7f: {  	v23 =	vimm.f32 $0.0e+00;
	v21 =	vimm.f32 $0.0e+00;
	v24 =	vimm.f32 $0.0e+00;
	v8 =	vld.idx.msk [tilespmem:v1+s20+$0x0], $0xffff  }
0x80: {  	v26 =	vimm.f32 $0.0e+00;
	v25 =	vimm.f32 $0.0e+00;
	vm3 =	veq.s32 v17, $0x0;
	v9 =	vld.idx.msk [tilespmem:v2+s20+$0x0], $0xffff  }
0x81: {  	vm2 =	veq.s32 v16, $0x0;
	vm5 =	veq.s32 v14, $0x0;
	vm4 =	veq.s32 v13, $0x0;
	v2 =	vld [tilespmem:s4+$0x200]  }
0x82: {  	vm6 =	veq.s32 v12, $0x0;
	vm8 =	veq.s32 v11, $0x0;
	v13 =	vimm.f32 $0.0e+00;
	v10 =	vld.idx.msk [tilespmem:v3+s20+$0x0], $0xffff  }
0x83: {  	v12 =	vimm.f32 $0.0e+00;
	v11 =	vimm.f32 $0.0e+00;
	v14 =	vimm.f32 $0.0e+00;
	v3 =	vld [tilespmem:s4+$0x480]  }
0x84: {  	v17 =	vimm.f32 $0.0e+00;
	v16 =	vimm.f32 $0.0e+00;
	vm7 =	veq.s32 v18, $0x0;
	v1 =	vld [tilespmem:s4+$0x8500]  }
0x85: {  	s5 =	sor.u32 s20, s20;
	s19 =	simm.s32 $0x80;
	v18 =	vimm.f32 $0.0e+00;
	v7 =	vld.idx.msk [tilespmem:v7+s20+$0x0], $0xffff;
	vm1 =	veq.s32 v19, $0x0;
	v19 =	vimm.f32 $0.0e+00  }
.LBB2_3:
0x86: {  	p0 =	sne.s32 s19, $0x1F80  }
0x87: {  	v2 =	vadd.f32 v35, v2;
	v35 =	vld [tilespmem:s4+$0x400];
	s20 =	sadd.s32 $0x10, s20;
	s22 =	smov.u32 s19;
	s19 =	sadd.s32 $0x80, s19  }
0x88: {  	v3 =	vadd.f32 v31, v3;
	s23 =	sor.u32 s22, s20;
	v32 =	vadd.f32 v32, v33;
	v33 =	vld [tilespmem:s4+$0x8300]  }
0x89: {  	v1 =	vadd.f32 v1, v30;
	v31 =	vld [tilespmem:s4+$0x300];
	v37 =	vsel vm4, v29, v27;
	v30 =	vsel vm7, v29, v27  }
0x8a: {  	v38 =	vsel vm8, v29, v27;
	v39 =	vsel vm6, v29, v27;
	v40 =	vsel vm5, v29, v27  }
0x8b: {  	v1 =	vadd.f32 v1, v30;
	v34 =	vadd.f32 v34, v36;
	v36 =	vsel vm2, v29, v27  }
0x8c: {  	v2 =	vadd.f32 v2, v38;
	v30 =	vadd.f32 v32, v39;
	v32 =	vsel vm3, v29, v27  }
0x8d: {  	v3 =	vadd.f32 v3, v32;
	v32 =	vmul.f32 v1, v1;
	v34 =	vadd.f32 v34, v40;
	[tilespmem:s4+$0x500] =	vst v1  }
0x8e: {  	v27 =	vsel vm1, v29, v27;
	v28 =	vadd.f32 v28, v35;
	[tilespmem:s4+$0x200] =	vst v2;
	v31 =	vadd.f32 v33, v31  }
0x8f: {  	v15 =	vadd.f32 v30, v15;
	v13 =	vadd.f32 v3, v13;
	v29 =	vmul.f32 v3, v3;
	[tilespmem:s4+$0x380] =	vst v34  }
0x90: {  	v28 =	vadd.f32 v28, v36;
	v33 =	vmul.f32 v34, v34;
	[tilespmem:s4+$0x280] =	vst v30;
	v31 =	vadd.f32 v31, v37  }
0x91: {  	v35 =	vmul.f32 v2, v2;
	v11 =	vadd.f32 v32, v11;
	v12 =	vadd.f32 v29, v12;
	[tilespmem:s4+$0x480] =	vst v3  }
0x92: {  	v18 =	vadd.f32 v28, v18;
	[tilespmem:s4+$0x300] =	vst v31;
	v22 =	vadd.f32 v31, v22;
	v3 =	vmul.f32 v31, v31  }
0x93: {  	s24 =	sor.u32 $0x380, s5;
	s5 =	smov.u32 s23;
	v14 =	vadd.f32 v1, v14;
	v20 =	vadd.f32 v34, v20;
	[tilespmem:s4+$0x400] =	vst v28;
	v28 =	vmul.f32 v28, v28  }
0x94: {  	v1 =	vmul.f32 v30, v30;
	v21 =	vadd.f32 v33, v21;
	v23 =	vadd.f32 v3, v23;
	v3 =	vld [tilespmem:s24+$0x200]  }
0x95: {  	v24 =	vadd.f32 v35, v24;
	s4 =	sand.u32 $0x7FFFFC00, s22;
	v19 =	vadd.f32 v28, v19;
	v28 =	vld [tilespmem:s24+$0x8200]  }
0x96: {  	v26 =	vadd.f32 v2, v26;
	v25 =	vadd.f32 v1, v25;
	s22 =	sand.u32 $0x70, s20;
	s23 =	sshrl.u32 s4, $0x2  }
0x97: {  	s4 =	sor.u32 s22, s4;
	s23 =	sor.u32 s22, s23  }
0x98: {  	s22 =	sadd.s32 $0x10200, s23;
	_ =	sdelay $0x1  }
0x99: {  	v1 =	vadd.f32 v28, v3;
	_ =	sdelay $0x1  }
0x9a: {  	v1 =	vadd.f32 v1, v27;
	_ =	sdelay $0x1  }
0x9b: {  	[tilespmem:s24+$0x200] =	vst v1;
	v17 =	vadd.f32 v1, v17;
	v1 =	vmul.f32 v1, v1;
	_ =	sdelay $0x1  }
0x9c: {  	v30 =	vld [tilespmem:s4+$0x500];
	v16 =	vadd.f32 v1, v16  }
0x9d: {  	v27 =	vld [tilespmem:s22+$0x80]  }
0x9e: {  	v1 =	vld [tilespmem:s4+$0x8500]  }
0x9f: {  	v31 =	vld [tilespmem:s4+$0x8480]  }
0xa0: {  	v2 =	vld [tilespmem:s4+$0x200]  }
0xa1: {  	v3 =	vld [tilespmem:s4+$0x480]  }
0xa2: {  	v28 =	vld [tilespmem:s4+$0x8400]  }
0xa3: {  	v35 =	vld [tilespmem:s4+$0x8200]  }
.Ltmp0:
0xa4: {  	v32 =	vld [tilespmem:s4+$0x8280];
	(pc) =	sbr.rel @p0 .LBB2_3-.Ltmp0, $4  }
0xa5: {  	v33 =	vld [tilespmem:s4+$0x280]  }
0xa6: {  	v29 =	vld [tilespmem:s23+$0x10200]  }
0xa7: {  	v34 =	vld [tilespmem:s4+$0x8380]  }
0xa8: {  	v36 =	vld [tilespmem:s4+$0x380]  }
0xa9: {  	v37 =	vld [tilespmem:s4+$0x8300]  }
0xaa: {  	v1 =	vadd.f32 v1, v30;
	v30 =	vld [tilespmem:s4+$0x300]  }
0xab: {  	v2 =	vadd.f32 v35, v2;
	v56 =	vld [tilespmem:s4+$0x400];
	v38 =	vsel vm7, v29, v27  }
0xac: {  	v32 =	vadd.f32 v32, v33;
	v57 =	vsel vm8, v29, v27;
	v1 =	vadd.f32 v1, v38  }
0xad: {  	v3 =	vadd.f32 v31, v3;
	v31 =	vsel vm6, v29, v27;
	v2 =	vadd.f32 v2, v57  }
0xae: {  	v59 =	vsel vm3, v29, v27;
	v31 =	vadd.f32 v32, v31;
	v34 =	vadd.f32 v34, v36;
	[tilespmem:s4+$0x500] =	vst v1  }
0xaf: {  	v58 =	vsel vm5, v29, v27;
	v3 =	vadd.f32 v3, v59;
	[tilespmem:s4+$0x200] =	vst v2;
	v30 =	vadd.f32 v37, v30  }
0xb0: {  	v60 =	vsel vm4, v29, v27;
	v28 =	vadd.f32 v28, v56;
	[tilespmem:s4+$0x280] =	vst v31;
	v33 =	vadd.f32 v34, v58  }
0xb1: {  	v61 =	vsel vm2, v29, v27;
	[tilespmem:s4+$0x480] =	vst v3;
	v30 =	vadd.f32 v30, v60  }
0xb2: {  	v28 =	vadd.f32 v28, v61;
	[tilespmem:s4+$0x380] =	vst v33  }
0xb3: {  	[tilespmem:s4+$0x300] =	vst v30  }
0xb4: {  	s24 =	sor.u32 $0x380, s5;
	[tilespmem:s4+$0x400] =	vst v28  }
0xb5: {  	v62 =	vld [tilespmem:s24+$0x200]  }
0xb6: {  	v63 =	vld [tilespmem:s24+$0x8200];
	_ =	sdelay $0x4  }
0xb7: {  	v32 =	vadd.f32 v63, v62  }
0xb8: {  	v27 =	vsel vm1, v29, v27  }
0xb9: {  	v29 =	vmul.f32 v2, v2;
	v27 =	vadd.f32 v32, v27  }
0xba: {  	v2 =	vadd.f32 v2, v26  }
0xbb: {  	v26 =	vmul.f32 v31, v31;
	v24 =	vadd.f32 v29, v24;
	[tilespmem:s24+$0x200] =	vst v27  }
0xbc: {  	v15 =	vadd.f32 v31, v15;
	[tilespmem:$0x11200] =	vst v2  }
0xbd: {  	v25 =	vadd.f32 v26, v25;
	[tilespmem:$0x11300] =	vst v24  }
0xbe: {  	v22 =	vadd.f32 v30, v22;
	v2 =	vmul.f32 v30, v30;
	[tilespmem:$0x11210] =	vst v15  }
0xbf: {  	v20 =	vadd.f32 v33, v20;
	v15 =	vmul.f32 v33, v33;
	[tilespmem:$0x11310] =	vst v25  }
0xc0: {  	[tilespmem:$0x11220] =	vst v22;
	v22 =	vmul.f32 v28, v28;
	v2 =	vadd.f32 v2, v23  }
0xc1: {  	[tilespmem:$0x11230] =	vst v20;
	v15 =	vadd.f32 v15, v21  }
0xc2: {  	v19 =	vadd.f32 v22, v19;
	[tilespmem:$0x11320] =	vst v2  }
0xc3: {  	v2 =	vadd.f32 v28, v18;
	v18 =	vmul.f32 v3, v3;
	[tilespmem:$0x11330] =	vst v15  }
0xc4: {  	v3 =	vadd.f32 v3, v13;
	[tilespmem:$0x11340] =	vst v19  }
0xc5: {  	[tilespmem:$0x11240] =	vst v2;
	v2 =	vmul.f32 v1, v1;
	v12 =	vadd.f32 v18, v12  }
0xc6: {  	v1 =	vadd.f32 v1, v14;
	[tilespmem:$0x11250] =	vst v3  }
0xc7: {  	v3 =	vmul.f32 v27, v27;
	v2 =	vadd.f32 v2, v11;
	[tilespmem:$0x11350] =	vst v12  }
0xc8: {  	s20 =	simm.s32 $0x0;
	v11 =	vadd.f32 v27, v17;
	[tilespmem:$0x11260] =	vst v1  }
0xc9: {  	s2 =	smov.u32 s25;
	s25 =	sand.u32 $0x7FFFFC00, s20;
	v1 =	vadd.f32 v3, v16;
	[tilespmem:$0x11360] =	vst v2  }
0xca: {  	s26 =	sand.u32 $0x70, s20;
	s19 =	sshrl.u32 s25, $0x2;
	[tilespmem:$0x11270] =	vst v11  }
0xcb: {  	s19 =	sor.u32 s26, s19;
	s4 =	sor.u32 s26, s25;
	[tilespmem:$0x11370] =	vst v1  }
0xcc: {  	s29 =	sadd.s32 $0x10200, s19;
	v22 =	vld [tilespmem:s4+$0x2500]  }
0xcd: {  	v19 =	vld [tilespmem:s29+$0x80]  }
0xce: {  	v24 =	vld [tilespmem:s4+$0xA500]  }
0xcf: {  	v23 =	vld [tilespmem:s4+$0xA480]  }
0xd0: {  	v2 =	vld [tilespmem:s4+$0x2200]  }
0xd1: {  	vm1 =	veq.s32 v10, $0x0;
	vm7 =	veq.s32 v9, $0x0;
	vm3 =	veq.s32 v8, $0x0;
	v1 =	vld [tilespmem:s4+$0x2480]  }
0xd2: {  	vm2 =	veq.s32 v7, $0x0;
	vm5 =	veq.s32 v6, $0x0;
	vm4 =	veq.s32 v5, $0x0;
	v20 =	vld [tilespmem:s4+$0xA400]  }
0xd3: {  	vm6 =	veq.s32 v4, $0x0;
	vm8 =	veq.s32 v0, $0x0;
	v5 =	vimm.f32 $0.0e+00;
	v27 =	vld [tilespmem:s4+$0xA200]  }
0xd4: {  	v4 =	vimm.f32 $0.0e+00;
	v0 =	vimm.f32 $0.0e+00;
	v9 =	vimm.f32 $0.0e+00;
	v3 =	vld [tilespmem:s4+$0xA280]  }
0xd5: {  	v6 =	vimm.f32 $0.0e+00;
	v10 =	vimm.f32 $0.0e+00;
	v8 =	vimm.f32 $0.0e+00;
	v25 =	vld [tilespmem:s4+$0x2280]  }
0xd6: {  	v7 =	vimm.f32 $0.0e+00;
	v15 =	vimm.f32 $0.0e+00;
	v13 =	vimm.f32 $0.0e+00;
	v21 =	vld [tilespmem:s19+$0x10200]  }
0xd7: {  	v14 =	vimm.f32 $0.0e+00;
	v18 =	vimm.f32 $0.0e+00;
	v12 =	vimm.f32 $0.0e+00;
	v26 =	vld [tilespmem:s4+$0xA380]  }
0xd8: {  	s5 =	sor.u32 s20, s20;
	v16 =	vimm.f32 $0.0e+00;
	v17 =	vimm.f32 $0.0e+00;
	v11 =	vimm.f32 $0.0e+00;
	s19 =	simm.s32 $0x80;
	v28 =	vld [tilespmem:s4+$0x2380]  }
.LBB2_5:
0xd9: {  	p0 =	sne.s32 s19, $0x1F80  }
0xda: {  	v2 =	vadd.f32 v27, v2;
	v27 =	vld [tilespmem:s4+$0x2400];
	s20 =	sadd.s32 $0x10, s20;
	s22 =	smov.u32 s19;
	s19 =	sadd.s32 $0x80, s19  }
0xdb: {  	v1 =	vadd.f32 v23, v1;
	s23 =	sor.u32 s22, s20;
	v3 =	vadd.f32 v3, v25;
	v25 =	vld [tilespmem:s4+$0xA300]  }
0xdc: {  	v22 =	vadd.f32 v24, v22;
	v23 =	vld [tilespmem:s4+$0x2300];
	v29 =	vsel vm4, v21, v19;
	v24 =	vsel vm7, v21, v19  }
0xdd: {  	v30 =	vsel vm8, v21, v19;
	v31 =	vsel vm6, v21, v19;
	v32 =	vsel vm5, v21, v19  }
0xde: {  	v22 =	vadd.f32 v22, v24;
	v26 =	vadd.f32 v26, v28;
	v28 =	vsel vm2, v21, v19  }
0xdf: {  	v2 =	vadd.f32 v2, v30;
	v3 =	vadd.f32 v3, v31;
	v24 =	vsel vm3, v21, v19  }
0xe0: {  	v1 =	vadd.f32 v1, v24;
	v24 =	vmul.f32 v22, v22;
	v26 =	vadd.f32 v26, v32;
	[tilespmem:s4+$0x2500] =	vst v22  }
0xe1: {  	v19 =	vsel vm1, v21, v19;
	v20 =	vadd.f32 v20, v27;
	[tilespmem:s4+$0x2200] =	vst v2;
	v23 =	vadd.f32 v25, v23  }
0xe2: {  	v11 =	vadd.f32 v3, v11;
	v5 =	vadd.f32 v1, v5;
	v21 =	vmul.f32 v1, v1;
	[tilespmem:s4+$0x2380] =	vst v26  }
0xe3: {  	v20 =	vadd.f32 v20, v28;
	v25 =	vmul.f32 v26, v26;
	[tilespmem:s4+$0x2280] =	vst v3;
	v23 =	vadd.f32 v23, v29  }
0xe4: {  	v27 =	vmul.f32 v2, v2;
	v0 =	vadd.f32 v24, v0;
	v4 =	vadd.f32 v21, v4;
	[tilespmem:s4+$0x2480] =	vst v1  }
0xe5: {  	v9 =	vadd.f32 v20, v9;
	[tilespmem:s4+$0x2300] =	vst v23;
	v14 =	vadd.f32 v23, v14;
	v1 =	vmul.f32 v23, v23  }
0xe6: {  	s24 =	sor.u32 $0x2380, s5;
	s5 =	smov.u32 s23;
	v6 =	vadd.f32 v22, v6;
	v12 =	vadd.f32 v26, v12;
	[tilespmem:s4+$0x2400] =	vst v20;
	v20 =	vmul.f32 v20, v20  }
0xe7: {  	v3 =	vmul.f32 v3, v3;
	v13 =	vadd.f32 v25, v13;
	v15 =	vadd.f32 v1, v15;
	v1 =	vld [tilespmem:s24+$0x200]  }
0xe8: {  	v16 =	vadd.f32 v27, v16;
	s4 =	sand.u32 $0x7FFFFC00, s22;
	v10 =	vadd.f32 v20, v10;
	v20 =	vld [tilespmem:s24+$0x8200]  }
0xe9: {  	v18 =	vadd.f32 v2, v18;
	v17 =	vadd.f32 v3, v17;
	s22 =	sand.u32 $0x70, s20;
	s23 =	sshrl.u32 s4, $0x2  }
0xea: {  	s4 =	sor.u32 s22, s4;
	s23 =	sor.u32 s22, s23  }
0xeb: {  	s22 =	sadd.s32 $0x10200, s23;
	_ =	sdelay $0x1  }
0xec: {  	v1 =	vadd.f32 v20, v1;
	_ =	sdelay $0x1  }
0xed: {  	v1 =	vadd.f32 v1, v19;
	_ =	sdelay $0x1  }
0xee: {  	[tilespmem:s24+$0x200] =	vst v1;
	v8 =	vadd.f32 v1, v8;
	v1 =	vmul.f32 v1, v1;
	_ =	sdelay $0x1  }
0xef: {  	v22 =	vld [tilespmem:s4+$0x2500];
	v7 =	vadd.f32 v1, v7  }
0xf0: {  	v19 =	vld [tilespmem:s22+$0x80]  }
0xf1: {  	v24 =	vld [tilespmem:s4+$0xA500]  }
0xf2: {  	v23 =	vld [tilespmem:s4+$0xA480]  }
0xf3: {  	v2 =	vld [tilespmem:s4+$0x2200]  }
0xf4: {  	v1 =	vld [tilespmem:s4+$0x2480]  }
0xf5: {  	v20 =	vld [tilespmem:s4+$0xA400]  }
0xf6: {  	v27 =	vld [tilespmem:s4+$0xA200]  }
.Ltmp1:
0xf7: {  	v3 =	vld [tilespmem:s4+$0xA280];
	(pc) =	sbr.rel @p0 .LBB2_5-.Ltmp1, $4  }
0xf8: {  	v25 =	vld [tilespmem:s4+$0x2280]  }
0xf9: {  	v21 =	vld [tilespmem:s23+$0x10200]  }
0xfa: {  	v26 =	vld [tilespmem:s4+$0xA380]  }
0xfb: {  	v28 =	vld [tilespmem:s4+$0x2380]  }
0xfc: {  	v29 =	vld [tilespmem:s4+$0xA300]  }
0xfd: {  	v30 =	vld [tilespmem:s4+$0x2300];
	v22 =	vadd.f32 v24, v22  }
0xfe: {  	v2 =	vadd.f32 v27, v2;
	v63 =	vld [tilespmem:s4+$0x2400];
	v33 =	vsel vm7, v21, v19  }
0xff: {  	v3 =	vadd.f32 v3, v25;
	v31 =	vsel vm8, v21, v19;
	v22 =	vadd.f32 v22, v33  }
0x100: {  	v1 =	vadd.f32 v23, v1;
	v23 =	vsel vm6, v21, v19;
	v2 =	vadd.f32 v2, v31  }
0x101: {  	v3 =	vadd.f32 v3, v23;
	v23 =	vsel vm3, v21, v19;
	v26 =	vadd.f32 v26, v28;
	[tilespmem:s4+$0x2500] =	vst v22  }
0x102: {  	v34 =	vsel vm5, v21, v19;
	v1 =	vadd.f32 v1, v23;
	[tilespmem:s4+$0x2200] =	vst v2;
	v35 =	vadd.f32 v29, v30  }
0x103: {  	v36 =	vsel vm4, v21, v19;
	v20 =	vadd.f32 v20, v63;
	[tilespmem:s4+$0x2280] =	vst v3;
	v25 =	vadd.f32 v26, v34  }
0x104: {  	v23 =	vsel vm2, v21, v19;
	[tilespmem:s4+$0x2480] =	vst v1;
	v37 =	vadd.f32 v35, v36  }
0x105: {  	v20 =	vadd.f32 v20, v23;
	[tilespmem:s4+$0x2380] =	vst v25  }
0x106: {  	[tilespmem:s4+$0x2300] =	vst v37  }
0x107: {  	s26 =	sor.u32 $0x2380, s5;
	[tilespmem:s4+$0x2400] =	vst v20  }
0x108: {  	v23 =	vld [tilespmem:s26+$0x200]  }
0x109: {  	v38 =	vld [tilespmem:s26+$0x8200];
	_ =	sdelay $0x4  }
0x10a: {  	v23 =	vadd.f32 v38, v23  }
0x10b: {  	v19 =	vsel vm1, v21, v19  }
0x10c: {  	v21 =	vmul.f32 v2, v2;
	v19 =	vadd.f32 v23, v19  }
0x10d: {  	v2 =	vadd.f32 v2, v18  }
0x10e: {  	v18 =	vmul.f32 v3, v3;
	v16 =	vadd.f32 v21, v16;
	[tilespmem:s26+$0x200] =	vst v19  }
0x10f: {  	v3 =	vadd.f32 v3, v11;
	[tilespmem:$0x11280] =	vst v2  }
0x110: {  	v11 =	vadd.f32 v18, v17;
	[tilespmem:$0x11380] =	vst v16  }
0x111: {  	v14 =	vadd.f32 v37, v14;
	v2 =	vmul.f32 v37, v37;
	[tilespmem:$0x11290] =	vst v3  }
0x112: {  	v3 =	vmul.f32 v25, v25;
	[tilespmem:$0x11390] =	vst v11;
	v11 =	vadd.f32 v25, v12  }
0x113: {  	[tilespmem:$0x112A0] =	vst v14;
	v2 =	vadd.f32 v2, v15  }
0x114: {  	v3 =	vadd.f32 v3, v13;
	[tilespmem:$0x112B0] =	vst v11  }
0x115: {  	v12 =	vmul.f32 v20, v20;
	[tilespmem:$0x113A0] =	vst v2;
	v2 =	vadd.f32 v20, v9  }
0x116: {  	v9 =	vmul.f32 v1, v1;
	[tilespmem:$0x113B0] =	vst v3;
	v1 =	vadd.f32 v1, v5  }
0x117: {  	v10 =	vadd.f32 v12, v10;
	[tilespmem:$0x112C0] =	vst v2  }
0x118: {  	v2 =	vmul.f32 v22, v22;
	v3 =	vadd.f32 v9, v4;
	[tilespmem:$0x112D0] =	vst v1;
	v1 =	vlaneseq.u32  }
0x119: {  	[tilespmem:$0x113C0] =	vst v10;
	v4 =	vadd.f32 v22, v6;
	v36 =	vmul.u32 $0x10, v1  }
0x11a: {  	v1 =	vmul.f32 v19, v19;
	v0 =	vadd.f32 v2, v0;
	[tilespmem:$0x113D0] =	vst v3  }
0x11b: {  	v2 =	vadd.f32 v19, v8;
	[tilespmem:$0x112E0] =	vst v4;
	v3 =	vor.u32 $0x100, v36  }
0x11c: {  	v1 =	vadd.f32 v1, v7;
	v4 =	vor.u32 $0x1, v36;
	[tilespmem:$0x113E0] =	vst v0  }
0x11d: {  	v5 =	vor.u32 $0x101, v36;
	[tilespmem:$0x112F0] =	vst v2  }
0x11e: {  	v6 =	vor.u32 $0x2, v36;
	[tilespmem:$0x113F0] =	vst v1  }
0x11f: {  	v7 =	vor.u32 $0x102, v36;
	v0 =	vld.idx.msk [tilespmem:v36+s31+$0x0], $0xffff  }
0x120: {  	v10 =	vor.u32 $0x3, v36;
	v1 =	vld.idx.msk [tilespmem:v3+s31+$0x0], $0xffff  }
0x121: {  	v11 =	vor.u32 $0x4, v36;
	v2 =	vld.idx.msk [tilespmem:v4+s31+$0x0], $0xffff  }
0x122: {  	v8 =	vor.u32 $0x103, v36;
	[tilespmem:$0x1FF40] =	vst v3;
	v3 =	vld.idx.msk [tilespmem:v5+s31+$0x0], $0xffff  }
0x123: {  	v9 =	vor.u32 $0x104, v36;
	[tilespmem:$0x1FF50] =	vst v4;
	v4 =	vld.idx.msk [tilespmem:v6+s31+$0x0], $0xffff  }
0x124: {  	v47 =	vor.u32 $0x5, v36;
	[tilespmem:$0x1FF60] =	vst v5;
	v5 =	vld.idx.msk [tilespmem:v7+s31+$0x0], $0xffff;
	v0 =	vadd.f32 $0.0e+00, v0  }
0x125: {  	v46 =	vor.u32 $0x105, v36;
	[tilespmem:$0x1FF70] =	vst v6;
	v6 =	vld.idx.msk [tilespmem:v10+s31+$0x0], $0xffff  }
0x126: {  	v49 =	vor.u32 $0x6, v36;
	[tilespmem:$0x1FF80] =	vst v7;
	v7 =	vld.idx.msk [tilespmem:v11+s31+$0x0], $0xffff;
	v1 =	vadd.f32 $0.0e+00, v1;
	v0 =	vadd.f32 v2, v0  }
0x127: {  	v48 =	vor.u32 $0x106, v36;
	v2 =	vld.idx.msk [tilespmem:v8+s31+$0x0], $0xffff  }
0x128: {  	v51 =	vor.u32 $0x7, v36;
	v1 =	vadd.f32 v3, v1;
	v3 =	vld.idx.msk [tilespmem:v9+s31+$0x0], $0xffff;
	v0 =	vadd.f32 v4, v0  }
0x129: {  	v50 =	vor.u32 $0x107, v36;
	v4 =	vld.idx.msk [tilespmem:v47+s31+$0x0], $0xffff  }
0x12a: {  	v53 =	vor.u32 $0x8, v36;
	v1 =	vadd.f32 v5, v1;
	v5 =	vld.idx.msk [tilespmem:v46+s31+$0x0], $0xffff;
	v0 =	vadd.f32 v6, v0  }
0x12b: {  	v52 =	vor.u32 $0x108, v36;
	v6 =	vld.idx.msk [tilespmem:v49+s31+$0x0], $0xffff  }
0x12c: {  	v55 =	vor.u32 $0x9, v36;
	v1 =	vadd.f32 v2, v1;
	v2 =	vld.idx.msk [tilespmem:v48+s31+$0x0], $0xffff;
	v0 =	vadd.f32 v7, v0  }
0x12d: {  	v54 =	vor.u32 $0x109, v36;
	v7 =	vld.idx.msk [tilespmem:v51+s31+$0x0], $0xffff  }
0x12e: {  	v57 =	vor.u32 $0xA, v36;
	v1 =	vadd.f32 v3, v1;
	v3 =	vld.idx.msk [tilespmem:v50+s31+$0x0], $0xffff;
	v0 =	vadd.f32 v4, v0  }
0x12f: {  	v59 =	vor.u32 $0xB, v36;
	v4 =	vld.idx.msk [tilespmem:v53+s31+$0x0], $0xffff  }
0x130: {  	v56 =	vor.u32 $0x10A, v36;
	v1 =	vadd.f32 v5, v1;
	v5 =	vld.idx.msk [tilespmem:v52+s31+$0x0], $0xffff;
	v0 =	vadd.f32 v6, v0  }
0x131: {  	v61 =	vor.u32 $0xC, v36;
	v6 =	vld.idx.msk [tilespmem:v55+s31+$0x0], $0xffff  }
0x132: {  	v58 =	vor.u32 $0x10B, v36;
	v1 =	vadd.f32 v2, v1;
	v2 =	vld.idx.msk [tilespmem:v54+s31+$0x0], $0xffff;
	v0 =	vadd.f32 v7, v0  }
0x133: {  	v63 =	vor.u32 $0xD, v36;
	v7 =	vld.idx.msk [tilespmem:v57+s31+$0x0], $0xffff  }
0x134: {  	v60 =	vor.u32 $0x10C, v36;
	[tilespmem:$0x1FFA0] =	vst v8;
	v8 =	vld.idx.msk [tilespmem:v59+s31+$0x0], $0xffff;
	v1 =	vadd.f32 v3, v1;
	v0 =	vadd.f32 v4, v0  }
0x135: {  	v62 =	vor.u32 $0x10D, v36;
	v3 =	vld.idx.msk [tilespmem:v56+s31+$0x0], $0xffff  }
0x136: {  	[tilespmem:$0x1FF90] =	vst v10;
	v10 =	vld.idx.msk [tilespmem:v61+s31+$0x0], $0xffff;
	v4 =	vor.u32 $0xE, v36;
	v1 =	vadd.f32 v5, v1;
	v5 =	vadd.f32 v6, v0  }
0x137: {  	[tilespmem:$0x1FFC0] =	vst v9;
	v9 =	vld.idx.msk [tilespmem:v58+s31+$0x0], $0xffff;
	v0 =	vor.u32 $0x10E, v36  }
0x138: {  	[tilespmem:$0x1FFB0] =	vst v11;
	v11 =	vld.idx.msk [tilespmem:v63+s31+$0x0], $0xffff;
	v1 =	vadd.f32 v2, v1;
	v2 =	vadd.f32 v7, v5;
	v5 =	vor.u32 $0xF, v36  }
0x139: {  	v7 =	vld.idx.msk [tilespmem:v60+s31+$0x0], $0xffff  }
0x13a: {  	v6 =	vor.u32 $0x10F, v36;
	v1 =	vadd.f32 v3, v1;
	v3 =	vld.idx.msk [tilespmem:v62+s31+$0x0], $0xffff;
	v2 =	vadd.f32 v8, v2  }
0x13b: {  	v8 =	vld.idx.msk [tilespmem:v4+s31+$0x0], $0xffff  }
0x13c: {  	v1 =	vadd.f32 v9, v1;
	v9 =	vld.idx.msk [tilespmem:v0+s31+$0x0], $0xffff;
	v2 =	vadd.f32 v10, v2  }
0x13d: {  	v10 =	vld.idx.msk [tilespmem:v5+s31+$0x0], $0xffff  }
0x13e: {  	v1 =	vadd.f32 v7, v1;
	v2 =	vadd.f32 v11, v2  }
0x13f: {  	v7 =	vld.idx.msk [tilespmem:v6+s31+$0x0], $0xffff  }
0x140: {  	v1 =	vadd.f32 v3, v1;
	v2 =	vadd.f32 v8, v2;
	_ =	sdelay $0x1  }
0x141: {  	v1 =	vadd.f32 v9, v1;
	v2 =	vadd.f32 v10, v2;
	_ =	sdelay $0x1  }
0x142: {  	v1 =	vadd.f32 v7, v1;
	v2 =	vmul.f32 $9.765625000e-04, v2;
	_ =	sdelay $0x1  }
0x143: {  	v1 =	vmul.f32 $9.765625000e-04, v1;
	v3 =	vmul.f32 v2, v2;
	_ =	sdelay $0x1  }
0x144: {  	v1 =	vsub.f32 v1, v3;
	_ =	sdelay $0x1  }
0x145: {  	v1 =	vadd.f32 $9.999999960e-13, v1;
	_ =	sdelay $0x1  }
0x146: {  	v3 =	vshrl.u32 v1, $0x1;
	v1 =	vmul.f32 $5.000000000e-01, v1  }
0x147: {  	v3 =	vsub.s32 $0x5F3759DF, v3  }
0x148: {  	v7 =	vmul.f32 v3, v1;
	_ =	sdelay $0x1  }
0x149: {  	v7 =	vmul.f32 v3, v7;
	_ =	sdelay $0x1  }
0x14a: {  	v7 =	vsub.f32 $1.500000000e+00, v7;
	_ =	sdelay $0x1  }
0x14b: {  	v3 =	vmul.f32 v3, v7;
	_ =	sdelay $0x1  }
0x14c: {  	v7 =	vmul.f32 v3, v1;
	_ =	sdelay $0x1  }
0x14d: {  	v7 =	vmul.f32 v7, v3;
	_ =	sdelay $0x1  }
0x14e: {  	v7 =	vsub.f32 $1.500000000e+00, v7;
	_ =	sdelay $0x1  }
0x14f: {  	v3 =	vmul.f32 v7, v3;
	_ =	sdelay $0x1  }
0x150: {  	v1 =	vmul.f32 v3, v1;
	_ =	sdelay $0x1  }
0x151: {  	v1 =	vmul.f32 v1, v3;
	_ =	sdelay $0x1  }
0x152: {  	v1 =	vsub.f32 $1.500000000e+00, v1;
	_ =	sdelay $0x1  }
0x153: {  	v1 =	vmul.f32 v1, v3;
	_ =	sdelay $0x1  }
0x154: {  	[tilespmem:$0x11420] =	vst v1;
	v1 =	vimm.s32 $0x15;
	_ =	sdelay $0x3  }
0x155: {  	[tilespmem:$0x11410] =	vst v2  }
0x156: {  	v8 =	vld.idx.msk [tilespmem:v1+s0+$0x0], $0xffff;
	v1 =	vimm.s32 $0x16;
	_ =	sdelay $0x4  }
0x157: {  	v13 =	vld.idx.msk [tilespmem:v1+s0+$0x0], $0xffff;
	v1 =	vimm.s32 $0x20;
	_ =	sdelay $0x4  }
0x158: {  	v10 =	vld.idx.msk [tilespmem:v1+s0+$0x0], $0xffff;
	v1 =	vimm.s32 $0x22;
	_ =	sdelay $0x4  }
0x159: {  	v12 =	vld.idx.msk [tilespmem:v1+s0+$0x0], $0xffff;
	v1 =	vimm.s32 $0x23;
	_ =	sdelay $0x2  }
0x15a: {  	v9 =	vld.idx.msk [tilespmem:v41+s0+$0x0], $0xffff  }
0x15b: {  	v7 =	vld.idx.msk [tilespmem:v42+s0+$0x0], $0xffff  }
0x15c: {  	v18 =	vld.idx.msk [tilespmem:v1+s0+$0x0], $0xffff;
	v1 =	vimm.s32 $0x24  }
0x15d: {  	v11 =	vld.idx.msk [tilespmem:v43+s0+$0x0], $0xffff  }
0x15e: {  	v15 =	vld.idx.msk [tilespmem:v44+s0+$0x0], $0xffff  }
0x15f: {  	s3 =	simm.s32 $0x0;
	s22 =	simm.s32 $0x10A00;
	v14 =	vld.idx.msk [tilespmem:v45+s0+$0x0], $0xffff  }
0x160: {  	s20 =	sand.u32 $0x70, s3;
	s19 =	sand.u32 $0x1C00, s3;
	v2 =	vld [tilespmem:s22+$0x0]  }
0x161: {  	s5 =	sor.u32 s20, s19;
	v19 =	vld.idx.msk [tilespmem:v1+s0+$0x0], $0xffff;
	v1 =	vimm.s32 $0x26  }
0x162: {  	v3 =	vld [tilespmem:s5+$0x380]  }
0x163: {  	v16 =	vld [tilespmem:s5+$0x300]  }
0x164: {  	v20 =	vld [tilespmem:s5+$0x500]  }
0x165: {  	v39 =	vld [tilespmem:s5+$0x200]  }
0x166: {  	v21 =	vimm.s32 $0x25;
	v17 =	vld.idx.msk [tilespmem:v1+s0+$0x0], $0xffff  }
0x167: {  	v40 =	vld [tilespmem:s5+$0x280]  }
0x168: {  	v22 =	vimm.s32 $0x21;
	v16 =	vsub.f32 v16, v11;
	v1 =	vld [tilespmem:s5+$0x400]  }
0x169: {  	s23 =	simm.s32 $0x10E00;
	v41 =	vld [tilespmem:s5+$0x480];
	v20 =	vsub.f32 v20, v13  }
0x16a: {  	v23 =	vld [tilespmem:s23+$0x0];
	v3 =	vsub.f32 v3, v15;
	v16 =	vmul.f32 v16, v12  }
0x16b: {  	v21 =	vld.idx.msk [tilespmem:v21+s0+$0x0], $0xffff;
	v24 =	vsub.f32 v39, v9;
	v20 =	vmul.f32 v20, v17  }
0x16c: {  	v42 =	vmul.f32 v16, v2;
	v16 =	vimm.s32 $0x17;
	v3 =	vmul.f32 v3, v18  }
0x16d: {  	v22 =	vld.idx.msk [tilespmem:v22+s0+$0x0], $0xffff;
	v1 =	vsub.f32 v1, v14;
	v43 =	vmul.f32 v20, v2;
	v20 =	vimm.s32 $0x27  }
0x16e: {  	v26 =	vsub.f32 v41, v8;
	v3 =	vmul.f32 v3, v2  }
0x16f: {  	v24 =	vmul.f32 v24, v10;
	v1 =	vmul.f32 v1, v19  }
0x170: {  	v25 =	vsub.f32 v40, v7;
	v26 =	vmul.f32 v26, v21;
	v3 =	vadd.f32 v3, v23  }
0x171: {  	v24 =	vmul.f32 v24, v2;
	v27 =	vadd.f32 v42, v23;
	v16 =	vld.idx.msk [tilespmem:v16+s0+$0x0], $0xffff;
	v1 =	vmul.f32 v1, v2  }
0x172: {  	v44 =	vadd.f32 v43, v23;
	v20 =	vld.idx.msk [tilespmem:v20+s0+$0x0], $0xffff;
	[tilespmem:s5+$0x380] =	vst v3;
	v3 =	vmul.f32 v25, v22  }
0x173: {  	v26 =	vmul.f32 v26, v2;
	v24 =	vadd.f32 v24, v23;
	[tilespmem:s5+$0x300] =	vst v27  }
0x174: {  	v1 =	vadd.f32 v1, v23;
	[tilespmem:s5+$0x500] =	vst v44;
	v3 =	vmul.f32 v3, v2  }
0x175: {  	v45 =	vadd.f32 v26, v23;
	[tilespmem:s5+$0x200] =	vst v24  }
0x176: {  	[tilespmem:s5+$0x400] =	vst v1;
	v1 =	vadd.f32 v3, v23  }
0x177: {  	s4 =	sor.u32 s3, s3;
	[tilespmem:s5+$0x480] =	vst v45  }
0x178: {  	s29 =	sor.u32 $0x380, s4;
	[tilespmem:s5+$0x280] =	vst v1  }
0x179: {  	v1 =	vld [tilespmem:s29+$0x200];
	_ =	sdelay $0x4  }
0x17a: {  	v1 =	vsub.f32 v1, v16  }
0x17b: {  	s24 =	simm.s32 $0x10;
	s20 =	simm.s32 $0x80  }
0x17c: {  	s25 =	simm.s32 $0x20;
	s19 =	simm.s32 $0x10E10;
	s4 =	sor.u32 s20, s24;
	v1 =	vmul.f32 v1, v20  }
0x17d: {  	s26 =	sand.u32 $0x1C00, s20;
	s22 =	simm.s32 $0x10A10;
	s5 =	sand.u32 $0x70, s24  }
0x17e: {  	s23 =	simm.s32 $0x10E10;
	s5 =	sor.u32 s5, s26;
	s26 =	simm.s32 $0x10A10;
	v1 =	vmul.f32 v1, v2  }
.LBB2_7:
0x17f: {  	s20 =	sadd.s32 $0x80, s20  }
0x180: {  	s22 =	sadd.s32 $0x10, s22;
	s23 =	sadd.s32 $0x10, s23;
	s3 =	smov.u32 s25  }
0x181: {  	p0 =	sne.s32 s25, $0x3F0;
	s25 =	sadd.s32 $0x10, s25;
	s24 =	sor.u32 s20, s3;
	v1 =	vadd.f32 v1, v23  }
0x182: {  	_ = 	snop  }
0x183: {  	[tilespmem:s29+$0x200] =	vst v1  }
0x184: {  	v1 =	vld [tilespmem:s5+$0x400]  }
0x185: {  	v2 =	vld [tilespmem:s26+$0x0];
	s26 =	smov.u32 s22  }
0x186: {  	v3 =	vld [tilespmem:s5+$0x380]  }
0x187: {  	s3 =	sand.u32 $0x70, s3;
	s29 =	sand.u32 $0x1C00, s20;
	v24 =	vld [tilespmem:s5+$0x300]  }
0x188: {  	s3 =	sor.u32 s3, s29;
	v25 =	vld [tilespmem:s5+$0x500]  }
0x189: {  	v26 =	vld [tilespmem:s5+$0x200]  }
0x18a: {  	v27 =	vld [tilespmem:s5+$0x280]  }
0x18b: {  	v1 =	vsub.f32 v1, v14;
	v3 =	vsub.f32 v3, v15;
	v28 =	vld [tilespmem:s5+$0x480]  }
0x18c: {  	v23 =	vld [tilespmem:s19+$0x0];
	v24 =	vsub.f32 v24, v11;
	s19 =	smov.u32 s23  }
0x18d: {  	v1 =	vmul.f32 v1, v19;
	v3 =	vmul.f32 v3, v18;
	v25 =	vsub.f32 v25, v13  }
0x18e: {  	v26 =	vsub.f32 v26, v9;
	v24 =	vmul.f32 v24, v12  }
0x18f: {  	v27 =	vsub.f32 v27, v7;
	v3 =	vmul.f32 v3, v2;
	v25 =	vmul.f32 v25, v17  }
0x190: {  	v26 =	vmul.f32 v26, v10;
	v24 =	vmul.f32 v24, v2;
	v28 =	vsub.f32 v28, v8  }
0x191: {  	v27 =	vmul.f32 v27, v22;
	v3 =	vadd.f32 v3, v23;
	v25 =	vmul.f32 v25, v2  }
0x192: {  	v26 =	vmul.f32 v26, v2;
	v24 =	vadd.f32 v24, v23;
	v28 =	vmul.f32 v28, v21  }
0x193: {  	v1 =	vmul.f32 v1, v2;
	v27 =	vmul.f32 v27, v2;
	[tilespmem:s5+$0x380] =	vst v3;
	v3 =	vadd.f32 v25, v23  }
0x194: {  	v25 =	vadd.f32 v26, v23;
	[tilespmem:s5+$0x300] =	vst v24;
	v24 =	vmul.f32 v28, v2  }
0x195: {  	v1 =	vadd.f32 v1, v23;
	v26 =	vadd.f32 v27, v23;
	[tilespmem:s5+$0x500] =	vst v3  }
0x196: {  	[tilespmem:s5+$0x200] =	vst v25;
	v3 =	vadd.f32 v24, v23  }
0x197: {  	[tilespmem:s5+$0x400] =	vst v1  }
0x198: {  	[tilespmem:s5+$0x480] =	vst v3  }
0x199: {  	s29 =	sor.u32 $0x380, s4;
	s4 =	smov.u32 s24;
	[tilespmem:s5+$0x280] =	vst v26;
	s5 =	smov.u32 s3  }
0x19a: {  	v1 =	vld [tilespmem:s29+$0x200];
	_ =	sdelay $0x4  }
.Ltmp2:
0x19b: {  	v1 =	vsub.f32 v1, v16;
	(pc) =	sbr.rel @p0 .LBB2_7-.Ltmp2, $3  }
0x19c: {  	_ = 	snop  }
0x19d: {  	v1 =	vmul.f32 v1, v20;
	_ =	sdelay $0x1  }
0x19e: {  	v1 =	vmul.f32 v1, v2  }
0x19f: {  	_ = 	snop  }
0x1a0: {  	v1 =	vadd.f32 v1, v23;
	_ =	sdelay $0x1  }
0x1a1: {  	[tilespmem:s29+$0x200] =	vst v1  }
0x1a2: {  	v1 =	vld [tilespmem:s5+$0x400]  }
0x1a3: {  	v2 =	vld [tilespmem:s26+$0x0]  }
0x1a4: {  	v3 =	vld [tilespmem:s5+$0x380]  }
0x1a5: {  	v23 =	vld [tilespmem:s5+$0x300]  }
0x1a6: {  	v25 =	vld [tilespmem:s5+$0x200]  }
0x1a7: {  	v24 =	vld [tilespmem:s5+$0x500]  }
0x1a8: {  	v26 =	vld [tilespmem:s5+$0x280]  }
0x1a9: {  	v3 =	vsub.f32 v3, v15;
	v15 =	vld [tilespmem:s5+$0x480]  }
0x1aa: {  	v1 =	vsub.f32 v1, v14;
	v14 =	vld [tilespmem:s19+$0x0];
	v11 =	vsub.f32 v23, v11  }
0x1ab: {  	v9 =	vsub.f32 v25, v9;
	v3 =	vmul.f32 v3, v18  }
0x1ac: {  	v13 =	vsub.f32 v24, v13;
	v1 =	vmul.f32 v1, v19;
	v11 =	vmul.f32 v11, v12  }
0x1ad: {  	v9 =	vmul.f32 v9, v10;
	v3 =	vmul.f32 v3, v2  }
0x1ae: {  	v7 =	vsub.f32 v26, v7;
	v12 =	vmul.f32 v13, v17;
	v10 =	vmul.f32 v11, v2  }
0x1af: {  	v9 =	vmul.f32 v9, v2;
	v8 =	vsub.f32 v15, v8;
	v3 =	vadd.f32 v3, v14  }
0x1b0: {  	v7 =	vmul.f32 v7, v22;
	v1 =	vmul.f32 v1, v2;
	v10 =	vadd.f32 v10, v14  }
0x1b1: {  	v11 =	vmul.f32 v12, v2;
	v9 =	vadd.f32 v9, v14;
	v8 =	vmul.f32 v8, v21;
	[tilespmem:s5+$0x380] =	vst v3  }
0x1b2: {  	v7 =	vmul.f32 v7, v2;
	v1 =	vadd.f32 v1, v14;
	[tilespmem:s5+$0x300] =	vst v10  }
0x1b3: {  	v3 =	vadd.f32 v11, v14;
	[tilespmem:s5+$0x200] =	vst v9;
	v8 =	vmul.f32 v8, v2  }
0x1b4: {  	v7 =	vadd.f32 v7, v14;
	[tilespmem:s5+$0x400] =	vst v1  }
0x1b5: {  	[tilespmem:s5+$0x500] =	vst v3;
	v3 =	vadd.f32 v8, v14  }
0x1b6: {  	[tilespmem:s5+$0x280] =	vst v7  }
0x1b7: {  	s3 =	sor.u32 $0x380, s4;
	[tilespmem:s5+$0x480] =	vst v3  }
0x1b8: {  	v1 =	vld [tilespmem:s3+$0x200];
	_ =	sdelay $0x4  }
0x1b9: {  	v1 =	vsub.f32 v1, v16;
	_ =	sdelay $0x1  }
0x1ba: {  	v1 =	vmul.f32 v1, v20;
	_ =	sdelay $0x1  }
0x1bb: {  	v1 =	vmul.f32 v1, v2;
	_ =	sdelay $0x1  }
0x1bc: {  	v1 =	vadd.f32 v1, v14;
	_ =	sdelay $0x1  }
0x1bd: {  	[tilespmem:s3+$0x200] =	vst v1;
	v1 =	vimm.s32 $0x18  }
0x1be: {  	s22 =	sor.u32 s9, s18  }
0x1bf: {  	s4 =	sshll.u32 s22, $0x7  }
0x1c0: {  	s24 =	simm.s32 $0x200;
	s23 =	sadd.s32 s2, s4;
	s19 =	simm.s32 $0x0  }
0x1c1: {  	[hbm4b:s23+s19] =	stream.linear.scatter [tilespmem:s24], [sflag:$0x5], $0x2000, $0x38;
	[tilespmem:$0x11480] =	vst v63  }
0x1c2: {  	v7 =	vld.idx.msk [tilespmem:v1+s0+$0x0], $0xffff;
	v1 =	vimm.s32 $0x19;
	_ =	sdelay $0x4  }
0x1c3: {  	v11 =	vld.idx.msk [tilespmem:v1+s0+$0x0], $0xffff;
	v1 =	vimm.s32 $0x1A;
	_ =	sdelay $0x4  }
0x1c4: {  	v12 =	vld.idx.msk [tilespmem:v1+s0+$0x0], $0xffff;
	v1 =	vimm.s32 $0x1B;
	_ =	sdelay $0x4  }
0x1c5: {  	v13 =	vld.idx.msk [tilespmem:v1+s0+$0x0], $0xffff;
	v1 =	vimm.s32 $0x1C;
	_ =	sdelay $0x4  }
0x1c6: {  	v14 =	vld.idx.msk [tilespmem:v1+s0+$0x0], $0xffff;
	v1 =	vimm.s32 $0x1D;
	_ =	sdelay $0x4  }
0x1c7: {  	v15 =	vld.idx.msk [tilespmem:v1+s0+$0x0], $0xffff;
	v1 =	vimm.s32 $0x1E;
	_ =	sdelay $0x4  }
0x1c8: {  	v9 =	vld.idx.msk [tilespmem:v1+s0+$0x0], $0xffff;
	v1 =	vimm.s32 $0x1F;
	_ =	sdelay $0x4  }
0x1c9: {  	v16 =	vld.idx.msk [tilespmem:v1+s0+$0x0], $0xffff;
	v1 =	vimm.s32 $0x28;
	_ =	sdelay $0x4  }
0x1ca: {  	v10 =	vld.idx.msk [tilespmem:v1+s0+$0x0], $0xffff;
	v1 =	vimm.s32 $0x29;
	_ =	sdelay $0x4  }
0x1cb: {  	v8 =	vld.idx.msk [tilespmem:v1+s0+$0x0], $0xffff;
	v1 =	vimm.s32 $0x2A;
	_ =	sdelay $0x4  }
0x1cc: {  	v18 =	vld.idx.msk [tilespmem:v1+s0+$0x0], $0xffff;
	v1 =	vimm.s32 $0x2B;
	_ =	sdelay $0x4  }
0x1cd: {  	v19 =	vld.idx.msk [tilespmem:v1+s0+$0x0], $0xffff;
	v1 =	vimm.s32 $0x2C;
	_ =	sdelay $0x3  }
0x1ce: {  	s26 =	sand.u32 $0x70, s19;
	s29 =	sand.u32 $0x1C00, s19  }
0x1cf: {  	s5 =	sor.u32 s26, s29;
	v20 =	vld.idx.msk [tilespmem:v1+s0+$0x0], $0xffff;
	v1 =	vimm.s32 $0x2F  }
0x1d0: {  	v2 =	vld [tilespmem:s5+$0x2480]  }
0x1d1: {  	v17 =	vimm.s32 $0x2D;
	v3 =	vld [tilespmem:s5+$0x2300]  }
0x1d2: {  	v23 =	vld [tilespmem:s5+$0x2380]  }
0x1d3: {  	v25 =	vld [tilespmem:s5+$0x2400]  }
0x1d4: {  	v21 =	vld.idx.msk [tilespmem:v1+s0+$0x0], $0xffff  }
0x1d5: {  	v1 =	vld [tilespmem:s5+$0x2580]  }
0x1d6: {  	v22 =	vld.idx.msk [tilespmem:v17+s0+$0x0], $0xffff  }
0x1d7: {  	s20 =	simm.s32 $0x10A00;
	v27 =	vld [tilespmem:s5+$0x2280]  }
0x1d8: {  	s22 =	simm.s32 $0x10E00;
	v17 =	vimm.s32 $0x2E;
	v24 =	vld [tilespmem:s20+$0x0];
	v29 =	vsub.f32 v23, v13  }
0x1d9: {  	v23 =	vld [tilespmem:s22+$0x0];
	v30 =	vsub.f32 v2, v15;
	v2 =	vsub.f32 v25, v14  }
0x1da: {  	v3 =	vsub.f32 v3, v12;
	v26 =	vsub.f32 v1, v16;
	v1 =	vld [tilespmem:s5+$0x2200]  }
0x1db: {  	v25 =	vld [tilespmem:s5+$0x2500];
	v2 =	vmul.f32 v2, v20  }
0x1dc: {  	v28 =	vmul.f32 v26, v21;
	v26 =	vmul.f32 v3, v18  }
0x1dd: {  	s25 =	smov.u32 s2;
	s23 =	simm.s32 $0x10;
	v17 =	vld.idx.msk [tilespmem:v17+s0+$0x0], $0xffff;
	v27 =	vsub.f32 v27, v11;
	v3 =	vmul.f32 v29, v19;
	v29 =	vmul.f32 v30, v22  }
.LBB2_9:
0x1de: {  	v28 =	vmul.f32 v28, v24;
	s19 =	sadd.s32 $0x80, s19;
	s20 =	sadd.s32 $0x10, s20;
	s22 =	sadd.s32 $0x10, s22  }
0x1df: {  	p0 =	sne.s32 s23, $0x3F0;
	v1 =	vsub.f32 v1, v7;
	s3 =	smov.u32 s23;
	s23 =	sadd.s32 $0x10, s23;
	v27 =	vmul.f32 v27, v8;
	v29 =	vmul.f32 v29, v24  }
0x1e0: {  	v26 =	vmul.f32 v26, v24;
	s3 =	sand.u32 $0x70, s3;
	s24 =	sand.u32 $0x1C00, s19;
	v25 =	vsub.f32 v25, v9;
	v28 =	vadd.f32 v28, v23  }
0x1e1: {  	v3 =	vmul.f32 v3, v24;
	s3 =	sor.u32 s3, s24;
	v1 =	vmul.f32 v1, v10;
	v29 =	vadd.f32 v29, v23  }
0x1e2: {  	v2 =	vmul.f32 v2, v24;
	v26 =	vadd.f32 v26, v23;
	v25 =	vmul.f32 v25, v17;
	[tilespmem:s5+$0x2580] =	vst v28  }
0x1e3: {  	v3 =	vadd.f32 v3, v23;
	v27 =	vmul.f32 v27, v24;
	v1 =	vmul.f32 v1, v24;
	v28 =	vld [tilespmem:s3+$0x2580];
	[tilespmem:s5+$0x2480] =	vst v29  }
0x1e4: {  	v2 =	vadd.f32 v2, v23;
	v29 =	vld [tilespmem:s3+$0x2480];
	[tilespmem:s5+$0x2300] =	vst v26;
	v24 =	vmul.f32 v25, v24  }
0x1e5: {  	v1 =	vadd.f32 v1, v23;
	v26 =	vadd.f32 v27, v23;
	v25 =	vld [tilespmem:s3+$0x2300];
	[tilespmem:s5+$0x2380] =	vst v3  }
0x1e6: {  	v3 =	vld [tilespmem:s3+$0x2380];
	[tilespmem:s5+$0x2400] =	vst v2;
	v2 =	vadd.f32 v24, v23  }
0x1e7: {  	v27 =	vld [tilespmem:s3+$0x2400];
	[tilespmem:s5+$0x2200] =	vst v1  }
0x1e8: {  	v1 =	vld [tilespmem:s3+$0x2200];
	[tilespmem:s5+$0x2280] =	vst v26  }
0x1e9: {  	v30 =	vld [tilespmem:s3+$0x2280];
	v29 =	vsub.f32 v29, v15;
	[tilespmem:s5+$0x2500] =	vst v2;
	s5 =	smov.u32 s3  }
.Ltmp3:
0x1ea: {  	v2 =	vsub.f32 v28, v16;
	v24 =	vld [tilespmem:s20+$0x0];
	(pc) =	sbr.rel @p0 .LBB2_9-.Ltmp3, $4  }
0x1eb: {  	v26 =	vsub.f32 v25, v12;
	v23 =	vld [tilespmem:s22+$0x0];
	v3 =	vsub.f32 v3, v13  }
0x1ec: {  	v28 =	vmul.f32 v2, v21;
	v31 =	vsub.f32 v27, v14;
	v25 =	vld [tilespmem:s5+$0x2500]  }
0x1ed: {  	v26 =	vmul.f32 v26, v18;
	v3 =	vmul.f32 v3, v19  }
0x1ee: {  	v29 =	vmul.f32 v29, v22;
	v27 =	vsub.f32 v30, v11;
	v2 =	vmul.f32 v31, v20  }
0x1ef: {  	v11 =	vmul.f32 v28, v24  }
0x1f0: {  	v1 =	vsub.f32 v1, v7;
	v12 =	vmul.f32 v26, v24  }
0x1f1: {  	v3 =	vmul.f32 v3, v24;
	v7 =	vmul.f32 v29, v24;
	v11 =	vadd.f32 v11, v23  }
0x1f2: {  	v9 =	vsub.f32 v25, v9;
	v1 =	vmul.f32 v1, v10;
	v10 =	vadd.f32 v12, v23  }
0x1f3: {  	v8 =	vmul.f32 v27, v8;
	v2 =	vmul.f32 v2, v24;
	v7 =	vadd.f32 v7, v23;
	[tilespmem:s5+$0x2580] =	vst v11  }
0x1f4: {  	v3 =	vadd.f32 v3, v23;
	v9 =	vmul.f32 v9, v17;
	v1 =	vmul.f32 v1, v24;
	[tilespmem:s5+$0x2300] =	vst v10  }
0x1f5: {  	v2 =	vadd.f32 v2, v23;
	[tilespmem:s5+$0x2480] =	vst v7;
	v7 =	vmul.f32 v8, v24  }
0x1f6: {  	[tilespmem:s5+$0x2380] =	vst v3;
	v8 =	vmul.f32 v9, v24;
	v1 =	vadd.f32 v1, v23  }
0x1f7: {  	[tilespmem:s5+$0x2400] =	vst v2;
	v3 =	vadd.f32 v7, v23  }
0x1f8: {  	v2 =	vadd.f32 v8, v23;
	[tilespmem:s5+$0x2200] =	vst v1  }
0x1f9: {  	[tilespmem:s5+$0x2280] =	vst v3  }
0x1fa: {  	s3 =	sadd.s32 s4, s17;
	s2 =	simm.s32 $0x2200;
	p0 =	seq.s32 s16, $0x7;
	[tilespmem:s5+$0x2500] =	vst v2  }
0x1fb: {  	[hbm4b:s3+s8] =	stream.linear.scatter [tilespmem:s2], [sflag:$0x5], $0x2000, $0x38;
	[tilespmem:$0x11480] =	vst v63  }
0x1fc: {  	s3 =	simm.s32 @!p0 $0x5  }
0x1fd: {  	_ =	swait.ge @!p0 [sflag:s3], $0x4000  }
0x1fe: {  	[sflag:s3] =	ssyncset.done @!p0 $0x0  }
0x1ff: {  	[sflag:s3] =	ssyncadd.s32 @!p0 $0xFFFFC000  }
0x200: {  	v1 =	vld @!p0 [tilespmem:s18+$0x20];
	_ =	sdelay $0x4  }
0x201: {  	v2 =	vshll.u32 @!p0 v1, $0x3  }
0x202: {  	v3 =	vlaneseq.u32 @!p0;
	v1 =	vand.u32 @!p0 $0x7, v1;
	v2 =	vand.u32 @!p0 $0xFFFFFFC0, v2  }
0x203: {  	v7 =	vshrl.u32 @!p0 v3, $0x3;
	v1 =	vor.u32 @!p0 v1, v2;
	v2 =	vand.u32 @!p0 $0x7, v3  }
0x204: {  	v7 =	vmul.u32 @!p0 $0x8, v7;
	v2 =	vperm.xlane @!p0 v1, v2;
	_ =	sdelay $0x1  }
0x205: {  	v2 =	vadd.s32 @!p0 v7, v2;
	_ =	sdelay $0x3  }
0x206: {  	vm1 =	vmmov @!p0 $0xffff;
	s4 =	simm.s32 @!p0 $0x200;
	s3 =	simm.s32 @!p0 $0x0  }
0x207: {  	v3 =	vor.u32 @!p0 $0x8, v3;
	[tilespmem:s4], [sflag:$0x1] =	stream.indirect_vreg.gather @!p0 [hbm4b:s1+s3], $0x80, v2, vm1, $0xb8;
	[tilespmem:$0x11480] =	vst v63  }
0x208: {  	v1 =	vperm.xlane @!p0 v1, v3;
	s4 =	simm.s32 @!p0 $0xA00  }
0x209: {  	[tilespmem:s4], [sflag:$0x1] =	stream.indirect_vreg.gather @!p0 [hbm4b:s13+s3], $0x80, v2, vm1, $0xb8;
	[tilespmem:$0x11480] =	vst v63  }
0x20a: {  	v1 =	vadd.s32 @!p0 v7, v1;
	s4 =	simm.s32 @!p0 $0x1200  }
0x20b: {  	[tilespmem:s4], [sflag:$0x1] =	stream.indirect_vreg.gather @!p0 [hbm4b:s14+s3], $0x80, v2, vm1, $0xb8;
	[tilespmem:$0x11480] =	vst v63  }
0x20c: {  	s4 =	simm.s32 @!p0 $0x1A00  }
0x20d: {  	[tilespmem:s4], [sflag:$0x1] =	stream.indirect_vreg.gather @!p0 [hbm4b:s15+s3], $0x80, v2, vm1, $0xb8;
	[tilespmem:$0x11480] =	vst v63  }
0x20e: {  	s4 =	simm.s32 @!p0 $0x2200  }
0x20f: {  	[tilespmem:s4], [sflag:$0x1] =	stream.indirect_vreg.gather @!p0 [hbm4b:s1+s3], $0x80, v1, vm1, $0xb8;
	[tilespmem:$0x11480] =	vst v63  }
0x210: {  	s4 =	simm.s32 @!p0 $0x2A00  }
0x211: {  	[tilespmem:s4], [sflag:$0x1] =	stream.indirect_vreg.gather @!p0 [hbm4b:s13+s3], $0x80, v1, vm1, $0xb8;
	[tilespmem:$0x11480] =	vst v63  }
0x212: {  	s4 =	simm.s32 @!p0 $0x3200  }
0x213: {  	[tilespmem:s4], [sflag:$0x1] =	stream.indirect_vreg.gather @!p0 [hbm4b:s14+s3], $0x80, v1, vm1, $0xb8;
	[tilespmem:$0x11480] =	vst v63  }
0x214: {  	s4 =	sadd.s32 @!p0 $0x20, s18  }
0x215: {  	s5 =	simm.s32 @!p0 $0x3A00;
	s4 =	sadd.s32 @!p0 s10, s4  }
0x216: {  	[tilespmem:s5], [sflag:$0x1] =	stream.indirect_vreg.gather @!p0 [hbm4b:s15+s3], $0x80, v1, vm1, $0xb8;
	[tilespmem:$0x11480] =	vst v63  }
0x217: {  	s29 =	sor.u32 $0x110, s18;
	s19 =	sor.u32 $0x115, s18;
	s4 =	sshll.u32 @!p0 s4, $0x7  }
0x218: {  	s2 =	sor.u32 $0x111, s18;
	s5 =	simm.s32 @!p0 $0x8200;
	v1 =	vmov s29;
	s4 =	sadd.s32 @!p0 s7, s4  }
0x219: {  	v2 =	vmov s2;
	v1 =	vand.u32 $0xFFFFFFF0, v1;
	[tilespmem:s5], [sflag:$0x3] =	stream.linear.gather @!p0 [hbm4b:s4+s3], $0x4000, $0x38;
	[tilespmem:$0x11480] =	vst v63  }
0x21a: {  	v9 =	vmov s19;
	v2 =	vand.u32 $0xFFFFFFF1, v2;
	v1 =	vbroadcast v1, $0x0;
	_ =	swait.ge [sflag:s6], $0x4000  }
0x21b: {  	s23 =	smov.u32 s7;
	v9 =	vand.u32 $0xFFFFFFF5, v9;
	v2 =	vbroadcast v2, $0x0;
	s7 =	sor.u32 $0x114, s18;
	[sflag:s6] =	ssyncset.done $0x0  }
0x21c: {  	s19 =	sor.u32 $0x11F, s18;
	v9 =	vbroadcast v9, $0x0;
	s4 =	sor.u32 $0x112, s18;
	v8 =	vmov s7;
	[sflag:s6] =	ssyncadd.s32 $0xFFFFC000  }
0x21d: {  	v14 =	vmov s19;
	s5 =	sor.u32 $0x113, s18;
	v3 =	vmov s4;
	v8 =	vand.u32 $0xFFFFFFF4, v8;
	_ =	swait.ge [sflag:s11], $0x4000  }
0x21e: {  	s20 =	sor.u32 $0x116, s18;
	v7 =	vmov s5;
	v3 =	vand.u32 $0xFFFFFFF2, v3;
	v8 =	vbroadcast v8, $0x0;
	[sflag:s11] =	ssyncset.done $0x0  }
0x21f: {  	v10 =	vmov s20;
	s20 =	simm.s32 $0x0;
	v7 =	vand.u32 $0xFFFFFFF3, v7;
	v3 =	vbroadcast v3, $0x0;
	[sflag:s11] =	ssyncadd.s32 $0xFFFFC000  }
0x220: {  	v7 =	vbroadcast v7, $0x0;
	v15 =	vld.idx.msk [tilespmem:v1+s20+$0x0], $0xffff  }
0x221: {  	v16 =	vld.idx.msk [tilespmem:v2+s20+$0x0], $0xffff  }
0x222: {  	v21 =	vld.idx.msk [tilespmem:v9+s20+$0x0], $0xffff  }
0x223: {  	s22 =	sor.u32 $0x117, s18;
	s24 =	sor.u32 $0x118, s18;
	v14 =	vld.idx.msk [tilespmem:v14+s20+$0x0], $0xffff  }
0x224: {  	s26 =	sor.u32 $0x119, s18;
	v11 =	vmov s22;
	v10 =	vand.u32 $0xFFFFFFF6, v10;
	s22 =	sand.u32 $0x7FFFFC00, s20;
	s2 =	sor.u32 $0x11B, s18;
	v20 =	vld.idx.msk [tilespmem:v8+s20+$0x0], $0xffff  }
0x225: {  	s29 =	sor.u32 $0x11A, s18;
	s7 =	sor.u32 $0x11E, s18;
	v1 =	vbroadcast v10, $0x0;
	v10 =	vand.u32 $0xFFFFFFF7, v11;
	v11 =	vmov s24;
	s24 =	sand.u32 $0x70, s20;
	v17 =	vld.idx.msk [tilespmem:v3+s20+$0x0], $0xffff  }
0x226: {  	s4 =	sor.u32 $0x11C, s18;
	s5 =	sor.u32 $0x11D, s18;
	s18 =	sor.u32 s24, s22;
	v18 =	vld.idx.msk [tilespmem:v7+s20+$0x0], $0xffff  }
0x227: {  	v34 =	vld [tilespmem:s18+$0x4500]  }
0x228: {  	v35 =	vld [tilespmem:s18+$0xC480]  }
0x229: {  	v32 =	vld [tilespmem:s18+$0xC400]  }
0x22a: {  	v2 =	vbroadcast v10, $0x0;
	v10 =	vand.u32 $0xFFFFFFF8, v11;
	v11 =	vmov s26;
	v40 =	vld [tilespmem:s18+$0xC200]  }
0x22b: {  	v3 =	vbroadcast v10, $0x0;
	v10 =	vand.u32 $0xFFFFFFF9, v11;
	v11 =	vmov s29;
	v37 =	vld [tilespmem:s18+$0xC280]  }
0x22c: {  	v8 =	vmov s4;
	v38 =	vld [tilespmem:s18+$0x4280];
	v7 =	vand.u32 $0xFFFFFFFA, v11;
	v11 =	vmov s2  }
0x22d: {  	s26 =	sshrl.u32 s22, $0x2;
	v39 =	vld [tilespmem:s18+$0xC380];
	v10 =	vbroadcast v10, $0x0;
	v12 =	vbroadcast v7, $0x0;
	v7 =	vand.u32 $0xFFFFFFFB, v11  }
0x22e: {  	v11 =	vbroadcast v7, $0x0;
	v7 =	vand.u32 $0xFFFFFFFC, v8;
	v8 =	vmov s5;
	s5 =	sor.u32 s24, s26;
	v22 =	vld.idx.msk [tilespmem:v1+s20+$0x0], $0xffff  }
0x22f: {  	v33 =	vld [tilespmem:s5+$0x10200]  }
0x230: {  	v1 =	vbroadcast v7, $0x0;
	v7 =	vand.u32 $0xFFFFFFFD, v8;
	s29 =	sadd.s32 $0x10200, s5;
	v23 =	vld.idx.msk [tilespmem:v2+s20+$0x0], $0xffff  }
0x231: {  	v8 =	vmov s7;
	v2 =	vbroadcast v7, $0x0;
	v31 =	vld [tilespmem:s29+$0x80]  }
0x232: {  	v8 =	vand.u32 $0xFFFFFFFE, v8;
	v7 =	vld.idx.msk [tilespmem:v3+s20+$0x0], $0xffff  }
0x233: {  	v3 =	vbroadcast v8, $0x0;
	v8 =	vld.idx.msk [tilespmem:v10+s20+$0x0], $0xffff  }
0x234: {  	v9 =	vld.idx.msk [tilespmem:v12+s20+$0x0], $0xffff  }
0x235: {  	v19 =	vimm.f32 $0.0e+00;
	v26 =	vimm.f32 $0.0e+00;
	v28 =	vimm.f32 $0.0e+00;
	v10 =	vld.idx.msk [tilespmem:v11+s20+$0x0], $0xffff  }
0x236: {  	v30 =	vimm.f32 $0.0e+00;
	v27 =	vimm.f32 $0.0e+00;
	v29 =	vimm.f32 $0.0e+00;
	v11 =	vld.idx.msk [tilespmem:v1+s20+$0x0], $0xffff  }
0x237: {  	v25 =	vimm.f32 $0.0e+00;
	v24 =	vimm.f32 $0.0e+00;
	vm3 =	veq.s32 v21, $0x0;
	v12 =	vld.idx.msk [tilespmem:v2+s20+$0x0], $0xffff  }
0x238: {  	vm6 =	veq.s32 v16, $0x0;
	vm8 =	veq.s32 v15, $0x0;
	v16 =	vimm.f32 $0.0e+00;
	v2 =	vld [tilespmem:s18+$0x4200]  }
0x239: {  	v15 =	vimm.f32 $0.0e+00;
	v21 =	vimm.f32 $0.0e+00;
	vm2 =	veq.s32 v20, $0x0;
	v13 =	vld.idx.msk [tilespmem:v3+s20+$0x0], $0xffff  }
0x23a: {  	v20 =	vimm.f32 $0.0e+00;
	vm5 =	veq.s32 v18, $0x0;
	vm4 =	veq.s32 v17, $0x0;
	v3 =	vld [tilespmem:s18+$0x4480]  }
0x23b: {  	v17 =	vimm.f32 $0.0e+00;
	v18 =	vimm.f32 $0.0e+00;
	vm7 =	veq.s32 v22, $0x0;
	v1 =	vld [tilespmem:s18+$0xC500]  }
0x23c: {  	s16 =	sadd.s32 $0x1, s16;
	s4 =	sor.u32 s20, s20;
	v41 =	vld [tilespmem:s18+$0x4380];
	s5 =	simm.s32 $0x80;
	v22 =	vimm.f32 $0.0e+00;
	vm1 =	veq.s32 v23, $0x0;
	v23 =	vimm.f32 $0.0e+00  }
.LBB2_11:
0x23d: {  	p0 =	sne.s32 s5, $0x1F80  }
0x23e: {  	v2 =	vadd.f32 v40, v2;
	v40 =	vld [tilespmem:s18+$0x4400];
	s20 =	sadd.s32 $0x10, s20;
	s19 =	smov.u32 s5;
	s5 =	sadd.s32 $0x80, s5  }
0x23f: {  	v3 =	vadd.f32 v35, v3;
	s3 =	sor.u32 s19, s20;
	v37 =	vadd.f32 v37, v38;
	v38 =	vld [tilespmem:s18+$0xC300]  }
0x240: {  	v1 =	vadd.f32 v1, v34;
	v35 =	vld [tilespmem:s18+$0x4300];
	v42 =	vsel vm4, v33, v31;
	v34 =	vsel vm7, v33, v31  }
0x241: {  	v43 =	vsel vm8, v33, v31;
	v44 =	vsel vm6, v33, v31;
	v45 =	vsel vm5, v33, v31  }
0x242: {  	v1 =	vadd.f32 v1, v34;
	v39 =	vadd.f32 v39, v41;
	v41 =	vsel vm2, v33, v31  }
0x243: {  	v2 =	vadd.f32 v2, v43;
	v34 =	vadd.f32 v37, v44;
	v37 =	vsel vm3, v33, v31  }
0x244: {  	v3 =	vadd.f32 v3, v37;
	v37 =	vmul.f32 v1, v1;
	v39 =	vadd.f32 v39, v45;
	[tilespmem:s18+$0x4500] =	vst v1  }
0x245: {  	v31 =	vsel vm1, v33, v31;
	v32 =	vadd.f32 v32, v40;
	[tilespmem:s18+$0x4200] =	vst v2;
	v35 =	vadd.f32 v38, v35  }
0x246: {  	v19 =	vadd.f32 v34, v19;
	v17 =	vadd.f32 v3, v17;
	v33 =	vmul.f32 v3, v3;
	[tilespmem:s18+$0x4380] =	vst v39  }
0x247: {  	v32 =	vadd.f32 v32, v41;
	v38 =	vmul.f32 v39, v39;
	[tilespmem:s18+$0x4280] =	vst v34;
	v35 =	vadd.f32 v35, v42  }
0x248: {  	v40 =	vmul.f32 v2, v2;
	v15 =	vadd.f32 v37, v15;
	v16 =	vadd.f32 v33, v16;
	[tilespmem:s18+$0x4480] =	vst v3  }
0x249: {  	v21 =	vadd.f32 v32, v21;
	[tilespmem:s18+$0x4300] =	vst v35;
	v26 =	vadd.f32 v35, v26;
	v3 =	vmul.f32 v35, v35  }
0x24a: {  	s22 =	sor.u32 $0x4380, s4;
	s4 =	smov.u32 s3;
	v18 =	vadd.f32 v1, v18;
	v24 =	vadd.f32 v39, v24;
	[tilespmem:s18+$0x4400] =	vst v32;
	v32 =	vmul.f32 v32, v32  }
0x24b: {  	v1 =	vmul.f32 v34, v34;
	v25 =	vadd.f32 v38, v25;
	v27 =	vadd.f32 v3, v27;
	v3 =	vld [tilespmem:s22+$0x200]  }
0x24c: {  	s3 =	sand.u32 $0x7FFFFC00, s19;
	v28 =	vadd.f32 v40, v28;
	v23 =	vadd.f32 v32, v23;
	v32 =	vld [tilespmem:s22+$0x8200]  }
0x24d: {  	s19 =	sshrl.u32 s3, $0x2;
	v30 =	vadd.f32 v2, v30;
	v29 =	vadd.f32 v1, v29;
	s18 =	sand.u32 $0x70, s20  }
0x24e: {  	s19 =	sor.u32 s18, s19;
	s18 =	sor.u32 s18, s3  }
0x24f: {  	s3 =	sadd.s32 $0x10200, s19;
	_ =	sdelay $0x1  }
0x250: {  	v1 =	vadd.f32 v32, v3;
	_ =	sdelay $0x1  }
0x251: {  	v1 =	vadd.f32 v1, v31;
	_ =	sdelay $0x1  }
0x252: {  	[tilespmem:s22+$0x200] =	vst v1;
	v22 =	vadd.f32 v1, v22;
	v1 =	vmul.f32 v1, v1;
	_ =	sdelay $0x1  }
0x253: {  	v34 =	vld [tilespmem:s18+$0x4500];
	v20 =	vadd.f32 v1, v20  }
0x254: {  	v31 =	vld [tilespmem:s3+$0x80]  }
0x255: {  	v1 =	vld [tilespmem:s18+$0xC500]  }
0x256: {  	v35 =	vld [tilespmem:s18+$0xC480]  }
0x257: {  	v2 =	vld [tilespmem:s18+$0x4200]  }
0x258: {  	v3 =	vld [tilespmem:s18+$0x4480]  }
0x259: {  	v32 =	vld [tilespmem:s18+$0xC400]  }
0x25a: {  	v40 =	vld [tilespmem:s18+$0xC200]  }
.Ltmp4:
0x25b: {  	v37 =	vld [tilespmem:s18+$0xC280];
	(pc) =	sbr.rel @p0 .LBB2_11-.Ltmp4, $4  }
0x25c: {  	v38 =	vld [tilespmem:s18+$0x4280]  }
0x25d: {  	v33 =	vld [tilespmem:s19+$0x10200]  }
0x25e: {  	v39 =	vld [tilespmem:s18+$0xC380]  }
0x25f: {  	v41 =	vld [tilespmem:s18+$0x4380]  }
0x260: {  	v42 =	vld [tilespmem:s18+$0xC300]  }
0x261: {  	v1 =	vadd.f32 v1, v34;
	v34 =	vld [tilespmem:s18+$0x4300]  }
0x262: {  	v2 =	vadd.f32 v40, v2;
	v40 =	vld [tilespmem:s18+$0x4400];
	v43 =	vsel vm7, v33, v31  }
0x263: {  	v37 =	vadd.f32 v37, v38;
	v44 =	vsel vm8, v33, v31;
	v1 =	vadd.f32 v1, v43  }
0x264: {  	v3 =	vadd.f32 v35, v3;
	v2 =	vadd.f32 v2, v44;
	v43 =	vsel vm6, v33, v31  }
0x265: {  	v44 =	vsel vm3, v33, v31;
	v39 =	vadd.f32 v39, v41;
	v35 =	vadd.f32 v37, v43;
	[tilespmem:s18+$0x4500] =	vst v1  }
0x266: {  	v45 =	vsel vm5, v33, v31;
	v3 =	vadd.f32 v3, v44;
	[tilespmem:s18+$0x4200] =	vst v2;
	v34 =	vadd.f32 v42, v34  }
0x267: {  	v32 =	vadd.f32 v32, v40;
	v38 =	vadd.f32 v39, v45;
	v45 =	vsel vm4, v33, v31;
	[tilespmem:s18+$0x4280] =	vst v35  }
0x268: {  	v42 =	vsel vm2, v33, v31;
	[tilespmem:s18+$0x4480] =	vst v3;
	v34 =	vadd.f32 v34, v45  }
0x269: {  	v32 =	vadd.f32 v32, v42;
	[tilespmem:s18+$0x4380] =	vst v38  }
0x26a: {  	[tilespmem:s18+$0x4300] =	vst v34  }
0x26b: {  	s3 =	sor.u32 $0x4380, s4;
	[tilespmem:s18+$0x4400] =	vst v32  }
0x26c: {  	v43 =	vld [tilespmem:s3+$0x200]  }
0x26d: {  	v44 =	vld [tilespmem:s3+$0x8200];
	_ =	sdelay $0x4  }
0x26e: {  	v37 =	vadd.f32 v44, v43  }
0x26f: {  	v31 =	vsel vm1, v33, v31  }
0x270: {  	v45 =	vmul.f32 v2, v2;
	v31 =	vadd.f32 v37, v31  }
0x271: {  	v2 =	vadd.f32 v2, v30  }
0x272: {  	v30 =	vmul.f32 v35, v35;
	v28 =	vadd.f32 v45, v28;
	[tilespmem:s3+$0x200] =	vst v31  }
0x273: {  	v19 =	vadd.f32 v35, v19;
	[tilespmem:$0x11200] =	vst v2  }
0x274: {  	v29 =	vadd.f32 v30, v29;
	[tilespmem:$0x11300] =	vst v28  }
0x275: {  	v26 =	vadd.f32 v34, v26;
	v2 =	vmul.f32 v34, v34;
	[tilespmem:$0x11210] =	vst v19  }
0x276: {  	v24 =	vadd.f32 v38, v24;
	v19 =	vmul.f32 v38, v38;
	[tilespmem:$0x11310] =	vst v29  }
0x277: {  	[tilespmem:$0x11220] =	vst v26;
	v26 =	vmul.f32 v32, v32;
	v2 =	vadd.f32 v2, v27  }
0x278: {  	[tilespmem:$0x11230] =	vst v24;
	v19 =	vadd.f32 v19, v25  }
0x279: {  	v23 =	vadd.f32 v26, v23;
	[tilespmem:$0x11320] =	vst v2  }
0x27a: {  	v2 =	vadd.f32 v32, v21;
	v21 =	vmul.f32 v3, v3;
	[tilespmem:$0x11330] =	vst v19  }
0x27b: {  	v3 =	vadd.f32 v3, v17;
	[tilespmem:$0x11340] =	vst v23  }
0x27c: {  	[tilespmem:$0x11240] =	vst v2;
	v2 =	vmul.f32 v1, v1;
	v16 =	vadd.f32 v21, v16  }
0x27d: {  	v1 =	vadd.f32 v1, v18;
	[tilespmem:$0x11250] =	vst v3  }
0x27e: {  	v3 =	vmul.f32 v31, v31;
	v2 =	vadd.f32 v2, v15;
	[tilespmem:$0x11350] =	vst v16  }
0x27f: {  	v15 =	vadd.f32 v31, v22;
	[tilespmem:$0x11260] =	vst v1  }
0x280: {  	s4 =	simm.s32 $0x0;
	v1 =	vadd.f32 v3, v20;
	[tilespmem:$0x11360] =	vst v2  }
0x281: {  	s29 =	sand.u32 $0x7FFFFC00, s4;
	s5 =	sand.u32 $0x70, s4;
	[tilespmem:$0x11270] =	vst v15  }
0x282: {  	s18 =	sor.u32 s5, s29;
	[tilespmem:$0x11370] =	vst v1  }
0x283: {  	v2 =	vld [tilespmem:s18+$0xE400]  }
0x284: {  	v16 =	vld [tilespmem:s18+$0xE500]  }
0x285: {  	v17 =	vld [tilespmem:s18+$0x6500]  }
0x286: {  	vm7 =	veq.s32 v12, $0x0;
	s3 =	sshrl.u32 s29, $0x2;
	v18 =	vld [tilespmem:s18+$0x6400]  }
0x287: {  	vm5 =	veq.s32 v11, $0x0;
	v11 =	vimm.f32 $0.0e+00;
	v12 =	vimm.f32 $0.0e+00;
	s3 =	sor.u32 s5, s3;
	v1 =	vld [tilespmem:s18+$0xE480]  }
0x288: {  	vm3 =	veq.s32 v10, $0x0;
	vm6 =	veq.s32 v8, $0x0;
	v8 =	vimm.f32 $0.0e+00;
	v24 =	vld [tilespmem:s3+$0x10200]  }
0x289: {  	v10 =	vimm.f32 $0.0e+00;
	vm2 =	veq.s32 v9, $0x0;
	v9 =	vimm.f32 $0.0e+00;
	v3 =	vld [tilespmem:s18+$0xE380]  }
0x28a: {  	vm1 =	veq.s32 v14, $0x0;
	vm4 =	veq.s32 v13, $0x0;
	v13 =	vimm.f32 $0.0e+00;
	s3 =	sadd.s32 $0x10200, s3;
	v30 =	vld [tilespmem:s18+$0x6480]  }
0x28b: {  	v14 =	vimm.f32 $0.0e+00;
	v19 =	vimm.f32 $0.0e+00;
	v23 =	vimm.f32 $0.0e+00;
	v25 =	vld [tilespmem:s3+$0x80]  }
0x28c: {  	v21 =	vimm.f32 $0.0e+00;
	v20 =	vimm.f32 $0.0e+00;
	v26 =	vadd.f32 v2, v18;
	v2 =	vld [tilespmem:s18+$0x6380]  }
0x28d: {  	v22 =	vimm.f32 $0.0e+00;
	v15 =	vimm.f32 $0.0e+00;
	v28 =	vld [tilespmem:s18+$0x6280];
	v27 =	vadd.f32 v16, v17  }
0x28e: {  	s7 =	simm.s32 $0x4200;
	s20 =	sor.u32 s4, s4;
	s5 =	simm.s32 $0x80;
	v29 =	vld [tilespmem:s18+$0xE280];
	v18 =	vimm.f32 $0.0e+00;
	v16 =	vimm.f32 $0.0e+00;
	v17 =	vimm.f32 $0.0e+00  }
.LBB2_13:
0x28f: {  	p0 =	sne.s32 s5, $0x1F80  }
0x290: {  	vm8 =	veq.s32 v7, $0x0;
	v31 =	vld [tilespmem:s18+$0xE200];
	s4 =	sadd.s32 $0x10, s4;
	s19 =	smov.u32 s5;
	s5 =	sadd.s32 $0x80, s5  }
0x291: {  	v2 =	vadd.f32 v3, v2;
	s3 =	sor.u32 s19, s4;
	v32 =	vld [tilespmem:s18+$0x6200];
	v3 =	vsel vm5, v24, v25;
	v33 =	vsel vm4, v24, v25  }
0x292: {  	v34 =	vsel vm2, v24, v25;
	v1 =	vadd.f32 v1, v30;
	v27 =	vadd.f32 v27, v33  }
0x293: {  	v33 =	vsel vm3, v24, v25;
	v3 =	vadd.f32 v26, v3;
	v26 =	vsel vm7, v24, v25;
	v30 =	vld [tilespmem:s18+$0xE300]  }
0x294: {  	v35 =	vsel vm8, v24, v25;
	v37 =	vsel vm6, v24, v25;
	v38 =	vld [tilespmem:s18+$0x6300];
	v1 =	vadd.f32 v1, v26  }
0x295: {  	v2 =	vadd.f32 v2, v33;
	v26 =	vadd.f32 v29, v28;
	v28 =	vmul.f32 v27, v27  }
0x296: {  	v24 =	vsel vm1, v24, v25;
	v29 =	vadd.f32 v31, v32;
	[tilespmem:s18+$0x6480] =	vst v1;
	v31 =	vmul.f32 v1, v1  }
0x297: {  	v25 =	vadd.f32 v26, v37;
	v26 =	vmul.f32 v2, v2;
	v15 =	vadd.f32 v28, v15;
	[tilespmem:s18+$0x6500] =	vst v27  }
0x298: {  	v11 =	vadd.f32 v2, v11;
	v28 =	vadd.f32 v29, v35;
	[tilespmem:s18+$0x6400] =	vst v3;
	v29 =	vmul.f32 v3, v3  }
0x299: {  	v18 =	vadd.f32 v25, v18;
	[tilespmem:s18+$0x6280] =	vst v25;
	v25 =	vmul.f32 v25, v25;
	v30 =	vadd.f32 v30, v38  }
0x29a: {  	v12 =	vadd.f32 v26, v12;
	[tilespmem:s18+$0x6200] =	vst v28;
	v21 =	vadd.f32 v28, v21;
	v28 =	vmul.f32 v28, v28  }
0x29b: {  	v19 =	vadd.f32 v25, v19;
	v25 =	vadd.f32 v30, v34;
	[tilespmem:s18+$0x6380] =	vst v2  }
0x29c: {  	v8 =	vadd.f32 v31, v8;
	v23 =	vadd.f32 v28, v23  }
0x29d: {  	s22 =	sor.u32 $0x6380, s20;
	s20 =	smov.u32 s3;
	v16 =	vadd.f32 v3, v16;
	[tilespmem:s18+$0x6300] =	vst v25;
	v20 =	vadd.f32 v25, v20;
	v2 =	vmul.f32 v25, v25  }
0x29e: {  	v13 =	vadd.f32 v1, v13;
	v17 =	vadd.f32 v29, v17;
	v1 =	vld [tilespmem:s22+$0x200]  }
0x29f: {  	s3 =	sand.u32 $0x7FFFFC00, s19;
	v14 =	vadd.f32 v27, v14;
	v22 =	vadd.f32 v2, v22;
	v2 =	vld [tilespmem:s22+$0x8200]  }
0x2a0: {  	s19 =	sshrl.u32 s3, $0x2;
	s18 =	sand.u32 $0x70, s4  }
0x2a1: {  	s19 =	sor.u32 s18, s19;
	s18 =	sor.u32 s18, s3  }
0x2a2: {  	s3 =	sadd.s32 $0x10200, s19;
	_ =	sdelay $0x1  }
0x2a3: {  	v1 =	vadd.f32 v2, v1;
	_ =	sdelay $0x1  }
0x2a4: {  	v1 =	vadd.f32 v1, v24;
	_ =	sdelay $0x1  }
0x2a5: {  	[tilespmem:s22+$0x200] =	vst v1;
	v10 =	vadd.f32 v1, v10;
	v1 =	vmul.f32 v1, v1;
	_ =	sdelay $0x1  }
0x2a6: {  	v9 =	vadd.f32 v1, v9  }
0x2a7: {  	v26 =	vld [tilespmem:s18+$0xE400]  }
0x2a8: {  	v25 =	vld [tilespmem:s18+$0xE500]  }
0x2a9: {  	v27 =	vld [tilespmem:s18+$0x6500]  }
0x2aa: {  	v1 =	vld [tilespmem:s18+$0xE480]  }
0x2ab: {  	v28 =	vld [tilespmem:s18+$0x6400]  }
0x2ac: {  	v24 =	vld [tilespmem:s19+$0x10200]  }
0x2ad: {  	v3 =	vld [tilespmem:s18+$0xE380]  }
.Ltmp5:
0x2ae: {  	v2 =	vld [tilespmem:s18+$0x6380];
	v27 =	vadd.f32 v25, v27;
	(pc) =	sbr.rel @p0 .LBB2_13-.Ltmp5, $4  }
0x2af: {  	v25 =	vld [tilespmem:s3+$0x80]  }
0x2b0: {  	v26 =	vadd.f32 v26, v28;
	v30 =	vld [tilespmem:s18+$0x6480]  }
0x2b1: {  	v28 =	vld [tilespmem:s18+$0x6280]  }
0x2b2: {  	v29 =	vld [tilespmem:s18+$0xE280]  }
0x2b3: {  	v7 =	vld [tilespmem:s18+$0xE200]  }
0x2b4: {  	v31 =	vld [tilespmem:s18+$0x6200]  }
0x2b5: {  	v44 =	vld [tilespmem:s18+$0xE300]  }
0x2b6: {  	v33 =	vld [tilespmem:s18+$0x6300];
	v45 =	vsel vm4, v24, v25  }
0x2b7: {  	v2 =	vadd.f32 v3, v2;
	v37 =	vsel vm5, v24, v25;
	v27 =	vadd.f32 v27, v45  }
0x2b8: {  	v40 =	vsel vm3, v24, v25;
	v1 =	vadd.f32 v1, v30;
	v26 =	vadd.f32 v26, v37  }
0x2b9: {  	v32 =	vsel vm7, v24, v25;
	v2 =	vadd.f32 v2, v40;
	v28 =	vadd.f32 v29, v28;
	[tilespmem:s18+$0x6500] =	vst v27  }
0x2ba: {  	v38 =	vsel vm6, v24, v25;
	v1 =	vadd.f32 v1, v32;
	[tilespmem:s18+$0x6400] =	vst v26;
	v7 =	vadd.f32 v7, v31  }
0x2bb: {  	v39 =	vsel vm8, v24, v25;
	[tilespmem:s18+$0x6380] =	vst v2;
	v41 =	vadd.f32 v44, v33;
	v3 =	vadd.f32 v28, v38  }
0x2bc: {  	v42 =	vsel vm2, v24, v25;
	[tilespmem:s18+$0x6480] =	vst v1;
	v7 =	vadd.f32 v7, v39  }
0x2bd: {  	v43 =	vadd.f32 v41, v42;
	[tilespmem:s18+$0x6280] =	vst v3  }
0x2be: {  	[tilespmem:s18+$0x6200] =	vst v7  }
0x2bf: {  	s3 =	sor.u32 $0x6380, s20;
	[tilespmem:s18+$0x6300] =	vst v43  }
0x2c0: {  	v44 =	vld [tilespmem:s3+$0x200]  }
0x2c1: {  	v45 =	vld [tilespmem:s3+$0x8200];
	_ =	sdelay $0x4  }
0x2c2: {  	v29 =	vadd.f32 v45, v44  }
0x2c3: {  	v24 =	vsel vm1, v24, v25;
	v25 =	vmul.f32 v7, v7  }
0x2c4: {  	v24 =	vadd.f32 v29, v24  }
0x2c5: {  	v7 =	vadd.f32 v7, v21;
	v21 =	vadd.f32 v25, v23;
	v23 =	vmul.f32 v3, v3  }
0x2c6: {  	v3 =	vadd.f32 v3, v18;
	v18 =	vmul.f32 v43, v43;
	[tilespmem:s3+$0x200] =	vst v24  }
0x2c7: {  	[tilespmem:$0x11280] =	vst v7;
	v7 =	vadd.f32 v23, v19  }
0x2c8: {  	[tilespmem:$0x11290] =	vst v3;
	v3 =	vadd.f32 v18, v22  }
0x2c9: {  	[tilespmem:$0x11390] =	vst v7  }
0x2ca: {  	v7 =	vmul.f32 v2, v2;
	v2 =	vadd.f32 v2, v11;
	[tilespmem:$0x113A0] =	vst v3;
	v3 =	vmul.f32 v26, v26;
	_ =	sdelay $0x1  }
0x2cb: {  	[tilespmem:$0x112B0] =	vst v2;
	v2 =	vadd.f32 v3, v17  }
0x2cc: {  	v3 =	vmul.f32 v1, v1  }
0x2cd: {  	v1 =	vadd.f32 v1, v13;
	[tilespmem:$0x113C0] =	vst v2;
	v2 =	vmul.f32 v27, v27  }
0x2ce: {  	v3 =	vadd.f32 v3, v8  }
0x2cf: {  	v7 =	vadd.f32 v7, v12;
	[tilespmem:$0x112D0] =	vst v1;
	v1 =	vadd.f32 v2, v15;
	v2 =	vmul.f32 v24, v24  }
0x2d0: {  	[tilespmem:$0x113D0] =	vst v3;
	v3 =	vadd.f32 v24, v10  }
0x2d1: {  	[tilespmem:$0x113B0] =	vst v7;
	v2 =	vadd.f32 v2, v9  }
0x2d2: {  	[tilespmem:$0x112F0] =	vst v3;
	v3 =	vld [tilespmem:$0x1FF50]  }
0x2d3: {  	v7 =	vadd.f32 v27, v14;
	[tilespmem:$0x113F0] =	vst v2;
	v2 =	vld [tilespmem:$0x1FF40]  }
0x2d4: {  	[tilespmem:$0x11380] =	vst v21;
	v19 =	vadd.f32 v43, v20  }
0x2d5: {  	v11 =	vadd.f32 v26, v16;
	[tilespmem:$0x112E0] =	vst v7;
	v7 =	vld [tilespmem:$0x1FF60]  }
0x2d6: {  	[tilespmem:$0x112A0] =	vst v19  }
0x2d7: {  	[tilespmem:$0x112C0] =	vst v11  }
0x2d8: {  	v8 =	vld [tilespmem:$0x1FF70];
	[tilespmem:$0x113E0] =	vst v1  }
0x2d9: {  	v1 =	vld.idx.msk [tilespmem:v36+s31+$0x0], $0xffff  }
0x2da: {  	v3 =	vld.idx.msk [tilespmem:v3+s31+$0x0], $0xffff  }
0x2db: {  	v2 =	vld.idx.msk [tilespmem:v2+s31+$0x0], $0xffff  }
0x2dc: {  	v10 =	vld [tilespmem:$0x1FF90]  }
0x2dd: {  	v7 =	vld.idx.msk [tilespmem:v7+s31+$0x0], $0xffff  }
0x2de: {  	v9 =	vld [tilespmem:$0x1FF80];
	v1 =	vadd.f32 $0.0e+00, v1  }
0x2df: {  	v11 =	vld [tilespmem:$0x1FFB0]  }
0x2e0: {  	v1 =	vadd.f32 v3, v1;
	v3 =	vld [tilespmem:$0x1FFA0];
	v2 =	vadd.f32 $0.0e+00, v2;
	_ =	sdelay $0x1  }
0x2e1: {  	v2 =	vadd.f32 v7, v2;
	v7 =	vld [tilespmem:$0x1FFC0];
	_ =	sdelay $0x1  }
0x2e2: {  	v8 =	vld.idx.msk [tilespmem:v8+s31+$0x0], $0xffff  }
0x2e3: {  	v10 =	vld.idx.msk [tilespmem:v10+s31+$0x0], $0xffff  }
0x2e4: {  	v9 =	vld.idx.msk [tilespmem:v9+s31+$0x0], $0xffff  }
0x2e5: {  	v11 =	vld.idx.msk [tilespmem:v11+s31+$0x0], $0xffff  }
0x2e6: {  	v3 =	vld.idx.msk [tilespmem:v3+s31+$0x0], $0xffff  }
0x2e7: {  	v1 =	vadd.f32 v8, v1;
	v8 =	vld.idx.msk [tilespmem:v47+s31+$0x0], $0xffff  }
0x2e8: {  	v7 =	vld.idx.msk [tilespmem:v7+s31+$0x0], $0xffff  }
0x2e9: {  	v1 =	vadd.f32 v10, v1;
	v10 =	vld.idx.msk [tilespmem:v49+s31+$0x0], $0xffff;
	v2 =	vadd.f32 v9, v2  }
0x2ea: {  	v9 =	vld.idx.msk [tilespmem:v46+s31+$0x0], $0xffff  }
0x2eb: {  	v1 =	vadd.f32 v11, v1;
	v11 =	vld.idx.msk [tilespmem:v51+s31+$0x0], $0xffff;
	v2 =	vadd.f32 v3, v2  }
0x2ec: {  	v3 =	vld.idx.msk [tilespmem:v48+s31+$0x0], $0xffff  }
0x2ed: {  	v1 =	vadd.f32 v8, v1;
	v8 =	vld.idx.msk [tilespmem:v53+s31+$0x0], $0xffff;
	v2 =	vadd.f32 v7, v2  }
0x2ee: {  	v7 =	vld.idx.msk [tilespmem:v50+s31+$0x0], $0xffff  }
0x2ef: {  	v1 =	vadd.f32 v10, v1;
	v10 =	vld.idx.msk [tilespmem:v55+s31+$0x0], $0xffff;
	v2 =	vadd.f32 v9, v2  }
0x2f0: {  	v9 =	vld.idx.msk [tilespmem:v52+s31+$0x0], $0xffff  }
0x2f1: {  	v1 =	vadd.f32 v11, v1;
	v11 =	vld.idx.msk [tilespmem:v57+s31+$0x0], $0xffff;
	v2 =	vadd.f32 v3, v2  }
0x2f2: {  	v3 =	vld.idx.msk [tilespmem:v54+s31+$0x0], $0xffff  }
0x2f3: {  	v1 =	vadd.f32 v8, v1;
	v8 =	vld.idx.msk [tilespmem:v59+s31+$0x0], $0xffff;
	v2 =	vadd.f32 v7, v2  }
0x2f4: {  	v7 =	vld.idx.msk [tilespmem:v56+s31+$0x0], $0xffff  }
0x2f5: {  	v1 =	vadd.f32 v10, v1;
	v10 =	vld.idx.msk [tilespmem:v61+s31+$0x0], $0xffff;
	v2 =	vadd.f32 v9, v2  }
0x2f6: {  	v9 =	vld.idx.msk [tilespmem:v58+s31+$0x0], $0xffff  }
0x2f7: {  	v1 =	vadd.f32 v11, v1;
	v11 =	vld.idx.msk [tilespmem:v63+s31+$0x0], $0xffff;
	v2 =	vadd.f32 v3, v2  }
0x2f8: {  	v3 =	vld.idx.msk [tilespmem:v60+s31+$0x0], $0xffff  }
0x2f9: {  	v4 =	vld.idx.msk [tilespmem:v4+s31+$0x0], $0xffff;
	v1 =	vadd.f32 v8, v1;
	v2 =	vadd.f32 v7, v2  }
0x2fa: {  	v7 =	vld.idx.msk [tilespmem:v62+s31+$0x0], $0xffff  }
0x2fb: {  	v0 =	vld.idx.msk [tilespmem:v0+s31+$0x0], $0xffff;
	v1 =	vadd.f32 v10, v1;
	v2 =	vadd.f32 v9, v2  }
0x2fc: {  	v5 =	vld.idx.msk [tilespmem:v5+s31+$0x0], $0xffff  }
0x2fd: {  	v1 =	vadd.f32 v11, v1;
	v2 =	vadd.f32 v3, v2  }
0x2fe: {  	v3 =	vld.idx.msk [tilespmem:v6+s31+$0x0], $0xffff  }
0x2ff: {  	v1 =	vadd.f32 v4, v1;
	v2 =	vadd.f32 v7, v2;
	_ =	sdelay $0x1  }
0x300: {  	v1 =	vadd.f32 v5, v1;
	v0 =	vadd.f32 v0, v2;
	_ =	sdelay $0x1  }
0x301: {  	v1 =	vmul.f32 $9.765625000e-04, v1;
	v0 =	vadd.f32 v3, v0;
	_ =	sdelay $0x1  }
0x302: {  	v2 =	vmul.f32 v1, v1;
	v0 =	vmul.f32 $9.765625000e-04, v0;
	_ =	sdelay $0x1  }
0x303: {  	v0 =	vsub.f32 v0, v2;
	_ =	sdelay $0x1  }
0x304: {  	v0 =	vadd.f32 $9.999999960e-13, v0;
	_ =	sdelay $0x1  }
0x305: {  	v2 =	vshrl.u32 v0, $0x1;
	v0 =	vmul.f32 $5.000000000e-01, v0  }
0x306: {  	v2 =	vsub.s32 $0x5F3759DF, v2  }
0x307: {  	v3 =	vmul.f32 v2, v0;
	_ =	sdelay $0x1  }
0x308: {  	v3 =	vmul.f32 v2, v3;
	_ =	sdelay $0x1  }
0x309: {  	v3 =	vsub.f32 $1.500000000e+00, v3;
	_ =	sdelay $0x1  }
0x30a: {  	v2 =	vmul.f32 v2, v3;
	_ =	sdelay $0x1  }
0x30b: {  	v3 =	vmul.f32 v2, v0;
	_ =	sdelay $0x1  }
0x30c: {  	v3 =	vmul.f32 v3, v2;
	_ =	sdelay $0x1  }
0x30d: {  	v3 =	vsub.f32 $1.500000000e+00, v3;
	_ =	sdelay $0x1  }
0x30e: {  	v2 =	vmul.f32 v3, v2;
	_ =	sdelay $0x1  }
0x30f: {  	v0 =	vmul.f32 v2, v0;
	_ =	sdelay $0x1  }
0x310: {  	v0 =	vmul.f32 v0, v2;
	_ =	sdelay $0x1  }
0x311: {  	[tilespmem:$0x11410] =	vst v1;
	v1 =	vimm.s32 $0x15;
	v0 =	vsub.f32 $1.500000000e+00, v0;
	_ =	sdelay $0x1  }
0x312: {  	v0 =	vmul.f32 v0, v2;
	_ =	sdelay $0x1  }
0x313: {  	[tilespmem:$0x11420] =	vst v0  }
0x314: {  	v11 =	vld.idx.msk [tilespmem:v1+s0+$0x0], $0xffff;
	v1 =	vimm.s32 $0x16;
	_ =	sdelay $0x4  }
0x315: {  	v5 =	vld.idx.msk [tilespmem:v1+s0+$0x0], $0xffff;
	v1 =	vimm.s32 $0x17;
	_ =	sdelay $0x4  }
0x316: {  	v12 =	vld.idx.msk [tilespmem:v1+s0+$0x0], $0xffff;
	v1 =	vimm.s32 $0x20;
	_ =	sdelay $0x4  }
0x317: {  	v6 =	vld.idx.msk [tilespmem:v1+s0+$0x0], $0xffff;
	v1 =	vimm.s32 $0x21;
	_ =	sdelay $0x4  }
0x318: {  	v4 =	vld.idx.msk [tilespmem:v1+s0+$0x0], $0xffff;
	v1 =	vimm.s32 $0x22;
	_ =	sdelay $0x3  }
0x319: {  	v41 =	vimm.s32 $0x10  }
0x31a: {  	v13 =	vld.idx.msk [tilespmem:v1+s0+$0x0], $0xffff;
	v1 =	vimm.s32 $0x23  }
0x31b: {  	v42 =	vimm.s32 $0x11  }
0x31c: {  	v43 =	vimm.s32 $0x12  }
0x31d: {  	v44 =	vimm.s32 $0x13  }
0x31e: {  	v45 =	vimm.s32 $0x14;
	v0 =	vld.idx.msk [tilespmem:v41+s0+$0x0], $0xffff  }
0x31f: {  	v15 =	vld.idx.msk [tilespmem:v1+s0+$0x0], $0xffff;
	v1 =	vimm.s32 $0x24  }
0x320: {  	v7 =	vld.idx.msk [tilespmem:v42+s0+$0x0], $0xffff  }
0x321: {  	v8 =	vld.idx.msk [tilespmem:v43+s0+$0x0], $0xffff  }
0x322: {  	s4 =	simm.s32 $0x0;
	v9 =	vld.idx.msk [tilespmem:v44+s0+$0x0], $0xffff  }
0x323: {  	s29 =	sand.u32 $0x70, s4;
	s5 =	sand.u32 $0x1C00, s4;
	v10 =	vld.idx.msk [tilespmem:v45+s0+$0x0], $0xffff  }
0x324: {  	s5 =	sor.u32 s29, s5;
	v16 =	vld.idx.msk [tilespmem:v1+s0+$0x0], $0xffff;
	v1 =	vimm.s32 $0x27  }
0x325: {  	v2 =	vld [tilespmem:s5+$0x4480]  }
0x326: {  	v14 =	vimm.s32 $0x25;
	v3 =	vld [tilespmem:s5+$0x4300]  }
0x327: {  	v19 =	vld [tilespmem:s5+$0x4380]  }
0x328: {  	v21 =	vld [tilespmem:s5+$0x4400]  }
0x329: {  	v17 =	vld.idx.msk [tilespmem:v1+s0+$0x0], $0xffff  }
0x32a: {  	v1 =	vld [tilespmem:s5+$0x4580]  }
0x32b: {  	v18 =	vld.idx.msk [tilespmem:v14+s0+$0x0], $0xffff  }
0x32c: {  	s18 =	simm.s32 $0x10A00;
	v23 =	vld [tilespmem:s5+$0x4280]  }
0x32d: {  	s19 =	simm.s32 $0x10E00;
	v14 =	vimm.s32 $0x26;
	v20 =	vld [tilespmem:s18+$0x0];
	v25 =	vsub.f32 v19, v9  }
0x32e: {  	v26 =	vsub.f32 v2, v11;
	v2 =	vsub.f32 v21, v10;
	v19 =	vld [tilespmem:s19+$0x0]  }
0x32f: {  	v3 =	vsub.f32 v3, v8;
	v22 =	vsub.f32 v1, v12;
	v1 =	vld [tilespmem:s5+$0x4200]  }
0x330: {  	v21 =	vld [tilespmem:s5+$0x4500];
	v2 =	vmul.f32 v2, v16  }
0x331: {  	v24 =	vmul.f32 v22, v17;
	v22 =	vmul.f32 v3, v13  }
0x332: {  	s20 =	simm.s32 $0x10;
	v14 =	vld.idx.msk [tilespmem:v14+s0+$0x0], $0xffff;
	v23 =	vsub.f32 v23, v7;
	v3 =	vmul.f32 v25, v15;
	v25 =	vmul.f32 v26, v18  }
.LBB2_15:
0x333: {  	v24 =	vmul.f32 v24, v20;
	s4 =	sadd.s32 $0x80, s4;
	s18 =	sadd.s32 $0x10, s18;
	s19 =	sadd.s32 $0x10, s19  }
0x334: {  	p0 =	sne.s32 s20, $0x3F0;
	v1 =	vsub.f32 v1, v0;
	s3 =	smov.u32 s20;
	s20 =	sadd.s32 $0x10, s20;
	v23 =	vmul.f32 v23, v4;
	v25 =	vmul.f32 v25, v20  }
0x335: {  	v22 =	vmul.f32 v22, v20;
	s3 =	sand.u32 $0x70, s3;
	s22 =	sand.u32 $0x1C00, s4;
	v21 =	vsub.f32 v21, v5;
	v24 =	vadd.f32 v24, v19  }
0x336: {  	v3 =	vmul.f32 v3, v20;
	s3 =	sor.u32 s3, s22;
	v1 =	vmul.f32 v1, v6;
	v25 =	vadd.f32 v25, v19  }
0x337: {  	v2 =	vmul.f32 v2, v20;
	v22 =	vadd.f32 v22, v19;
	v21 =	vmul.f32 v21, v14;
	[tilespmem:s5+$0x4580] =	vst v24  }
0x338: {  	v3 =	vadd.f32 v3, v19;
	v23 =	vmul.f32 v23, v20;
	v1 =	vmul.f32 v1, v20;
	v24 =	vld [tilespmem:s3+$0x4580];
	[tilespmem:s5+$0x4480] =	vst v25  }
0x339: {  	v2 =	vadd.f32 v2, v19;
	v25 =	vld [tilespmem:s3+$0x4480];
	[tilespmem:s5+$0x4300] =	vst v22;
	v20 =	vmul.f32 v21, v20  }
0x33a: {  	v1 =	vadd.f32 v1, v19;
	v22 =	vadd.f32 v23, v19;
	v21 =	vld [tilespmem:s3+$0x4300];
	[tilespmem:s5+$0x4380] =	vst v3  }
0x33b: {  	v3 =	vld [tilespmem:s3+$0x4380];
	[tilespmem:s5+$0x4400] =	vst v2;
	v2 =	vadd.f32 v20, v19  }
0x33c: {  	v23 =	vld [tilespmem:s3+$0x4400];
	[tilespmem:s5+$0x4200] =	vst v1  }
0x33d: {  	v1 =	vld [tilespmem:s3+$0x4200];
	[tilespmem:s5+$0x4280] =	vst v22  }
0x33e: {  	v26 =	vld [tilespmem:s3+$0x4280];
	v25 =	vsub.f32 v25, v11;
	[tilespmem:s5+$0x4500] =	vst v2;
	s5 =	smov.u32 s3  }
.Ltmp6:
0x33f: {  	v2 =	vsub.f32 v24, v12;
	v20 =	vld [tilespmem:s18+$0x0];
	(pc) =	sbr.rel @p0 .LBB2_15-.Ltmp6, $4  }
0x340: {  	v22 =	vsub.f32 v21, v8;
	v19 =	vld [tilespmem:s19+$0x0];
	v3 =	vsub.f32 v3, v9  }
0x341: {  	v24 =	vmul.f32 v2, v17;
	v27 =	vsub.f32 v23, v10;
	v21 =	vld [tilespmem:s5+$0x4500]  }
0x342: {  	v22 =	vmul.f32 v22, v13;
	v3 =	vmul.f32 v3, v15  }
0x343: {  	v25 =	vmul.f32 v25, v18;
	v23 =	vsub.f32 v26, v7;
	v2 =	vmul.f32 v27, v16  }
0x344: {  	_ = 	snop  }
0x345: {  	v0 =	vsub.f32 v1, v0;
	v1 =	vmul.f32 v25, v20  }
0x346: {  	v7 =	vmul.f32 v24, v20  }
0x347: {  	v8 =	vmul.f32 v22, v20;
	v4 =	vmul.f32 v23, v4;
	v1 =	vadd.f32 v1, v19  }
0x348: {  	v3 =	vmul.f32 v3, v20;
	v5 =	vsub.f32 v21, v5;
	v7 =	vadd.f32 v7, v19  }
0x349: {  	v0 =	vmul.f32 v0, v6;
	v6 =	vadd.f32 v8, v19;
	[tilespmem:s5+$0x4480] =	vst v1;
	v1 =	vmul.f32 v4, v20  }
0x34a: {  	v2 =	vmul.f32 v2, v20;
	v3 =	vadd.f32 v3, v19;
	[tilespmem:s5+$0x4580] =	vst v7;
	v5 =	vmul.f32 v5, v14  }
0x34b: {  	v0 =	vmul.f32 v0, v20;
	[tilespmem:s5+$0x4300] =	vst v6;
	v1 =	vadd.f32 v1, v19  }
0x34c: {  	v2 =	vadd.f32 v2, v19;
	[tilespmem:s5+$0x4380] =	vst v3;
	v4 =	vmul.f32 v5, v20  }
0x34d: {  	v0 =	vadd.f32 v0, v19;
	[tilespmem:s5+$0x4280] =	vst v1;
	v1 =	vimm.s32 $0x19  }
0x34e: {  	s3 =	sor.u32 s9, s12;
	[tilespmem:s5+$0x4400] =	vst v2;
	v2 =	vadd.f32 v4, v19  }
0x34f: {  	s4 =	sshll.u32 s3, $0x7;
	[tilespmem:s5+$0x4200] =	vst v0  }
0x350: {  	s12 =	simm.s32 $0x0;
	s3 =	sadd.s32 s25, s4;
	[tilespmem:s5+$0x4500] =	vst v2  }
0x351: {  	[hbm4b:s3+s12] =	stream.linear.scatter [tilespmem:s7], [sflag:$0x6], $0x2000, $0x38;
	[tilespmem:$0x11480] =	vst v63  }
0x352: {  	v7 =	vld.idx.msk [tilespmem:v1+s0+$0x0], $0xffff;
	v1 =	vimm.s32 $0x1A;
	_ =	sdelay $0x4  }
0x353: {  	v8 =	vld.idx.msk [tilespmem:v1+s0+$0x0], $0xffff;
	v1 =	vimm.s32 $0x1B;
	_ =	sdelay $0x4  }
0x354: {  	v9 =	vld.idx.msk [tilespmem:v1+s0+$0x0], $0xffff;
	v1 =	vimm.s32 $0x1C;
	_ =	sdelay $0x4  }
0x355: {  	v10 =	vld.idx.msk [tilespmem:v1+s0+$0x0], $0xffff;
	v1 =	vimm.s32 $0x1D;
	_ =	sdelay $0x4  }
0x356: {  	v11 =	vld.idx.msk [tilespmem:v1+s0+$0x0], $0xffff;
	v1 =	vimm.s32 $0x1E;
	_ =	sdelay $0x4  }
0x357: {  	v5 =	vld.idx.msk [tilespmem:v1+s0+$0x0], $0xffff;
	v1 =	vimm.s32 $0x1F;
	_ =	sdelay $0x4  }
0x358: {  	v12 =	vld.idx.msk [tilespmem:v1+s0+$0x0], $0xffff;
	v1 =	vimm.s32 $0x28;
	_ =	sdelay $0x4  }
0x359: {  	v6 =	vld.idx.msk [tilespmem:v1+s0+$0x0], $0xffff;
	v1 =	vimm.s32 $0x29;
	_ =	sdelay $0x4  }
0x35a: {  	v4 =	vld.idx.msk [tilespmem:v1+s0+$0x0], $0xffff;
	v1 =	vimm.s32 $0x2A;
	_ =	sdelay $0x4  }
0x35b: {  	v14 =	vld.idx.msk [tilespmem:v1+s0+$0x0], $0xffff;
	v1 =	vimm.s32 $0x2B;
	_ =	sdelay $0x4  }
0x35c: {  	v15 =	vld.idx.msk [tilespmem:v1+s0+$0x0], $0xffff;
	v1 =	vimm.s32 $0x2C;
	_ =	sdelay $0x1  }
0x35d: {  	s26 =	sand.u32 $0x70, s12;
	s29 =	sand.u32 $0x1C00, s12  }
0x35e: {  	s5 =	sor.u32 s26, s29  }
0x35f: {  	v13 =	vimm.s32 $0x2D;
	v2 =	vld [tilespmem:s5+$0x6480]  }
0x360: {  	v16 =	vld.idx.msk [tilespmem:v1+s0+$0x0], $0xffff;
	v1 =	vimm.s32 $0x2F  }
0x361: {  	v3 =	vld [tilespmem:s5+$0x6300]  }
0x362: {  	v19 =	vld [tilespmem:s5+$0x6380]  }
0x363: {  	v21 =	vld [tilespmem:s5+$0x6400]  }
0x364: {  	v0 =	vimm.s32 $0x18;
	v18 =	vld.idx.msk [tilespmem:v13+s0+$0x0], $0xffff  }
0x365: {  	v17 =	vld.idx.msk [tilespmem:v1+s0+$0x0], $0xffff  }
0x366: {  	v1 =	vld [tilespmem:s5+$0x6580]  }
0x367: {  	s18 =	simm.s32 $0x10A00;
	v23 =	vld [tilespmem:s5+$0x6280]  }
0x368: {  	v20 =	vld [tilespmem:s18+$0x0]  }
0x369: {  	s19 =	simm.s32 $0x10E00;
	v13 =	vimm.s32 $0x2E;
	v0 =	vld.idx.msk [tilespmem:v0+s0+$0x0], $0xffff;
	v25 =	vsub.f32 v19, v9  }
0x36a: {  	v19 =	vld [tilespmem:s19+$0x0];
	v26 =	vsub.f32 v2, v11;
	v2 =	vsub.f32 v21, v10  }
0x36b: {  	v3 =	vsub.f32 v3, v8;
	v22 =	vsub.f32 v1, v12;
	v1 =	vld [tilespmem:s5+$0x6200]  }
0x36c: {  	v21 =	vld [tilespmem:s5+$0x6500];
	v2 =	vmul.f32 v2, v16  }
0x36d: {  	v24 =	vmul.f32 v22, v17;
	v22 =	vmul.f32 v3, v14  }
0x36e: {  	s20 =	simm.s32 $0x10;
	v13 =	vld.idx.msk [tilespmem:v13+s0+$0x0], $0xffff;
	v23 =	vsub.f32 v23, v7;
	v3 =	vmul.f32 v25, v15;
	v25 =	vmul.f32 v26, v18  }
.LBB2_17:
0x36f: {  	v24 =	vmul.f32 v24, v20;
	s12 =	sadd.s32 $0x80, s12;
	s18 =	sadd.s32 $0x10, s18;
	s19 =	sadd.s32 $0x10, s19  }
0x370: {  	p0 =	sne.s32 s20, $0x3F0;
	v1 =	vsub.f32 v1, v0;
	s3 =	smov.u32 s20;
	s20 =	sadd.s32 $0x10, s20;
	v23 =	vmul.f32 v23, v4;
	v25 =	vmul.f32 v25, v20  }
0x371: {  	v22 =	vmul.f32 v22, v20;
	s3 =	sand.u32 $0x70, s3;
	s22 =	sand.u32 $0x1C00, s12;
	v21 =	vsub.f32 v21, v5;
	v24 =	vadd.f32 v24, v19  }
0x372: {  	v3 =	vmul.f32 v3, v20;
	s3 =	sor.u32 s3, s22;
	v1 =	vmul.f32 v1, v6;
	v25 =	vadd.f32 v25, v19  }
0x373: {  	v2 =	vmul.f32 v2, v20;
	v22 =	vadd.f32 v22, v19;
	v21 =	vmul.f32 v21, v13;
	[tilespmem:s5+$0x6580] =	vst v24  }
0x374: {  	v3 =	vadd.f32 v3, v19;
	v23 =	vmul.f32 v23, v20;
	v1 =	vmul.f32 v1, v20;
	v24 =	vld [tilespmem:s3+$0x6580];
	[tilespmem:s5+$0x6480] =	vst v25  }
0x375: {  	v2 =	vadd.f32 v2, v19;
	v25 =	vld [tilespmem:s3+$0x6480];
	[tilespmem:s5+$0x6300] =	vst v22;
	v20 =	vmul.f32 v21, v20  }
0x376: {  	v1 =	vadd.f32 v1, v19;
	v22 =	vadd.f32 v23, v19;
	v21 =	vld [tilespmem:s3+$0x6300];
	[tilespmem:s5+$0x6380] =	vst v3  }
0x377: {  	v3 =	vld [tilespmem:s3+$0x6380];
	[tilespmem:s5+$0x6400] =	vst v2;
	v2 =	vadd.f32 v20, v19  }
0x378: {  	v23 =	vld [tilespmem:s3+$0x6400];
	[tilespmem:s5+$0x6200] =	vst v1  }
0x379: {  	v1 =	vld [tilespmem:s3+$0x6200];
	[tilespmem:s5+$0x6280] =	vst v22  }
0x37a: {  	v26 =	vld [tilespmem:s3+$0x6280];
	v25 =	vsub.f32 v25, v11;
	[tilespmem:s5+$0x6500] =	vst v2;
	s5 =	smov.u32 s3  }
.Ltmp7:
0x37b: {  	v2 =	vsub.f32 v24, v12;
	v20 =	vld [tilespmem:s18+$0x0];
	(pc) =	sbr.rel @p0 .LBB2_17-.Ltmp7, $4  }
0x37c: {  	v22 =	vsub.f32 v21, v8;
	v19 =	vld [tilespmem:s19+$0x0];
	v3 =	vsub.f32 v3, v9  }
0x37d: {  	v24 =	vmul.f32 v2, v17;
	v27 =	vsub.f32 v23, v10;
	v21 =	vld [tilespmem:s5+$0x6500]  }
0x37e: {  	v22 =	vmul.f32 v22, v14;
	v3 =	vmul.f32 v3, v15  }
0x37f: {  	v25 =	vmul.f32 v25, v18;
	v23 =	vsub.f32 v26, v7;
	v2 =	vmul.f32 v27, v16  }
0x380: {  	v7 =	vmul.f32 v24, v20  }
0x381: {  	v0 =	vsub.f32 v1, v0;
	v8 =	vmul.f32 v22, v20  }
0x382: {  	v3 =	vmul.f32 v3, v20;
	v59 =	vmul.f32 v25, v20;
	v7 =	vadd.f32 v7, v19  }
0x383: {  	v4 =	vmul.f32 v23, v4;
	v5 =	vsub.f32 v21, v5;
	v60 =	vadd.f32 v8, v19  }
0x384: {  	v2 =	vmul.f32 v2, v20;
	v0 =	vmul.f32 v0, v6;
	v3 =	vadd.f32 v3, v19;
	[tilespmem:s5+$0x6580] =	vst v7  }
0x385: {  	v1 =	vadd.f32 v59, v19;
	v61 =	vmul.f32 v4, v20;
	v5 =	vmul.f32 v5, v13;
	[tilespmem:s5+$0x6300] =	vst v60  }
0x386: {  	v2 =	vadd.f32 v2, v19;
	v0 =	vmul.f32 v0, v20;
	[tilespmem:s5+$0x6380] =	vst v3  }
0x387: {  	p0 =	sne.s32 s16, $0x8;
	[tilespmem:s5+$0x6480] =	vst v1;
	v1 =	vadd.f32 v61, v19;
	v62 =	vmul.f32 v5, v20  }
.Ltmp8:
0x388: {  	[tilespmem:s5+$0x6400] =	vst v2;
	v0 =	vadd.f32 v0, v19;
	(pc) =	sbr.rel @p0 .LBB2_2-.Ltmp8, $4  }
0x389: {  	[tilespmem:s5+$0x6280] =	vst v1;
	v63 =	vadd.f32 v62, v19  }
0x38a: {  	[tilespmem:s5+$0x6200] =	vst v0  }
0x38b: {  	s3 =	sadd.s32 s4, s17;
	[tilespmem:s5+$0x6500] =	vst v63  }
0x38c: {  	[hbm4b:s3+s8] =	stream.linear.scatter [tilespmem:s21], [sflag:$0x6], $0x2000, $0x38;
	[tilespmem:$0x11480] =	vst v63  }
0x38d: {  	s2 =	simm.s32 $0x5  }
0x38e: {  	_ =	swait.ge [sflag:s2], $0x4000  }
0x38f: {  	[sflag:s2] =	ssyncset.done $0x0  }
0x390: {  	s3 =	simm.s32 $0x6;
	[sflag:s2] =	ssyncadd.s32 $0xFFFFC000  }
0x391: {  	_ =	swait.ge [sflag:s3], $0x4000  }
0x392: {  	s4 =	rddreg [dreg:$0xd]  }
0x393: {  	s29 =	rddreg [dreg:$0xc];
	s4 =	sadd.s32 $0x1, s4  }
0x394: {  	p0 =	sne.s32 s4, s29  }
.Ltmp9:
0x395: {  	_ = 	snop;
	(pc) =	sbr.rel @p0 .LBB2_1-.Ltmp9, $3  }
0x396: {  	_ =	sdelay $0x1  }
0x397: {  	[sflag:s3] =	ssyncset.done $0x0  }
0x398: {  	[sflag:s3] =	ssyncadd.s32 $0xFFFFC000  }
0x399: {  	_ =	sfence.sel $0x180000  }
0x39a: {  	[bflag:$0x0] =	sbarrier.arrive $0xFFFF  }
0x39b: {  	_ =	strace $0x90000047  }
0x39c: {  	s0 =	stileid.u32;
	[bflag:$0x2] =	sbarrier.arrive $0xFFFF  }
0x39d: {  	p0 =	sne.s32 s0, $0x0;
	s0 =	rddreg [dreg:$0x8]  }
0x39e: {  	s0 =	sadd.s32 @!p0 $0x100000, s0  }
0x39f: {  	[sflag:s0] =	ssyncadd.tile.s32 @!p0 $0x1;
	_ =	shalt  }
.Lfunc_end2:
_tile_overlayer_lowered:
.L_overlay_start_2:
0x3a0: {  	(tag) =	ssettag $0x2  }
0x3a1: {  	s0 =	rddreg [dreg:$0x0];
	s2 =	stileid.u32  }
0x3a2: {  	s1 =	rddreg [dreg:$0x1];
	p0 =	sne.s32 s2, $0x0  }
0x3a3: {  	s3 =	rddreg [dreg:$0x2];
	[bflag:$0x3] =	sbarrier.arrive $0xFFFF;
	s2 =	simm.s32 @!p0 $0x1C07  }
0x3a4: {  	[timem:s3], [sflag:s2] =	dma.local @!p0 [hbm:s0], s1  }
0x3a5: {  	s0 =	simm.s32 @!p0 $0x7  }
0x3a6: {  	_ =	swait.ge @!p0 [sflag:s0], s1  }
0x3a7: {  	s1 =	ssub.s32 @!p0 $0x0, s1;
	[sflag:s0] =	ssyncset.done @!p0 $0x0  }
0x3a8: {  	[sflag:s0] =	ssyncadd.s32 @!p0 s1  }
0x3a9: {  	[bflag:$0x3] =	sbarrier.arrive $0xFFFF  }
0x3aa: {  	_ =	shalt  }

</sc_bundles>
